<compile_context>
chip_gen: v7x
topology: tpu7x:2x2x1
jax: 0.10.2.dev20260603
libtpu: 0.0.44.dev20260713+nightly
codegen_flags: <defaults>
</compile_context>

<pallas_src>
import functools

import jax
import jax.numpy as jnp
from jax import lax
from jax.experimental import pallas as pl
from jax.experimental.pallas import tpu as pltpu
from jax.experimental.pallas import tpu_sc as plsc

N = 10000
E = 160000
D = 256

NP = 10240
NQ = 2
QROWS = NP // NQ
HALF = NP // 2
NSC = 2
NT = 16
NW = NSC * NT
EPT = E // NW
NB = (EPT + 15) // 16
CH = 128
NCH = 40
RCAP = CH * NCH
PAD_SRC = NP - 1
PAD_DST = HALF - 1
ROWS_PT = QROWS // NT

_mesh = plsc.VectorSubcoreMesh(core_axis_name="c", subcore_axis_name="s")
_sc_params = pltpu.CompilerParams(
    needs_layout_passes=False, use_tc_tiling_on_sc=False
)


@functools.partial(
    pl.kernel,
    out_type=(
        jax.ShapeDtypeStruct((NW, NP), jnp.float32),
        jax.ShapeDtypeStruct((NQ, NW, RCAP), jnp.int32),
        jax.ShapeDtypeStruct((NQ, NW, RCAP), jnp.int32),
        jax.ShapeDtypeStruct((NW, 16), jnp.int32),
    ),
    mesh=_mesh,
    scratch_types=[
        pltpu.VMEM((RCAP,), jnp.int32),
        pltpu.VMEM((RCAP,), jnp.int32),
        pltpu.VMEM((NP,), jnp.float32),
        pltpu.VMEM((NQ, RCAP), jnp.int32),
        pltpu.VMEM((NQ, RCAP), jnp.int32),
        pltpu.VMEM((16,), jnp.int32),
    ],
    compiler_params=_sc_params,
)
def _prep(src_hbm, dst_hbm, deg_hbm, bsrc_hbm, bdst_hbm, cnt_hbm,
          sv, dv, deg_l, sB, dB, cntb):
    c = lax.axis_index("c")
    s = lax.axis_index("s")
    wid = s * NSC + c
    lidx = lax.iota(jnp.int32, 16)
    zf = jnp.zeros((16,), jnp.float32)
    onesf = jnp.ones((16,), jnp.float32)
    pad_src_v = jnp.full((16,), PAD_SRC, jnp.int32)
    pad_dst_v = jnp.full((16,), PAD_DST, jnp.int32)

    def _z(i, _):
        deg_l[pl.ds(i * 16, 16)] = zf
        return 0
    lax.fori_loop(0, NP // 16, _z, 0)

    def _pf(i, _):
        for q in range(NQ):
            sB[q, pl.ds(i * 16, 16)] = pad_src_v
            dB[q, pl.ds(i * 16, 16)] = pad_dst_v
        return 0
    lax.fori_loop(0, RCAP // 16, _pf, 0)

    pltpu.sync_copy(src_hbm.at[pl.ds(wid * EPT, EPT)], sv.at[pl.ds(0, EPT)])
    pltpu.sync_copy(dst_hbm.at[pl.ds(wid * EPT, EPT)], dv.at[pl.ds(0, EPT)])

    def _body(i, cnts):
        srcv = sv[pl.ds(i * 16, 16)]
        dstv = dv[pl.ds(i * 16, 16)]
        valid = lidx < (EPT - i * 16)
        plsc.addupdate_scatter(deg_l, [dstv], onesf, mask=valid)
        new_cnts = []
        for q in range(NQ):
            mq = jnp.logical_and(
                jnp.logical_and(dstv >= q * QROWS, dstv < (q + 1) * QROWS),
                valid,
            )
            plsc.store_compressed(sB.at[q, pl.ds(cnts[q], 16)], srcv, mask=mq)
            plsc.store_compressed(dB.at[q, pl.ds(cnts[q], 16)],
                                  dstv - q * HALF, mask=mq)
            new_cnts.append(
                cnts[q] + jnp.max(plsc.all_reduce_population_count(mq))
            )
        return tuple(new_cnts)

    cnts = lax.fori_loop(0, NB, _body, tuple(jnp.int32(0) for _ in range(NQ)))

    pltpu.sync_copy(deg_l, deg_hbm.at[wid])
    cv = jnp.zeros((16,), jnp.int32)
    for q in range(NQ):
        pltpu.sync_copy(sB.at[q], bsrc_hbm.at[q, wid])
        pltpu.sync_copy(dB.at[q], bdst_hbm.at[q, wid])
        cv = cv + jnp.where(lidx == q, cnts[q], 0)
    cntb[...] = cv
    pltpu.sync_copy(cntb, cnt_hbm.at[wid])


@functools.partial(
    pl.kernel,
    out_type=jax.ShapeDtypeStruct((NP, D), jnp.float32),
    mesh=_mesh,
    scratch_types=[
        pltpu.VMEM((RCAP,), jnp.int32),
        pltpu.VMEM((RCAP,), jnp.int32),
        pltpu.VMEM((CH, D), jnp.float32),
        pltpu.VMEM((CH, D), jnp.float32),
        pltpu.VMEM((16,), jnp.int32),
        pltpu.VMEM_SHARED((HALF, D), jnp.float32),
        pltpu.SemaphoreType.DMA,
        pltpu.SemaphoreType.DMA,
    ],
    compiler_params=_sc_params,
)
def _hop(x_hbm, bsrc_hbm, bdst_hbm, cnt_hbm, out_hbm,
         sidx, didx, g0, g1, cntb, acc_sh, sem, ssem):
    c = lax.axis_index("c")
    s = lax.axis_index("s")
    lidx = lax.iota(jnp.int32, 16)
    base = s * (HALF // NT)

    pltpu.sync_copy(x_hbm.at[pl.ds(c * HALF + base, HALF // NT)],
                    acc_sh.at[pl.ds(base, HALF // NT)])
    plsc.subcore_barrier()

    for r_off in range(2):
        r = s * 2 + r_off
        pltpu.sync_copy(bsrc_hbm.at[c, r], sidx)
        pltpu.sync_copy(bdst_hbm.at[c, r], didx)
        pltpu.sync_copy(cnt_hbm.at[r], cntb)
        cnt = jnp.max(jnp.where(lidx == c, cntb[...], 0))
        nch = (cnt + (CH - 1)) // CH

        def _chunk(j, _):
            pltpu.async_copy(x_hbm.at[sidx.at[pl.ds(j * CH, CH)]],
                             g0, sem).wait()
            descs = []
            for k in range(CH // 16):
                dv16 = didx[pl.ds(j * CH + k * 16, 16)]
                descs.append(
                    pltpu.async_copy(g0.at[pl.ds(k * 16, 16)],
                                     acc_sh.at[dv16], ssem, add=True)
                )
            for d_ in descs:
                d_.wait()
            return 0

        lax.fori_loop(0, nch, _chunk, 0)

    plsc.subcore_barrier()
    pltpu.sync_copy(acc_sh.at[pl.ds(base, HALF // NT)],
                    out_hbm.at[pl.ds(c * HALF + base, HALF // NT)])


def _scale1_body(deg_ref, x_ref, xp_ref, dinv_ref):
    deg = jnp.sum(deg_ref[...], axis=0) + 1.0
    dinv = lax.rsqrt(deg)
    dinv_ref[...] = dinv
    xp_ref[...] = x_ref[...] * dinv[:, None]


def _scale1(deg_p, x_pad):
    BLK = 2048
    return pl.pallas_call(
        _scale1_body,
        grid=(NP // BLK,),
        in_specs=[
            pl.BlockSpec((NW, BLK), lambda i: (0, i)),
            pl.BlockSpec((BLK, D), lambda i: (i, 0)),
        ],
        out_specs=[
            pl.BlockSpec((BLK, D), lambda i: (i, 0)),
            pl.BlockSpec((BLK,), lambda i: (i,)),
        ],
        out_shape=[
            jax.ShapeDtypeStruct((NP, D), jnp.float32),
            jax.ShapeDtypeStruct((NP,), jnp.float32),
        ],
    )(deg_p, x_pad)


def _scale2_body(a_ref, dinv_ref, out_ref):
    dinv = dinv_ref[...]
    out_ref[...] = a_ref[...] * (dinv * dinv)[:, None]


def _scale2(a1, dinv):
    BLK = 2048
    return pl.pallas_call(
        _scale2_body,
        grid=(NP // BLK,),
        in_specs=[
            pl.BlockSpec((BLK, D), lambda i: (i, 0)),
            pl.BlockSpec((BLK,), lambda i: (i,)),
        ],
        out_specs=pl.BlockSpec((BLK, D), lambda i: (i, 0)),
        out_shape=jax.ShapeDtypeStruct((NP, D), jnp.float32),
    )(a1, dinv)


def _mlp_body(a_ref, dinv_ref, w1_ref, b1_ref, w2_ref, b2_ref, out_ref):
    h = a_ref[...] * dinv_ref[...][:, None]
    h1 = jnp.maximum(
        jnp.dot(h, w1_ref[...], preferred_element_type=jnp.float32)
        + b1_ref[...][None, :],
        0.0,
    )
    out_ref[...] = (
        jnp.dot(h1, w2_ref[...], preferred_element_type=jnp.float32)
        + b2_ref[...][None, :]
    )


def _mlp(a2, dinv, W1, b1, W2, b2):
    BLK = 2048
    return pl.pallas_call(
        _mlp_body,
        grid=(NP // BLK,),
        in_specs=[
            pl.BlockSpec((BLK, D), lambda i: (i, 0)),
            pl.BlockSpec((BLK,), lambda i: (i,)),
            pl.BlockSpec((D, D), lambda i: (0, 0)),
            pl.BlockSpec((D,), lambda i: (0,)),
            pl.BlockSpec((D, D), lambda i: (0, 0)),
            pl.BlockSpec((D,), lambda i: (0,)),
        ],
        out_specs=pl.BlockSpec((BLK, D), lambda i: (i, 0)),
        out_shape=jax.ShapeDtypeStruct((NP, D), jnp.float32),
    )(a2, dinv, W1, b1, W2, b2)


def kernel(x, edge_index, W1, b1, W2, b2):
    src = edge_index[0]
    dst = edge_index[1]
    x_pad = jnp.zeros((NP, D), jnp.float32).at[:N].set(x)
    deg_p, bsrc, bdst, cnts = _prep(src, dst)
    xp, dinv = _scale1(deg_p, x_pad)
    s1 = _hop(xp, bsrc, bdst, cnts)
    s1p = _scale2(s1, dinv)
    s2 = _hop(s1p, bsrc, bdst, cnts)
    out = _mlp(s2, dinv, W1, b1, W2, b2)
    return out[:N]

# --- scband reference (transcript-rebuilt; emitter-appended) ---
"""Pipeline reference for scband-sgc-62723702391571 (READ-ONLY COPY).

The authoritative reference and input builder live on the scoring server;
editing this copy changes nothing except your own understanding.
"""

import jax, jax.numpy as jnp
import numpy as np

N = 10000   # n_nodes
E = 160000  # n_edges
D = 256     # in_dim
H = 256     # hidden_dim (MLP)
O = 256     # out_dim
K = 2       # num_hops (SGC propagation depth)


def setup_inputs(seed: int = 0) -> dict:
    key = jax.random.key(seed)
    k1, k2, k3, k4 = jax.random.split(key, 4)
    x = jax.random.normal(k1, (N, D), dtype=jnp.float32)
    # int32 used since jax disables x64 by default; values in [0, N)
    edge_index = jax.random.randint(k2, (2, E), 0, N, dtype=jnp.int32)
    W1 = jax.random.normal(k3, (D, H), dtype=jnp.float32) * (1.0 / np.sqrt(D))
    b1 = jnp.zeros((H,), dtype=jnp.float32)
    W2 = jax.random.normal(k4, (H, O), dtype=jnp.float32) * (1.0 / np.sqrt(H))
    b2 = jnp.zeros((O,), dtype=jnp.float32)
    return {"x": x, "edge_index": edge_index, "W1": W1, "b1": b1, "W2": W2, "b2": b2}


def reference(x, edge_index, W1, b1, W2, b2):
    # SGC: h = A_hat^K x  (sym-normalized adjacency with self-loops), then MLP(h).
    src = edge_index[0]
    dst = edge_index[1]
    loop = jnp.arange(N, dtype=src.dtype)
    src2 = jnp.concatenate([src, loop], axis=0)
    dst2 = jnp.concatenate([dst, loop], axis=0)
    ones = jnp.ones(src2.shape, dtype=x.dtype)
    deg = jax.ops.segment_sum(ones, dst2, num_segments=N)
    dinv = jax.lax.rsqrt(jnp.maximum(deg, 1.0))
    norm = dinv[src2] * dinv[dst2]
    h = x
    for _ in range(K):
        msgs = norm[:, None] * h[src2]              # gather
        h = jax.ops.segment_sum(msgs, dst2, num_segments=N)  # scatter-add
    # 2-layer MLP head
    h1 = jnp.maximum(h @ W1 + b1, 0.0)
    out = h1 @ W2 + b2
    return out

if __name__ == "__main__":
    import jax
    _d = setup_inputs()
    print(jax.jit(kernel)(*tuple(_d.values())))

</pallas_src>

<mosaic_0001>
#map = affine_map<(d0, d1) -> (0, 0)>
#map1 = affine_map<(d0, d1) -> (0, 0, 0)>
module attributes {stable_mosaic.version = 14 : i64} {
  func.func @_hop(%arg0: i32, %arg1: i32, %arg2: memref<10240x256xf32, #tpu.memory_space<hbm>>, %arg3: memref<2x32x5120xi32, #tpu.memory_space<hbm>>, %arg4: memref<2x32x5120xi32, #tpu.memory_space<hbm>>, %arg5: memref<32x16xi32, #tpu.memory_space<hbm>>, %arg6: memref<10240x256xf32, #tpu.memory_space<hbm>>, %arg7: memref<5120xi32, #tpu.memory_space<vmem>>, %arg8: memref<5120xi32, #tpu.memory_space<vmem>>, %arg9: memref<128x256xf32, #tpu.memory_space<vmem>>, %arg10: memref<128x256xf32, #tpu.memory_space<vmem>>, %arg11: memref<16xi32, #tpu.memory_space<vmem>>, %arg12: memref<5120x256xf32, #tpu.memory_space<vmem_shared>>, %arg13: memref<!tpu.dma_semaphore, #tpu.memory_space<semaphore_mem>>, %arg14: memref<!tpu.dma_semaphore, #tpu.memory_space<semaphore_mem>>) attributes {dimension_semantics = [#tpu.dimension_semantics<core_parallel>, #tpu.dimension_semantics<subcore_parallel>], iteration_bounds = array<i64: 2, 16>, scalar_prefetch = 0 : i64, scratch_operands = 8 : i64, tpu.core_type = #tpu.core_type<sc_vector_subcore>, window_params = [{transform_indices = #map}, {transform_indices = #map1}, {transform_indices = #map1}, {transform_indices = #map}, {transform_indices = #map}]} {
    %iota3A = tpu.iota {dimensions = array<i32: 0>} : vector<16xi32>
    %mul3A = arith.constant 320 : i32
    %mul3A_0 = arith.muli %arg1, %mul3A : i32
    %mul3A_1 = arith.constant 5120 : i32
    %mul3A_2 = arith.muli %arg0, %mul3A_1 : i32
    %add3A = arith.addi %mul3A_2, %mul3A_0 : i32
    "tpu.region"() ({
      %run_scoped3A = tpu.sem_alloc : memref<!tpu.dma_semaphore, #tpu.memory_space<semaphore_mem>>
      %dma_start3A = arith.constant 0 : i32
      %dma_start3A_108 = tpu.memref_slice %arg12[%mul3A_0, %dma_start3A] : memref<5120x256xf32, #tpu.memory_space<vmem_shared>> -> memref<320x256xf32, #tpu.memory_space<vmem_shared>>
      %dma_start3A_109 = arith.constant 0 : i32
      %dma_start3A_110 = tpu.memref_slice %arg2[%add3A, %dma_start3A_109] : memref<10240x256xf32, #tpu.memory_space<hbm>> -> memref<320x256xf32, #tpu.memory_space<hbm>>
      tpu.enqueue_dma source(%dma_start3A_110 : memref<320x256xf32, #tpu.memory_space<hbm>>) target(%dma_start3A_108 : memref<320x256xf32, #tpu.memory_space<vmem_shared>>) target_semaphore(%run_scoped3A : memref<!tpu.dma_semaphore, #tpu.memory_space<semaphore_mem>>)
      %dma_wait3A = arith.constant 0 : i32
      %dma_wait3A_111 = tpu.memref_slice %arg12[%mul3A_0, %dma_wait3A] : memref<5120x256xf32, #tpu.memory_space<vmem_shared>> -> memref<320x256xf32, #tpu.memory_space<vmem_shared>>
      %dma_wait3A_112 = arith.constant 0 : i32
      %dma_wait3A_113 = tpu.memref_slice %arg2[%add3A, %dma_wait3A_112] : memref<10240x256xf32, #tpu.memory_space<hbm>> -> memref<320x256xf32, #tpu.memory_space<hbm>>
      tpu.wait_dma2 semaphore(%run_scoped3A : memref<!tpu.dma_semaphore, #tpu.memory_space<semaphore_mem>>) src(%dma_wait3A_113 : memref<320x256xf32, #tpu.memory_space<hbm>>) dst(%dma_wait3A_111 : memref<320x256xf32, #tpu.memory_space<vmem_shared>>)
      tpu.yield
    }) : () -> ()
    %barrier3A = arith.constant 0 : index
    tpu.barrier barrier_id(%barrier3A)
    %mul3A_3 = arith.constant 2 : i32
    %mul3A_4 = arith.muli %arg1, %mul3A_3 : i32
    %add3A_5 = arith.constant 0 : i32
    %add3A_6 = arith.addi %mul3A_4, %add3A_5 : i32
    "tpu.region"() ({
      %run_scoped3A = tpu.sem_alloc : memref<!tpu.dma_semaphore, #tpu.memory_space<semaphore_mem>>
      %dma_start3A = arith.constant 0 : i32
      %dma_start3A_108 = tpu.memref_slice %arg3[%arg0, %add3A_6, %dma_start3A] : memref<2x32x5120xi32, #tpu.memory_space<hbm>> -> memref<1x1x5120xi32, #tpu.memory_space<hbm>>
      %dma_start3A_109 = tpu.memref_squeeze %dma_start3A_108 : memref<1x1x5120xi32, #tpu.memory_space<hbm>> -> memref<5120xi32, #tpu.memory_space<hbm>>
      %dma_start3A_110 = arith.constant 0 : i32
      %dma_start3A_111 = tpu.memref_slice %arg3[%arg0, %add3A_6, %dma_start3A_110] : memref<2x32x5120xi32, #tpu.memory_space<hbm>> -> memref<1x1x5120xi32, #tpu.memory_space<hbm>>
      %dma_start3A_112 = tpu.memref_squeeze %dma_start3A_111 : memref<1x1x5120xi32, #tpu.memory_space<hbm>> -> memref<5120xi32, #tpu.memory_space<hbm>>
      tpu.enqueue_dma source(%dma_start3A_112 : memref<5120xi32, #tpu.memory_space<hbm>>) target(%arg7 : memref<5120xi32, #tpu.memory_space<vmem>>) target_semaphore(%run_scoped3A : memref<!tpu.dma_semaphore, #tpu.memory_space<semaphore_mem>>)
      %dma_wait3A = arith.constant 0 : i32
      %dma_wait3A_113 = tpu.memref_slice %arg3[%arg0, %add3A_6, %dma_wait3A] : memref<2x32x5120xi32, #tpu.memory_space<hbm>> -> memref<1x1x5120xi32, #tpu.memory_space<hbm>>
      %dma_wait3A_114 = tpu.memref_squeeze %dma_wait3A_113 : memref<1x1x5120xi32, #tpu.memory_space<hbm>> -> memref<5120xi32, #tpu.memory_space<hbm>>
      %dma_wait3A_115 = arith.constant 0 : i32
      %dma_wait3A_116 = tpu.memref_slice %arg3[%arg0, %add3A_6, %dma_wait3A_115] : memref<2x32x5120xi32, #tpu.memory_space<hbm>> -> memref<1x1x5120xi32, #tpu.memory_space<hbm>>
      %dma_wait3A_117 = tpu.memref_squeeze %dma_wait3A_116 : memref<1x1x5120xi32, #tpu.memory_space<hbm>> -> memref<5120xi32, #tpu.memory_space<hbm>>
      tpu.wait_dma2 semaphore(%run_scoped3A : memref<!tpu.dma_semaphore, #tpu.memory_space<semaphore_mem>>) src(%dma_wait3A_117 : memref<5120xi32, #tpu.memory_space<hbm>>) dst(%arg7 : memref<5120xi32, #tpu.memory_space<vmem>>)
      tpu.yield
    }) : () -> ()
    "tpu.region"() ({
      %run_scoped3A = tpu.sem_alloc : memref<!tpu.dma_semaphore, #tpu.memory_space<semaphore_mem>>
      %dma_start3A = arith.constant 0 : i32
      %dma_start3A_108 = tpu.memref_slice %arg4[%arg0, %add3A_6, %dma_start3A] : memref<2x32x5120xi32, #tpu.memory_space<hbm>> -> memref<1x1x5120xi32, #tpu.memory_space<hbm>>
      %dma_start3A_109 = tpu.memref_squeeze %dma_start3A_108 : memref<1x1x5120xi32, #tpu.memory_space<hbm>> -> memref<5120xi32, #tpu.memory_space<hbm>>
      %dma_start3A_110 = arith.constant 0 : i32
      %dma_start3A_111 = tpu.memref_slice %arg4[%arg0, %add3A_6, %dma_start3A_110] : memref<2x32x5120xi32, #tpu.memory_space<hbm>> -> memref<1x1x5120xi32, #tpu.memory_space<hbm>>
      %dma_start3A_112 = tpu.memref_squeeze %dma_start3A_111 : memref<1x1x5120xi32, #tpu.memory_space<hbm>> -> memref<5120xi32, #tpu.memory_space<hbm>>
      tpu.enqueue_dma source(%dma_start3A_112 : memref<5120xi32, #tpu.memory_space<hbm>>) target(%arg8 : memref<5120xi32, #tpu.memory_space<vmem>>) target_semaphore(%run_scoped3A : memref<!tpu.dma_semaphore, #tpu.memory_space<semaphore_mem>>)
      %dma_wait3A = arith.constant 0 : i32
      %dma_wait3A_113 = tpu.memref_slice %arg4[%arg0, %add3A_6, %dma_wait3A] : memref<2x32x5120xi32, #tpu.memory_space<hbm>> -> memref<1x1x5120xi32, #tpu.memory_space<hbm>>
      %dma_wait3A_114 = tpu.memref_squeeze %dma_wait3A_113 : memref<1x1x5120xi32, #tpu.memory_space<hbm>> -> memref<5120xi32, #tpu.memory_space<hbm>>
      %dma_wait3A_115 = arith.constant 0 : i32
      %dma_wait3A_116 = tpu.memref_slice %arg4[%arg0, %add3A_6, %dma_wait3A_115] : memref<2x32x5120xi32, #tpu.memory_space<hbm>> -> memref<1x1x5120xi32, #tpu.memory_space<hbm>>
      %dma_wait3A_117 = tpu.memref_squeeze %dma_wait3A_116 : memref<1x1x5120xi32, #tpu.memory_space<hbm>> -> memref<5120xi32, #tpu.memory_space<hbm>>
      tpu.wait_dma2 semaphore(%run_scoped3A : memref<!tpu.dma_semaphore, #tpu.memory_space<semaphore_mem>>) src(%dma_wait3A_117 : memref<5120xi32, #tpu.memory_space<hbm>>) dst(%arg8 : memref<5120xi32, #tpu.memory_space<vmem>>)
      tpu.yield
    }) : () -> ()
    "tpu.region"() ({
      %run_scoped3A = tpu.sem_alloc : memref<!tpu.dma_semaphore, #tpu.memory_space<semaphore_mem>>
      %dma_start3A = arith.constant 0 : i32
      %dma_start3A_108 = tpu.memref_slice %arg5[%add3A_6, %dma_start3A] : memref<32x16xi32, #tpu.memory_space<hbm>> -> memref<1x16xi32, #tpu.memory_space<hbm>>
      %dma_start3A_109 = tpu.memref_squeeze %dma_start3A_108 : memref<1x16xi32, #tpu.memory_space<hbm>> -> memref<16xi32, #tpu.memory_space<hbm>>
      %dma_start3A_110 = arith.constant 0 : i32
      %dma_start3A_111 = tpu.memref_slice %arg5[%add3A_6, %dma_start3A_110] : memref<32x16xi32, #tpu.memory_space<hbm>> -> memref<1x16xi32, #tpu.memory_space<hbm>>
      %dma_start3A_112 = tpu.memref_squeeze %dma_start3A_111 : memref<1x16xi32, #tpu.memory_space<hbm>> -> memref<16xi32, #tpu.memory_space<hbm>>
      tpu.enqueue_dma source(%dma_start3A_112 : memref<16xi32, #tpu.memory_space<hbm>>) target(%arg11 : memref<16xi32, #tpu.memory_space<vmem>>) target_semaphore(%run_scoped3A : memref<!tpu.dma_semaphore, #tpu.memory_space<semaphore_mem>>)
      %dma_wait3A = arith.constant 0 : i32
      %dma_wait3A_113 = tpu.memref_slice %arg5[%add3A_6, %dma_wait3A] : memref<32x16xi32, #tpu.memory_space<hbm>> -> memref<1x16xi32, #tpu.memory_space<hbm>>
      %dma_wait3A_114 = tpu.memref_squeeze %dma_wait3A_113 : memref<1x16xi32, #tpu.memory_space<hbm>> -> memref<16xi32, #tpu.memory_space<hbm>>
      %dma_wait3A_115 = arith.constant 0 : i32
      %dma_wait3A_116 = tpu.memref_slice %arg5[%add3A_6, %dma_wait3A_115] : memref<32x16xi32, #tpu.memory_space<hbm>> -> memref<1x16xi32, #tpu.memory_space<hbm>>
      %dma_wait3A_117 = tpu.memref_squeeze %dma_wait3A_116 : memref<1x16xi32, #tpu.memory_space<hbm>> -> memref<16xi32, #tpu.memory_space<hbm>>
      tpu.wait_dma2 semaphore(%run_scoped3A : memref<!tpu.dma_semaphore, #tpu.memory_space<semaphore_mem>>) src(%dma_wait3A_117 : memref<16xi32, #tpu.memory_space<hbm>>) dst(%arg11 : memref<16xi32, #tpu.memory_space<vmem>>)
      tpu.yield
    }) : () -> ()
    %eq3A = vector.broadcast %arg0 : i32 to vector<16xi32>
    %eq3A_7 = arith.cmpi eq, %iota3A, %eq3A : vector<16xi32>
    %get3A = arith.constant 0 : index
    %get3A_8 = tpu.vector_load %arg11[%get3A] {strides = array<i32>} : memref<16xi32, #tpu.memory_space<vmem>>, vector<16xi32>,
    %jit3A = arith.constant 0 : i32
    %broadcast_in_dim3A = vector.broadcast %jit3A : i32 to vector<16xi32>
    %select_n3A = arith.select %eq3A_7, %get3A_8, %broadcast_in_dim3A : vector<16xi1>, vector<16xi32>
    %reduce_max3A = arith.constant true
    %reduce_max3A_9 = vector.broadcast %reduce_max3A : i1 to vector<16xi1>
    %reduce_max3A_10 = arith.constant -2147483648 : i32
    %reduce_max3A_11 = vector.broadcast %reduce_max3A_10 : i32 to vector<16xi32>
    %reduce_max3A_12 = arith.xori %select_n3A, %reduce_max3A_11 : vector<16xi32>
    %reduce_max3A_13 = tpu.scan <max>, %reduce_max3A_12 masked %reduce_max3A_9 : vector<16xi32>, vector<16xi1> -> vector<16xi32>
    %reduce_max3A_14 = arith.xori %reduce_max3A_13, %reduce_max3A_11 : vector<16xi32>
    %reduce_max3A_15 = vector.extract %reduce_max3A_14[15] : i32 from vector<16xi32>
    %add3A_16 = arith.constant 127 : i32
    %add3A_17 = arith.addi %reduce_max3A_15, %add3A_16 : i32
    %jit3A_18 = arith.constant 128 : i32
    %div3A = arith.divsi %add3A_17, %jit3A_18 : i32
    %sign3A = arith.constant 0 : i32
    %sign3A_19 = arith.cmpi sgt, %add3A_17, %sign3A : i32
    %sign3A_20 = arith.extui %sign3A_19 : i1 to i32
    %sign3A_21 = arith.constant 0 : i32
    %sign3A_22 = arith.cmpi slt, %add3A_17, %sign3A_21 : i32
    %sign3A_23 = arith.extui %sign3A_22 : i1 to i32
    %sign3A_24 = arith.subi %sign3A_20, %sign3A_23 : i32
    %sign3A_25 = arith.constant 0 : i32
    %sign3A_26 = arith.cmpi sgt, %jit3A_18, %sign3A_25 : i32
    %sign3A_27 = arith.extui %sign3A_26 : i1 to i32
    %sign3A_28 = arith.constant 0 : i32
    %sign3A_29 = arith.cmpi slt, %jit3A_18, %sign3A_28 : i32
    %sign3A_30 = arith.extui %sign3A_29 : i1 to i32
    %sign3A_31 = arith.subi %sign3A_27, %sign3A_30 : i32
    %ne3A = arith.cmpi ne, %sign3A_24, %sign3A_31 : i32
    %rem3A = arith.remsi %add3A_17, %jit3A_18 : i32
    %ne3A_32 = arith.constant 0 : i32
    %ne3A_33 = arith.cmpi ne, %rem3A, %ne3A_32 : i32
    %and3A = arith.andi %ne3A, %ne3A_33 : i1
    %sub3A = arith.constant 1 : i32
    %sub3A_34 = arith.subi %div3A, %sub3A : i32
    %select_n3A_35 = arith.select %and3A, %sub3A_34, %div3A : i32
    %while3A = arith.constant 0 : i32
    %while3A_36 = arith.constant 0 : i32
    %while3A_37 = arith.subi %select_n3A_35, %while3A : i32
    %while3A_38 = arith.addi %while3A, %while3A_37 : i32
    %while3A_39 = arith.constant 1 : i32
    %while3A_40 = arith.divsi %while3A_37, %while3A_39 : i32
    %while3A_41 = arith.muli %while3A_40, %while3A_39 : i32
    %while3A_42 = arith.addi %while3A, %while3A_41 : i32
    %while3A_43 = arith.constant 1 : i32
    %while3A_44 = scf.for %while3A_108 = %while3A to %while3A_42 step %while3A_43 iter_args(%while3A_109 = %while3A_36) -> (i32)  : i32 {
      %mul3A_110 = arith.constant 128 : i32
      %mul3A_111 = arith.muli %while3A_108, %mul3A_110 : i32
      %dma_start3A = tpu.memref_slice %arg7[%mul3A_111] : memref<5120xi32, #tpu.memory_space<vmem>> -> memref<128xi32, #tpu.memory_space<vmem>>
      %dma_start3A_112 = arith.constant 0 : i32
      %dma_start3A_113 = arith.constant 0 : i32
      %dma_start3A_114 = tpu.memref_slice %arg2[%dma_start3A_112, %dma_start3A_113] : memref<10240x256xf32, #tpu.memory_space<hbm>> -> memref<10240x256xf32, #tpu.memory_space<hbm>>
      tpu.enqueue_indirect_dma source(%dma_start3A_114 : memref<10240x256xf32, #tpu.memory_space<hbm>>) target(%arg9 : memref<128x256xf32, #tpu.memory_space<vmem>>) offsets(%dma_start3A : memref<128xi32, #tpu.memory_space<vmem>>) semaphore(%arg13 : memref<!tpu.dma_semaphore, #tpu.memory_space<semaphore_mem>>)
      %dma_wait3A = tpu.memref_slice %arg7[%mul3A_111] : memref<5120xi32, #tpu.memory_space<vmem>> -> memref<128xi32, #tpu.memory_space<vmem>>
      %dma_wait3A_115 = arith.constant 0 : i32
      %dma_wait3A_116 = arith.constant 0 : i32
      %dma_wait3A_117 = tpu.memref_slice %arg2[%dma_wait3A_115, %dma_wait3A_116] : memref<10240x256xf32, #tpu.memory_space<hbm>> -> memref<10240x256xf32, #tpu.memory_space<hbm>>
      tpu.wait_indirect_dma semaphore(%arg13 : memref<!tpu.dma_semaphore, #tpu.memory_space<semaphore_mem>>) src(%dma_wait3A_117 : memref<10240x256xf32, #tpu.memory_space<hbm>>) dst(%arg9 : memref<128x256xf32, #tpu.memory_space<vmem>>)
      %mul3A_118 = arith.constant 128 : i32
      %mul3A_119 = arith.muli %while3A_108, %mul3A_118 : i32
      %add3A_120 = arith.constant 0 : i32
      %add3A_121 = arith.addi %mul3A_119, %add3A_120 : i32
      %get3A_122 = arith.index_cast %add3A_121 : i32 to index
      %get3A_123 = tpu.vector_load %arg8[%get3A_122] {strides = array<i32>} : memref<5120xi32, #tpu.memory_space<vmem>>, vector<16xi32>,
      %dma_start3A_124 = arith.constant 0 : i32
      %dma_start3A_125 = arith.constant 0 : i32
      %dma_start3A_126 = tpu.memref_slice %arg9[%dma_start3A_124, %dma_start3A_125] : memref<128x256xf32, #tpu.memory_space<vmem>> -> memref<16x256xf32, #tpu.memory_space<vmem>>
      %dma_start3A_127 = arith.constant 0 : i32
      %dma_start3A_128 = arith.constant 0 : i32
      %dma_start3A_129 = tpu.memref_slice %arg12[%dma_start3A_127, %dma_start3A_128] : memref<5120x256xf32, #tpu.memory_space<vmem_shared>> -> memref<5120x256xf32, #tpu.memory_space<vmem_shared>>
      tpu.enqueue_indirect_dma source(%dma_start3A_126 : memref<16x256xf32, #tpu.memory_space<vmem>>) target(%dma_start3A_129 : memref<5120x256xf32, #tpu.memory_space<vmem_shared>>) offsets(%get3A_123 : vector<16xi32>) semaphore(%arg14 : memref<!tpu.dma_semaphore, #tpu.memory_space<semaphore_mem>>) {add = true}
      %mul3A_130 = arith.constant 128 : i32
      %mul3A_131 = arith.muli %while3A_108, %mul3A_130 : i32
      %add3A_132 = arith.constant 16 : i32
      %add3A_133 = arith.addi %mul3A_131, %add3A_132 : i32
      %get3A_134 = arith.index_cast %add3A_133 : i32 to index
      %get3A_135 = tpu.vector_load %arg8[%get3A_134] {strides = array<i32>} : memref<5120xi32, #tpu.memory_space<vmem>>, vector<16xi32>,
      %dma_start3A_136 = arith.constant 16 : i32
      %dma_start3A_137 = arith.constant 0 : i32
      %dma_start3A_138 = tpu.memref_slice %arg9[%dma_start3A_136, %dma_start3A_137] : memref<128x256xf32, #tpu.memory_space<vmem>> -> memref<16x256xf32, #tpu.memory_space<vmem>>
      %dma_start3A_139 = arith.constant 0 : i32
      %dma_start3A_140 = arith.constant 0 : i32
      %dma_start3A_141 = tpu.memref_slice %arg12[%dma_start3A_139, %dma_start3A_140] : memref<5120x256xf32, #tpu.memory_space<vmem_shared>> -> memref<5120x256xf32, #tpu.memory_space<vmem_shared>>
      tpu.enqueue_indirect_dma source(%dma_start3A_138 : memref<16x256xf32, #tpu.memory_space<vmem>>) target(%dma_start3A_141 : memref<5120x256xf32, #tpu.memory_space<vmem_shared>>) offsets(%get3A_135 : vector<16xi32>) semaphore(%arg14 : memref<!tpu.dma_semaphore, #tpu.memory_space<semaphore_mem>>) {add = true}
      %mul3A_142 = arith.constant 128 : i32
      %mul3A_143 = arith.muli %while3A_108, %mul3A_142 : i32
      %add3A_144 = arith.constant 32 : i32
      %add3A_145 = arith.addi %mul3A_143, %add3A_144 : i32
      %get3A_146 = arith.index_cast %add3A_145 : i32 to index
      %get3A_147 = tpu.vector_load %arg8[%get3A_146] {strides = array<i32>} : memref<5120xi32, #tpu.memory_space<vmem>>, vector<16xi32>,
      %dma_start3A_148 = arith.constant 32 : i32
      %dma_start3A_149 = arith.constant 0 : i32
      %dma_start3A_150 = tpu.memref_slice %arg9[%dma_start3A_148, %dma_start3A_149] : memref<128x256xf32, #tpu.memory_space<vmem>> -> memref<16x256xf32, #tpu.memory_space<vmem>>
      %dma_start3A_151 = arith.constant 0 : i32
      %dma_start3A_152 = arith.constant 0 : i32
      %dma_start3A_153 = tpu.memref_slice %arg12[%dma_start3A_151, %dma_start3A_152] : memref<5120x256xf32, #tpu.memory_space<vmem_shared>> -> memref<5120x256xf32, #tpu.memory_space<vmem_shared>>
      tpu.enqueue_indirect_dma source(%dma_start3A_150 : memref<16x256xf32, #tpu.memory_space<vmem>>) target(%dma_start3A_153 : memref<5120x256xf32, #tpu.memory_space<vmem_shared>>) offsets(%get3A_147 : vector<16xi32>) semaphore(%arg14 : memref<!tpu.dma_semaphore, #tpu.memory_space<semaphore_mem>>) {add = true}
      %mul3A_154 = arith.constant 128 : i32
      %mul3A_155 = arith.muli %while3A_108, %mul3A_154 : i32
      %add3A_156 = arith.constant 48 : i32
      %add3A_157 = arith.addi %mul3A_155, %add3A_156 : i32
      %get3A_158 = arith.index_cast %add3A_157 : i32 to index
      %get3A_159 = tpu.vector_load %arg8[%get3A_158] {strides = array<i32>} : memref<5120xi32, #tpu.memory_space<vmem>>, vector<16xi32>,
      %dma_start3A_160 = arith.constant 48 : i32
      %dma_start3A_161 = arith.constant 0 : i32
      %dma_start3A_162 = tpu.memref_slice %arg9[%dma_start3A_160, %dma_start3A_161] : memref<128x256xf32, #tpu.memory_space<vmem>> -> memref<16x256xf32, #tpu.memory_space<vmem>>
      %dma_start3A_163 = arith.constant 0 : i32
      %dma_start3A_164 = arith.constant 0 : i32
      %dma_start3A_165 = tpu.memref_slice %arg12[%dma_start3A_163, %dma_start3A_164] : memref<5120x256xf32, #tpu.memory_space<vmem_shared>> -> memref<5120x256xf32, #tpu.memory_space<vmem_shared>>
      tpu.enqueue_indirect_dma source(%dma_start3A_162 : memref<16x256xf32, #tpu.memory_space<vmem>>) target(%dma_start3A_165 : memref<5120x256xf32, #tpu.memory_space<vmem_shared>>) offsets(%get3A_159 : vector<16xi32>) semaphore(%arg14 : memref<!tpu.dma_semaphore, #tpu.memory_space<semaphore_mem>>) {add = true}
      %mul3A_166 = arith.constant 128 : i32
      %mul3A_167 = arith.muli %while3A_108, %mul3A_166 : i32
      %add3A_168 = arith.constant 64 : i32
      %add3A_169 = arith.addi %mul3A_167, %add3A_168 : i32
      %get3A_170 = arith.index_cast %add3A_169 : i32 to index
      %get3A_171 = tpu.vector_load %arg8[%get3A_170] {strides = array<i32>} : memref<5120xi32, #tpu.memory_space<vmem>>, vector<16xi32>,
      %dma_start3A_172 = arith.constant 64 : i32
      %dma_start3A_173 = arith.constant 0 : i32
      %dma_start3A_174 = tpu.memref_slice %arg9[%dma_start3A_172, %dma_start3A_173] : memref<128x256xf32, #tpu.memory_space<vmem>> -> memref<16x256xf32, #tpu.memory_space<vmem>>
      %dma_start3A_175 = arith.constant 0 : i32
      %dma_start3A_176 = arith.constant 0 : i32
      %dma_start3A_177 = tpu.memref_slice %arg12[%dma_start3A_175, %dma_start3A_176] : memref<5120x256xf32, #tpu.memory_space<vmem_shared>> -> memref<5120x256xf32, #tpu.memory_space<vmem_shared>>
      tpu.enqueue_indirect_dma source(%dma_start3A_174 : memref<16x256xf32, #tpu.memory_space<vmem>>) target(%dma_start3A_177 : memref<5120x256xf32, #tpu.memory_space<vmem_shared>>) offsets(%get3A_171 : vector<16xi32>) semaphore(%arg14 : memref<!tpu.dma_semaphore, #tpu.memory_space<semaphore_mem>>) {add = true}
      %mul3A_178 = arith.constant 128 : i32
      %mul3A_179 = arith.muli %while3A_108, %mul3A_178 : i32
      %add3A_180 = arith.constant 80 : i32
      %add3A_181 = arith.addi %mul3A_179, %add3A_180 : i32
      %get3A_182 = arith.index_cast %add3A_181 : i32 to index
      %get3A_183 = tpu.vector_load %arg8[%get3A_182] {strides = array<i32>} : memref<5120xi32, #tpu.memory_space<vmem>>, vector<16xi32>,
      %dma_start3A_184 = arith.constant 80 : i32
      %dma_start3A_185 = arith.constant 0 : i32
      %dma_start3A_186 = tpu.memref_slice %arg9[%dma_start3A_184, %dma_start3A_185] : memref<128x256xf32, #tpu.memory_space<vmem>> -> memref<16x256xf32, #tpu.memory_space<vmem>>
      %dma_start3A_187 = arith.constant 0 : i32
      %dma_start3A_188 = arith.constant 0 : i32
      %dma_start3A_189 = tpu.memref_slice %arg12[%dma_start3A_187, %dma_start3A_188] : memref<5120x256xf32, #tpu.memory_space<vmem_shared>> -> memref<5120x256xf32, #tpu.memory_space<vmem_shared>>
      tpu.enqueue_indirect_dma source(%dma_start3A_186 : memref<16x256xf32, #tpu.memory_space<vmem>>) target(%dma_start3A_189 : memref<5120x256xf32, #tpu.memory_space<vmem_shared>>) offsets(%get3A_183 : vector<16xi32>) semaphore(%arg14 : memref<!tpu.dma_semaphore, #tpu.memory_space<semaphore_mem>>) {add = true}
      %mul3A_190 = arith.constant 128 : i32
      %mul3A_191 = arith.muli %while3A_108, %mul3A_190 : i32
      %add3A_192 = arith.constant 96 : i32
      %add3A_193 = arith.addi %mul3A_191, %add3A_192 : i32
      %get3A_194 = arith.index_cast %add3A_193 : i32 to index
      %get3A_195 = tpu.vector_load %arg8[%get3A_194] {strides = array<i32>} : memref<5120xi32, #tpu.memory_space<vmem>>, vector<16xi32>,
      %dma_start3A_196 = arith.constant 96 : i32
      %dma_start3A_197 = arith.constant 0 : i32
      %dma_start3A_198 = tpu.memref_slice %arg9[%dma_start3A_196, %dma_start3A_197] : memref<128x256xf32, #tpu.memory_space<vmem>> -> memref<16x256xf32, #tpu.memory_space<vmem>>
      %dma_start3A_199 = arith.constant 0 : i32
      %dma_start3A_200 = arith.constant 0 : i32
      %dma_start3A_201 = tpu.memref_slice %arg12[%dma_start3A_199, %dma_start3A_200] : memref<5120x256xf32, #tpu.memory_space<vmem_shared>> -> memref<5120x256xf32, #tpu.memory_space<vmem_shared>>
      tpu.enqueue_indirect_dma source(%dma_start3A_198 : memref<16x256xf32, #tpu.memory_space<vmem>>) target(%dma_start3A_201 : memref<5120x256xf32, #tpu.memory_space<vmem_shared>>) offsets(%get3A_195 : vector<16xi32>) semaphore(%arg14 : memref<!tpu.dma_semaphore, #tpu.memory_space<semaphore_mem>>) {add = true}
      %mul3A_202 = arith.constant 128 : i32
      %mul3A_203 = arith.muli %while3A_108, %mul3A_202 : i32
      %add3A_204 = arith.constant 112 : i32
      %add3A_205 = arith.addi %mul3A_203, %add3A_204 : i32
      %get3A_206 = arith.index_cast %add3A_205 : i32 to index
      %get3A_207 = tpu.vector_load %arg8[%get3A_206] {strides = array<i32>} : memref<5120xi32, #tpu.memory_space<vmem>>, vector<16xi32>,
      %dma_start3A_208 = arith.constant 112 : i32
      %dma_start3A_209 = arith.constant 0 : i32
      %dma_start3A_210 = tpu.memref_slice %arg9[%dma_start3A_208, %dma_start3A_209] : memref<128x256xf32, #tpu.memory_space<vmem>> -> memref<16x256xf32, #tpu.memory_space<vmem>>
      %dma_start3A_211 = arith.constant 0 : i32
      %dma_start3A_212 = arith.constant 0 : i32
      %dma_start3A_213 = tpu.memref_slice %arg12[%dma_start3A_211, %dma_start3A_212] : memref<5120x256xf32, #tpu.memory_space<vmem_shared>> -> memref<5120x256xf32, #tpu.memory_space<vmem_shared>>
      tpu.enqueue_indirect_dma source(%dma_start3A_210 : memref<16x256xf32, #tpu.memory_space<vmem>>) target(%dma_start3A_213 : memref<5120x256xf32, #tpu.memory_space<vmem_shared>>) offsets(%get3A_207 : vector<16xi32>) semaphore(%arg14 : memref<!tpu.dma_semaphore, #tpu.memory_space<semaphore_mem>>) {add = true}
      %dma_wait3A_214 = arith.constant 0 : i32
      %dma_wait3A_215 = arith.constant 0 : i32
      %dma_wait3A_216 = tpu.memref_slice %arg9[%dma_wait3A_214, %dma_wait3A_215] : memref<128x256xf32, #tpu.memory_space<vmem>> -> memref<16x256xf32, #tpu.memory_space<vmem>>
      %dma_wait3A_217 = arith.constant 0 : i32
      %dma_wait3A_218 = arith.constant 0 : i32
      %dma_wait3A_219 = tpu.memref_slice %arg12[%dma_wait3A_217, %dma_wait3A_218] : memref<5120x256xf32, #tpu.memory_space<vmem_shared>> -> memref<5120x256xf32, #tpu.memory_space<vmem_shared>>
      tpu.wait_indirect_dma semaphore(%arg14 : memref<!tpu.dma_semaphore, #tpu.memory_space<semaphore_mem>>) src(%dma_wait3A_216 : memref<16x256xf32, #tpu.memory_space<vmem>>) dst(%dma_wait3A_219 : memref<5120x256xf32, #tpu.memory_space<vmem_shared>>)
      %dma_wait3A_220 = arith.constant 16 : i32
      %dma_wait3A_221 = arith.constant 0 : i32
      %dma_wait3A_222 = tpu.memref_slice %arg9[%dma_wait3A_220, %dma_wait3A_221] : memref<128x256xf32, #tpu.memory_space<vmem>> -> memref<16x256xf32, #tpu.memory_space<vmem>>
      %dma_wait3A_223 = arith.constant 0 : i32
      %dma_wait3A_224 = arith.constant 0 : i32
      %dma_wait3A_225 = tpu.memref_slice %arg12[%dma_wait3A_223, %dma_wait3A_224] : memref<5120x256xf32, #tpu.memory_space<vmem_shared>> -> memref<5120x256xf32, #tpu.memory_space<vmem_shared>>
      tpu.wait_indirect_dma semaphore(%arg14 : memref<!tpu.dma_semaphore, #tpu.memory_space<semaphore_mem>>) src(%dma_wait3A_222 : memref<16x256xf32, #tpu.memory_space<vmem>>) dst(%dma_wait3A_225 : memref<5120x256xf32, #tpu.memory_space<vmem_shared>>)
      %dma_wait3A_226 = arith.constant 32 : i32
      %dma_wait3A_227 = arith.constant 0 : i32
      %dma_wait3A_228 = tpu.memref_slice %arg9[%dma_wait3A_226, %dma_wait3A_227] : memref<128x256xf32, #tpu.memory_space<vmem>> -> memref<16x256xf32, #tpu.memory_space<vmem>>
      %dma_wait3A_229 = arith.constant 0 : i32
      %dma_wait3A_230 = arith.constant 0 : i32
      %dma_wait3A_231 = tpu.memref_slice %arg12[%dma_wait3A_229, %dma_wait3A_230] : memref<5120x256xf32, #tpu.memory_space<vmem_shared>> -> memref<5120x256xf32, #tpu.memory_space<vmem_shared>>
      tpu.wait_indirect_dma semaphore(%arg14 : memref<!tpu.dma_semaphore, #tpu.memory_space<semaphore_mem>>) src(%dma_wait3A_228 : memref<16x256xf32, #tpu.memory_space<vmem>>) dst(%dma_wait3A_231 : memref<5120x256xf32, #tpu.memory_space<vmem_shared>>)
      %dma_wait3A_232 = arith.constant 48 : i32
      %dma_wait3A_233 = arith.constant 0 : i32
      %dma_wait3A_234 = tpu.memref_slice %arg9[%dma_wait3A_232, %dma_wait3A_233] : memref<128x256xf32, #tpu.memory_space<vmem>> -> memref<16x256xf32, #tpu.memory_space<vmem>>
      %dma_wait3A_235 = arith.constant 0 : i32
      %dma_wait3A_236 = arith.constant 0 : i32
      %dma_wait3A_237 = tpu.memref_slice %arg12[%dma_wait3A_235, %dma_wait3A_236] : memref<5120x256xf32, #tpu.memory_space<vmem_shared>> -> memref<5120x256xf32, #tpu.memory_space<vmem_shared>>
      tpu.wait_indirect_dma semaphore(%arg14 : memref<!tpu.dma_semaphore, #tpu.memory_space<semaphore_mem>>) src(%dma_wait3A_234 : memref<16x256xf32, #tpu.memory_space<vmem>>) dst(%dma_wait3A_237 : memref<5120x256xf32, #tpu.memory_space<vmem_shared>>)
      %dma_wait3A_238 = arith.constant 64 : i32
      %dma_wait3A_239 = arith.constant 0 : i32
      %dma_wait3A_240 = tpu.memref_slice %arg9[%dma_wait3A_238, %dma_wait3A_239] : memref<128x256xf32, #tpu.memory_space<vmem>> -> memref<16x256xf32, #tpu.memory_space<vmem>>
      %dma_wait3A_241 = arith.constant 0 : i32
      %dma_wait3A_242 = arith.constant 0 : i32
      %dma_wait3A_243 = tpu.memref_slice %arg12[%dma_wait3A_241, %dma_wait3A_242] : memref<5120x256xf32, #tpu.memory_space<vmem_shared>> -> memref<5120x256xf32, #tpu.memory_space<vmem_shared>>
      tpu.wait_indirect_dma semaphore(%arg14 : memref<!tpu.dma_semaphore, #tpu.memory_space<semaphore_mem>>) src(%dma_wait3A_240 : memref<16x256xf32, #tpu.memory_space<vmem>>) dst(%dma_wait3A_243 : memref<5120x256xf32, #tpu.memory_space<vmem_shared>>)
      %dma_wait3A_244 = arith.constant 80 : i32
      %dma_wait3A_245 = arith.constant 0 : i32
      %dma_wait3A_246 = tpu.memref_slice %arg9[%dma_wait3A_244, %dma_wait3A_245] : memref<128x256xf32, #tpu.memory_space<vmem>> -> memref<16x256xf32, #tpu.memory_space<vmem>>
      %dma_wait3A_247 = arith.constant 0 : i32
      %dma_wait3A_248 = arith.constant 0 : i32
      %dma_wait3A_249 = tpu.memref_slice %arg12[%dma_wait3A_247, %dma_wait3A_248] : memref<5120x256xf32, #tpu.memory_space<vmem_shared>> -> memref<5120x256xf32, #tpu.memory_space<vmem_shared>>
      tpu.wait_indirect_dma semaphore(%arg14 : memref<!tpu.dma_semaphore, #tpu.memory_space<semaphore_mem>>) src(%dma_wait3A_246 : memref<16x256xf32, #tpu.memory_space<vmem>>) dst(%dma_wait3A_249 : memref<5120x256xf32, #tpu.memory_space<vmem_shared>>)
      %dma_wait3A_250 = arith.constant 96 : i32
      %dma_wait3A_251 = arith.constant 0 : i32
      %dma_wait3A_252 = tpu.memref_slice %arg9[%dma_wait3A_250, %dma_wait3A_251] : memref<128x256xf32, #tpu.memory_space<vmem>> -> memref<16x256xf32, #tpu.memory_space<vmem>>
      %dma_wait3A_253 = arith.constant 0 : i32
      %dma_wait3A_254 = arith.constant 0 : i32
      %dma_wait3A_255 = tpu.memref_slice %arg12[%dma_wait3A_253, %dma_wait3A_254] : memref<5120x256xf32, #tpu.memory_space<vmem_shared>> -> memref<5120x256xf32, #tpu.memory_space<vmem_shared>>
      tpu.wait_indirect_dma semaphore(%arg14 : memref<!tpu.dma_semaphore, #tpu.memory_space<semaphore_mem>>) src(%dma_wait3A_252 : memref<16x256xf32, #tpu.memory_space<vmem>>) dst(%dma_wait3A_255 : memref<5120x256xf32, #tpu.memory_space<vmem_shared>>)
      %dma_wait3A_256 = arith.constant 112 : i32
      %dma_wait3A_257 = arith.constant 0 : i32
      %dma_wait3A_258 = tpu.memref_slice %arg9[%dma_wait3A_256, %dma_wait3A_257] : memref<128x256xf32, #tpu.memory_space<vmem>> -> memref<16x256xf32, #tpu.memory_space<vmem>>
      %dma_wait3A_259 = arith.constant 0 : i32
      %dma_wait3A_260 = arith.constant 0 : i32
      %dma_wait3A_261 = tpu.memref_slice %arg12[%dma_wait3A_259, %dma_wait3A_260] : memref<5120x256xf32, #tpu.memory_space<vmem_shared>> -> memref<5120x256xf32, #tpu.memory_space<vmem_shared>>
      tpu.wait_indirect_dma semaphore(%arg14 : memref<!tpu.dma_semaphore, #tpu.memory_space<semaphore_mem>>) src(%dma_wait3A_258 : memref<16x256xf32, #tpu.memory_space<vmem>>) dst(%dma_wait3A_261 : memref<5120x256xf32, #tpu.memory_space<vmem_shared>>)
      %while3A_262 = arith.constant 0 : i32
      scf.yield %while3A_262 : i32
    }
    %while3A_45 = arith.constant 1 : i32
    %while3A_46 = scf.for %while3A_108 = %while3A_42 to %while3A_38 step %while3A_45 iter_args(%while3A_109 = %while3A_44) -> (i32)  : i32 {
      %mul3A_110 = arith.constant 128 : i32
      %mul3A_111 = arith.muli %while3A_108, %mul3A_110 : i32
      %dma_start3A = tpu.memref_slice %arg7[%mul3A_111] : memref<5120xi32, #tpu.memory_space<vmem>> -> memref<128xi32, #tpu.memory_space<vmem>>
      %dma_start3A_112 = arith.constant 0 : i32
      %dma_start3A_113 = arith.constant 0 : i32
      %dma_start3A_114 = tpu.memref_slice %arg2[%dma_start3A_112, %dma_start3A_113] : memref<10240x256xf32, #tpu.memory_space<hbm>> -> memref<10240x256xf32, #tpu.memory_space<hbm>>
      tpu.enqueue_indirect_dma source(%dma_start3A_114 : memref<10240x256xf32, #tpu.memory_space<hbm>>) target(%arg9 : memref<128x256xf32, #tpu.memory_space<vmem>>) offsets(%dma_start3A : memref<128xi32, #tpu.memory_space<vmem>>) semaphore(%arg13 : memref<!tpu.dma_semaphore, #tpu.memory_space<semaphore_mem>>)
      %dma_wait3A = tpu.memref_slice %arg7[%mul3A_111] : memref<5120xi32, #tpu.memory_space<vmem>> -> memref<128xi32, #tpu.memory_space<vmem>>
      %dma_wait3A_115 = arith.constant 0 : i32
      %dma_wait3A_116 = arith.constant 0 : i32
      %dma_wait3A_117 = tpu.memref_slice %arg2[%dma_wait3A_115, %dma_wait3A_116] : memref<10240x256xf32, #tpu.memory_space<hbm>> -> memref<10240x256xf32, #tpu.memory_space<hbm>>
      tpu.wait_indirect_dma semaphore(%arg13 : memref<!tpu.dma_semaphore, #tpu.memory_space<semaphore_mem>>) src(%dma_wait3A_117 : memref<10240x256xf32, #tpu.memory_space<hbm>>) dst(%arg9 : memref<128x256xf32, #tpu.memory_space<vmem>>)
      %mul3A_118 = arith.constant 128 : i32
      %mul3A_119 = arith.muli %while3A_108, %mul3A_118 : i32
      %add3A_120 = arith.constant 0 : i32
      %add3A_121 = arith.addi %mul3A_119, %add3A_120 : i32
      %get3A_122 = arith.index_cast %add3A_121 : i32 to index
      %get3A_123 = tpu.vector_load %arg8[%get3A_122] {strides = array<i32>} : memref<5120xi32, #tpu.memory_space<vmem>>, vector<16xi32>,
      %dma_start3A_124 = arith.constant 0 : i32
      %dma_start3A_125 = arith.constant 0 : i32
      %dma_start3A_126 = tpu.memref_slice %arg9[%dma_start3A_124, %dma_start3A_125] : memref<128x256xf32, #tpu.memory_space<vmem>> -> memref<16x256xf32, #tpu.memory_space<vmem>>
      %dma_start3A_127 = arith.constant 0 : i32
      %dma_start3A_128 = arith.constant 0 : i32
      %dma_start3A_129 = tpu.memref_slice %arg12[%dma_start3A_127, %dma_start3A_128] : memref<5120x256xf32, #tpu.memory_space<vmem_shared>> -> memref<5120x256xf32, #tpu.memory_space<vmem_shared>>
      tpu.enqueue_indirect_dma source(%dma_start3A_126 : memref<16x256xf32, #tpu.memory_space<vmem>>) target(%dma_start3A_129 : memref<5120x256xf32, #tpu.memory_space<vmem_shared>>) offsets(%get3A_123 : vector<16xi32>) semaphore(%arg14 : memref<!tpu.dma_semaphore, #tpu.memory_space<semaphore_mem>>) {add = true}
      %mul3A_130 = arith.constant 128 : i32
      %mul3A_131 = arith.muli %while3A_108, %mul3A_130 : i32
      %add3A_132 = arith.constant 16 : i32
      %add3A_133 = arith.addi %mul3A_131, %add3A_132 : i32
      %get3A_134 = arith.index_cast %add3A_133 : i32 to index
      %get3A_135 = tpu.vector_load %arg8[%get3A_134] {strides = array<i32>} : memref<5120xi32, #tpu.memory_space<vmem>>, vector<16xi32>,
      %dma_start3A_136 = arith.constant 16 : i32
      %dma_start3A_137 = arith.constant 0 : i32
      %dma_start3A_138 = tpu.memref_slice %arg9[%dma_start3A_136, %dma_start3A_137] : memref<128x256xf32, #tpu.memory_space<vmem>> -> memref<16x256xf32, #tpu.memory_space<vmem>>
      %dma_start3A_139 = arith.constant 0 : i32
      %dma_start3A_140 = arith.constant 0 : i32
      %dma_start3A_141 = tpu.memref_slice %arg12[%dma_start3A_139, %dma_start3A_140] : memref<5120x256xf32, #tpu.memory_space<vmem_shared>> -> memref<5120x256xf32, #tpu.memory_space<vmem_shared>>
      tpu.enqueue_indirect_dma source(%dma_start3A_138 : memref<16x256xf32, #tpu.memory_space<vmem>>) target(%dma_start3A_141 : memref<5120x256xf32, #tpu.memory_space<vmem_shared>>) offsets(%get3A_135 : vector<16xi32>) semaphore(%arg14 : memref<!tpu.dma_semaphore, #tpu.memory_space<semaphore_mem>>) {add = true}
      %mul3A_142 = arith.constant 128 : i32
      %mul3A_143 = arith.muli %while3A_108, %mul3A_142 : i32
      %add3A_144 = arith.constant 32 : i32
      %add3A_145 = arith.addi %mul3A_143, %add3A_144 : i32
      %get3A_146 = arith.index_cast %add3A_145 : i32 to index
      %get3A_147 = tpu.vector_load %arg8[%get3A_146] {strides = array<i32>} : memref<5120xi32, #tpu.memory_space<vmem>>, vector<16xi32>,
      %dma_start3A_148 = arith.constant 32 : i32
      %dma_start3A_149 = arith.constant 0 : i32
      %dma_start3A_150 = tpu.memref_slice %arg9[%dma_start3A_148, %dma_start3A_149] : memref<128x256xf32, #tpu.memory_space<vmem>> -> memref<16x256xf32, #tpu.memory_space<vmem>>
      %dma_start3A_151 = arith.constant 0 : i32
      %dma_start3A_152 = arith.constant 0 : i32
      %dma_start3A_153 = tpu.memref_slice %arg12[%dma_start3A_151, %dma_start3A_152] : memref<5120x256xf32, #tpu.memory_space<vmem_shared>> -> memref<5120x256xf32, #tpu.memory_space<vmem_shared>>
      tpu.enqueue_indirect_dma source(%dma_start3A_150 : memref<16x256xf32, #tpu.memory_space<vmem>>) target(%dma_start3A_153 : memref<5120x256xf32, #tpu.memory_space<vmem_shared>>) offsets(%get3A_147 : vector<16xi32>) semaphore(%arg14 : memref<!tpu.dma_semaphore, #tpu.memory_space<semaphore_mem>>) {add = true}
      %mul3A_154 = arith.constant 128 : i32
      %mul3A_155 = arith.muli %while3A_108, %mul3A_154 : i32
      %add3A_156 = arith.constant 48 : i32
      %add3A_157 = arith.addi %mul3A_155, %add3A_156 : i32
      %get3A_158 = arith.index_cast %add3A_157 : i32 to index
      %get3A_159 = tpu.vector_load %arg8[%get3A_158] {strides = array<i32>} : memref<5120xi32, #tpu.memory_space<vmem>>, vector<16xi32>,
      %dma_start3A_160 = arith.constant 48 : i32
      %dma_start3A_161 = arith.constant 0 : i32
      %dma_start3A_162 = tpu.memref_slice %arg9[%dma_start3A_160, %dma_start3A_161] : memref<128x256xf32, #tpu.memory_space<vmem>> -> memref<16x256xf32, #tpu.memory_space<vmem>>
      %dma_start3A_163 = arith.constant 0 : i32
      %dma_start3A_164 = arith.constant 0 : i32
      %dma_start3A_165 = tpu.memref_slice %arg12[%dma_start3A_163, %dma_start3A_164] : memref<5120x256xf32, #tpu.memory_space<vmem_shared>> -> memref<5120x256xf32, #tpu.memory_space<vmem_shared>>
      tpu.enqueue_indirect_dma source(%dma_start3A_162 : memref<16x256xf32, #tpu.memory_space<vmem>>) target(%dma_start3A_165 : memref<5120x256xf32, #tpu.memory_space<vmem_shared>>) offsets(%get3A_159 : vector<16xi32>) semaphore(%arg14 : memref<!tpu.dma_semaphore, #tpu.memory_space<semaphore_mem>>) {add = true}
      %mul3A_166 = arith.constant 128 : i32
      %mul3A_167 = arith.muli %while3A_108, %mul3A_166 : i32
      %add3A_168 = arith.constant 64 : i32
      %add3A_169 = arith.addi %mul3A_167, %add3A_168 : i32
      %get3A_170 = arith.index_cast %add3A_169 : i32 to index
      %get3A_171 = tpu.vector_load %arg8[%get3A_170] {strides = array<i32>} : memref<5120xi32, #tpu.memory_space<vmem>>, vector<16xi32>,
      %dma_start3A_172 = arith.constant 64 : i32
      %dma_start3A_173 = arith.constant 0 : i32
      %dma_start3A_174 = tpu.memref_slice %arg9[%dma_start3A_172, %dma_start3A_173] : memref<128x256xf32, #tpu.memory_space<vmem>> -> memref<16x256xf32, #tpu.memory_space<vmem>>
      %dma_start3A_175 = arith.constant 0 : i32
      %dma_start3A_176 = arith.constant 0 : i32
      %dma_start3A_177 = tpu.memref_slice %arg12[%dma_start3A_175, %dma_start3A_176] : memref<5120x256xf32, #tpu.memory_space<vmem_shared>> -> memref<5120x256xf32, #tpu.memory_space<vmem_shared>>
      tpu.enqueue_indirect_dma source(%dma_start3A_174 : memref<16x256xf32, #tpu.memory_space<vmem>>) target(%dma_start3A_177 : memref<5120x256xf32, #tpu.memory_space<vmem_shared>>) offsets(%get3A_171 : vector<16xi32>) semaphore(%arg14 : memref<!tpu.dma_semaphore, #tpu.memory_space<semaphore_mem>>) {add = true}
      %mul3A_178 = arith.constant 128 : i32
      %mul3A_179 = arith.muli %while3A_108, %mul3A_178 : i32
      %add3A_180 = arith.constant 80 : i32
      %add3A_181 = arith.addi %mul3A_179, %add3A_180 : i32
      %get3A_182 = arith.index_cast %add3A_181 : i32 to index
      %get3A_183 = tpu.vector_load %arg8[%get3A_182] {strides = array<i32>} : memref<5120xi32, #tpu.memory_space<vmem>>, vector<16xi32>,
      %dma_start3A_184 = arith.constant 80 : i32
      %dma_start3A_185 = arith.constant 0 : i32
      %dma_start3A_186 = tpu.memref_slice %arg9[%dma_start3A_184, %dma_start3A_185] : memref<128x256xf32, #tpu.memory_space<vmem>> -> memref<16x256xf32, #tpu.memory_space<vmem>>
      %dma_start3A_187 = arith.constant 0 : i32
      %dma_start3A_188 = arith.constant 0 : i32
      %dma_start3A_189 = tpu.memref_slice %arg12[%dma_start3A_187, %dma_start3A_188] : memref<5120x256xf32, #tpu.memory_space<vmem_shared>> -> memref<5120x256xf32, #tpu.memory_space<vmem_shared>>
      tpu.enqueue_indirect_dma source(%dma_start3A_186 : memref<16x256xf32, #tpu.memory_space<vmem>>) target(%dma_start3A_189 : memref<5120x256xf32, #tpu.memory_space<vmem_shared>>) offsets(%get3A_183 : vector<16xi32>) semaphore(%arg14 : memref<!tpu.dma_semaphore, #tpu.memory_space<semaphore_mem>>) {add = true}
      %mul3A_190 = arith.constant 128 : i32
      %mul3A_191 = arith.muli %while3A_108, %mul3A_190 : i32
      %add3A_192 = arith.constant 96 : i32
      %add3A_193 = arith.addi %mul3A_191, %add3A_192 : i32
      %get3A_194 = arith.index_cast %add3A_193 : i32 to index
      %get3A_195 = tpu.vector_load %arg8[%get3A_194] {strides = array<i32>} : memref<5120xi32, #tpu.memory_space<vmem>>, vector<16xi32>,
      %dma_start3A_196 = arith.constant 96 : i32
      %dma_start3A_197 = arith.constant 0 : i32
      %dma_start3A_198 = tpu.memref_slice %arg9[%dma_start3A_196, %dma_start3A_197] : memref<128x256xf32, #tpu.memory_space<vmem>> -> memref<16x256xf32, #tpu.memory_space<vmem>>
      %dma_start3A_199 = arith.constant 0 : i32
      %dma_start3A_200 = arith.constant 0 : i32
      %dma_start3A_201 = tpu.memref_slice %arg12[%dma_start3A_199, %dma_start3A_200] : memref<5120x256xf32, #tpu.memory_space<vmem_shared>> -> memref<5120x256xf32, #tpu.memory_space<vmem_shared>>
      tpu.enqueue_indirect_dma source(%dma_start3A_198 : memref<16x256xf32, #tpu.memory_space<vmem>>) target(%dma_start3A_201 : memref<5120x256xf32, #tpu.memory_space<vmem_shared>>) offsets(%get3A_195 : vector<16xi32>) semaphore(%arg14 : memref<!tpu.dma_semaphore, #tpu.memory_space<semaphore_mem>>) {add = true}
      %mul3A_202 = arith.constant 128 : i32
      %mul3A_203 = arith.muli %while3A_108, %mul3A_202 : i32
      %add3A_204 = arith.constant 112 : i32
      %add3A_205 = arith.addi %mul3A_203, %add3A_204 : i32
      %get3A_206 = arith.index_cast %add3A_205 : i32 to index
      %get3A_207 = tpu.vector_load %arg8[%get3A_206] {strides = array<i32>} : memref<5120xi32, #tpu.memory_space<vmem>>, vector<16xi32>,
      %dma_start3A_208 = arith.constant 112 : i32
      %dma_start3A_209 = arith.constant 0 : i32
      %dma_start3A_210 = tpu.memref_slice %arg9[%dma_start3A_208, %dma_start3A_209] : memref<128x256xf32, #tpu.memory_space<vmem>> -> memref<16x256xf32, #tpu.memory_space<vmem>>
      %dma_start3A_211 = arith.constant 0 : i32
      %dma_start3A_212 = arith.constant 0 : i32
      %dma_start3A_213 = tpu.memref_slice %arg12[%dma_start3A_211, %dma_start3A_212] : memref<5120x256xf32, #tpu.memory_space<vmem_shared>> -> memref<5120x256xf32, #tpu.memory_space<vmem_shared>>
      tpu.enqueue_indirect_dma source(%dma_start3A_210 : memref<16x256xf32, #tpu.memory_space<vmem>>) target(%dma_start3A_213 : memref<5120x256xf32, #tpu.memory_space<vmem_shared>>) offsets(%get3A_207 : vector<16xi32>) semaphore(%arg14 : memref<!tpu.dma_semaphore, #tpu.memory_space<semaphore_mem>>) {add = true}
      %dma_wait3A_214 = arith.constant 0 : i32
      %dma_wait3A_215 = arith.constant 0 : i32
      %dma_wait3A_216 = tpu.memref_slice %arg9[%dma_wait3A_214, %dma_wait3A_215] : memref<128x256xf32, #tpu.memory_space<vmem>> -> memref<16x256xf32, #tpu.memory_space<vmem>>
      %dma_wait3A_217 = arith.constant 0 : i32
      %dma_wait3A_218 = arith.constant 0 : i32
      %dma_wait3A_219 = tpu.memref_slice %arg12[%dma_wait3A_217, %dma_wait3A_218] : memref<5120x256xf32, #tpu.memory_space<vmem_shared>> -> memref<5120x256xf32, #tpu.memory_space<vmem_shared>>
      tpu.wait_indirect_dma semaphore(%arg14 : memref<!tpu.dma_semaphore, #tpu.memory_space<semaphore_mem>>) src(%dma_wait3A_216 : memref<16x256xf32, #tpu.memory_space<vmem>>) dst(%dma_wait3A_219 : memref<5120x256xf32, #tpu.memory_space<vmem_shared>>)
      %dma_wait3A_220 = arith.constant 16 : i32
      %dma_wait3A_221 = arith.constant 0 : i32
      %dma_wait3A_222 = tpu.memref_slice %arg9[%dma_wait3A_220, %dma_wait3A_221] : memref<128x256xf32, #tpu.memory_space<vmem>> -> memref<16x256xf32, #tpu.memory_space<vmem>>
      %dma_wait3A_223 = arith.constant 0 : i32
      %dma_wait3A_224 = arith.constant 0 : i32
      %dma_wait3A_225 = tpu.memref_slice %arg12[%dma_wait3A_223, %dma_wait3A_224] : memref<5120x256xf32, #tpu.memory_space<vmem_shared>> -> memref<5120x256xf32, #tpu.memory_space<vmem_shared>>
      tpu.wait_indirect_dma semaphore(%arg14 : memref<!tpu.dma_semaphore, #tpu.memory_space<semaphore_mem>>) src(%dma_wait3A_222 : memref<16x256xf32, #tpu.memory_space<vmem>>) dst(%dma_wait3A_225 : memref<5120x256xf32, #tpu.memory_space<vmem_shared>>)
      %dma_wait3A_226 = arith.constant 32 : i32
      %dma_wait3A_227 = arith.constant 0 : i32
      %dma_wait3A_228 = tpu.memref_slice %arg9[%dma_wait3A_226, %dma_wait3A_227] : memref<128x256xf32, #tpu.memory_space<vmem>> -> memref<16x256xf32, #tpu.memory_space<vmem>>
      %dma_wait3A_229 = arith.constant 0 : i32
      %dma_wait3A_230 = arith.constant 0 : i32
      %dma_wait3A_231 = tpu.memref_slice %arg12[%dma_wait3A_229, %dma_wait3A_230] : memref<5120x256xf32, #tpu.memory_space<vmem_shared>> -> memref<5120x256xf32, #tpu.memory_space<vmem_shared>>
      tpu.wait_indirect_dma semaphore(%arg14 : memref<!tpu.dma_semaphore, #tpu.memory_space<semaphore_mem>>) src(%dma_wait3A_228 : memref<16x256xf32, #tpu.memory_space<vmem>>) dst(%dma_wait3A_231 : memref<5120x256xf32, #tpu.memory_space<vmem_shared>>)
      %dma_wait3A_232 = arith.constant 48 : i32
      %dma_wait3A_233 = arith.constant 0 : i32
      %dma_wait3A_234 = tpu.memref_slice %arg9[%dma_wait3A_232, %dma_wait3A_233] : memref<128x256xf32, #tpu.memory_space<vmem>> -> memref<16x256xf32, #tpu.memory_space<vmem>>
      %dma_wait3A_235 = arith.constant 0 : i32
      %dma_wait3A_236 = arith.constant 0 : i32
      %dma_wait3A_237 = tpu.memref_slice %arg12[%dma_wait3A_235, %dma_wait3A_236] : memref<5120x256xf32, #tpu.memory_space<vmem_shared>> -> memref<5120x256xf32, #tpu.memory_space<vmem_shared>>
      tpu.wait_indirect_dma semaphore(%arg14 : memref<!tpu.dma_semaphore, #tpu.memory_space<semaphore_mem>>) src(%dma_wait3A_234 : memref<16x256xf32, #tpu.memory_space<vmem>>) dst(%dma_wait3A_237 : memref<5120x256xf32, #tpu.memory_space<vmem_shared>>)
      %dma_wait3A_238 = arith.constant 64 : i32
      %dma_wait3A_239 = arith.constant 0 : i32
      %dma_wait3A_240 = tpu.memref_slice %arg9[%dma_wait3A_238, %dma_wait3A_239] : memref<128x256xf32, #tpu.memory_space<vmem>> -> memref<16x256xf32, #tpu.memory_space<vmem>>
      %dma_wait3A_241 = arith.constant 0 : i32
      %dma_wait3A_242 = arith.constant 0 : i32
      %dma_wait3A_243 = tpu.memref_slice %arg12[%dma_wait3A_241, %dma_wait3A_242] : memref<5120x256xf32, #tpu.memory_space<vmem_shared>> -> memref<5120x256xf32, #tpu.memory_space<vmem_shared>>
      tpu.wait_indirect_dma semaphore(%arg14 : memref<!tpu.dma_semaphore, #tpu.memory_space<semaphore_mem>>) src(%dma_wait3A_240 : memref<16x256xf32, #tpu.memory_space<vmem>>) dst(%dma_wait3A_243 : memref<5120x256xf32, #tpu.memory_space<vmem_shared>>)
      %dma_wait3A_244 = arith.constant 80 : i32
      %dma_wait3A_245 = arith.constant 0 : i32
      %dma_wait3A_246 = tpu.memref_slice %arg9[%dma_wait3A_244, %dma_wait3A_245] : memref<128x256xf32, #tpu.memory_space<vmem>> -> memref<16x256xf32, #tpu.memory_space<vmem>>
      %dma_wait3A_247 = arith.constant 0 : i32
      %dma_wait3A_248 = arith.constant 0 : i32
      %dma_wait3A_249 = tpu.memref_slice %arg12[%dma_wait3A_247, %dma_wait3A_248] : memref<5120x256xf32, #tpu.memory_space<vmem_shared>> -> memref<5120x256xf32, #tpu.memory_space<vmem_shared>>
      tpu.wait_indirect_dma semaphore(%arg14 : memref<!tpu.dma_semaphore, #tpu.memory_space<semaphore_mem>>) src(%dma_wait3A_246 : memref<16x256xf32, #tpu.memory_space<vmem>>) dst(%dma_wait3A_249 : memref<5120x256xf32, #tpu.memory_space<vmem_shared>>)
      %dma_wait3A_250 = arith.constant 96 : i32
      %dma_wait3A_251 = arith.constant 0 : i32
      %dma_wait3A_252 = tpu.memref_slice %arg9[%dma_wait3A_250, %dma_wait3A_251] : memref<128x256xf32, #tpu.memory_space<vmem>> -> memref<16x256xf32, #tpu.memory_space<vmem>>
      %dma_wait3A_253 = arith.constant 0 : i32
      %dma_wait3A_254 = arith.constant 0 : i32
      %dma_wait3A_255 = tpu.memref_slice %arg12[%dma_wait3A_253, %dma_wait3A_254] : memref<5120x256xf32, #tpu.memory_space<vmem_shared>> -> memref<5120x256xf32, #tpu.memory_space<vmem_shared>>
      tpu.wait_indirect_dma semaphore(%arg14 : memref<!tpu.dma_semaphore, #tpu.memory_space<semaphore_mem>>) src(%dma_wait3A_252 : memref<16x256xf32, #tpu.memory_space<vmem>>) dst(%dma_wait3A_255 : memref<5120x256xf32, #tpu.memory_space<vmem_shared>>)
      %dma_wait3A_256 = arith.constant 112 : i32
      %dma_wait3A_257 = arith.constant 0 : i32
      %dma_wait3A_258 = tpu.memref_slice %arg9[%dma_wait3A_256, %dma_wait3A_257] : memref<128x256xf32, #tpu.memory_space<vmem>> -> memref<16x256xf32, #tpu.memory_space<vmem>>
      %dma_wait3A_259 = arith.constant 0 : i32
      %dma_wait3A_260 = arith.constant 0 : i32
      %dma_wait3A_261 = tpu.memref_slice %arg12[%dma_wait3A_259, %dma_wait3A_260] : memref<5120x256xf32, #tpu.memory_space<vmem_shared>> -> memref<5120x256xf32, #tpu.memory_space<vmem_shared>>
      tpu.wait_indirect_dma semaphore(%arg14 : memref<!tpu.dma_semaphore, #tpu.memory_space<semaphore_mem>>) src(%dma_wait3A_258 : memref<16x256xf32, #tpu.memory_space<vmem>>) dst(%dma_wait3A_261 : memref<5120x256xf32, #tpu.memory_space<vmem_shared>>)
      %while3A_262 = arith.constant 0 : i32
      scf.yield %while3A_262 : i32
    }
    %mul3A_47 = arith.constant 2 : i32
    %mul3A_48 = arith.muli %arg1, %mul3A_47 : i32
    %add3A_49 = arith.constant 1 : i32
    %add3A_50 = arith.addi %mul3A_48, %add3A_49 : i32
    "tpu.region"() ({
      %run_scoped3A = tpu.sem_alloc : memref<!tpu.dma_semaphore, #tpu.memory_space<semaphore_mem>>
      %dma_start3A = arith.constant 0 : i32
      %dma_start3A_108 = tpu.memref_slice %arg3[%arg0, %add3A_50, %dma_start3A] : memref<2x32x5120xi32, #tpu.memory_space<hbm>> -> memref<1x1x5120xi32, #tpu.memory_space<hbm>>
      %dma_start3A_109 = tpu.memref_squeeze %dma_start3A_108 : memref<1x1x5120xi32, #tpu.memory_space<hbm>> -> memref<5120xi32, #tpu.memory_space<hbm>>
      %dma_start3A_110 = arith.constant 0 : i32
      %dma_start3A_111 = tpu.memref_slice %arg3[%arg0, %add3A_50, %dma_start3A_110] : memref<2x32x5120xi32, #tpu.memory_space<hbm>> -> memref<1x1x5120xi32, #tpu.memory_space<hbm>>
      %dma_start3A_112 = tpu.memref_squeeze %dma_start3A_111 : memref<1x1x5120xi32, #tpu.memory_space<hbm>> -> memref<5120xi32, #tpu.memory_space<hbm>>
      tpu.enqueue_dma source(%dma_start3A_112 : memref<5120xi32, #tpu.memory_space<hbm>>) target(%arg7 : memref<5120xi32, #tpu.memory_space<vmem>>) target_semaphore(%run_scoped3A : memref<!tpu.dma_semaphore, #tpu.memory_space<semaphore_mem>>)
      %dma_wait3A = arith.constant 0 : i32
      %dma_wait3A_113 = tpu.memref_slice %arg3[%arg0, %add3A_50, %dma_wait3A] : memref<2x32x5120xi32, #tpu.memory_space<hbm>> -> memref<1x1x5120xi32, #tpu.memory_space<hbm>>
      %dma_wait3A_114 = tpu.memref_squeeze %dma_wait3A_113 : memref<1x1x5120xi32, #tpu.memory_space<hbm>> -> memref<5120xi32, #tpu.memory_space<hbm>>
      %dma_wait3A_115 = arith.constant 0 : i32
      %dma_wait3A_116 = tpu.memref_slice %arg3[%arg0, %add3A_50, %dma_wait3A_115] : memref<2x32x5120xi32, #tpu.memory_space<hbm>> -> memref<1x1x5120xi32, #tpu.memory_space<hbm>>
      %dma_wait3A_117 = tpu.memref_squeeze %dma_wait3A_116 : memref<1x1x5120xi32, #tpu.memory_space<hbm>> -> memref<5120xi32, #tpu.memory_space<hbm>>
      tpu.wait_dma2 semaphore(%run_scoped3A : memref<!tpu.dma_semaphore, #tpu.memory_space<semaphore_mem>>) src(%dma_wait3A_117 : memref<5120xi32, #tpu.memory_space<hbm>>) dst(%arg7 : memref<5120xi32, #tpu.memory_space<vmem>>)
      tpu.yield
    }) : () -> ()
    "tpu.region"() ({
      %run_scoped3A = tpu.sem_alloc : memref<!tpu.dma_semaphore, #tpu.memory_space<semaphore_mem>>
      %dma_start3A = arith.constant 0 : i32
      %dma_start3A_108 = tpu.memref_slice %arg4[%arg0, %add3A_50, %dma_start3A] : memref<2x32x5120xi32, #tpu.memory_space<hbm>> -> memref<1x1x5120xi32, #tpu.memory_space<hbm>>
      %dma_start3A_109 = tpu.memref_squeeze %dma_start3A_108 : memref<1x1x5120xi32, #tpu.memory_space<hbm>> -> memref<5120xi32, #tpu.memory_space<hbm>>
      %dma_start3A_110 = arith.constant 0 : i32
      %dma_start3A_111 = tpu.memref_slice %arg4[%arg0, %add3A_50, %dma_start3A_110] : memref<2x32x5120xi32, #tpu.memory_space<hbm>> -> memref<1x1x5120xi32, #tpu.memory_space<hbm>>
      %dma_start3A_112 = tpu.memref_squeeze %dma_start3A_111 : memref<1x1x5120xi32, #tpu.memory_space<hbm>> -> memref<5120xi32, #tpu.memory_space<hbm>>
      tpu.enqueue_dma source(%dma_start3A_112 : memref<5120xi32, #tpu.memory_space<hbm>>) target(%arg8 : memref<5120xi32, #tpu.memory_space<vmem>>) target_semaphore(%run_scoped3A : memref<!tpu.dma_semaphore, #tpu.memory_space<semaphore_mem>>)
      %dma_wait3A = arith.constant 0 : i32
      %dma_wait3A_113 = tpu.memref_slice %arg4[%arg0, %add3A_50, %dma_wait3A] : memref<2x32x5120xi32, #tpu.memory_space<hbm>> -> memref<1x1x5120xi32, #tpu.memory_space<hbm>>
      %dma_wait3A_114 = tpu.memref_squeeze %dma_wait3A_113 : memref<1x1x5120xi32, #tpu.memory_space<hbm>> -> memref<5120xi32, #tpu.memory_space<hbm>>
      %dma_wait3A_115 = arith.constant 0 : i32
      %dma_wait3A_116 = tpu.memref_slice %arg4[%arg0, %add3A_50, %dma_wait3A_115] : memref<2x32x5120xi32, #tpu.memory_space<hbm>> -> memref<1x1x5120xi32, #tpu.memory_space<hbm>>
      %dma_wait3A_117 = tpu.memref_squeeze %dma_wait3A_116 : memref<1x1x5120xi32, #tpu.memory_space<hbm>> -> memref<5120xi32, #tpu.memory_space<hbm>>
      tpu.wait_dma2 semaphore(%run_scoped3A : memref<!tpu.dma_semaphore, #tpu.memory_space<semaphore_mem>>) src(%dma_wait3A_117 : memref<5120xi32, #tpu.memory_space<hbm>>) dst(%arg8 : memref<5120xi32, #tpu.memory_space<vmem>>)
      tpu.yield
    }) : () -> ()
    "tpu.region"() ({
      %run_scoped3A = tpu.sem_alloc : memref<!tpu.dma_semaphore, #tpu.memory_space<semaphore_mem>>
      %dma_start3A = arith.constant 0 : i32
      %dma_start3A_108 = tpu.memref_slice %arg5[%add3A_50, %dma_start3A] : memref<32x16xi32, #tpu.memory_space<hbm>> -> memref<1x16xi32, #tpu.memory_space<hbm>>
      %dma_start3A_109 = tpu.memref_squeeze %dma_start3A_108 : memref<1x16xi32, #tpu.memory_space<hbm>> -> memref<16xi32, #tpu.memory_space<hbm>>
      %dma_start3A_110 = arith.constant 0 : i32
      %dma_start3A_111 = tpu.memref_slice %arg5[%add3A_50, %dma_start3A_110] : memref<32x16xi32, #tpu.memory_space<hbm>> -> memref<1x16xi32, #tpu.memory_space<hbm>>
      %dma_start3A_112 = tpu.memref_squeeze %dma_start3A_111 : memref<1x16xi32, #tpu.memory_space<hbm>> -> memref<16xi32, #tpu.memory_space<hbm>>
      tpu.enqueue_dma source(%dma_start3A_112 : memref<16xi32, #tpu.memory_space<hbm>>) target(%arg11 : memref<16xi32, #tpu.memory_space<vmem>>) target_semaphore(%run_scoped3A : memref<!tpu.dma_semaphore, #tpu.memory_space<semaphore_mem>>)
      %dma_wait3A = arith.constant 0 : i32
      %dma_wait3A_113 = tpu.memref_slice %arg5[%add3A_50, %dma_wait3A] : memref<32x16xi32, #tpu.memory_space<hbm>> -> memref<1x16xi32, #tpu.memory_space<hbm>>
      %dma_wait3A_114 = tpu.memref_squeeze %dma_wait3A_113 : memref<1x16xi32, #tpu.memory_space<hbm>> -> memref<16xi32, #tpu.memory_space<hbm>>
      %dma_wait3A_115 = arith.constant 0 : i32
      %dma_wait3A_116 = tpu.memref_slice %arg5[%add3A_50, %dma_wait3A_115] : memref<32x16xi32, #tpu.memory_space<hbm>> -> memref<1x16xi32, #tpu.memory_space<hbm>>
      %dma_wait3A_117 = tpu.memref_squeeze %dma_wait3A_116 : memref<1x16xi32, #tpu.memory_space<hbm>> -> memref<16xi32, #tpu.memory_space<hbm>>
      tpu.wait_dma2 semaphore(%run_scoped3A : memref<!tpu.dma_semaphore, #tpu.memory_space<semaphore_mem>>) src(%dma_wait3A_117 : memref<16xi32, #tpu.memory_space<hbm>>) dst(%arg11 : memref<16xi32, #tpu.memory_space<vmem>>)
      tpu.yield
    }) : () -> ()
    %eq3A_51 = vector.broadcast %arg0 : i32 to vector<16xi32>
    %eq3A_52 = arith.cmpi eq, %iota3A, %eq3A_51 : vector<16xi32>
    %get3A_53 = arith.constant 0 : index
    %get3A_54 = tpu.vector_load %arg11[%get3A_53] {strides = array<i32>} : memref<16xi32, #tpu.memory_space<vmem>>, vector<16xi32>,
    %jit3A_55 = arith.constant 0 : i32
    %broadcast_in_dim3A_56 = vector.broadcast %jit3A_55 : i32 to vector<16xi32>
    %select_n3A_57 = arith.select %eq3A_52, %get3A_54, %broadcast_in_dim3A_56 : vector<16xi1>, vector<16xi32>
    %reduce_max3A_58 = arith.constant true
    %reduce_max3A_59 = vector.broadcast %reduce_max3A_58 : i1 to vector<16xi1>
    %reduce_max3A_60 = arith.constant -2147483648 : i32
    %reduce_max3A_61 = vector.broadcast %reduce_max3A_60 : i32 to vector<16xi32>
    %reduce_max3A_62 = arith.xori %select_n3A_57, %reduce_max3A_61 : vector<16xi32>
    %reduce_max3A_63 = tpu.scan <max>, %reduce_max3A_62 masked %reduce_max3A_59 : vector<16xi32>, vector<16xi1> -> vector<16xi32>
    %reduce_max3A_64 = arith.xori %reduce_max3A_63, %reduce_max3A_61 : vector<16xi32>
    %reduce_max3A_65 = vector.extract %reduce_max3A_64[15] : i32 from vector<16xi32>
    %add3A_66 = arith.constant 127 : i32
    %add3A_67 = arith.addi %reduce_max3A_65, %add3A_66 : i32
    %jit3A_68 = arith.constant 128 : i32
    %div3A_69 = arith.divsi %add3A_67, %jit3A_68 : i32
    %sign3A_70 = arith.constant 0 : i32
    %sign3A_71 = arith.cmpi sgt, %add3A_67, %sign3A_70 : i32
    %sign3A_72 = arith.extui %sign3A_71 : i1 to i32
    %sign3A_73 = arith.constant 0 : i32
    %sign3A_74 = arith.cmpi slt, %add3A_67, %sign3A_73 : i32
    %sign3A_75 = arith.extui %sign3A_74 : i1 to i32
    %sign3A_76 = arith.subi %sign3A_72, %sign3A_75 : i32
    %sign3A_77 = arith.constant 0 : i32
    %sign3A_78 = arith.cmpi sgt, %jit3A_68, %sign3A_77 : i32
    %sign3A_79 = arith.extui %sign3A_78 : i1 to i32
    %sign3A_80 = arith.constant 0 : i32
    %sign3A_81 = arith.cmpi slt, %jit3A_68, %sign3A_80 : i32
    %sign3A_82 = arith.extui %sign3A_81 : i1 to i32
    %sign3A_83 = arith.subi %sign3A_79, %sign3A_82 : i32
    %ne3A_84 = arith.cmpi ne, %sign3A_76, %sign3A_83 : i32
    %rem3A_85 = arith.remsi %add3A_67, %jit3A_68 : i32
    %ne3A_86 = arith.constant 0 : i32
    %ne3A_87 = arith.cmpi ne, %rem3A_85, %ne3A_86 : i32
    %and3A_88 = arith.andi %ne3A_84, %ne3A_87 : i1
    %sub3A_89 = arith.constant 1 : i32
    %sub3A_90 = arith.subi %div3A_69, %sub3A_89 : i32
    %select_n3A_91 = arith.select %and3A_88, %sub3A_90, %div3A_69 : i32
    %while3A_92 = arith.constant 0 : i32
    %while3A_93 = arith.constant 0 : i32
    %while3A_94 = arith.subi %select_n3A_91, %while3A_92 : i32
    %while3A_95 = arith.addi %while3A_92, %while3A_94 : i32
    %while3A_96 = arith.constant 1 : i32
    %while3A_97 = arith.divsi %while3A_94, %while3A_96 : i32
    %while3A_98 = arith.muli %while3A_97, %while3A_96 : i32
    %while3A_99 = arith.addi %while3A_92, %while3A_98 : i32
    %while3A_100 = arith.constant 1 : i32
    %while3A_101 = scf.for %while3A_108 = %while3A_92 to %while3A_99 step %while3A_100 iter_args(%while3A_109 = %while3A_93) -> (i32)  : i32 {
      %mul3A_110 = arith.constant 128 : i32
      %mul3A_111 = arith.muli %while3A_108, %mul3A_110 : i32
      %dma_start3A = tpu.memref_slice %arg7[%mul3A_111] : memref<5120xi32, #tpu.memory_space<vmem>> -> memref<128xi32, #tpu.memory_space<vmem>>
      %dma_start3A_112 = arith.constant 0 : i32
      %dma_start3A_113 = arith.constant 0 : i32
      %dma_start3A_114 = tpu.memref_slice %arg2[%dma_start3A_112, %dma_start3A_113] : memref<10240x256xf32, #tpu.memory_space<hbm>> -> memref<10240x256xf32, #tpu.memory_space<hbm>>
      tpu.enqueue_indirect_dma source(%dma_start3A_114 : memref<10240x256xf32, #tpu.memory_space<hbm>>) target(%arg9 : memref<128x256xf32, #tpu.memory_space<vmem>>) offsets(%dma_start3A : memref<128xi32, #tpu.memory_space<vmem>>) semaphore(%arg13 : memref<!tpu.dma_semaphore, #tpu.memory_space<semaphore_mem>>)
      %dma_wait3A = tpu.memref_slice %arg7[%mul3A_111] : memref<5120xi32, #tpu.memory_space<vmem>> -> memref<128xi32, #tpu.memory_space<vmem>>
      %dma_wait3A_115 = arith.constant 0 : i32
      %dma_wait3A_116 = arith.constant 0 : i32
      %dma_wait3A_117 = tpu.memref_slice %arg2[%dma_wait3A_115, %dma_wait3A_116] : memref<10240x256xf32, #tpu.memory_space<hbm>> -> memref<10240x256xf32, #tpu.memory_space<hbm>>
      tpu.wait_indirect_dma semaphore(%arg13 : memref<!tpu.dma_semaphore, #tpu.memory_space<semaphore_mem>>) src(%dma_wait3A_117 : memref<10240x256xf32, #tpu.memory_space<hbm>>) dst(%arg9 : memref<128x256xf32, #tpu.memory_space<vmem>>)
      %mul3A_118 = arith.constant 128 : i32
      %mul3A_119 = arith.muli %while3A_108, %mul3A_118 : i32
      %add3A_120 = arith.constant 0 : i32
      %add3A_121 = arith.addi %mul3A_119, %add3A_120 : i32
      %get3A_122 = arith.index_cast %add3A_121 : i32 to index
      %get3A_123 = tpu.vector_load %arg8[%get3A_122] {strides = array<i32>} : memref<5120xi32, #tpu.memory_space<vmem>>, vector<16xi32>,
      %dma_start3A_124 = arith.constant 0 : i32
      %dma_start3A_125 = arith.constant 0 : i32
      %dma_start3A_126 = tpu.memref_slice %arg9[%dma_start3A_124, %dma_start3A_125] : memref<128x256xf32, #tpu.memory_space<vmem>> -> memref<16x256xf32, #tpu.memory_space<vmem>>
      %dma_start3A_127 = arith.constant 0 : i32
      %dma_start3A_128 = arith.constant 0 : i32
      %dma_start3A_129 = tpu.memref_slice %arg12[%dma_start3A_127, %dma_start3A_128] : memref<5120x256xf32, #tpu.memory_space<vmem_shared>> -> memref<5120x256xf32, #tpu.memory_space<vmem_shared>>
      tpu.enqueue_indirect_dma source(%dma_start3A_126 : memref<16x256xf32, #tpu.memory_space<vmem>>) target(%dma_start3A_129 : memref<5120x256xf32, #tpu.memory_space<vmem_shared>>) offsets(%get3A_123 : vector<16xi32>) semaphore(%arg14 : memref<!tpu.dma_semaphore, #tpu.memory_space<semaphore_mem>>) {add = true}
      %mul3A_130 = arith.constant 128 : i32
      %mul3A_131 = arith.muli %while3A_108, %mul3A_130 : i32
      %add3A_132 = arith.constant 16 : i32
      %add3A_133 = arith.addi %mul3A_131, %add3A_132 : i32
      %get3A_134 = arith.index_cast %add3A_133 : i32 to index
      %get3A_135 = tpu.vector_load %arg8[%get3A_134] {strides = array<i32>} : memref<5120xi32, #tpu.memory_space<vmem>>, vector<16xi32>,
      %dma_start3A_136 = arith.constant 16 : i32
      %dma_start3A_137 = arith.constant 0 : i32
      %dma_start3A_138 = tpu.memref_slice %arg9[%dma_start3A_136, %dma_start3A_137] : memref<128x256xf32, #tpu.memory_space<vmem>> -> memref<16x256xf32, #tpu.memory_space<vmem>>
      %dma_start3A_139 = arith.constant 0 : i32
      %dma_start3A_140 = arith.constant 0 : i32
      %dma_start3A_141 = tpu.memref_slice %arg12[%dma_start3A_139, %dma_start3A_140] : memref<5120x256xf32, #tpu.memory_space<vmem_shared>> -> memref<5120x256xf32, #tpu.memory_space<vmem_shared>>
      tpu.enqueue_indirect_dma source(%dma_start3A_138 : memref<16x256xf32, #tpu.memory_space<vmem>>) target(%dma_start3A_141 : memref<5120x256xf32, #tpu.memory_space<vmem_shared>>) offsets(%get3A_135 : vector<16xi32>) semaphore(%arg14 : memref<!tpu.dma_semaphore, #tpu.memory_space<semaphore_mem>>) {add = true}
      %mul3A_142 = arith.constant 128 : i32
      %mul3A_143 = arith.muli %while3A_108, %mul3A_142 : i32
      %add3A_144 = arith.constant 32 : i32
      %add3A_145 = arith.addi %mul3A_143, %add3A_144 : i32
      %get3A_146 = arith.index_cast %add3A_145 : i32 to index
      %get3A_147 = tpu.vector_load %arg8[%get3A_146] {strides = array<i32>} : memref<5120xi32, #tpu.memory_space<vmem>>, vector<16xi32>,
      %dma_start3A_148 = arith.constant 32 : i32
      %dma_start3A_149 = arith.constant 0 : i32
      %dma_start3A_150 = tpu.memref_slice %arg9[%dma_start3A_148, %dma_start3A_149] : memref<128x256xf32, #tpu.memory_space<vmem>> -> memref<16x256xf32, #tpu.memory_space<vmem>>
      %dma_start3A_151 = arith.constant 0 : i32
      %dma_start3A_152 = arith.constant 0 : i32
      %dma_start3A_153 = tpu.memref_slice %arg12[%dma_start3A_151, %dma_start3A_152] : memref<5120x256xf32, #tpu.memory_space<vmem_shared>> -> memref<5120x256xf32, #tpu.memory_space<vmem_shared>>
      tpu.enqueue_indirect_dma source(%dma_start3A_150 : memref<16x256xf32, #tpu.memory_space<vmem>>) target(%dma_start3A_153 : memref<5120x256xf32, #tpu.memory_space<vmem_shared>>) offsets(%get3A_147 : vector<16xi32>) semaphore(%arg14 : memref<!tpu.dma_semaphore, #tpu.memory_space<semaphore_mem>>) {add = true}
      %mul3A_154 = arith.constant 128 : i32
      %mul3A_155 = arith.muli %while3A_108, %mul3A_154 : i32
      %add3A_156 = arith.constant 48 : i32
      %add3A_157 = arith.addi %mul3A_155, %add3A_156 : i32
      %get3A_158 = arith.index_cast %add3A_157 : i32 to index
      %get3A_159 = tpu.vector_load %arg8[%get3A_158] {strides = array<i32>} : memref<5120xi32, #tpu.memory_space<vmem>>, vector<16xi32>,
      %dma_start3A_160 = arith.constant 48 : i32
      %dma_start3A_161 = arith.constant 0 : i32
      %dma_start3A_162 = tpu.memref_slice %arg9[%dma_start3A_160, %dma_start3A_161] : memref<128x256xf32, #tpu.memory_space<vmem>> -> memref<16x256xf32, #tpu.memory_space<vmem>>
      %dma_start3A_163 = arith.constant 0 : i32
      %dma_start3A_164 = arith.constant 0 : i32
      %dma_start3A_165 = tpu.memref_slice %arg12[%dma_start3A_163, %dma_start3A_164] : memref<5120x256xf32, #tpu.memory_space<vmem_shared>> -> memref<5120x256xf32, #tpu.memory_space<vmem_shared>>
      tpu.enqueue_indirect_dma source(%dma_start3A_162 : memref<16x256xf32, #tpu.memory_space<vmem>>) target(%dma_start3A_165 : memref<5120x256xf32, #tpu.memory_space<vmem_shared>>) offsets(%get3A_159 : vector<16xi32>) semaphore(%arg14 : memref<!tpu.dma_semaphore, #tpu.memory_space<semaphore_mem>>) {add = true}
      %mul3A_166 = arith.constant 128 : i32
      %mul3A_167 = arith.muli %while3A_108, %mul3A_166 : i32
      %add3A_168 = arith.constant 64 : i32
      %add3A_169 = arith.addi %mul3A_167, %add3A_168 : i32
      %get3A_170 = arith.index_cast %add3A_169 : i32 to index
      %get3A_171 = tpu.vector_load %arg8[%get3A_170] {strides = array<i32>} : memref<5120xi32, #tpu.memory_space<vmem>>, vector<16xi32>,
      %dma_start3A_172 = arith.constant 64 : i32
      %dma_start3A_173 = arith.constant 0 : i32
      %dma_start3A_174 = tpu.memref_slice %arg9[%dma_start3A_172, %dma_start3A_173] : memref<128x256xf32, #tpu.memory_space<vmem>> -> memref<16x256xf32, #tpu.memory_space<vmem>>
      %dma_start3A_175 = arith.constant 0 : i32
      %dma_start3A_176 = arith.constant 0 : i32
      %dma_start3A_177 = tpu.memref_slice %arg12[%dma_start3A_175, %dma_start3A_176] : memref<5120x256xf32, #tpu.memory_space<vmem_shared>> -> memref<5120x256xf32, #tpu.memory_space<vmem_shared>>
      tpu.enqueue_indirect_dma source(%dma_start3A_174 : memref<16x256xf32, #tpu.memory_space<vmem>>) target(%dma_start3A_177 : memref<5120x256xf32, #tpu.memory_space<vmem_shared>>) offsets(%get3A_171 : vector<16xi32>) semaphore(%arg14 : memref<!tpu.dma_semaphore, #tpu.memory_space<semaphore_mem>>) {add = true}
      %mul3A_178 = arith.constant 128 : i32
      %mul3A_179 = arith.muli %while3A_108, %mul3A_178 : i32
      %add3A_180 = arith.constant 80 : i32
      %add3A_181 = arith.addi %mul3A_179, %add3A_180 : i32
      %get3A_182 = arith.index_cast %add3A_181 : i32 to index
      %get3A_183 = tpu.vector_load %arg8[%get3A_182] {strides = array<i32>} : memref<5120xi32, #tpu.memory_space<vmem>>, vector<16xi32>,
      %dma_start3A_184 = arith.constant 80 : i32
      %dma_start3A_185 = arith.constant 0 : i32
      %dma_start3A_186 = tpu.memref_slice %arg9[%dma_start3A_184, %dma_start3A_185] : memref<128x256xf32, #tpu.memory_space<vmem>> -> memref<16x256xf32, #tpu.memory_space<vmem>>
      %dma_start3A_187 = arith.constant 0 : i32
      %dma_start3A_188 = arith.constant 0 : i32
      %dma_start3A_189 = tpu.memref_slice %arg12[%dma_start3A_187, %dma_start3A_188] : memref<5120x256xf32, #tpu.memory_space<vmem_shared>> -> memref<5120x256xf32, #tpu.memory_space<vmem_shared>>
      tpu.enqueue_indirect_dma source(%dma_start3A_186 : memref<16x256xf32, #tpu.memory_space<vmem>>) target(%dma_start3A_189 : memref<5120x256xf32, #tpu.memory_space<vmem_shared>>) offsets(%get3A_183 : vector<16xi32>) semaphore(%arg14 : memref<!tpu.dma_semaphore, #tpu.memory_space<semaphore_mem>>) {add = true}
      %mul3A_190 = arith.constant 128 : i32
      %mul3A_191 = arith.muli %while3A_108, %mul3A_190 : i32
      %add3A_192 = arith.constant 96 : i32
      %add3A_193 = arith.addi %mul3A_191, %add3A_192 : i32
      %get3A_194 = arith.index_cast %add3A_193 : i32 to index
      %get3A_195 = tpu.vector_load %arg8[%get3A_194] {strides = array<i32>} : memref<5120xi32, #tpu.memory_space<vmem>>, vector<16xi32>,
      %dma_start3A_196 = arith.constant 96 : i32
      %dma_start3A_197 = arith.constant 0 : i32
      %dma_start3A_198 = tpu.memref_slice %arg9[%dma_start3A_196, %dma_start3A_197] : memref<128x256xf32, #tpu.memory_space<vmem>> -> memref<16x256xf32, #tpu.memory_space<vmem>>
      %dma_start3A_199 = arith.constant 0 : i32
      %dma_start3A_200 = arith.constant 0 : i32
      %dma_start3A_201 = tpu.memref_slice %arg12[%dma_start3A_199, %dma_start3A_200] : memref<5120x256xf32, #tpu.memory_space<vmem_shared>> -> memref<5120x256xf32, #tpu.memory_space<vmem_shared>>
      tpu.enqueue_indirect_dma source(%dma_start3A_198 : memref<16x256xf32, #tpu.memory_space<vmem>>) target(%dma_start3A_201 : memref<5120x256xf32, #tpu.memory_space<vmem_shared>>) offsets(%get3A_195 : vector<16xi32>) semaphore(%arg14 : memref<!tpu.dma_semaphore, #tpu.memory_space<semaphore_mem>>) {add = true}
      %mul3A_202 = arith.constant 128 : i32
      %mul3A_203 = arith.muli %while3A_108, %mul3A_202 : i32
      %add3A_204 = arith.constant 112 : i32
      %add3A_205 = arith.addi %mul3A_203, %add3A_204 : i32
      %get3A_206 = arith.index_cast %add3A_205 : i32 to index
      %get3A_207 = tpu.vector_load %arg8[%get3A_206] {strides = array<i32>} : memref<5120xi32, #tpu.memory_space<vmem>>, vector<16xi32>,
      %dma_start3A_208 = arith.constant 112 : i32
      %dma_start3A_209 = arith.constant 0 : i32
      %dma_start3A_210 = tpu.memref_slice %arg9[%dma_start3A_208, %dma_start3A_209] : memref<128x256xf32, #tpu.memory_space<vmem>> -> memref<16x256xf32, #tpu.memory_space<vmem>>
      %dma_start3A_211 = arith.constant 0 : i32
      %dma_start3A_212 = arith.constant 0 : i32
      %dma_start3A_213 = tpu.memref_slice %arg12[%dma_start3A_211, %dma_start3A_212] : memref<5120x256xf32, #tpu.memory_space<vmem_shared>> -> memref<5120x256xf32, #tpu.memory_space<vmem_shared>>
      tpu.enqueue_indirect_dma source(%dma_start3A_210 : memref<16x256xf32, #tpu.memory_space<vmem>>) target(%dma_start3A_213 : memref<5120x256xf32, #tpu.memory_space<vmem_shared>>) offsets(%get3A_207 : vector<16xi32>) semaphore(%arg14 : memref<!tpu.dma_semaphore, #tpu.memory_space<semaphore_mem>>) {add = true}
      %dma_wait3A_214 = arith.constant 0 : i32
      %dma_wait3A_215 = arith.constant 0 : i32
      %dma_wait3A_216 = tpu.memref_slice %arg9[%dma_wait3A_214, %dma_wait3A_215] : memref<128x256xf32, #tpu.memory_space<vmem>> -> memref<16x256xf32, #tpu.memory_space<vmem>>
      %dma_wait3A_217 = arith.constant 0 : i32
      %dma_wait3A_218 = arith.constant 0 : i32
      %dma_wait3A_219 = tpu.memref_slice %arg12[%dma_wait3A_217, %dma_wait3A_218] : memref<5120x256xf32, #tpu.memory_space<vmem_shared>> -> memref<5120x256xf32, #tpu.memory_space<vmem_shared>>
      tpu.wait_indirect_dma semaphore(%arg14 : memref<!tpu.dma_semaphore, #tpu.memory_space<semaphore_mem>>) src(%dma_wait3A_216 : memref<16x256xf32, #tpu.memory_space<vmem>>) dst(%dma_wait3A_219 : memref<5120x256xf32, #tpu.memory_space<vmem_shared>>)
      %dma_wait3A_220 = arith.constant 16 : i32
      %dma_wait3A_221 = arith.constant 0 : i32
      %dma_wait3A_222 = tpu.memref_slice %arg9[%dma_wait3A_220, %dma_wait3A_221] : memref<128x256xf32, #tpu.memory_space<vmem>> -> memref<16x256xf32, #tpu.memory_space<vmem>>
      %dma_wait3A_223 = arith.constant 0 : i32
      %dma_wait3A_224 = arith.constant 0 : i32
      %dma_wait3A_225 = tpu.memref_slice %arg12[%dma_wait3A_223, %dma_wait3A_224] : memref<5120x256xf32, #tpu.memory_space<vmem_shared>> -> memref<5120x256xf32, #tpu.memory_space<vmem_shared>>
      tpu.wait_indirect_dma semaphore(%arg14 : memref<!tpu.dma_semaphore, #tpu.memory_space<semaphore_mem>>) src(%dma_wait3A_222 : memref<16x256xf32, #tpu.memory_space<vmem>>) dst(%dma_wait3A_225 : memref<5120x256xf32, #tpu.memory_space<vmem_shared>>)
      %dma_wait3A_226 = arith.constant 32 : i32
      %dma_wait3A_227 = arith.constant 0 : i32
      %dma_wait3A_228 = tpu.memref_slice %arg9[%dma_wait3A_226, %dma_wait3A_227] : memref<128x256xf32, #tpu.memory_space<vmem>> -> memref<16x256xf32, #tpu.memory_space<vmem>>
      %dma_wait3A_229 = arith.constant 0 : i32
      %dma_wait3A_230 = arith.constant 0 : i32
      %dma_wait3A_231 = tpu.memref_slice %arg12[%dma_wait3A_229, %dma_wait3A_230] : memref<5120x256xf32, #tpu.memory_space<vmem_shared>> -> memref<5120x256xf32, #tpu.memory_space<vmem_shared>>
      tpu.wait_indirect_dma semaphore(%arg14 : memref<!tpu.dma_semaphore, #tpu.memory_space<semaphore_mem>>) src(%dma_wait3A_228 : memref<16x256xf32, #tpu.memory_space<vmem>>) dst(%dma_wait3A_231 : memref<5120x256xf32, #tpu.memory_space<vmem_shared>>)
      %dma_wait3A_232 = arith.constant 48 : i32
      %dma_wait3A_233 = arith.constant 0 : i32
      %dma_wait3A_234 = tpu.memref_slice %arg9[%dma_wait3A_232, %dma_wait3A_233] : memref<128x256xf32, #tpu.memory_space<vmem>> -> memref<16x256xf32, #tpu.memory_space<vmem>>
      %dma_wait3A_235 = arith.constant 0 : i32
      %dma_wait3A_236 = arith.constant 0 : i32
      %dma_wait3A_237 = tpu.memref_slice %arg12[%dma_wait3A_235, %dma_wait3A_236] : memref<5120x256xf32, #tpu.memory_space<vmem_shared>> -> memref<5120x256xf32, #tpu.memory_space<vmem_shared>>
      tpu.wait_indirect_dma semaphore(%arg14 : memref<!tpu.dma_semaphore, #tpu.memory_space<semaphore_mem>>) src(%dma_wait3A_234 : memref<16x256xf32, #tpu.memory_space<vmem>>) dst(%dma_wait3A_237 : memref<5120x256xf32, #tpu.memory_space<vmem_shared>>)
      %dma_wait3A_238 = arith.constant 64 : i32
      %dma_wait3A_239 = arith.constant 0 : i32
      %dma_wait3A_240 = tpu.memref_slice %arg9[%dma_wait3A_238, %dma_wait3A_239] : memref<128x256xf32, #tpu.memory_space<vmem>> -> memref<16x256xf32, #tpu.memory_space<vmem>>
      %dma_wait3A_241 = arith.constant 0 : i32
      %dma_wait3A_242 = arith.constant 0 : i32
      %dma_wait3A_243 = tpu.memref_slice %arg12[%dma_wait3A_241, %dma_wait3A_242] : memref<5120x256xf32, #tpu.memory_space<vmem_shared>> -> memref<5120x256xf32, #tpu.memory_space<vmem_shared>>
      tpu.wait_indirect_dma semaphore(%arg14 : memref<!tpu.dma_semaphore, #tpu.memory_space<semaphore_mem>>) src(%dma_wait3A_240 : memref<16x256xf32, #tpu.memory_space<vmem>>) dst(%dma_wait3A_243 : memref<5120x256xf32, #tpu.memory_space<vmem_shared>>)
      %dma_wait3A_244 = arith.constant 80 : i32
      %dma_wait3A_245 = arith.constant 0 : i32
      %dma_wait3A_246 = tpu.memref_slice %arg9[%dma_wait3A_244, %dma_wait3A_245] : memref<128x256xf32, #tpu.memory_space<vmem>> -> memref<16x256xf32, #tpu.memory_space<vmem>>
      %dma_wait3A_247 = arith.constant 0 : i32
      %dma_wait3A_248 = arith.constant 0 : i32
      %dma_wait3A_249 = tpu.memref_slice %arg12[%dma_wait3A_247, %dma_wait3A_248] : memref<5120x256xf32, #tpu.memory_space<vmem_shared>> -> memref<5120x256xf32, #tpu.memory_space<vmem_shared>>
      tpu.wait_indirect_dma semaphore(%arg14 : memref<!tpu.dma_semaphore, #tpu.memory_space<semaphore_mem>>) src(%dma_wait3A_246 : memref<16x256xf32, #tpu.memory_space<vmem>>) dst(%dma_wait3A_249 : memref<5120x256xf32, #tpu.memory_space<vmem_shared>>)
      %dma_wait3A_250 = arith.constant 96 : i32
      %dma_wait3A_251 = arith.constant 0 : i32
      %dma_wait3A_252 = tpu.memref_slice %arg9[%dma_wait3A_250, %dma_wait3A_251] : memref<128x256xf32, #tpu.memory_space<vmem>> -> memref<16x256xf32, #tpu.memory_space<vmem>>
      %dma_wait3A_253 = arith.constant 0 : i32
      %dma_wait3A_254 = arith.constant 0 : i32
      %dma_wait3A_255 = tpu.memref_slice %arg12[%dma_wait3A_253, %dma_wait3A_254] : memref<5120x256xf32, #tpu.memory_space<vmem_shared>> -> memref<5120x256xf32, #tpu.memory_space<vmem_shared>>
      tpu.wait_indirect_dma semaphore(%arg14 : memref<!tpu.dma_semaphore, #tpu.memory_space<semaphore_mem>>) src(%dma_wait3A_252 : memref<16x256xf32, #tpu.memory_space<vmem>>) dst(%dma_wait3A_255 : memref<5120x256xf32, #tpu.memory_space<vmem_shared>>)
      %dma_wait3A_256 = arith.constant 112 : i32
      %dma_wait3A_257 = arith.constant 0 : i32
      %dma_wait3A_258 = tpu.memref_slice %arg9[%dma_wait3A_256, %dma_wait3A_257] : memref<128x256xf32, #tpu.memory_space<vmem>> -> memref<16x256xf32, #tpu.memory_space<vmem>>
      %dma_wait3A_259 = arith.constant 0 : i32
      %dma_wait3A_260 = arith.constant 0 : i32
      %dma_wait3A_261 = tpu.memref_slice %arg12[%dma_wait3A_259, %dma_wait3A_260] : memref<5120x256xf32, #tpu.memory_space<vmem_shared>> -> memref<5120x256xf32, #tpu.memory_space<vmem_shared>>
      tpu.wait_indirect_dma semaphore(%arg14 : memref<!tpu.dma_semaphore, #tpu.memory_space<semaphore_mem>>) src(%dma_wait3A_258 : memref<16x256xf32, #tpu.memory_space<vmem>>) dst(%dma_wait3A_261 : memref<5120x256xf32, #tpu.memory_space<vmem_shared>>)
      %while3A_262 = arith.constant 0 : i32
      scf.yield %while3A_262 : i32
    }
    %while3A_102 = arith.constant 1 : i32
    %while3A_103 = scf.for %while3A_108 = %while3A_99 to %while3A_95 step %while3A_102 iter_args(%while3A_109 = %while3A_101) -> (i32)  : i32 {
      %mul3A_110 = arith.constant 128 : i32
      %mul3A_111 = arith.muli %while3A_108, %mul3A_110 : i32
      %dma_start3A = tpu.memref_slice %arg7[%mul3A_111] : memref<5120xi32, #tpu.memory_space<vmem>> -> memref<128xi32, #tpu.memory_space<vmem>>
      %dma_start3A_112 = arith.constant 0 : i32
      %dma_start3A_113 = arith.constant 0 : i32
      %dma_start3A_114 = tpu.memref_slice %arg2[%dma_start3A_112, %dma_start3A_113] : memref<10240x256xf32, #tpu.memory_space<hbm>> -> memref<10240x256xf32, #tpu.memory_space<hbm>>
      tpu.enqueue_indirect_dma source(%dma_start3A_114 : memref<10240x256xf32, #tpu.memory_space<hbm>>) target(%arg9 : memref<128x256xf32, #tpu.memory_space<vmem>>) offsets(%dma_start3A : memref<128xi32, #tpu.memory_space<vmem>>) semaphore(%arg13 : memref<!tpu.dma_semaphore, #tpu.memory_space<semaphore_mem>>)
      %dma_wait3A = tpu.memref_slice %arg7[%mul3A_111] : memref<5120xi32, #tpu.memory_space<vmem>> -> memref<128xi32, #tpu.memory_space<vmem>>
      %dma_wait3A_115 = arith.constant 0 : i32
      %dma_wait3A_116 = arith.constant 0 : i32
      %dma_wait3A_117 = tpu.memref_slice %arg2[%dma_wait3A_115, %dma_wait3A_116] : memref<10240x256xf32, #tpu.memory_space<hbm>> -> memref<10240x256xf32, #tpu.memory_space<hbm>>
      tpu.wait_indirect_dma semaphore(%arg13 : memref<!tpu.dma_semaphore, #tpu.memory_space<semaphore_mem>>) src(%dma_wait3A_117 : memref<10240x256xf32, #tpu.memory_space<hbm>>) dst(%arg9 : memref<128x256xf32, #tpu.memory_space<vmem>>)
      %mul3A_118 = arith.constant 128 : i32
      %mul3A_119 = arith.muli %while3A_108, %mul3A_118 : i32
      %add3A_120 = arith.constant 0 : i32
      %add3A_121 = arith.addi %mul3A_119, %add3A_120 : i32
      %get3A_122 = arith.index_cast %add3A_121 : i32 to index
      %get3A_123 = tpu.vector_load %arg8[%get3A_122] {strides = array<i32>} : memref<5120xi32, #tpu.memory_space<vmem>>, vector<16xi32>,
      %dma_start3A_124 = arith.constant 0 : i32
      %dma_start3A_125 = arith.constant 0 : i32
      %dma_start3A_126 = tpu.memref_slice %arg9[%dma_start3A_124, %dma_start3A_125] : memref<128x256xf32, #tpu.memory_space<vmem>> -> memref<16x256xf32, #tpu.memory_space<vmem>>
      %dma_start3A_127 = arith.constant 0 : i32
      %dma_start3A_128 = arith.constant 0 : i32
      %dma_start3A_129 = tpu.memref_slice %arg12[%dma_start3A_127, %dma_start3A_128] : memref<5120x256xf32, #tpu.memory_space<vmem_shared>> -> memref<5120x256xf32, #tpu.memory_space<vmem_shared>>
      tpu.enqueue_indirect_dma source(%dma_start3A_126 : memref<16x256xf32, #tpu.memory_space<vmem>>) target(%dma_start3A_129 : memref<5120x256xf32, #tpu.memory_space<vmem_shared>>) offsets(%get3A_123 : vector<16xi32>) semaphore(%arg14 : memref<!tpu.dma_semaphore, #tpu.memory_space<semaphore_mem>>) {add = true}
      %mul3A_130 = arith.constant 128 : i32
      %mul3A_131 = arith.muli %while3A_108, %mul3A_130 : i32
      %add3A_132 = arith.constant 16 : i32
      %add3A_133 = arith.addi %mul3A_131, %add3A_132 : i32
      %get3A_134 = arith.index_cast %add3A_133 : i32 to index
      %get3A_135 = tpu.vector_load %arg8[%get3A_134] {strides = array<i32>} : memref<5120xi32, #tpu.memory_space<vmem>>, vector<16xi32>,
      %dma_start3A_136 = arith.constant 16 : i32
      %dma_start3A_137 = arith.constant 0 : i32
      %dma_start3A_138 = tpu.memref_slice %arg9[%dma_start3A_136, %dma_start3A_137] : memref<128x256xf32, #tpu.memory_space<vmem>> -> memref<16x256xf32, #tpu.memory_space<vmem>>
      %dma_start3A_139 = arith.constant 0 : i32
      %dma_start3A_140 = arith.constant 0 : i32
      %dma_start3A_141 = tpu.memref_slice %arg12[%dma_start3A_139, %dma_start3A_140] : memref<5120x256xf32, #tpu.memory_space<vmem_shared>> -> memref<5120x256xf32, #tpu.memory_space<vmem_shared>>
      tpu.enqueue_indirect_dma source(%dma_start3A_138 : memref<16x256xf32, #tpu.memory_space<vmem>>) target(%dma_start3A_141 : memref<5120x256xf32, #tpu.memory_space<vmem_shared>>) offsets(%get3A_135 : vector<16xi32>) semaphore(%arg14 : memref<!tpu.dma_semaphore, #tpu.memory_space<semaphore_mem>>) {add = true}
      %mul3A_142 = arith.constant 128 : i32
      %mul3A_143 = arith.muli %while3A_108, %mul3A_142 : i32
      %add3A_144 = arith.constant 32 : i32
      %add3A_145 = arith.addi %mul3A_143, %add3A_144 : i32
      %get3A_146 = arith.index_cast %add3A_145 : i32 to index
      %get3A_147 = tpu.vector_load %arg8[%get3A_146] {strides = array<i32>} : memref<5120xi32, #tpu.memory_space<vmem>>, vector<16xi32>,
      %dma_start3A_148 = arith.constant 32 : i32
      %dma_start3A_149 = arith.constant 0 : i32
      %dma_start3A_150 = tpu.memref_slice %arg9[%dma_start3A_148, %dma_start3A_149] : memref<128x256xf32, #tpu.memory_space<vmem>> -> memref<16x256xf32, #tpu.memory_space<vmem>>
      %dma_start3A_151 = arith.constant 0 : i32
      %dma_start3A_152 = arith.constant 0 : i32
      %dma_start3A_153 = tpu.memref_slice %arg12[%dma_start3A_151, %dma_start3A_152] : memref<5120x256xf32, #tpu.memory_space<vmem_shared>> -> memref<5120x256xf32, #tpu.memory_space<vmem_shared>>
      tpu.enqueue_indirect_dma source(%dma_start3A_150 : memref<16x256xf32, #tpu.memory_space<vmem>>) target(%dma_start3A_153 : memref<5120x256xf32, #tpu.memory_space<vmem_shared>>) offsets(%get3A_147 : vector<16xi32>) semaphore(%arg14 : memref<!tpu.dma_semaphore, #tpu.memory_space<semaphore_mem>>) {add = true}
      %mul3A_154 = arith.constant 128 : i32
      %mul3A_155 = arith.muli %while3A_108, %mul3A_154 : i32
      %add3A_156 = arith.constant 48 : i32
      %add3A_157 = arith.addi %mul3A_155, %add3A_156 : i32
      %get3A_158 = arith.index_cast %add3A_157 : i32 to index
      %get3A_159 = tpu.vector_load %arg8[%get3A_158] {strides = array<i32>} : memref<5120xi32, #tpu.memory_space<vmem>>, vector<16xi32>,
      %dma_start3A_160 = arith.constant 48 : i32
      %dma_start3A_161 = arith.constant 0 : i32
      %dma_start3A_162 = tpu.memref_slice %arg9[%dma_start3A_160, %dma_start3A_161] : memref<128x256xf32, #tpu.memory_space<vmem>> -> memref<16x256xf32, #tpu.memory_space<vmem>>
      %dma_start3A_163 = arith.constant 0 : i32
      %dma_start3A_164 = arith.constant 0 : i32
      %dma_start3A_165 = tpu.memref_slice %arg12[%dma_start3A_163, %dma_start3A_164] : memref<5120x256xf32, #tpu.memory_space<vmem_shared>> -> memref<5120x256xf32, #tpu.memory_space<vmem_shared>>
      tpu.enqueue_indirect_dma source(%dma_start3A_162 : memref<16x256xf32, #tpu.memory_space<vmem>>) target(%dma_start3A_165 : memref<5120x256xf32, #tpu.memory_space<vmem_shared>>) offsets(%get3A_159 : vector<16xi32>) semaphore(%arg14 : memref<!tpu.dma_semaphore, #tpu.memory_space<semaphore_mem>>) {add = true}
      %mul3A_166 = arith.constant 128 : i32
      %mul3A_167 = arith.muli %while3A_108, %mul3A_166 : i32
      %add3A_168 = arith.constant 64 : i32
      %add3A_169 = arith.addi %mul3A_167, %add3A_168 : i32
      %get3A_170 = arith.index_cast %add3A_169 : i32 to index
      %get3A_171 = tpu.vector_load %arg8[%get3A_170] {strides = array<i32>} : memref<5120xi32, #tpu.memory_space<vmem>>, vector<16xi32>,
      %dma_start3A_172 = arith.constant 64 : i32
      %dma_start3A_173 = arith.constant 0 : i32
      %dma_start3A_174 = tpu.memref_slice %arg9[%dma_start3A_172, %dma_start3A_173] : memref<128x256xf32, #tpu.memory_space<vmem>> -> memref<16x256xf32, #tpu.memory_space<vmem>>
      %dma_start3A_175 = arith.constant 0 : i32
      %dma_start3A_176 = arith.constant 0 : i32
      %dma_start3A_177 = tpu.memref_slice %arg12[%dma_start3A_175, %dma_start3A_176] : memref<5120x256xf32, #tpu.memory_space<vmem_shared>> -> memref<5120x256xf32, #tpu.memory_space<vmem_shared>>
      tpu.enqueue_indirect_dma source(%dma_start3A_174 : memref<16x256xf32, #tpu.memory_space<vmem>>) target(%dma_start3A_177 : memref<5120x256xf32, #tpu.memory_space<vmem_shared>>) offsets(%get3A_171 : vector<16xi32>) semaphore(%arg14 : memref<!tpu.dma_semaphore, #tpu.memory_space<semaphore_mem>>) {add = true}
      %mul3A_178 = arith.constant 128 : i32
      %mul3A_179 = arith.muli %while3A_108, %mul3A_178 : i32
      %add3A_180 = arith.constant 80 : i32
      %add3A_181 = arith.addi %mul3A_179, %add3A_180 : i32
      %get3A_182 = arith.index_cast %add3A_181 : i32 to index
      %get3A_183 = tpu.vector_load %arg8[%get3A_182] {strides = array<i32>} : memref<5120xi32, #tpu.memory_space<vmem>>, vector<16xi32>,
      %dma_start3A_184 = arith.constant 80 : i32
      %dma_start3A_185 = arith.constant 0 : i32
      %dma_start3A_186 = tpu.memref_slice %arg9[%dma_start3A_184, %dma_start3A_185] : memref<128x256xf32, #tpu.memory_space<vmem>> -> memref<16x256xf32, #tpu.memory_space<vmem>>
      %dma_start3A_187 = arith.constant 0 : i32
      %dma_start3A_188 = arith.constant 0 : i32
      %dma_start3A_189 = tpu.memref_slice %arg12[%dma_start3A_187, %dma_start3A_188] : memref<5120x256xf32, #tpu.memory_space<vmem_shared>> -> memref<5120x256xf32, #tpu.memory_space<vmem_shared>>
      tpu.enqueue_indirect_dma source(%dma_start3A_186 : memref<16x256xf32, #tpu.memory_space<vmem>>) target(%dma_start3A_189 : memref<5120x256xf32, #tpu.memory_space<vmem_shared>>) offsets(%get3A_183 : vector<16xi32>) semaphore(%arg14 : memref<!tpu.dma_semaphore, #tpu.memory_space<semaphore_mem>>) {add = true}
      %mul3A_190 = arith.constant 128 : i32
      %mul3A_191 = arith.muli %while3A_108, %mul3A_190 : i32
      %add3A_192 = arith.constant 96 : i32
      %add3A_193 = arith.addi %mul3A_191, %add3A_192 : i32
      %get3A_194 = arith.index_cast %add3A_193 : i32 to index
      %get3A_195 = tpu.vector_load %arg8[%get3A_194] {strides = array<i32>} : memref<5120xi32, #tpu.memory_space<vmem>>, vector<16xi32>,
      %dma_start3A_196 = arith.constant 96 : i32
      %dma_start3A_197 = arith.constant 0 : i32
      %dma_start3A_198 = tpu.memref_slice %arg9[%dma_start3A_196, %dma_start3A_197] : memref<128x256xf32, #tpu.memory_space<vmem>> -> memref<16x256xf32, #tpu.memory_space<vmem>>
      %dma_start3A_199 = arith.constant 0 : i32
      %dma_start3A_200 = arith.constant 0 : i32
      %dma_start3A_201 = tpu.memref_slice %arg12[%dma_start3A_199, %dma_start3A_200] : memref<5120x256xf32, #tpu.memory_space<vmem_shared>> -> memref<5120x256xf32, #tpu.memory_space<vmem_shared>>
      tpu.enqueue_indirect_dma source(%dma_start3A_198 : memref<16x256xf32, #tpu.memory_space<vmem>>) target(%dma_start3A_201 : memref<5120x256xf32, #tpu.memory_space<vmem_shared>>) offsets(%get3A_195 : vector<16xi32>) semaphore(%arg14 : memref<!tpu.dma_semaphore, #tpu.memory_space<semaphore_mem>>) {add = true}
      %mul3A_202 = arith.constant 128 : i32
      %mul3A_203 = arith.muli %while3A_108, %mul3A_202 : i32
      %add3A_204 = arith.constant 112 : i32
      %add3A_205 = arith.addi %mul3A_203, %add3A_204 : i32
      %get3A_206 = arith.index_cast %add3A_205 : i32 to index
      %get3A_207 = tpu.vector_load %arg8[%get3A_206] {strides = array<i32>} : memref<5120xi32, #tpu.memory_space<vmem>>, vector<16xi32>,
      %dma_start3A_208 = arith.constant 112 : i32
      %dma_start3A_209 = arith.constant 0 : i32
      %dma_start3A_210 = tpu.memref_slice %arg9[%dma_start3A_208, %dma_start3A_209] : memref<128x256xf32, #tpu.memory_space<vmem>> -> memref<16x256xf32, #tpu.memory_space<vmem>>
      %dma_start3A_211 = arith.constant 0 : i32
      %dma_start3A_212 = arith.constant 0 : i32
      %dma_start3A_213 = tpu.memref_slice %arg12[%dma_start3A_211, %dma_start3A_212] : memref<5120x256xf32, #tpu.memory_space<vmem_shared>> -> memref<5120x256xf32, #tpu.memory_space<vmem_shared>>
      tpu.enqueue_indirect_dma source(%dma_start3A_210 : memref<16x256xf32, #tpu.memory_space<vmem>>) target(%dma_start3A_213 : memref<5120x256xf32, #tpu.memory_space<vmem_shared>>) offsets(%get3A_207 : vector<16xi32>) semaphore(%arg14 : memref<!tpu.dma_semaphore, #tpu.memory_space<semaphore_mem>>) {add = true}
      %dma_wait3A_214 = arith.constant 0 : i32
      %dma_wait3A_215 = arith.constant 0 : i32
      %dma_wait3A_216 = tpu.memref_slice %arg9[%dma_wait3A_214, %dma_wait3A_215] : memref<128x256xf32, #tpu.memory_space<vmem>> -> memref<16x256xf32, #tpu.memory_space<vmem>>
      %dma_wait3A_217 = arith.constant 0 : i32
      %dma_wait3A_218 = arith.constant 0 : i32
      %dma_wait3A_219 = tpu.memref_slice %arg12[%dma_wait3A_217, %dma_wait3A_218] : memref<5120x256xf32, #tpu.memory_space<vmem_shared>> -> memref<5120x256xf32, #tpu.memory_space<vmem_shared>>
      tpu.wait_indirect_dma semaphore(%arg14 : memref<!tpu.dma_semaphore, #tpu.memory_space<semaphore_mem>>) src(%dma_wait3A_216 : memref<16x256xf32, #tpu.memory_space<vmem>>) dst(%dma_wait3A_219 : memref<5120x256xf32, #tpu.memory_space<vmem_shared>>)
      %dma_wait3A_220 = arith.constant 16 : i32
      %dma_wait3A_221 = arith.constant 0 : i32
      %dma_wait3A_222 = tpu.memref_slice %arg9[%dma_wait3A_220, %dma_wait3A_221] : memref<128x256xf32, #tpu.memory_space<vmem>> -> memref<16x256xf32, #tpu.memory_space<vmem>>
      %dma_wait3A_223 = arith.constant 0 : i32
      %dma_wait3A_224 = arith.constant 0 : i32
      %dma_wait3A_225 = tpu.memref_slice %arg12[%dma_wait3A_223, %dma_wait3A_224] : memref<5120x256xf32, #tpu.memory_space<vmem_shared>> -> memref<5120x256xf32, #tpu.memory_space<vmem_shared>>
      tpu.wait_indirect_dma semaphore(%arg14 : memref<!tpu.dma_semaphore, #tpu.memory_space<semaphore_mem>>) src(%dma_wait3A_222 : memref<16x256xf32, #tpu.memory_space<vmem>>) dst(%dma_wait3A_225 : memref<5120x256xf32, #tpu.memory_space<vmem_shared>>)
      %dma_wait3A_226 = arith.constant 32 : i32
      %dma_wait3A_227 = arith.constant 0 : i32
      %dma_wait3A_228 = tpu.memref_slice %arg9[%dma_wait3A_226, %dma_wait3A_227] : memref<128x256xf32, #tpu.memory_space<vmem>> -> memref<16x256xf32, #tpu.memory_space<vmem>>
      %dma_wait3A_229 = arith.constant 0 : i32
      %dma_wait3A_230 = arith.constant 0 : i32
      %dma_wait3A_231 = tpu.memref_slice %arg12[%dma_wait3A_229, %dma_wait3A_230] : memref<5120x256xf32, #tpu.memory_space<vmem_shared>> -> memref<5120x256xf32, #tpu.memory_space<vmem_shared>>
      tpu.wait_indirect_dma semaphore(%arg14 : memref<!tpu.dma_semaphore, #tpu.memory_space<semaphore_mem>>) src(%dma_wait3A_228 : memref<16x256xf32, #tpu.memory_space<vmem>>) dst(%dma_wait3A_231 : memref<5120x256xf32, #tpu.memory_space<vmem_shared>>)
      %dma_wait3A_232 = arith.constant 48 : i32
      %dma_wait3A_233 = arith.constant 0 : i32
      %dma_wait3A_234 = tpu.memref_slice %arg9[%dma_wait3A_232, %dma_wait3A_233] : memref<128x256xf32, #tpu.memory_space<vmem>> -> memref<16x256xf32, #tpu.memory_space<vmem>>
      %dma_wait3A_235 = arith.constant 0 : i32
      %dma_wait3A_236 = arith.constant 0 : i32
      %dma_wait3A_237 = tpu.memref_slice %arg12[%dma_wait3A_235, %dma_wait3A_236] : memref<5120x256xf32, #tpu.memory_space<vmem_shared>> -> memref<5120x256xf32, #tpu.memory_space<vmem_shared>>
      tpu.wait_indirect_dma semaphore(%arg14 : memref<!tpu.dma_semaphore, #tpu.memory_space<semaphore_mem>>) src(%dma_wait3A_234 : memref<16x256xf32, #tpu.memory_space<vmem>>) dst(%dma_wait3A_237 : memref<5120x256xf32, #tpu.memory_space<vmem_shared>>)
      %dma_wait3A_238 = arith.constant 64 : i32
      %dma_wait3A_239 = arith.constant 0 : i32
      %dma_wait3A_240 = tpu.memref_slice %arg9[%dma_wait3A_238, %dma_wait3A_239] : memref<128x256xf32, #tpu.memory_space<vmem>> -> memref<16x256xf32, #tpu.memory_space<vmem>>
      %dma_wait3A_241 = arith.constant 0 : i32
      %dma_wait3A_242 = arith.constant 0 : i32
      %dma_wait3A_243 = tpu.memref_slice %arg12[%dma_wait3A_241, %dma_wait3A_242] : memref<5120x256xf32, #tpu.memory_space<vmem_shared>> -> memref<5120x256xf32, #tpu.memory_space<vmem_shared>>
      tpu.wait_indirect_dma semaphore(%arg14 : memref<!tpu.dma_semaphore, #tpu.memory_space<semaphore_mem>>) src(%dma_wait3A_240 : memref<16x256xf32, #tpu.memory_space<vmem>>) dst(%dma_wait3A_243 : memref<5120x256xf32, #tpu.memory_space<vmem_shared>>)
      %dma_wait3A_244 = arith.constant 80 : i32
      %dma_wait3A_245 = arith.constant 0 : i32
      %dma_wait3A_246 = tpu.memref_slice %arg9[%dma_wait3A_244, %dma_wait3A_245] : memref<128x256xf32, #tpu.memory_space<vmem>> -> memref<16x256xf32, #tpu.memory_space<vmem>>
      %dma_wait3A_247 = arith.constant 0 : i32
      %dma_wait3A_248 = arith.constant 0 : i32
      %dma_wait3A_249 = tpu.memref_slice %arg12[%dma_wait3A_247, %dma_wait3A_248] : memref<5120x256xf32, #tpu.memory_space<vmem_shared>> -> memref<5120x256xf32, #tpu.memory_space<vmem_shared>>
      tpu.wait_indirect_dma semaphore(%arg14 : memref<!tpu.dma_semaphore, #tpu.memory_space<semaphore_mem>>) src(%dma_wait3A_246 : memref<16x256xf32, #tpu.memory_space<vmem>>) dst(%dma_wait3A_249 : memref<5120x256xf32, #tpu.memory_space<vmem_shared>>)
      %dma_wait3A_250 = arith.constant 96 : i32
      %dma_wait3A_251 = arith.constant 0 : i32
      %dma_wait3A_252 = tpu.memref_slice %arg9[%dma_wait3A_250, %dma_wait3A_251] : memref<128x256xf32, #tpu.memory_space<vmem>> -> memref<16x256xf32, #tpu.memory_space<vmem>>
      %dma_wait3A_253 = arith.constant 0 : i32
      %dma_wait3A_254 = arith.constant 0 : i32
      %dma_wait3A_255 = tpu.memref_slice %arg12[%dma_wait3A_253, %dma_wait3A_254] : memref<5120x256xf32, #tpu.memory_space<vmem_shared>> -> memref<5120x256xf32, #tpu.memory_space<vmem_shared>>
      tpu.wait_indirect_dma semaphore(%arg14 : memref<!tpu.dma_semaphore, #tpu.memory_space<semaphore_mem>>) src(%dma_wait3A_252 : memref<16x256xf32, #tpu.memory_space<vmem>>) dst(%dma_wait3A_255 : memref<5120x256xf32, #tpu.memory_space<vmem_shared>>)
      %dma_wait3A_256 = arith.constant 112 : i32
      %dma_wait3A_257 = arith.constant 0 : i32
      %dma_wait3A_258 = tpu.memref_slice %arg9[%dma_wait3A_256, %dma_wait3A_257] : memref<128x256xf32, #tpu.memory_space<vmem>> -> memref<16x256xf32, #tpu.memory_space<vmem>>
      %dma_wait3A_259 = arith.constant 0 : i32
      %dma_wait3A_260 = arith.constant 0 : i32
      %dma_wait3A_261 = tpu.memref_slice %arg12[%dma_wait3A_259, %dma_wait3A_260] : memref<5120x256xf32, #tpu.memory_space<vmem_shared>> -> memref<5120x256xf32, #tpu.memory_space<vmem_shared>>
      tpu.wait_indirect_dma semaphore(%arg14 : memref<!tpu.dma_semaphore, #tpu.memory_space<semaphore_mem>>) src(%dma_wait3A_258 : memref<16x256xf32, #tpu.memory_space<vmem>>) dst(%dma_wait3A_261 : memref<5120x256xf32, #tpu.memory_space<vmem_shared>>)
      %while3A_262 = arith.constant 0 : i32
      scf.yield %while3A_262 : i32
    }
    %barrier3A_104 = arith.constant 0 : index
    tpu.barrier barrier_id(%barrier3A_104)
    %mul3A_105 = arith.constant 5120 : i32
    %mul3A_106 = arith.muli %arg0, %mul3A_105 : i32
    %add3A_107 = arith.addi %mul3A_106, %mul3A_0 : i32
    "tpu.region"() ({
      %run_scoped3A = tpu.sem_alloc : memref<!tpu.dma_semaphore, #tpu.memory_space<semaphore_mem>>
      %dma_start3A = arith.constant 0 : i32
      %dma_start3A_108 = tpu.memref_slice %arg6[%add3A_107, %dma_start3A] : memref<10240x256xf32, #tpu.memory_space<hbm>> -> memref<320x256xf32, #tpu.memory_space<hbm>>
      %dma_start3A_109 = arith.constant 0 : i32
      %dma_start3A_110 = tpu.memref_slice %arg12[%mul3A_0, %dma_start3A_109] : memref<5120x256xf32, #tpu.memory_space<vmem_shared>> -> memref<320x256xf32, #tpu.memory_space<vmem_shared>>
      tpu.enqueue_dma source(%dma_start3A_110 : memref<320x256xf32, #tpu.memory_space<vmem_shared>>) target(%dma_start3A_108 : memref<320x256xf32, #tpu.memory_space<hbm>>) target_semaphore(%run_scoped3A : memref<!tpu.dma_semaphore, #tpu.memory_space<semaphore_mem>>)
      %dma_wait3A = arith.constant 0 : i32
      %dma_wait3A_111 = tpu.memref_slice %arg6[%add3A_107, %dma_wait3A] : memref<10240x256xf32, #tpu.memory_space<hbm>> -> memref<320x256xf32, #tpu.memory_space<hbm>>
      %dma_wait3A_112 = arith.constant 0 : i32
      %dma_wait3A_113 = tpu.memref_slice %arg12[%mul3A_0, %dma_wait3A_112] : memref<5120x256xf32, #tpu.memory_space<vmem_shared>> -> memref<320x256xf32, #tpu.memory_space<vmem_shared>>
      tpu.wait_dma2 semaphore(%run_scoped3A : memref<!tpu.dma_semaphore, #tpu.memory_space<semaphore_mem>>) src(%dma_wait3A_113 : memref<320x256xf32, #tpu.memory_space<vmem_shared>>) dst(%dma_wait3A_111 : memref<320x256xf32, #tpu.memory_space<hbm>>)
      tpu.yield
    }) : () -> ()
    return
  }
}

#map = affine_map<(d0, d1) -> (0)>
#map1 = affine_map<(d0, d1) -> (0, 0)>
#map2 = affine_map<(d0, d1) -> (0, 0, 0)>
module attributes {stable_mosaic.version = 14 : i64} {
  func.func @_prep(%arg0: i32, %arg1: i32, %arg2: memref<160000xi32, #tpu.memory_space<hbm>>, %arg3: memref<160000xi32, #tpu.memory_space<hbm>>, %arg4: memref<32x10240xf32, #tpu.memory_space<hbm>>, %arg5: memref<2x32x5120xi32, #tpu.memory_space<hbm>>, %arg6: memref<2x32x5120xi32, #tpu.memory_space<hbm>>, %arg7: memref<32x16xi32, #tpu.memory_space<hbm>>, %arg8: memref<5120xi32, #tpu.memory_space<vmem>>, %arg9: memref<5120xi32, #tpu.memory_space<vmem>>, %arg10: memref<10240xf32, #tpu.memory_space<vmem>>, %arg11: memref<2x5120xi32, #tpu.memory_space<vmem>>, %arg12: memref<2x5120xi32, #tpu.memory_space<vmem>>, %arg13: memref<16xi32, #tpu.memory_space<vmem>>) attributes {dimension_semantics = [#tpu.dimension_semantics<core_parallel>, #tpu.dimension_semantics<subcore_parallel>], iteration_bounds = array<i64: 2, 16>, scalar_prefetch = 0 : i64, scratch_operands = 6 : i64, tpu.core_type = #tpu.core_type<sc_vector_subcore>, window_params = [{transform_indices = #map}, {transform_indices = #map}, {transform_indices = #map1}, {transform_indices = #map2}, {transform_indices = #map2}, {transform_indices = #map1}]} {
    %mul3A = arith.constant 2 : i32
    %mul3A_0 = arith.muli %arg1, %mul3A : i32
    %add3A = arith.addi %mul3A_0, %arg0 : i32
    %iota3A = tpu.iota {dimensions = array<i32: 0>} : vector<16xi32>
    %broadcast_in_dim3A = arith.constant 0.000000e+00 : f32
    %broadcast_in_dim3A_1 = vector.broadcast %broadcast_in_dim3A : f32 to vector<16xf32>
    %broadcast_in_dim3A_2 = arith.constant 1.000000e+00 : f32
    %broadcast_in_dim3A_3 = vector.broadcast %broadcast_in_dim3A_2 : f32 to vector<16xf32>
    %broadcast_in_dim3A_4 = arith.constant 10239 : i32
    %broadcast_in_dim3A_5 = vector.broadcast %broadcast_in_dim3A_4 : i32 to vector<16xi32>
    %broadcast_in_dim3A_6 = arith.constant 5119 : i32
    %broadcast_in_dim3A_7 = vector.broadcast %broadcast_in_dim3A_6 : i32 to vector<16xi32>
    %scan3A = arith.constant 0 : i32
    %scan3A_8 = arith.constant 0 : i32
    %scan3A_9 = arith.constant 640 : i32
    %scan3A_10 = arith.addi %scan3A_8, %scan3A_9 : i32
    %scan3A_11 = arith.constant 1 : i32
    %scan3A_12 = scf.for %scan3A_56 = %scan3A_8 to %scan3A_10 step %scan3A_11 iter_args(%scan3A_57 = %scan3A) -> (i32)  : i32 {
      %mul3A_58 = arith.constant 16 : i32
      %mul3A_59 = arith.muli %scan3A_56, %mul3A_58 : i32
      %swap3A_60 = arith.index_cast %mul3A_59 : i32 to index
      %swap3A_61 = tpu.vector_load %arg10[%swap3A_60] {strides = array<i32>} : memref<10240xf32, #tpu.memory_space<vmem>>, vector<16xf32>,
      tpu.vector_store %arg10[%swap3A_60], %broadcast_in_dim3A_1 {strides = array<i32>} : memref<10240xf32, #tpu.memory_space<vmem>>, vector<16xf32>,
      %scan3A_62 = arith.constant 0 : i32
      scf.yield %scan3A_62 : i32
    }
    %scan3A_13 = arith.constant 640 : i32
    %scan3A_14 = arith.constant 0 : i32
    %scan3A_15 = arith.constant 0 : i32
    %scan3A_16 = arith.constant 320 : i32
    %scan3A_17 = arith.addi %scan3A_15, %scan3A_16 : i32
    %scan3A_18 = arith.constant 1 : i32
    %scan3A_19 = scf.for %scan3A_56 = %scan3A_15 to %scan3A_17 step %scan3A_18 iter_args(%scan3A_57 = %scan3A_14) -> (i32)  : i32 {
      %mul3A_58 = arith.constant 16 : i32
      %mul3A_59 = arith.muli %scan3A_56, %mul3A_58 : i32
      %swap3A_60 = arith.constant 0 : i32
      %swap3A_61 = arith.index_cast %swap3A_60 : i32 to index
      %swap3A_62 = arith.index_cast %mul3A_59 : i32 to index
      %swap3A_63 = tpu.vector_load %arg11[%swap3A_61, %swap3A_62] {strides = array<i32>} : memref<2x5120xi32, #tpu.memory_space<vmem>>, vector<16xi32>,
      tpu.vector_store %arg11[%swap3A_61, %swap3A_62], %broadcast_in_dim3A_5 {strides = array<i32>} : memref<2x5120xi32, #tpu.memory_space<vmem>>, vector<16xi32>,
      %mul3A_64 = arith.constant 16 : i32
      %mul3A_65 = arith.muli %scan3A_56, %mul3A_64 : i32
      %swap3A_66 = arith.constant 0 : i32
      %swap3A_67 = arith.index_cast %swap3A_66 : i32 to index
      %swap3A_68 = arith.index_cast %mul3A_65 : i32 to index
      %swap3A_69 = tpu.vector_load %arg12[%swap3A_67, %swap3A_68] {strides = array<i32>} : memref<2x5120xi32, #tpu.memory_space<vmem>>, vector<16xi32>,
      tpu.vector_store %arg12[%swap3A_67, %swap3A_68], %broadcast_in_dim3A_7 {strides = array<i32>} : memref<2x5120xi32, #tpu.memory_space<vmem>>, vector<16xi32>,
      %mul3A_70 = arith.constant 16 : i32
      %mul3A_71 = arith.muli %scan3A_56, %mul3A_70 : i32
      %swap3A_72 = arith.constant 1 : i32
      %swap3A_73 = arith.index_cast %swap3A_72 : i32 to index
      %swap3A_74 = arith.index_cast %mul3A_71 : i32 to index
      %swap3A_75 = tpu.vector_load %arg11[%swap3A_73, %swap3A_74] {strides = array<i32>} : memref<2x5120xi32, #tpu.memory_space<vmem>>, vector<16xi32>,
      tpu.vector_store %arg11[%swap3A_73, %swap3A_74], %broadcast_in_dim3A_5 {strides = array<i32>} : memref<2x5120xi32, #tpu.memory_space<vmem>>, vector<16xi32>,
      %mul3A_76 = arith.constant 16 : i32
      %mul3A_77 = arith.muli %scan3A_56, %mul3A_76 : i32
      %swap3A_78 = arith.constant 1 : i32
      %swap3A_79 = arith.index_cast %swap3A_78 : i32 to index
      %swap3A_80 = arith.index_cast %mul3A_77 : i32 to index
      %swap3A_81 = tpu.vector_load %arg12[%swap3A_79, %swap3A_80] {strides = array<i32>} : memref<2x5120xi32, #tpu.memory_space<vmem>>, vector<16xi32>,
      tpu.vector_store %arg12[%swap3A_79, %swap3A_80], %broadcast_in_dim3A_7 {strides = array<i32>} : memref<2x5120xi32, #tpu.memory_space<vmem>>, vector<16xi32>,
      %scan3A_82 = arith.constant 0 : i32
      scf.yield %scan3A_82 : i32
    }
    %scan3A_20 = arith.constant 320 : i32
    %mul3A_21 = arith.constant 5000 : i32
    %mul3A_22 = arith.muli %add3A, %mul3A_21 : i32
    "tpu.region"() ({
      %run_scoped3A_56 = tpu.sem_alloc : memref<!tpu.dma_semaphore, #tpu.memory_space<semaphore_mem>>
      %dma_start3A = arith.constant 0 : i32
      %dma_start3A_57 = tpu.memref_slice %arg8[%dma_start3A] : memref<5120xi32, #tpu.memory_space<vmem>> -> memref<5000xi32, #tpu.memory_space<vmem>>
      %dma_start3A_58 = tpu.memref_slice %arg2[%mul3A_22] : memref<160000xi32, #tpu.memory_space<hbm>> -> memref<5000xi32, #tpu.memory_space<hbm>>
      %dma_start3A_59 = arith.constant 0 : i32
      %dma_start3A_60 = tpu.memref_slice %arg8[%dma_start3A_59] : memref<5120xi32, #tpu.memory_space<vmem>> -> memref<5000xi32, #tpu.memory_space<vmem>>
      %dma_start3A_61 = tpu.memref_slice %arg2[%mul3A_22] : memref<160000xi32, #tpu.memory_space<hbm>> -> memref<5000xi32, #tpu.memory_space<hbm>>
      tpu.enqueue_dma source(%dma_start3A_61 : memref<5000xi32, #tpu.memory_space<hbm>>) target(%dma_start3A_60 : memref<5000xi32, #tpu.memory_space<vmem>>) target_semaphore(%run_scoped3A_56 : memref<!tpu.dma_semaphore, #tpu.memory_space<semaphore_mem>>)
      %dma_wait3A = arith.constant 0 : i32
      %dma_wait3A_62 = tpu.memref_slice %arg8[%dma_wait3A] : memref<5120xi32, #tpu.memory_space<vmem>> -> memref<5000xi32, #tpu.memory_space<vmem>>
      %dma_wait3A_63 = tpu.memref_slice %arg2[%mul3A_22] : memref<160000xi32, #tpu.memory_space<hbm>> -> memref<5000xi32, #tpu.memory_space<hbm>>
      %dma_wait3A_64 = arith.constant 0 : i32
      %dma_wait3A_65 = tpu.memref_slice %arg8[%dma_wait3A_64] : memref<5120xi32, #tpu.memory_space<vmem>> -> memref<5000xi32, #tpu.memory_space<vmem>>
      %dma_wait3A_66 = tpu.memref_slice %arg2[%mul3A_22] : memref<160000xi32, #tpu.memory_space<hbm>> -> memref<5000xi32, #tpu.memory_space<hbm>>
      tpu.wait_dma2 semaphore(%run_scoped3A_56 : memref<!tpu.dma_semaphore, #tpu.memory_space<semaphore_mem>>) src(%dma_wait3A_66 : memref<5000xi32, #tpu.memory_space<hbm>>) dst(%dma_wait3A_65 : memref<5000xi32, #tpu.memory_space<vmem>>)
      tpu.yield
    }) : () -> ()
    %mul3A_23 = arith.constant 5000 : i32
    %mul3A_24 = arith.muli %add3A, %mul3A_23 : i32
    "tpu.region"() ({
      %run_scoped3A_56 = tpu.sem_alloc : memref<!tpu.dma_semaphore, #tpu.memory_space<semaphore_mem>>
      %dma_start3A = arith.constant 0 : i32
      %dma_start3A_57 = tpu.memref_slice %arg9[%dma_start3A] : memref<5120xi32, #tpu.memory_space<vmem>> -> memref<5000xi32, #tpu.memory_space<vmem>>
      %dma_start3A_58 = tpu.memref_slice %arg3[%mul3A_24] : memref<160000xi32, #tpu.memory_space<hbm>> -> memref<5000xi32, #tpu.memory_space<hbm>>
      %dma_start3A_59 = arith.constant 0 : i32
      %dma_start3A_60 = tpu.memref_slice %arg9[%dma_start3A_59] : memref<5120xi32, #tpu.memory_space<vmem>> -> memref<5000xi32, #tpu.memory_space<vmem>>
      %dma_start3A_61 = tpu.memref_slice %arg3[%mul3A_24] : memref<160000xi32, #tpu.memory_space<hbm>> -> memref<5000xi32, #tpu.memory_space<hbm>>
      tpu.enqueue_dma source(%dma_start3A_61 : memref<5000xi32, #tpu.memory_space<hbm>>) target(%dma_start3A_60 : memref<5000xi32, #tpu.memory_space<vmem>>) target_semaphore(%run_scoped3A_56 : memref<!tpu.dma_semaphore, #tpu.memory_space<semaphore_mem>>)
      %dma_wait3A = arith.constant 0 : i32
      %dma_wait3A_62 = tpu.memref_slice %arg9[%dma_wait3A] : memref<5120xi32, #tpu.memory_space<vmem>> -> memref<5000xi32, #tpu.memory_space<vmem>>
      %dma_wait3A_63 = tpu.memref_slice %arg3[%mul3A_24] : memref<160000xi32, #tpu.memory_space<hbm>> -> memref<5000xi32, #tpu.memory_space<hbm>>
      %dma_wait3A_64 = arith.constant 0 : i32
      %dma_wait3A_65 = tpu.memref_slice %arg9[%dma_wait3A_64] : memref<5120xi32, #tpu.memory_space<vmem>> -> memref<5000xi32, #tpu.memory_space<vmem>>
      %dma_wait3A_66 = tpu.memref_slice %arg3[%mul3A_24] : memref<160000xi32, #tpu.memory_space<hbm>> -> memref<5000xi32, #tpu.memory_space<hbm>>
      tpu.wait_dma2 semaphore(%run_scoped3A_56 : memref<!tpu.dma_semaphore, #tpu.memory_space<semaphore_mem>>) src(%dma_wait3A_66 : memref<5000xi32, #tpu.memory_space<hbm>>) dst(%dma_wait3A_65 : memref<5000xi32, #tpu.memory_space<vmem>>)
      tpu.yield
    }) : () -> ()
    %scan3A_25 = arith.constant 0 : i32
    %scan3A_26 = arith.constant 0 : i32
    %scan3A_27 = arith.constant 0 : i32
    %scan3A_28 = arith.constant 313 : i32
    %scan3A_29 = arith.addi %scan3A_27, %scan3A_28 : i32
    %scan3A_30 = arith.constant 1 : i32
    %scan3A_31:2 = scf.for %scan3A_56 = %scan3A_27 to %scan3A_29 step %scan3A_30 iter_args(%scan3A_57 = %scan3A_25, %scan3A_58 = %scan3A_26) -> (i32, i32)  : i32 {
      %mul3A_59 = arith.constant 16 : i32
      %mul3A_60 = arith.muli %scan3A_56, %mul3A_59 : i32
      %get3A = arith.index_cast %mul3A_60 : i32 to index
      %get3A_61 = tpu.vector_load %arg8[%get3A] {strides = array<i32>} : memref<5120xi32, #tpu.memory_space<vmem>>, vector<16xi32>,
      %mul3A_62 = arith.constant 16 : i32
      %mul3A_63 = arith.muli %scan3A_56, %mul3A_62 : i32
      %get3A_64 = arith.index_cast %mul3A_63 : i32 to index
      %get3A_65 = tpu.vector_load %arg9[%get3A_64] {strides = array<i32>} : memref<5120xi32, #tpu.memory_space<vmem>>, vector<16xi32>,
      %mul3A_66 = arith.constant 16 : i32
      %mul3A_67 = arith.muli %scan3A_56, %mul3A_66 : i32
      %sub3A = arith.constant 5000 : i32
      %sub3A_68 = arith.subi %sub3A, %mul3A_67 : i32
      %lt3A = vector.broadcast %sub3A_68 : i32 to vector<16xi32>
      %lt3A_69 = arith.cmpi slt, %iota3A, %lt3A : vector<16xi32>
      tpu.vector_store_idx %arg10[%get3A_65], %broadcast_in_dim3A_3 masked %lt3A_69 {add = true} : memref<10240xf32, #tpu.memory_space<vmem>>[vector<16xi32>], vector<16xf32>, vector<16xi1>
      %ge3A = arith.constant 0 : i32
      %ge3A_70 = vector.broadcast %ge3A : i32 to vector<16xi32>
      %ge3A_71 = arith.cmpi sge, %get3A_65, %ge3A_70 : vector<16xi32>
      %lt3A_72 = arith.constant 5120 : i32
      %lt3A_73 = vector.broadcast %lt3A_72 : i32 to vector<16xi32>
      %lt3A_74 = arith.cmpi slt, %get3A_65, %lt3A_73 : vector<16xi32>
      %and3A = arith.andi %ge3A_71, %lt3A_74 : vector<16xi1>
      %and3A_75 = arith.andi %and3A, %lt3A_69 : vector<16xi1>
      %swap3A_76 = arith.constant 0 : i32
      %swap3A_77 = arith.index_cast %swap3A_76 : i32 to index
      %swap3A_78 = arith.index_cast %scan3A_57 : i32 to index
      %swap3A_79 = tpu.vector_load %arg11[%swap3A_77, %swap3A_78] masked %and3A_75 {strides = array<i32>} : memref<2x5120xi32, #tpu.memory_space<vmem>>, vector<16xi32>, vector<16xi1>
      tpu.vector_store %arg11[%swap3A_77, %swap3A_78], %get3A_61 masked %and3A_75 {strides = array<i32>} : memref<2x5120xi32, #tpu.memory_space<vmem>>, vector<16xi32>, vector<16xi1>
      %sub3A_80 = arith.constant 0 : i32
      %sub3A_81 = vector.broadcast %sub3A_80 : i32 to vector<16xi32>
      %sub3A_82 = arith.subi %get3A_65, %sub3A_81 : vector<16xi32>
      %swap3A_83 = arith.constant 0 : i32
      %swap3A_84 = arith.index_cast %swap3A_83 : i32 to index
      %swap3A_85 = arith.index_cast %scan3A_57 : i32 to index
      %swap3A_86 = tpu.vector_load %arg12[%swap3A_84, %swap3A_85] masked %and3A_75 {strides = array<i32>} : memref<2x5120xi32, #tpu.memory_space<vmem>>, vector<16xi32>, vector<16xi1>
      tpu.vector_store %arg12[%swap3A_84, %swap3A_85], %sub3A_82 masked %and3A_75 {strides = array<i32>} : memref<2x5120xi32, #tpu.memory_space<vmem>>, vector<16xi32>, vector<16xi1>
      %all_reduce_population_count3A = tpu.all_reduce %and3A_75 {dim = 0 : i64, kind = #tpu.reduction_kind<sum>} : vector<16xi1> -> vector<16xi32>
      %reduce_max3A = arith.constant true
      %reduce_max3A_87 = vector.broadcast %reduce_max3A : i1 to vector<16xi1>
      %reduce_max3A_88 = arith.constant -2147483648 : i32
      %reduce_max3A_89 = vector.broadcast %reduce_max3A_88 : i32 to vector<16xi32>
      %reduce_max3A_90 = arith.xori %all_reduce_population_count3A, %reduce_max3A_89 : vector<16xi32>
      %reduce_max3A_91 = tpu.scan <max>, %reduce_max3A_90 masked %reduce_max3A_87 : vector<16xi32>, vector<16xi1> -> vector<16xi32>
      %reduce_max3A_92 = arith.xori %reduce_max3A_91, %reduce_max3A_89 : vector<16xi32>
      %reduce_max3A_93 = vector.extract %reduce_max3A_92[15] : i32 from vector<16xi32>
      %add3A_94 = arith.addi %scan3A_57, %reduce_max3A_93 : i32
      %ge3A_95 = arith.constant 5120 : i32
      %ge3A_96 = vector.broadcast %ge3A_95 : i32 to vector<16xi32>
      %ge3A_97 = arith.cmpi sge, %get3A_65, %ge3A_96 : vector<16xi32>
      %lt3A_98 = arith.constant 10240 : i32
      %lt3A_99 = vector.broadcast %lt3A_98 : i32 to vector<16xi32>
      %lt3A_100 = arith.cmpi slt, %get3A_65, %lt3A_99 : vector<16xi32>
      %and3A_101 = arith.andi %ge3A_97, %lt3A_100 : vector<16xi1>
      %and3A_102 = arith.andi %and3A_101, %lt3A_69 : vector<16xi1>
      %swap3A_103 = arith.constant 1 : i32
      %swap3A_104 = arith.index_cast %swap3A_103 : i32 to index
      %swap3A_105 = arith.index_cast %scan3A_58 : i32 to index
      %swap3A_106 = tpu.vector_load %arg11[%swap3A_104, %swap3A_105] masked %and3A_102 {strides = array<i32>} : memref<2x5120xi32, #tpu.memory_space<vmem>>, vector<16xi32>, vector<16xi1>
      tpu.vector_store %arg11[%swap3A_104, %swap3A_105], %get3A_61 masked %and3A_102 {strides = array<i32>} : memref<2x5120xi32, #tpu.memory_space<vmem>>, vector<16xi32>, vector<16xi1>
      %sub3A_107 = arith.constant 5120 : i32
      %sub3A_108 = vector.broadcast %sub3A_107 : i32 to vector<16xi32>
      %sub3A_109 = arith.subi %get3A_65, %sub3A_108 : vector<16xi32>
      %swap3A_110 = arith.constant 1 : i32
      %swap3A_111 = arith.index_cast %swap3A_110 : i32 to index
      %swap3A_112 = arith.index_cast %scan3A_58 : i32 to index
      %swap3A_113 = tpu.vector_load %arg12[%swap3A_111, %swap3A_112] masked %and3A_102 {strides = array<i32>} : memref<2x5120xi32, #tpu.memory_space<vmem>>, vector<16xi32>, vector<16xi1>
      tpu.vector_store %arg12[%swap3A_111, %swap3A_112], %sub3A_109 masked %and3A_102 {strides = array<i32>} : memref<2x5120xi32, #tpu.memory_space<vmem>>, vector<16xi32>, vector<16xi1>
      %all_reduce_population_count3A_114 = tpu.all_reduce %and3A_102 {dim = 0 : i64, kind = #tpu.reduction_kind<sum>} : vector<16xi1> -> vector<16xi32>
      %reduce_max3A_115 = arith.constant true
      %reduce_max3A_116 = vector.broadcast %reduce_max3A_115 : i1 to vector<16xi1>
      %reduce_max3A_117 = arith.constant -2147483648 : i32
      %reduce_max3A_118 = vector.broadcast %reduce_max3A_117 : i32 to vector<16xi32>
      %reduce_max3A_119 = arith.xori %all_reduce_population_count3A_114, %reduce_max3A_118 : vector<16xi32>
      %reduce_max3A_120 = tpu.scan <max>, %reduce_max3A_119 masked %reduce_max3A_116 : vector<16xi32>, vector<16xi1> -> vector<16xi32>
      %reduce_max3A_121 = arith.xori %reduce_max3A_120, %reduce_max3A_118 : vector<16xi32>
      %reduce_max3A_122 = vector.extract %reduce_max3A_121[15] : i32 from vector<16xi32>
      %add3A_123 = arith.addi %scan3A_58, %reduce_max3A_122 : i32
      scf.yield %add3A_94, %add3A_123 : i32, i32
    }
    %scan3A_32 = arith.constant 313 : i32
    "tpu.region"() ({
      %run_scoped3A_56 = tpu.sem_alloc : memref<!tpu.dma_semaphore, #tpu.memory_space<semaphore_mem>>
      %dma_start3A = arith.constant 0 : i32
      %dma_start3A_57 = tpu.memref_slice %arg4[%add3A, %dma_start3A] : memref<32x10240xf32, #tpu.memory_space<hbm>> -> memref<1x10240xf32, #tpu.memory_space<hbm>>
      %dma_start3A_58 = tpu.memref_squeeze %dma_start3A_57 : memref<1x10240xf32, #tpu.memory_space<hbm>> -> memref<10240xf32, #tpu.memory_space<hbm>>
      %dma_start3A_59 = arith.constant 0 : i32
      %dma_start3A_60 = tpu.memref_slice %arg4[%add3A, %dma_start3A_59] : memref<32x10240xf32, #tpu.memory_space<hbm>> -> memref<1x10240xf32, #tpu.memory_space<hbm>>
      %dma_start3A_61 = tpu.memref_squeeze %dma_start3A_60 : memref<1x10240xf32, #tpu.memory_space<hbm>> -> memref<10240xf32, #tpu.memory_space<hbm>>
      tpu.enqueue_dma source(%arg10 : memref<10240xf32, #tpu.memory_space<vmem>>) target(%dma_start3A_61 : memref<10240xf32, #tpu.memory_space<hbm>>) target_semaphore(%run_scoped3A_56 : memref<!tpu.dma_semaphore, #tpu.memory_space<semaphore_mem>>)
      %dma_wait3A = arith.constant 0 : i32
      %dma_wait3A_62 = tpu.memref_slice %arg4[%add3A, %dma_wait3A] : memref<32x10240xf32, #tpu.memory_space<hbm>> -> memref<1x10240xf32, #tpu.memory_space<hbm>>
      %dma_wait3A_63 = tpu.memref_squeeze %dma_wait3A_62 : memref<1x10240xf32, #tpu.memory_space<hbm>> -> memref<10240xf32, #tpu.memory_space<hbm>>
      %dma_wait3A_64 = arith.constant 0 : i32
      %dma_wait3A_65 = tpu.memref_slice %arg4[%add3A, %dma_wait3A_64] : memref<32x10240xf32, #tpu.memory_space<hbm>> -> memref<1x10240xf32, #tpu.memory_space<hbm>>
      %dma_wait3A_66 = tpu.memref_squeeze %dma_wait3A_65 : memref<1x10240xf32, #tpu.memory_space<hbm>> -> memref<10240xf32, #tpu.memory_space<hbm>>
      tpu.wait_dma2 semaphore(%run_scoped3A_56 : memref<!tpu.dma_semaphore, #tpu.memory_space<semaphore_mem>>) src(%arg10 : memref<10240xf32, #tpu.memory_space<vmem>>) dst(%dma_wait3A_66 : memref<10240xf32, #tpu.memory_space<hbm>>)
      tpu.yield
    }) : () -> ()
    %broadcast_in_dim3A_33 = arith.constant 0 : i32
    %broadcast_in_dim3A_34 = vector.broadcast %broadcast_in_dim3A_33 : i32 to vector<16xi32>
    %run_scoped3A = arith.constant 0 : i32
    %run_scoped3A_35 = arith.constant 0 : i32
    "tpu.region"() ({
      %run_scoped3A_56 = tpu.sem_alloc : memref<!tpu.dma_semaphore, #tpu.memory_space<semaphore_mem>>
      %dma_start3A = arith.constant 0 : i32
      %dma_start3A_57 = tpu.memref_slice %arg11[%run_scoped3A, %dma_start3A] : memref<2x5120xi32, #tpu.memory_space<vmem>> -> memref<1x5120xi32, #tpu.memory_space<vmem>>
      %dma_start3A_58 = tpu.memref_squeeze %dma_start3A_57 : memref<1x5120xi32, #tpu.memory_space<vmem>> -> memref<5120xi32, #tpu.memory_space<vmem>>
      %dma_start3A_59 = arith.constant 0 : i32
      %dma_start3A_60 = tpu.memref_slice %arg5[%run_scoped3A_35, %add3A, %dma_start3A_59] : memref<2x32x5120xi32, #tpu.memory_space<hbm>> -> memref<1x1x5120xi32, #tpu.memory_space<hbm>>
      %dma_start3A_61 = tpu.memref_squeeze %dma_start3A_60 : memref<1x1x5120xi32, #tpu.memory_space<hbm>> -> memref<5120xi32, #tpu.memory_space<hbm>>
      %dma_start3A_62 = arith.constant 0 : i32
      %dma_start3A_63 = tpu.memref_slice %arg5[%run_scoped3A_35, %add3A, %dma_start3A_62] : memref<2x32x5120xi32, #tpu.memory_space<hbm>> -> memref<1x1x5120xi32, #tpu.memory_space<hbm>>
      %dma_start3A_64 = tpu.memref_squeeze %dma_start3A_63 : memref<1x1x5120xi32, #tpu.memory_space<hbm>> -> memref<5120xi32, #tpu.memory_space<hbm>>
      %dma_start3A_65 = arith.constant 0 : i32
      %dma_start3A_66 = tpu.memref_slice %arg11[%run_scoped3A, %dma_start3A_65] : memref<2x5120xi32, #tpu.memory_space<vmem>> -> memref<1x5120xi32, #tpu.memory_space<vmem>>
      %dma_start3A_67 = tpu.memref_squeeze %dma_start3A_66 : memref<1x5120xi32, #tpu.memory_space<vmem>> -> memref<5120xi32, #tpu.memory_space<vmem>>
      tpu.enqueue_dma source(%dma_start3A_67 : memref<5120xi32, #tpu.memory_space<vmem>>) target(%dma_start3A_64 : memref<5120xi32, #tpu.memory_space<hbm>>) target_semaphore(%run_scoped3A_56 : memref<!tpu.dma_semaphore, #tpu.memory_space<semaphore_mem>>)
      %dma_wait3A = arith.constant 0 : i32
      %dma_wait3A_68 = tpu.memref_slice %arg11[%run_scoped3A, %dma_wait3A] : memref<2x5120xi32, #tpu.memory_space<vmem>> -> memref<1x5120xi32, #tpu.memory_space<vmem>>
      %dma_wait3A_69 = tpu.memref_squeeze %dma_wait3A_68 : memref<1x5120xi32, #tpu.memory_space<vmem>> -> memref<5120xi32, #tpu.memory_space<vmem>>
      %dma_wait3A_70 = arith.constant 0 : i32
      %dma_wait3A_71 = tpu.memref_slice %arg5[%run_scoped3A_35, %add3A, %dma_wait3A_70] : memref<2x32x5120xi32, #tpu.memory_space<hbm>> -> memref<1x1x5120xi32, #tpu.memory_space<hbm>>
      %dma_wait3A_72 = tpu.memref_squeeze %dma_wait3A_71 : memref<1x1x5120xi32, #tpu.memory_space<hbm>> -> memref<5120xi32, #tpu.memory_space<hbm>>
      %dma_wait3A_73 = arith.constant 0 : i32
      %dma_wait3A_74 = tpu.memref_slice %arg5[%run_scoped3A_35, %add3A, %dma_wait3A_73] : memref<2x32x5120xi32, #tpu.memory_space<hbm>> -> memref<1x1x5120xi32, #tpu.memory_space<hbm>>
      %dma_wait3A_75 = tpu.memref_squeeze %dma_wait3A_74 : memref<1x1x5120xi32, #tpu.memory_space<hbm>> -> memref<5120xi32, #tpu.memory_space<hbm>>
      %dma_wait3A_76 = arith.constant 0 : i32
      %dma_wait3A_77 = tpu.memref_slice %arg11[%run_scoped3A, %dma_wait3A_76] : memref<2x5120xi32, #tpu.memory_space<vmem>> -> memref<1x5120xi32, #tpu.memory_space<vmem>>
      %dma_wait3A_78 = tpu.memref_squeeze %dma_wait3A_77 : memref<1x5120xi32, #tpu.memory_space<vmem>> -> memref<5120xi32, #tpu.memory_space<vmem>>
      tpu.wait_dma2 semaphore(%run_scoped3A_56 : memref<!tpu.dma_semaphore, #tpu.memory_space<semaphore_mem>>) src(%dma_wait3A_78 : memref<5120xi32, #tpu.memory_space<vmem>>) dst(%dma_wait3A_75 : memref<5120xi32, #tpu.memory_space<hbm>>)
      tpu.yield
    }) : () -> ()
    %run_scoped3A_36 = arith.constant 0 : i32
    %run_scoped3A_37 = arith.constant 0 : i32
    "tpu.region"() ({
      %run_scoped3A_56 = tpu.sem_alloc : memref<!tpu.dma_semaphore, #tpu.memory_space<semaphore_mem>>
      %dma_start3A = arith.constant 0 : i32
      %dma_start3A_57 = tpu.memref_slice %arg12[%run_scoped3A_36, %dma_start3A] : memref<2x5120xi32, #tpu.memory_space<vmem>> -> memref<1x5120xi32, #tpu.memory_space<vmem>>
      %dma_start3A_58 = tpu.memref_squeeze %dma_start3A_57 : memref<1x5120xi32, #tpu.memory_space<vmem>> -> memref<5120xi32, #tpu.memory_space<vmem>>
      %dma_start3A_59 = arith.constant 0 : i32
      %dma_start3A_60 = tpu.memref_slice %arg6[%run_scoped3A_37, %add3A, %dma_start3A_59] : memref<2x32x5120xi32, #tpu.memory_space<hbm>> -> memref<1x1x5120xi32, #tpu.memory_space<hbm>>
      %dma_start3A_61 = tpu.memref_squeeze %dma_start3A_60 : memref<1x1x5120xi32, #tpu.memory_space<hbm>> -> memref<5120xi32, #tpu.memory_space<hbm>>
      %dma_start3A_62 = arith.constant 0 : i32
      %dma_start3A_63 = tpu.memref_slice %arg6[%run_scoped3A_37, %add3A, %dma_start3A_62] : memref<2x32x5120xi32, #tpu.memory_space<hbm>> -> memref<1x1x5120xi32, #tpu.memory_space<hbm>>
      %dma_start3A_64 = tpu.memref_squeeze %dma_start3A_63 : memref<1x1x5120xi32, #tpu.memory_space<hbm>> -> memref<5120xi32, #tpu.memory_space<hbm>>
      %dma_start3A_65 = arith.constant 0 : i32
      %dma_start3A_66 = tpu.memref_slice %arg12[%run_scoped3A_36, %dma_start3A_65] : memref<2x5120xi32, #tpu.memory_space<vmem>> -> memref<1x5120xi32, #tpu.memory_space<vmem>>
      %dma_start3A_67 = tpu.memref_squeeze %dma_start3A_66 : memref<1x5120xi32, #tpu.memory_space<vmem>> -> memref<5120xi32, #tpu.memory_space<vmem>>
      tpu.enqueue_dma source(%dma_start3A_67 : memref<5120xi32, #tpu.memory_space<vmem>>) target(%dma_start3A_64 : memref<5120xi32, #tpu.memory_space<hbm>>) target_semaphore(%run_scoped3A_56 : memref<!tpu.dma_semaphore, #tpu.memory_space<semaphore_mem>>)
      %dma_wait3A = arith.constant 0 : i32
      %dma_wait3A_68 = tpu.memref_slice %arg12[%run_scoped3A_36, %dma_wait3A] : memref<2x5120xi32, #tpu.memory_space<vmem>> -> memref<1x5120xi32, #tpu.memory_space<vmem>>
      %dma_wait3A_69 = tpu.memref_squeeze %dma_wait3A_68 : memref<1x5120xi32, #tpu.memory_space<vmem>> -> memref<5120xi32, #tpu.memory_space<vmem>>
      %dma_wait3A_70 = arith.constant 0 : i32
      %dma_wait3A_71 = tpu.memref_slice %arg6[%run_scoped3A_37, %add3A, %dma_wait3A_70] : memref<2x32x5120xi32, #tpu.memory_space<hbm>> -> memref<1x1x5120xi32, #tpu.memory_space<hbm>>
      %dma_wait3A_72 = tpu.memref_squeeze %dma_wait3A_71 : memref<1x1x5120xi32, #tpu.memory_space<hbm>> -> memref<5120xi32, #tpu.memory_space<hbm>>
      %dma_wait3A_73 = arith.constant 0 : i32
      %dma_wait3A_74 = tpu.memref_slice %arg6[%run_scoped3A_37, %add3A, %dma_wait3A_73] : memref<2x32x5120xi32, #tpu.memory_space<hbm>> -> memref<1x1x5120xi32, #tpu.memory_space<hbm>>
      %dma_wait3A_75 = tpu.memref_squeeze %dma_wait3A_74 : memref<1x1x5120xi32, #tpu.memory_space<hbm>> -> memref<5120xi32, #tpu.memory_space<hbm>>
      %dma_wait3A_76 = arith.constant 0 : i32
      %dma_wait3A_77 = tpu.memref_slice %arg12[%run_scoped3A_36, %dma_wait3A_76] : memref<2x5120xi32, #tpu.memory_space<vmem>> -> memref<1x5120xi32, #tpu.memory_space<vmem>>
      %dma_wait3A_78 = tpu.memref_squeeze %dma_wait3A_77 : memref<1x5120xi32, #tpu.memory_space<vmem>> -> memref<5120xi32, #tpu.memory_space<vmem>>
      tpu.wait_dma2 semaphore(%run_scoped3A_56 : memref<!tpu.dma_semaphore, #tpu.memory_space<semaphore_mem>>) src(%dma_wait3A_78 : memref<5120xi32, #tpu.memory_space<vmem>>) dst(%dma_wait3A_75 : memref<5120xi32, #tpu.memory_space<hbm>>)
      tpu.yield
    }) : () -> ()
    %eq3A = arith.constant 0 : i32
    %eq3A_38 = vector.broadcast %eq3A : i32 to vector<16xi32>
    %eq3A_39 = arith.cmpi eq, %iota3A, %eq3A_38 : vector<16xi32>
    %jit3A = arith.constant 0 : i32
    %broadcast_in_dim3A_40 = vector.broadcast %scan3A_31#0 : i32 to vector<16xi32>
    %broadcast_in_dim3A_41 = vector.broadcast %jit3A : i32 to vector<16xi32>
    %select_n3A = arith.select %eq3A_39, %broadcast_in_dim3A_40, %broadcast_in_dim3A_41 : vector<16xi1>, vector<16xi32>
    %add3A_42 = arith.addi %broadcast_in_dim3A_34, %select_n3A : vector<16xi32>
    %run_scoped3A_43 = arith.constant 1 : i32
    %run_scoped3A_44 = arith.constant 1 : i32
    "tpu.region"() ({
      %run_scoped3A_56 = tpu.sem_alloc : memref<!tpu.dma_semaphore, #tpu.memory_space<semaphore_mem>>
      %dma_start3A = arith.constant 0 : i32
      %dma_start3A_57 = tpu.memref_slice %arg11[%run_scoped3A_43, %dma_start3A] : memref<2x5120xi32, #tpu.memory_space<vmem>> -> memref<1x5120xi32, #tpu.memory_space<vmem>>
      %dma_start3A_58 = tpu.memref_squeeze %dma_start3A_57 : memref<1x5120xi32, #tpu.memory_space<vmem>> -> memref<5120xi32, #tpu.memory_space<vmem>>
      %dma_start3A_59 = arith.constant 0 : i32
      %dma_start3A_60 = tpu.memref_slice %arg5[%run_scoped3A_44, %add3A, %dma_start3A_59] : memref<2x32x5120xi32, #tpu.memory_space<hbm>> -> memref<1x1x5120xi32, #tpu.memory_space<hbm>>
      %dma_start3A_61 = tpu.memref_squeeze %dma_start3A_60 : memref<1x1x5120xi32, #tpu.memory_space<hbm>> -> memref<5120xi32, #tpu.memory_space<hbm>>
      %dma_start3A_62 = arith.constant 0 : i32
      %dma_start3A_63 = tpu.memref_slice %arg5[%run_scoped3A_44, %add3A, %dma_start3A_62] : memref<2x32x5120xi32, #tpu.memory_space<hbm>> -> memref<1x1x5120xi32, #tpu.memory_space<hbm>>
      %dma_start3A_64 = tpu.memref_squeeze %dma_start3A_63 : memref<1x1x5120xi32, #tpu.memory_space<hbm>> -> memref<5120xi32, #tpu.memory_space<hbm>>
      %dma_start3A_65 = arith.constant 0 : i32
      %dma_start3A_66 = tpu.memref_slice %arg11[%run_scoped3A_43, %dma_start3A_65] : memref<2x5120xi32, #tpu.memory_space<vmem>> -> memref<1x5120xi32, #tpu.memory_space<vmem>>
      %dma_start3A_67 = tpu.memref_squeeze %dma_start3A_66 : memref<1x5120xi32, #tpu.memory_space<vmem>> -> memref<5120xi32, #tpu.memory_space<vmem>>
      tpu.enqueue_dma source(%dma_start3A_67 : memref<5120xi32, #tpu.memory_space<vmem>>) target(%dma_start3A_64 : memref<5120xi32, #tpu.memory_space<hbm>>) target_semaphore(%run_scoped3A_56 : memref<!tpu.dma_semaphore, #tpu.memory_space<semaphore_mem>>)
      %dma_wait3A = arith.constant 0 : i32
      %dma_wait3A_68 = tpu.memref_slice %arg11[%run_scoped3A_43, %dma_wait3A] : memref<2x5120xi32, #tpu.memory_space<vmem>> -> memref<1x5120xi32, #tpu.memory_space<vmem>>
      %dma_wait3A_69 = tpu.memref_squeeze %dma_wait3A_68 : memref<1x5120xi32, #tpu.memory_space<vmem>> -> memref<5120xi32, #tpu.memory_space<vmem>>
      %dma_wait3A_70 = arith.constant 0 : i32
      %dma_wait3A_71 = tpu.memref_slice %arg5[%run_scoped3A_44, %add3A, %dma_wait3A_70] : memref<2x32x5120xi32, #tpu.memory_space<hbm>> -> memref<1x1x5120xi32, #tpu.memory_space<hbm>>
      %dma_wait3A_72 = tpu.memref_squeeze %dma_wait3A_71 : memref<1x1x5120xi32, #tpu.memory_space<hbm>> -> memref<5120xi32, #tpu.memory_space<hbm>>
      %dma_wait3A_73 = arith.constant 0 : i32
      %dma_wait3A_74 = tpu.memref_slice %arg5[%run_scoped3A_44, %add3A, %dma_wait3A_73] : memref<2x32x5120xi32, #tpu.memory_space<hbm>> -> memref<1x1x5120xi32, #tpu.memory_space<hbm>>
      %dma_wait3A_75 = tpu.memref_squeeze %dma_wait3A_74 : memref<1x1x5120xi32, #tpu.memory_space<hbm>> -> memref<5120xi32, #tpu.memory_space<hbm>>
      %dma_wait3A_76 = arith.constant 0 : i32
      %dma_wait3A_77 = tpu.memref_slice %arg11[%run_scoped3A_43, %dma_wait3A_76] : memref<2x5120xi32, #tpu.memory_space<vmem>> -> memref<1x5120xi32, #tpu.memory_space<vmem>>
      %dma_wait3A_78 = tpu.memref_squeeze %dma_wait3A_77 : memref<1x5120xi32, #tpu.memory_space<vmem>> -> memref<5120xi32, #tpu.memory_space<vmem>>
      tpu.wait_dma2 semaphore(%run_scoped3A_56 : memref<!tpu.dma_semaphore, #tpu.memory_space<semaphore_mem>>) src(%dma_wait3A_78 : memref<5120xi32, #tpu.memory_space<vmem>>) dst(%dma_wait3A_75 : memref<5120xi32, #tpu.memory_space<hbm>>)
      tpu.yield
    }) : () -> ()
    %run_scoped3A_45 = arith.constant 1 : i32
    %run_scoped3A_46 = arith.constant 1 : i32
    "tpu.region"() ({
      %run_scoped3A_56 = tpu.sem_alloc : memref<!tpu.dma_semaphore, #tpu.memory_space<semaphore_mem>>
      %dma_start3A = arith.constant 0 : i32
      %dma_start3A_57 = tpu.memref_slice %arg12[%run_scoped3A_45, %dma_start3A] : memref<2x5120xi32, #tpu.memory_space<vmem>> -> memref<1x5120xi32, #tpu.memory_space<vmem>>
      %dma_start3A_58 = tpu.memref_squeeze %dma_start3A_57 : memref<1x5120xi32, #tpu.memory_space<vmem>> -> memref<5120xi32, #tpu.memory_space<vmem>>
      %dma_start3A_59 = arith.constant 0 : i32
      %dma_start3A_60 = tpu.memref_slice %arg6[%run_scoped3A_46, %add3A, %dma_start3A_59] : memref<2x32x5120xi32, #tpu.memory_space<hbm>> -> memref<1x1x5120xi32, #tpu.memory_space<hbm>>
      %dma_start3A_61 = tpu.memref_squeeze %dma_start3A_60 : memref<1x1x5120xi32, #tpu.memory_space<hbm>> -> memref<5120xi32, #tpu.memory_space<hbm>>
      %dma_start3A_62 = arith.constant 0 : i32
      %dma_start3A_63 = tpu.memref_slice %arg6[%run_scoped3A_46, %add3A, %dma_start3A_62] : memref<2x32x5120xi32, #tpu.memory_space<hbm>> -> memref<1x1x5120xi32, #tpu.memory_space<hbm>>
      %dma_start3A_64 = tpu.memref_squeeze %dma_start3A_63 : memref<1x1x5120xi32, #tpu.memory_space<hbm>> -> memref<5120xi32, #tpu.memory_space<hbm>>
      %dma_start3A_65 = arith.constant 0 : i32
      %dma_start3A_66 = tpu.memref_slice %arg12[%run_scoped3A_45, %dma_start3A_65] : memref<2x5120xi32, #tpu.memory_space<vmem>> -> memref<1x5120xi32, #tpu.memory_space<vmem>>
      %dma_start3A_67 = tpu.memref_squeeze %dma_start3A_66 : memref<1x5120xi32, #tpu.memory_space<vmem>> -> memref<5120xi32, #tpu.memory_space<vmem>>
      tpu.enqueue_dma source(%dma_start3A_67 : memref<5120xi32, #tpu.memory_space<vmem>>) target(%dma_start3A_64 : memref<5120xi32, #tpu.memory_space<hbm>>) target_semaphore(%run_scoped3A_56 : memref<!tpu.dma_semaphore, #tpu.memory_space<semaphore_mem>>)
      %dma_wait3A = arith.constant 0 : i32
      %dma_wait3A_68 = tpu.memref_slice %arg12[%run_scoped3A_45, %dma_wait3A] : memref<2x5120xi32, #tpu.memory_space<vmem>> -> memref<1x5120xi32, #tpu.memory_space<vmem>>
      %dma_wait3A_69 = tpu.memref_squeeze %dma_wait3A_68 : memref<1x5120xi32, #tpu.memory_space<vmem>> -> memref<5120xi32, #tpu.memory_space<vmem>>
      %dma_wait3A_70 = arith.constant 0 : i32
      %dma_wait3A_71 = tpu.memref_slice %arg6[%run_scoped3A_46, %add3A, %dma_wait3A_70] : memref<2x32x5120xi32, #tpu.memory_space<hbm>> -> memref<1x1x5120xi32, #tpu.memory_space<hbm>>
      %dma_wait3A_72 = tpu.memref_squeeze %dma_wait3A_71 : memref<1x1x5120xi32, #tpu.memory_space<hbm>> -> memref<5120xi32, #tpu.memory_space<hbm>>
      %dma_wait3A_73 = arith.constant 0 : i32
      %dma_wait3A_74 = tpu.memref_slice %arg6[%run_scoped3A_46, %add3A, %dma_wait3A_73] : memref<2x32x5120xi32, #tpu.memory_space<hbm>> -> memref<1x1x5120xi32, #tpu.memory_space<hbm>>
      %dma_wait3A_75 = tpu.memref_squeeze %dma_wait3A_74 : memref<1x1x5120xi32, #tpu.memory_space<hbm>> -> memref<5120xi32, #tpu.memory_space<hbm>>
      %dma_wait3A_76 = arith.constant 0 : i32
      %dma_wait3A_77 = tpu.memref_slice %arg12[%run_scoped3A_45, %dma_wait3A_76] : memref<2x5120xi32, #tpu.memory_space<vmem>> -> memref<1x5120xi32, #tpu.memory_space<vmem>>
      %dma_wait3A_78 = tpu.memref_squeeze %dma_wait3A_77 : memref<1x5120xi32, #tpu.memory_space<vmem>> -> memref<5120xi32, #tpu.memory_space<vmem>>
      tpu.wait_dma2 semaphore(%run_scoped3A_56 : memref<!tpu.dma_semaphore, #tpu.memory_space<semaphore_mem>>) src(%dma_wait3A_78 : memref<5120xi32, #tpu.memory_space<vmem>>) dst(%dma_wait3A_75 : memref<5120xi32, #tpu.memory_space<hbm>>)
      tpu.yield
    }) : () -> ()
    %eq3A_47 = arith.constant 1 : i32
    %eq3A_48 = vector.broadcast %eq3A_47 : i32 to vector<16xi32>
    %eq3A_49 = arith.cmpi eq, %iota3A, %eq3A_48 : vector<16xi32>
    %jit3A_50 = arith.constant 0 : i32
    %broadcast_in_dim3A_51 = vector.broadcast %scan3A_31#1 : i32 to vector<16xi32>
    %broadcast_in_dim3A_52 = vector.broadcast %jit3A_50 : i32 to vector<16xi32>
    %select_n3A_53 = arith.select %eq3A_49, %broadcast_in_dim3A_51, %broadcast_in_dim3A_52 : vector<16xi1>, vector<16xi32>
    %add3A_54 = arith.addi %add3A_42, %select_n3A_53 : vector<16xi32>
    %swap3A = arith.constant 0 : index
    %swap3A_55 = tpu.vector_load %arg13[%swap3A] {strides = array<i32>} : memref<16xi32, #tpu.memory_space<vmem>>, vector<16xi32>,
    tpu.vector_store %arg13[%swap3A], %add3A_54 {strides = array<i32>} : memref<16xi32, #tpu.memory_space<vmem>>, vector<16xi32>,
    "tpu.region"() ({
      %run_scoped3A_56 = tpu.sem_alloc : memref<!tpu.dma_semaphore, #tpu.memory_space<semaphore_mem>>
      %dma_start3A = arith.constant 0 : i32
      %dma_start3A_57 = tpu.memref_slice %arg7[%add3A, %dma_start3A] : memref<32x16xi32, #tpu.memory_space<hbm>> -> memref<1x16xi32, #tpu.memory_space<hbm>>
      %dma_start3A_58 = tpu.memref_squeeze %dma_start3A_57 : memref<1x16xi32, #tpu.memory_space<hbm>> -> memref<16xi32, #tpu.memory_space<hbm>>
      %dma_start3A_59 = arith.constant 0 : i32
      %dma_start3A_60 = tpu.memref_slice %arg7[%add3A, %dma_start3A_59] : memref<32x16xi32, #tpu.memory_space<hbm>> -> memref<1x16xi32, #tpu.memory_space<hbm>>
      %dma_start3A_61 = tpu.memref_squeeze %dma_start3A_60 : memref<1x16xi32, #tpu.memory_space<hbm>> -> memref<16xi32, #tpu.memory_space<hbm>>
      tpu.enqueue_dma source(%arg13 : memref<16xi32, #tpu.memory_space<vmem>>) target(%dma_start3A_61 : memref<16xi32, #tpu.memory_space<hbm>>) target_semaphore(%run_scoped3A_56 : memref<!tpu.dma_semaphore, #tpu.memory_space<semaphore_mem>>)
      %dma_wait3A = arith.constant 0 : i32
      %dma_wait3A_62 = tpu.memref_slice %arg7[%add3A, %dma_wait3A] : memref<32x16xi32, #tpu.memory_space<hbm>> -> memref<1x16xi32, #tpu.memory_space<hbm>>
      %dma_wait3A_63 = tpu.memref_squeeze %dma_wait3A_62 : memref<1x16xi32, #tpu.memory_space<hbm>> -> memref<16xi32, #tpu.memory_space<hbm>>
      %dma_wait3A_64 = arith.constant 0 : i32
      %dma_wait3A_65 = tpu.memref_slice %arg7[%add3A, %dma_wait3A_64] : memref<32x16xi32, #tpu.memory_space<hbm>> -> memref<1x16xi32, #tpu.memory_space<hbm>>
      %dma_wait3A_66 = tpu.memref_squeeze %dma_wait3A_65 : memref<1x16xi32, #tpu.memory_space<hbm>> -> memref<16xi32, #tpu.memory_space<hbm>>
      tpu.wait_dma2 semaphore(%run_scoped3A_56 : memref<!tpu.dma_semaphore, #tpu.memory_space<semaphore_mem>>) src(%arg13 : memref<16xi32, #tpu.memory_space<vmem>>) dst(%dma_wait3A_66 : memref<16xi32, #tpu.memory_space<hbm>>)
      tpu.yield
    }) : () -> ()
    return
  }
}

#map = affine_map<(d0, d1) -> (0, 0)>
#map1 = affine_map<(d0, d1) -> (0, 0, 0)>
module attributes {stable_mosaic.version = 14 : i64} {
  func.func @_hop(%arg0: i32, %arg1: i32, %arg2: memref<10240x256xf32, #tpu.memory_space<hbm>>, %arg3: memref<2x32x5120xi32, #tpu.memory_space<hbm>>, %arg4: memref<2x32x5120xi32, #tpu.memory_space<hbm>>, %arg5: memref<32x16xi32, #tpu.memory_space<hbm>>, %arg6: memref<10240x256xf32, #tpu.memory_space<hbm>>, %arg7: memref<5120xi32, #tpu.memory_space<vmem>>, %arg8: memref<5120xi32, #tpu.memory_space<vmem>>, %arg9: memref<128x256xf32, #tpu.memory_space<vmem>>, %arg10: memref<128x256xf32, #tpu.memory_space<vmem>>, %arg11: memref<16xi32, #tpu.memory_space<vmem>>, %arg12: memref<5120x256xf32, #tpu.memory_space<vmem_shared>>, %arg13: memref<!tpu.dma_semaphore, #tpu.memory_space<semaphore_mem>>, %arg14: memref<!tpu.dma_semaphore, #tpu.memory_space<semaphore_mem>>) attributes {dimension_semantics = [#tpu.dimension_semantics<core_parallel>, #tpu.dimension_semantics<subcore_parallel>], iteration_bounds = array<i64: 2, 16>, scalar_prefetch = 0 : i64, scratch_operands = 8 : i64, tpu.core_type = #tpu.core_type<sc_vector_subcore>, window_params = [{transform_indices = #map}, {transform_indices = #map1}, {transform_indices = #map1}, {transform_indices = #map}, {transform_indices = #map}]} {
    %iota3A = tpu.iota {dimensions = array<i32: 0>} : vector<16xi32>
    %mul3A = arith.constant 320 : i32
    %mul3A_0 = arith.muli %arg1, %mul3A : i32
    %mul3A_1 = arith.constant 5120 : i32
    %mul3A_2 = arith.muli %arg0, %mul3A_1 : i32
    %add3A = arith.addi %mul3A_2, %mul3A_0 : i32
    "tpu.region"() ({
      %run_scoped3A = tpu.sem_alloc : memref<!tpu.dma_semaphore, #tpu.memory_space<semaphore_mem>>
      %dma_start3A = arith.constant 0 : i32
      %dma_start3A_108 = tpu.memref_slice %arg12[%mul3A_0, %dma_start3A] : memref<5120x256xf32, #tpu.memory_space<vmem_shared>> -> memref<320x256xf32, #tpu.memory_space<vmem_shared>>
      %dma_start3A_109 = arith.constant 0 : i32
      %dma_start3A_110 = tpu.memref_slice %arg2[%add3A, %dma_start3A_109] : memref<10240x256xf32, #tpu.memory_space<hbm>> -> memref<320x256xf32, #tpu.memory_space<hbm>>
      tpu.enqueue_dma source(%dma_start3A_110 : memref<320x256xf32, #tpu.memory_space<hbm>>) target(%dma_start3A_108 : memref<320x256xf32, #tpu.memory_space<vmem_shared>>) target_semaphore(%run_scoped3A : memref<!tpu.dma_semaphore, #tpu.memory_space<semaphore_mem>>)
      %dma_wait3A = arith.constant 0 : i32
      %dma_wait3A_111 = tpu.memref_slice %arg12[%mul3A_0, %dma_wait3A] : memref<5120x256xf32, #tpu.memory_space<vmem_shared>> -> memref<320x256xf32, #tpu.memory_space<vmem_shared>>
      %dma_wait3A_112 = arith.constant 0 : i32
      %dma_wait3A_113 = tpu.memref_slice %arg2[%add3A, %dma_wait3A_112] : memref<10240x256xf32, #tpu.memory_space<hbm>> -> memref<320x256xf32, #tpu.memory_space<hbm>>
      tpu.wait_dma2 semaphore(%run_scoped3A : memref<!tpu.dma_semaphore, #tpu.memory_space<semaphore_mem>>) src(%dma_wait3A_113 : memref<320x256xf32, #tpu.memory_space<hbm>>) dst(%dma_wait3A_111 : memref<320x256xf32, #tpu.memory_space<vmem_shared>>)
      tpu.yield
    }) : () -> ()
    %barrier3A = arith.constant 0 : index
    tpu.barrier barrier_id(%barrier3A)
    %mul3A_3 = arith.constant 2 : i32
    %mul3A_4 = arith.muli %arg1, %mul3A_3 : i32
    %add3A_5 = arith.constant 0 : i32
    %add3A_6 = arith.addi %mul3A_4, %add3A_5 : i32
    "tpu.region"() ({
      %run_scoped3A = tpu.sem_alloc : memref<!tpu.dma_semaphore, #tpu.memory_space<semaphore_mem>>
      %dma_start3A = arith.constant 0 : i32
      %dma_start3A_108 = tpu.memref_slice %arg3[%arg0, %add3A_6, %dma_start3A] : memref<2x32x5120xi32, #tpu.memory_space<hbm>> -> memref<1x1x5120xi32, #tpu.memory_space<hbm>>
      %dma_start3A_109 = tpu.memref_squeeze %dma_start3A_108 : memref<1x1x5120xi32, #tpu.memory_space<hbm>> -> memref<5120xi32, #tpu.memory_space<hbm>>
      %dma_start3A_110 = arith.constant 0 : i32
      %dma_start3A_111 = tpu.memref_slice %arg3[%arg0, %add3A_6, %dma_start3A_110] : memref<2x32x5120xi32, #tpu.memory_space<hbm>> -> memref<1x1x5120xi32, #tpu.memory_space<hbm>>
      %dma_start3A_112 = tpu.memref_squeeze %dma_start3A_111 : memref<1x1x5120xi32, #tpu.memory_space<hbm>> -> memref<5120xi32, #tpu.memory_space<hbm>>
      tpu.enqueue_dma source(%dma_start3A_112 : memref<5120xi32, #tpu.memory_space<hbm>>) target(%arg7 : memref<5120xi32, #tpu.memory_space<vmem>>) target_semaphore(%run_scoped3A : memref<!tpu.dma_semaphore, #tpu.memory_space<semaphore_mem>>)
      %dma_wait3A = arith.constant 0 : i32
      %dma_wait3A_113 = tpu.memref_slice %arg3[%arg0, %add3A_6, %dma_wait3A] : memref<2x32x5120xi32, #tpu.memory_space<hbm>> -> memref<1x1x5120xi32, #tpu.memory_space<hbm>>
      %dma_wait3A_114 = tpu.memref_squeeze %dma_wait3A_113 : memref<1x1x5120xi32, #tpu.memory_space<hbm>> -> memref<5120xi32, #tpu.memory_space<hbm>>
      %dma_wait3A_115 = arith.constant 0 : i32
      %dma_wait3A_116 = tpu.memref_slice %arg3[%arg0, %add3A_6, %dma_wait3A_115] : memref<2x32x5120xi32, #tpu.memory_space<hbm>> -> memref<1x1x5120xi32, #tpu.memory_space<hbm>>
      %dma_wait3A_117 = tpu.memref_squeeze %dma_wait3A_116 : memref<1x1x5120xi32, #tpu.memory_space<hbm>> -> memref<5120xi32, #tpu.memory_space<hbm>>
      tpu.wait_dma2 semaphore(%run_scoped3A : memref<!tpu.dma_semaphore, #tpu.memory_space<semaphore_mem>>) src(%dma_wait3A_117 : memref<5120xi32, #tpu.memory_space<hbm>>) dst(%arg7 : memref<5120xi32, #tpu.memory_space<vmem>>)
      tpu.yield
    }) : () -> ()
    "tpu.region"() ({
      %run_scoped3A = tpu.sem_alloc : memref<!tpu.dma_semaphore, #tpu.memory_space<semaphore_mem>>
      %dma_start3A = arith.constant 0 : i32
      %dma_start3A_108 = tpu.memref_slice %arg4[%arg0, %add3A_6, %dma_start3A] : memref<2x32x5120xi32, #tpu.memory_space<hbm>> -> memref<1x1x5120xi32, #tpu.memory_space<hbm>>
      %dma_start3A_109 = tpu.memref_squeeze %dma_start3A_108 : memref<1x1x5120xi32, #tpu.memory_space<hbm>> -> memref<5120xi32, #tpu.memory_space<hbm>>
      %dma_start3A_110 = arith.constant 0 : i32
      %dma_start3A_111 = tpu.memref_slice %arg4[%arg0, %add3A_6, %dma_start3A_110] : memref<2x32x5120xi32, #tpu.memory_space<hbm>> -> memref<1x1x5120xi32, #tpu.memory_space<hbm>>
      %dma_start3A_112 = tpu.memref_squeeze %dma_start3A_111 : memref<1x1x5120xi32, #tpu.memory_space<hbm>> -> memref<5120xi32, #tpu.memory_space<hbm>>
      tpu.enqueue_dma source(%dma_start3A_112 : memref<5120xi32, #tpu.memory_space<hbm>>) target(%arg8 : memref<5120xi32, #tpu.memory_space<vmem>>) target_semaphore(%run_scoped3A : memref<!tpu.dma_semaphore, #tpu.memory_space<semaphore_mem>>)
      %dma_wait3A = arith.constant 0 : i32
      %dma_wait3A_113 = tpu.memref_slice %arg4[%arg0, %add3A_6, %dma_wait3A] : memref<2x32x5120xi32, #tpu.memory_space<hbm>> -> memref<1x1x5120xi32, #tpu.memory_space<hbm>>
      %dma_wait3A_114 = tpu.memref_squeeze %dma_wait3A_113 : memref<1x1x5120xi32, #tpu.memory_space<hbm>> -> memref<5120xi32, #tpu.memory_space<hbm>>
      %dma_wait3A_115 = arith.constant 0 : i32
      %dma_wait3A_116 = tpu.memref_slice %arg4[%arg0, %add3A_6, %dma_wait3A_115] : memref<2x32x5120xi32, #tpu.memory_space<hbm>> -> memref<1x1x5120xi32, #tpu.memory_space<hbm>>
      %dma_wait3A_117 = tpu.memref_squeeze %dma_wait3A_116 : memref<1x1x5120xi32, #tpu.memory_space<hbm>> -> memref<5120xi32, #tpu.memory_space<hbm>>
      tpu.wait_dma2 semaphore(%run_scoped3A : memref<!tpu.dma_semaphore, #tpu.memory_space<semaphore_mem>>) src(%dma_wait3A_117 : memref<5120xi32, #tpu.memory_space<hbm>>) dst(%arg8 : memref<5120xi32, #tpu.memory_space<vmem>>)
      tpu.yield
    }) : () -> ()
    "tpu.region"() ({
      %run_scoped3A = tpu.sem_alloc : memref<!tpu.dma_semaphore, #tpu.memory_space<semaphore_mem>>
      %dma_start3A = arith.constant 0 : i32
      %dma_start3A_108 = tpu.memref_slice %arg5[%add3A_6, %dma_start3A] : memref<32x16xi32, #tpu.memory_space<hbm>> -> memref<1x16xi32, #tpu.memory_space<hbm>>
      %dma_start3A_109 = tpu.memref_squeeze %dma_start3A_108 : memref<1x16xi32, #tpu.memory_space<hbm>> -> memref<16xi32, #tpu.memory_space<hbm>>
      %dma_start3A_110 = arith.constant 0 : i32
      %dma_start3A_111 = tpu.memref_slice %arg5[%add3A_6, %dma_start3A_110] : memref<32x16xi32, #tpu.memory_space<hbm>> -> memref<1x16xi32, #tpu.memory_space<hbm>>
      %dma_start3A_112 = tpu.memref_squeeze %dma_start3A_111 : memref<1x16xi32, #tpu.memory_space<hbm>> -> memref<16xi32, #tpu.memory_space<hbm>>
      tpu.enqueue_dma source(%dma_start3A_112 : memref<16xi32, #tpu.memory_space<hbm>>) target(%arg11 : memref<16xi32, #tpu.memory_space<vmem>>) target_semaphore(%run_scoped3A : memref<!tpu.dma_semaphore, #tpu.memory_space<semaphore_mem>>)
      %dma_wait3A = arith.constant 0 : i32
      %dma_wait3A_113 = tpu.memref_slice %arg5[%add3A_6, %dma_wait3A] : memref<32x16xi32, #tpu.memory_space<hbm>> -> memref<1x16xi32, #tpu.memory_space<hbm>>
      %dma_wait3A_114 = tpu.memref_squeeze %dma_wait3A_113 : memref<1x16xi32, #tpu.memory_space<hbm>> -> memref<16xi32, #tpu.memory_space<hbm>>
      %dma_wait3A_115 = arith.constant 0 : i32
      %dma_wait3A_116 = tpu.memref_slice %arg5[%add3A_6, %dma_wait3A_115] : memref<32x16xi32, #tpu.memory_space<hbm>> -> memref<1x16xi32, #tpu.memory_space<hbm>>
      %dma_wait3A_117 = tpu.memref_squeeze %dma_wait3A_116 : memref<1x16xi32, #tpu.memory_space<hbm>> -> memref<16xi32, #tpu.memory_space<hbm>>
      tpu.wait_dma2 semaphore(%run_scoped3A : memref<!tpu.dma_semaphore, #tpu.memory_space<semaphore_mem>>) src(%dma_wait3A_117 : memref<16xi32, #tpu.memory_space<hbm>>) dst(%arg11 : memref<16xi32, #tpu.memory_space<vmem>>)
      tpu.yield
    }) : () -> ()
    %eq3A = vector.broadcast %arg0 : i32 to vector<16xi32>
    %eq3A_7 = arith.cmpi eq, %iota3A, %eq3A : vector<16xi32>
    %get3A = arith.constant 0 : index
    %get3A_8 = tpu.vector_load %arg11[%get3A] {strides = array<i32>} : memref<16xi32, #tpu.memory_space<vmem>>, vector<16xi32>,
    %jit3A = arith.constant 0 : i32
    %broadcast_in_dim3A = vector.broadcast %jit3A : i32 to vector<16xi32>
    %select_n3A = arith.select %eq3A_7, %get3A_8, %broadcast_in_dim3A : vector<16xi1>, vector<16xi32>
    %reduce_max3A = arith.constant true
    %reduce_max3A_9 = vector.broadcast %reduce_max3A : i1 to vector<16xi1>
    %reduce_max3A_10 = arith.constant -2147483648 : i32
    %reduce_max3A_11 = vector.broadcast %reduce_max3A_10 : i32 to vector<16xi32>
    %reduce_max3A_12 = arith.xori %select_n3A, %reduce_max3A_11 : vector<16xi32>
    %reduce_max3A_13 = tpu.scan <max>, %reduce_max3A_12 masked %reduce_max3A_9 : vector<16xi32>, vector<16xi1> -> vector<16xi32>
    %reduce_max3A_14 = arith.xori %reduce_max3A_13, %reduce_max3A_11 : vector<16xi32>
    %reduce_max3A_15 = vector.extract %reduce_max3A_14[15] : i32 from vector<16xi32>
    %add3A_16 = arith.constant 127 : i32
    %add3A_17 = arith.addi %reduce_max3A_15, %add3A_16 : i32
    %jit3A_18 = arith.constant 128 : i32
    %div3A = arith.divsi %add3A_17, %jit3A_18 : i32
    %sign3A = arith.constant 0 : i32
    %sign3A_19 = arith.cmpi sgt, %add3A_17, %sign3A : i32
    %sign3A_20 = arith.extui %sign3A_19 : i1 to i32
    %sign3A_21 = arith.constant 0 : i32
    %sign3A_22 = arith.cmpi slt, %add3A_17, %sign3A_21 : i32
    %sign3A_23 = arith.extui %sign3A_22 : i1 to i32
    %sign3A_24 = arith.subi %sign3A_20, %sign3A_23 : i32
    %sign3A_25 = arith.constant 0 : i32
    %sign3A_26 = arith.cmpi sgt, %jit3A_18, %sign3A_25 : i32
    %sign3A_27 = arith.extui %sign3A_26 : i1 to i32
    %sign3A_28 = arith.constant 0 : i32
    %sign3A_29 = arith.cmpi slt, %jit3A_18, %sign3A_28 : i32
    %sign3A_30 = arith.extui %sign3A_29 : i1 to i32
    %sign3A_31 = arith.subi %sign3A_27, %sign3A_30 : i32
    %ne3A = arith.cmpi ne, %sign3A_24, %sign3A_31 : i32
    %rem3A = arith.remsi %add3A_17, %jit3A_18 : i32
    %ne3A_32 = arith.constant 0 : i32
    %ne3A_33 = arith.cmpi ne, %rem3A, %ne3A_32 : i32
    %and3A = arith.andi %ne3A, %ne3A_33 : i1
    %sub3A = arith.constant 1 : i32
    %sub3A_34 = arith.subi %div3A, %sub3A : i32
    %select_n3A_35 = arith.select %and3A, %sub3A_34, %div3A : i32
    %while3A = arith.constant 0 : i32
    %while3A_36 = arith.constant 0 : i32
    %while3A_37 = arith.subi %select_n3A_35, %while3A : i32
    %while3A_38 = arith.addi %while3A, %while3A_37 : i32
    %while3A_39 = arith.constant 1 : i32
    %while3A_40 = arith.divsi %while3A_37, %while3A_39 : i32
    %while3A_41 = arith.muli %while3A_40, %while3A_39 : i32
    %while3A_42 = arith.addi %while3A, %while3A_41 : i32
    %while3A_43 = arith.constant 1 : i32
    %while3A_44 = scf.for %while3A_108 = %while3A to %while3A_42 step %while3A_43 iter_args(%while3A_109 = %while3A_36) -> (i32)  : i32 {
      %mul3A_110 = arith.constant 128 : i32
      %mul3A_111 = arith.muli %while3A_108, %mul3A_110 : i32
      %dma_start3A = tpu.memref_slice %arg7[%mul3A_111] : memref<5120xi32, #tpu.memory_space<vmem>> -> memref<128xi32, #tpu.memory_space<vmem>>
      %dma_start3A_112 = arith.constant 0 : i32
      %dma_start3A_113 = arith.constant 0 : i32
      %dma_start3A_114 = tpu.memref_slice %arg2[%dma_start3A_112, %dma_start3A_113] : memref<10240x256xf32, #tpu.memory_space<hbm>> -> memref<10240x256xf32, #tpu.memory_space<hbm>>
      tpu.enqueue_indirect_dma source(%dma_start3A_114 : memref<10240x256xf32, #tpu.memory_space<hbm>>) target(%arg9 : memref<128x256xf32, #tpu.memory_space<vmem>>) offsets(%dma_start3A : memref<128xi32, #tpu.memory_space<vmem>>) semaphore(%arg13 : memref<!tpu.dma_semaphore, #tpu.memory_space<semaphore_mem>>)
      %dma_wait3A = tpu.memref_slice %arg7[%mul3A_111] : memref<5120xi32, #tpu.memory_space<vmem>> -> memref<128xi32, #tpu.memory_space<vmem>>
      %dma_wait3A_115 = arith.constant 0 : i32
      %dma_wait3A_116 = arith.constant 0 : i32
      %dma_wait3A_117 = tpu.memref_slice %arg2[%dma_wait3A_115, %dma_wait3A_116] : memref<10240x256xf32, #tpu.memory_space<hbm>> -> memref<10240x256xf32, #tpu.memory_space<hbm>>
      tpu.wait_indirect_dma semaphore(%arg13 : memref<!tpu.dma_semaphore, #tpu.memory_space<semaphore_mem>>) src(%dma_wait3A_117 : memref<10240x256xf32, #tpu.memory_space<hbm>>) dst(%arg9 : memref<128x256xf32, #tpu.memory_space<vmem>>)
      %mul3A_118 = arith.constant 128 : i32
      %mul3A_119 = arith.muli %while3A_108, %mul3A_118 : i32
      %add3A_120 = arith.constant 0 : i32
      %add3A_121 = arith.addi %mul3A_119, %add3A_120 : i32
      %get3A_122 = arith.index_cast %add3A_121 : i32 to index
      %get3A_123 = tpu.vector_load %arg8[%get3A_122] {strides = array<i32>} : memref<5120xi32, #tpu.memory_space<vmem>>, vector<16xi32>,
      %dma_start3A_124 = arith.constant 0 : i32
      %dma_start3A_125 = arith.constant 0 : i32
      %dma_start3A_126 = tpu.memref_slice %arg9[%dma_start3A_124, %dma_start3A_125] : memref<128x256xf32, #tpu.memory_space<vmem>> -> memref<16x256xf32, #tpu.memory_space<vmem>>
      %dma_start3A_127 = arith.constant 0 : i32
      %dma_start3A_128 = arith.constant 0 : i32
      %dma_start3A_129 = tpu.memref_slice %arg12[%dma_start3A_127, %dma_start3A_128] : memref<5120x256xf32, #tpu.memory_space<vmem_shared>> -> memref<5120x256xf32, #tpu.memory_space<vmem_shared>>
      tpu.enqueue_indirect_dma source(%dma_start3A_126 : memref<16x256xf32, #tpu.memory_space<vmem>>) target(%dma_start3A_129 : memref<5120x256xf32, #tpu.memory_space<vmem_shared>>) offsets(%get3A_123 : vector<16xi32>) semaphore(%arg14 : memref<!tpu.dma_semaphore, #tpu.memory_space<semaphore_mem>>) {add = true}
      %mul3A_130 = arith.constant 128 : i32
      %mul3A_131 = arith.muli %while3A_108, %mul3A_130 : i32
      %add3A_132 = arith.constant 16 : i32
      %add3A_133 = arith.addi %mul3A_131, %add3A_132 : i32
      %get3A_134 = arith.index_cast %add3A_133 : i32 to index
      %get3A_135 = tpu.vector_load %arg8[%get3A_134] {strides = array<i32>} : memref<5120xi32, #tpu.memory_space<vmem>>, vector<16xi32>,
      %dma_start3A_136 = arith.constant 16 : i32
      %dma_start3A_137 = arith.constant 0 : i32
      %dma_start3A_138 = tpu.memref_slice %arg9[%dma_start3A_136, %dma_start3A_137] : memref<128x256xf32, #tpu.memory_space<vmem>> -> memref<16x256xf32, #tpu.memory_space<vmem>>
      %dma_start3A_139 = arith.constant 0 : i32
      %dma_start3A_140 = arith.constant 0 : i32
      %dma_start3A_141 = tpu.memref_slice %arg12[%dma_start3A_139, %dma_start3A_140] : memref<5120x256xf32, #tpu.memory_space<vmem_shared>> -> memref<5120x256xf32, #tpu.memory_space<vmem_shared>>
      tpu.enqueue_indirect_dma source(%dma_start3A_138 : memref<16x256xf32, #tpu.memory_space<vmem>>) target(%dma_start3A_141 : memref<5120x256xf32, #tpu.memory_space<vmem_shared>>) offsets(%get3A_135 : vector<16xi32>) semaphore(%arg14 : memref<!tpu.dma_semaphore, #tpu.memory_space<semaphore_mem>>) {add = true}
      %mul3A_142 = arith.constant 128 : i32
      %mul3A_143 = arith.muli %while3A_108, %mul3A_142 : i32
      %add3A_144 = arith.constant 32 : i32
      %add3A_145 = arith.addi %mul3A_143, %add3A_144 : i32
      %get3A_146 = arith.index_cast %add3A_145 : i32 to index
      %get3A_147 = tpu.vector_load %arg8[%get3A_146] {strides = array<i32>} : memref<5120xi32, #tpu.memory_space<vmem>>, vector<16xi32>,
      %dma_start3A_148 = arith.constant 32 : i32
      %dma_start3A_149 = arith.constant 0 : i32
      %dma_start3A_150 = tpu.memref_slice %arg9[%dma_start3A_148, %dma_start3A_149] : memref<128x256xf32, #tpu.memory_space<vmem>> -> memref<16x256xf32, #tpu.memory_space<vmem>>
      %dma_start3A_151 = arith.constant 0 : i32
      %dma_start3A_152 = arith.constant 0 : i32
      %dma_start3A_153 = tpu.memref_slice %arg12[%dma_start3A_151, %dma_start3A_152] : memref<5120x256xf32, #tpu.memory_space<vmem_shared>> -> memref<5120x256xf32, #tpu.memory_space<vmem_shared>>
      tpu.enqueue_indirect_dma source(%dma_start3A_150 : memref<16x256xf32, #tpu.memory_space<vmem>>) target(%dma_start3A_153 : memref<5120x256xf32, #tpu.memory_space<vmem_shared>>) offsets(%get3A_147 : vector<16xi32>) semaphore(%arg14 : memref<!tpu.dma_semaphore, #tpu.memory_space<semaphore_mem>>) {add = true}
      %mul3A_154 = arith.constant 128 : i32
      %mul3A_155 = arith.muli %while3A_108, %mul3A_154 : i32
      %add3A_156 = arith.constant 48 : i32
      %add3A_157 = arith.addi %mul3A_155, %add3A_156 : i32
      %get3A_158 = arith.index_cast %add3A_157 : i32 to index
      %get3A_159 = tpu.vector_load %arg8[%get3A_158] {strides = array<i32>} : memref<5120xi32, #tpu.memory_space<vmem>>, vector<16xi32>,
      %dma_start3A_160 = arith.constant 48 : i32
      %dma_start3A_161 = arith.constant 0 : i32
      %dma_start3A_162 = tpu.memref_slice %arg9[%dma_start3A_160, %dma_start3A_161] : memref<128x256xf32, #tpu.memory_space<vmem>> -> memref<16x256xf32, #tpu.memory_space<vmem>>
      %dma_start3A_163 = arith.constant 0 : i32
      %dma_start3A_164 = arith.constant 0 : i32
      %dma_start3A_165 = tpu.memref_slice %arg12[%dma_start3A_163, %dma_start3A_164] : memref<5120x256xf32, #tpu.memory_space<vmem_shared>> -> memref<5120x256xf32, #tpu.memory_space<vmem_shared>>
      tpu.enqueue_indirect_dma source(%dma_start3A_162 : memref<16x256xf32, #tpu.memory_space<vmem>>) target(%dma_start3A_165 : memref<5120x256xf32, #tpu.memory_space<vmem_shared>>) offsets(%get3A_159 : vector<16xi32>) semaphore(%arg14 : memref<!tpu.dma_semaphore, #tpu.memory_space<semaphore_mem>>) {add = true}
      %mul3A_166 = arith.constant 128 : i32
      %mul3A_167 = arith.muli %while3A_108, %mul3A_166 : i32
      %add3A_168 = arith.constant 64 : i32
      %add3A_169 = arith.addi %mul3A_167, %add3A_168 : i32
      %get3A_170 = arith.index_cast %add3A_169 : i32 to index
      %get3A_171 = tpu.vector_load %arg8[%get3A_170] {strides = array<i32>} : memref<5120xi32, #tpu.memory_space<vmem>>, vector<16xi32>,
      %dma_start3A_172 = arith.constant 64 : i32
      %dma_start3A_173 = arith.constant 0 : i32
      %dma_start3A_174 = tpu.memref_slice %arg9[%dma_start3A_172, %dma_start3A_173] : memref<128x256xf32, #tpu.memory_space<vmem>> -> memref<16x256xf32, #tpu.memory_space<vmem>>
      %dma_start3A_175 = arith.constant 0 : i32
      %dma_start3A_176 = arith.constant 0 : i32
      %dma_start3A_177 = tpu.memref_slice %arg12[%dma_start3A_175, %dma_start3A_176] : memref<5120x256xf32, #tpu.memory_space<vmem_shared>> -> memref<5120x256xf32, #tpu.memory_space<vmem_shared>>
      tpu.enqueue_indirect_dma source(%dma_start3A_174 : memref<16x256xf32, #tpu.memory_space<vmem>>) target(%dma_start3A_177 : memref<5120x256xf32, #tpu.memory_space<vmem_shared>>) offsets(%get3A_171 : vector<16xi32>) semaphore(%arg14 : memref<!tpu.dma_semaphore, #tpu.memory_space<semaphore_mem>>) {add = true}
      %mul3A_178 = arith.constant 128 : i32
      %mul3A_179 = arith.muli %while3A_108, %mul3A_178 : i32
      %add3A_180 = arith.constant 80 : i32
      %add3A_181 = arith.addi %mul3A_179, %add3A_180 : i32
      %get3A_182 = arith.index_cast %add3A_181 : i32 to index
      %get3A_183 = tpu.vector_load %arg8[%get3A_182] {strides = array<i32>} : memref<5120xi32, #tpu.memory_space<vmem>>, vector<16xi32>,
      %dma_start3A_184 = arith.constant 80 : i32
      %dma_start3A_185 = arith.constant 0 : i32
      %dma_start3A_186 = tpu.memref_slice %arg9[%dma_start3A_184, %dma_start3A_185] : memref<128x256xf32, #tpu.memory_space<vmem>> -> memref<16x256xf32, #tpu.memory_space<vmem>>
      %dma_start3A_187 = arith.constant 0 : i32
      %dma_start3A_188 = arith.constant 0 : i32
      %dma_start3A_189 = tpu.memref_slice %arg12[%dma_start3A_187, %dma_start3A_188] : memref<5120x256xf32, #tpu.memory_space<vmem_shared>> -> memref<5120x256xf32, #tpu.memory_space<vmem_shared>>
      tpu.enqueue_indirect_dma source(%dma_start3A_186 : memref<16x256xf32, #tpu.memory_space<vmem>>) target(%dma_start3A_189 : memref<5120x256xf32, #tpu.memory_space<vmem_shared>>) offsets(%get3A_183 : vector<16xi32>) semaphore(%arg14 : memref<!tpu.dma_semaphore, #tpu.memory_space<semaphore_mem>>) {add = true}
      %mul3A_190 = arith.constant 128 : i32
      %mul3A_191 = arith.muli %while3A_108, %mul3A_190 : i32
      %add3A_192 = arith.constant 96 : i32
      %add3A_193 = arith.addi %mul3A_191, %add3A_192 : i32
      %get3A_194 = arith.index_cast %add3A_193 : i32 to index
      %get3A_195 = tpu.vector_load %arg8[%get3A_194] {strides = array<i32>} : memref<5120xi32, #tpu.memory_space<vmem>>, vector<16xi32>,
      %dma_start3A_196 = arith.constant 96 : i32
      %dma_start3A_197 = arith.constant 0 : i32
      %dma_start3A_198 = tpu.memref_slice %arg9[%dma_start3A_196, %dma_start3A_197] : memref<128x256xf32, #tpu.memory_space<vmem>> -> memref<16x256xf32, #tpu.memory_space<vmem>>
      %dma_start3A_199 = arith.constant 0 : i32
      %dma_start3A_200 = arith.constant 0 : i32
      %dma_start3A_201 = tpu.memref_slice %arg12[%dma_start3A_199, %dma_start3A_200] : memref<5120x256xf32, #tpu.memory_space<vmem_shared>> -> memref<5120x256xf32, #tpu.memory_space<vmem_shared>>
      tpu.enqueue_indirect_dma source(%dma_start3A_198 : memref<16x256xf32, #tpu.memory_space<vmem>>) target(%dma_start3A_201 : memref<5120x256xf32, #tpu.memory_space<vmem_shared>>) offsets(%get3A_195 : vector<16xi32>) semaphore(%arg14 : memref<!tpu.dma_semaphore, #tpu.memory_space<semaphore_mem>>) {add = true}
      %mul3A_202 = arith.constant 128 : i32
      %mul3A_203 = arith.muli %while3A_108, %mul3A_202 : i32
      %add3A_204 = arith.constant 112 : i32
      %add3A_205 = arith.addi %mul3A_203, %add3A_204 : i32
      %get3A_206 = arith.index_cast %add3A_205 : i32 to index
      %get3A_207 = tpu.vector_load %arg8[%get3A_206] {strides = array<i32>} : memref<5120xi32, #tpu.memory_space<vmem>>, vector<16xi32>,
      %dma_start3A_208 = arith.constant 112 : i32
      %dma_start3A_209 = arith.constant 0 : i32
      %dma_start3A_210 = tpu.memref_slice %arg9[%dma_start3A_208, %dma_start3A_209] : memref<128x256xf32, #tpu.memory_space<vmem>> -> memref<16x256xf32, #tpu.memory_space<vmem>>
      %dma_start3A_211 = arith.constant 0 : i32
      %dma_start3A_212 = arith.constant 0 : i32
      %dma_start3A_213 = tpu.memref_slice %arg12[%dma_start3A_211, %dma_start3A_212] : memref<5120x256xf32, #tpu.memory_space<vmem_shared>> -> memref<5120x256xf32, #tpu.memory_space<vmem_shared>>
      tpu.enqueue_indirect_dma source(%dma_start3A_210 : memref<16x256xf32, #tpu.memory_space<vmem>>) target(%dma_start3A_213 : memref<5120x256xf32, #tpu.memory_space<vmem_shared>>) offsets(%get3A_207 : vector<16xi32>) semaphore(%arg14 : memref<!tpu.dma_semaphore, #tpu.memory_space<semaphore_mem>>) {add = true}
      %dma_wait3A_214 = arith.constant 0 : i32
      %dma_wait3A_215 = arith.constant 0 : i32
      %dma_wait3A_216 = tpu.memref_slice %arg9[%dma_wait3A_214, %dma_wait3A_215] : memref<128x256xf32, #tpu.memory_space<vmem>> -> memref<16x256xf32, #tpu.memory_space<vmem>>
      %dma_wait3A_217 = arith.constant 0 : i32
      %dma_wait3A_218 = arith.constant 0 : i32
      %dma_wait3A_219 = tpu.memref_slice %arg12[%dma_wait3A_217, %dma_wait3A_218] : memref<5120x256xf32, #tpu.memory_space<vmem_shared>> -> memref<5120x256xf32, #tpu.memory_space<vmem_shared>>
      tpu.wait_indirect_dma semaphore(%arg14 : memref<!tpu.dma_semaphore, #tpu.memory_space<semaphore_mem>>) src(%dma_wait3A_216 : memref<16x256xf32, #tpu.memory_space<vmem>>) dst(%dma_wait3A_219 : memref<5120x256xf32, #tpu.memory_space<vmem_shared>>)
      %dma_wait3A_220 = arith.constant 16 : i32
      %dma_wait3A_221 = arith.constant 0 : i32
      %dma_wait3A_222 = tpu.memref_slice %arg9[%dma_wait3A_220, %dma_wait3A_221] : memref<128x256xf32, #tpu.memory_space<vmem>> -> memref<16x256xf32, #tpu.memory_space<vmem>>
      %dma_wait3A_223 = arith.constant 0 : i32
      %dma_wait3A_224 = arith.constant 0 : i32
      %dma_wait3A_225 = tpu.memref_slice %arg12[%dma_wait3A_223, %dma_wait3A_224] : memref<5120x256xf32, #tpu.memory_space<vmem_shared>> -> memref<5120x256xf32, #tpu.memory_space<vmem_shared>>
      tpu.wait_indirect_dma semaphore(%arg14 : memref<!tpu.dma_semaphore, #tpu.memory_space<semaphore_mem>>) src(%dma_wait3A_222 : memref<16x256xf32, #tpu.memory_space<vmem>>) dst(%dma_wait3A_225 : memref<5120x256xf32, #tpu.memory_space<vmem_shared>>)
      %dma_wait3A_226 = arith.constant 32 : i32
      %dma_wait3A_227 = arith.constant 0 : i32
      %dma_wait3A_228 = tpu.memref_slice %arg9[%dma_wait3A_226, %dma_wait3A_227] : memref<128x256xf32, #tpu.memory_space<vmem>> -> memref<16x256xf32, #tpu.memory_space<vmem>>
      %dma_wait3A_229 = arith.constant 0 : i32
      %dma_wait3A_230 = arith.constant 0 : i32
      %dma_wait3A_231 = tpu.memref_slice %arg12[%dma_wait3A_229, %dma_wait3A_230] : memref<5120x256xf32, #tpu.memory_space<vmem_shared>> -> memref<5120x256xf32, #tpu.memory_space<vmem_shared>>
      tpu.wait_indirect_dma semaphore(%arg14 : memref<!tpu.dma_semaphore, #tpu.memory_space<semaphore_mem>>) src(%dma_wait3A_228 : memref<16x256xf32, #tpu.memory_space<vmem>>) dst(%dma_wait3A_231 : memref<5120x256xf32, #tpu.memory_space<vmem_shared>>)
      %dma_wait3A_232 = arith.constant 48 : i32
      %dma_wait3A_233 = arith.constant 0 : i32
      %dma_wait3A_234 = tpu.memref_slice %arg9[%dma_wait3A_232, %dma_wait3A_233] : memref<128x256xf32, #tpu.memory_space<vmem>> -> memref<16x256xf32, #tpu.memory_space<vmem>>
      %dma_wait3A_235 = arith.constant 0 : i32
      %dma_wait3A_236 = arith.constant 0 : i32
      %dma_wait3A_237 = tpu.memref_slice %arg12[%dma_wait3A_235, %dma_wait3A_236] : memref<5120x256xf32, #tpu.memory_space<vmem_shared>> -> memref<5120x256xf32, #tpu.memory_space<vmem_shared>>
      tpu.wait_indirect_dma semaphore(%arg14 : memref<!tpu.dma_semaphore, #tpu.memory_space<semaphore_mem>>) src(%dma_wait3A_234 : memref<16x256xf32, #tpu.memory_space<vmem>>) dst(%dma_wait3A_237 : memref<5120x256xf32, #tpu.memory_space<vmem_shared>>)
      %dma_wait3A_238 = arith.constant 64 : i32
      %dma_wait3A_239 = arith.constant 0 : i32
      %dma_wait3A_240 = tpu.memref_slice %arg9[%dma_wait3A_238, %dma_wait3A_239] : memref<128x256xf32, #tpu.memory_space<vmem>> -> memref<16x256xf32, #tpu.memory_space<vmem>>
      %dma_wait3A_241 = arith.constant 0 : i32
      %dma_wait3A_242 = arith.constant 0 : i32
      %dma_wait3A_243 = tpu.memref_slice %arg12[%dma_wait3A_241, %dma_wait3A_242] : memref<5120x256xf32, #tpu.memory_space<vmem_shared>> -> memref<5120x256xf32, #tpu.memory_space<vmem_shared>>
      tpu.wait_indirect_dma semaphore(%arg14 : memref<!tpu.dma_semaphore, #tpu.memory_space<semaphore_mem>>) src(%dma_wait3A_240 : memref<16x256xf32, #tpu.memory_space<vmem>>) dst(%dma_wait3A_243 : memref<5120x256xf32, #tpu.memory_space<vmem_shared>>)
      %dma_wait3A_244 = arith.constant 80 : i32
      %dma_wait3A_245 = arith.constant 0 : i32
      %dma_wait3A_246 = tpu.memref_slice %arg9[%dma_wait3A_244, %dma_wait3A_245] : memref<128x256xf32, #tpu.memory_space<vmem>> -> memref<16x256xf32, #tpu.memory_space<vmem>>
      %dma_wait3A_247 = arith.constant 0 : i32
      %dma_wait3A_248 = arith.constant 0 : i32
      %dma_wait3A_249 = tpu.memref_slice %arg12[%dma_wait3A_247, %dma_wait3A_248] : memref<5120x256xf32, #tpu.memory_space<vmem_shared>> -> memref<5120x256xf32, #tpu.memory_space<vmem_shared>>
      tpu.wait_indirect_dma semaphore(%arg14 : memref<!tpu.dma_semaphore, #tpu.memory_space<semaphore_mem>>) src(%dma_wait3A_246 : memref<16x256xf32, #tpu.memory_space<vmem>>) dst(%dma_wait3A_249 : memref<5120x256xf32, #tpu.memory_space<vmem_shared>>)
      %dma_wait3A_250 = arith.constant 96 : i32
      %dma_wait3A_251 = arith.constant 0 : i32
      %dma_wait3A_252 = tpu.memref_slice %arg9[%dma_wait3A_250, %dma_wait3A_251] : memref<128x256xf32, #tpu.memory_space<vmem>> -> memref<16x256xf32, #tpu.memory_space<vmem>>
      %dma_wait3A_253 = arith.constant 0 : i32
      %dma_wait3A_254 = arith.constant 0 : i32
      %dma_wait3A_255 = tpu.memref_slice %arg12[%dma_wait3A_253, %dma_wait3A_254] : memref<5120x256xf32, #tpu.memory_space<vmem_shared>> -> memref<5120x256xf32, #tpu.memory_space<vmem_shared>>
      tpu.wait_indirect_dma semaphore(%arg14 : memref<!tpu.dma_semaphore, #tpu.memory_space<semaphore_mem>>) src(%dma_wait3A_252 : memref<16x256xf32, #tpu.memory_space<vmem>>) dst(%dma_wait3A_255 : memref<5120x256xf32, #tpu.memory_space<vmem_shared>>)
      %dma_wait3A_256 = arith.constant 112 : i32
      %dma_wait3A_257 = arith.constant 0 : i32
      %dma_wait3A_258 = tpu.memref_slice %arg9[%dma_wait3A_256, %dma_wait3A_257] : memref<128x256xf32, #tpu.memory_space<vmem>> -> memref<16x256xf32, #tpu.memory_space<vmem>>
      %dma_wait3A_259 = arith.constant 0 : i32
      %dma_wait3A_260 = arith.constant 0 : i32
      %dma_wait3A_261 = tpu.memref_slice %arg12[%dma_wait3A_259, %dma_wait3A_260] : memref<5120x256xf32, #tpu.memory_space<vmem_shared>> -> memref<5120x256xf32, #tpu.memory_space<vmem_shared>>
      tpu.wait_indirect_dma semaphore(%arg14 : memref<!tpu.dma_semaphore, #tpu.memory_space<semaphore_mem>>) src(%dma_wait3A_258 : memref<16x256xf32, #tpu.memory_space<vmem>>) dst(%dma_wait3A_261 : memref<5120x256xf32, #tpu.memory_space<vmem_shared>>)
      %while3A_262 = arith.constant 0 : i32
      scf.yield %while3A_262 : i32
    }
    %while3A_45 = arith.constant 1 : i32
    %while3A_46 = scf.for %while3A_108 = %while3A_42 to %while3A_38 step %while3A_45 iter_args(%while3A_109 = %while3A_44) -> (i32)  : i32 {
      %mul3A_110 = arith.constant 128 : i32
      %mul3A_111 = arith.muli %while3A_108, %mul3A_110 : i32
      %dma_start3A = tpu.memref_slice %arg7[%mul3A_111] : memref<5120xi32, #tpu.memory_space<vmem>> -> memref<128xi32, #tpu.memory_space<vmem>>
      %dma_start3A_112 = arith.constant 0 : i32
      %dma_start3A_113 = arith.constant 0 : i32
      %dma_start3A_114 = tpu.memref_slice %arg2[%dma_start3A_112, %dma_start3A_113] : memref<10240x256xf32, #tpu.memory_space<hbm>> -> memref<10240x256xf32, #tpu.memory_space<hbm>>
      tpu.enqueue_indirect_dma source(%dma_start3A_114 : memref<10240x256xf32, #tpu.memory_space<hbm>>) target(%arg9 : memref<128x256xf32, #tpu.memory_space<vmem>>) offsets(%dma_start3A : memref<128xi32, #tpu.memory_space<vmem>>) semaphore(%arg13 : memref<!tpu.dma_semaphore, #tpu.memory_space<semaphore_mem>>)
      %dma_wait3A = tpu.memref_slice %arg7[%mul3A_111] : memref<5120xi32, #tpu.memory_space<vmem>> -> memref<128xi32, #tpu.memory_space<vmem>>
      %dma_wait3A_115 = arith.constant 0 : i32
      %dma_wait3A_116 = arith.constant 0 : i32
      %dma_wait3A_117 = tpu.memref_slice %arg2[%dma_wait3A_115, %dma_wait3A_116] : memref<10240x256xf32, #tpu.memory_space<hbm>> -> memref<10240x256xf32, #tpu.memory_space<hbm>>
      tpu.wait_indirect_dma semaphore(%arg13 : memref<!tpu.dma_semaphore, #tpu.memory_space<semaphore_mem>>) src(%dma_wait3A_117 : memref<10240x256xf32, #tpu.memory_space<hbm>>) dst(%arg9 : memref<128x256xf32, #tpu.memory_space<vmem>>)
      %mul3A_118 = arith.constant 128 : i32
      %mul3A_119 = arith.muli %while3A_108, %mul3A_118 : i32
      %add3A_120 = arith.constant 0 : i32
      %add3A_121 = arith.addi %mul3A_119, %add3A_120 : i32
      %get3A_122 = arith.index_cast %add3A_121 : i32 to index
      %get3A_123 = tpu.vector_load %arg8[%get3A_122] {strides = array<i32>} : memref<5120xi32, #tpu.memory_space<vmem>>, vector<16xi32>,
      %dma_start3A_124 = arith.constant 0 : i32
      %dma_start3A_125 = arith.constant 0 : i32
      %dma_start3A_126 = tpu.memref_slice %arg9[%dma_start3A_124, %dma_start3A_125] : memref<128x256xf32, #tpu.memory_space<vmem>> -> memref<16x256xf32, #tpu.memory_space<vmem>>
      %dma_start3A_127 = arith.constant 0 : i32
      %dma_start3A_128 = arith.constant 0 : i32
      %dma_start3A_129 = tpu.memref_slice %arg12[%dma_start3A_127, %dma_start3A_128] : memref<5120x256xf32, #tpu.memory_space<vmem_shared>> -> memref<5120x256xf32, #tpu.memory_space<vmem_shared>>
      tpu.enqueue_indirect_dma source(%dma_start3A_126 : memref<16x256xf32, #tpu.memory_space<vmem>>) target(%dma_start3A_129 : memref<5120x256xf32, #tpu.memory_space<vmem_shared>>) offsets(%get3A_123 : vector<16xi32>) semaphore(%arg14 : memref<!tpu.dma_semaphore, #tpu.memory_space<semaphore_mem>>) {add = true}
      %mul3A_130 = arith.constant 128 : i32
      %mul3A_131 = arith.muli %while3A_108, %mul3A_130 : i32
      %add3A_132 = arith.constant 16 : i32
      %add3A_133 = arith.addi %mul3A_131, %add3A_132 : i32
      %get3A_134 = arith.index_cast %add3A_133 : i32 to index
      %get3A_135 = tpu.vector_load %arg8[%get3A_134] {strides = array<i32>} : memref<5120xi32, #tpu.memory_space<vmem>>, vector<16xi32>,
      %dma_start3A_136 = arith.constant 16 : i32
      %dma_start3A_137 = arith.constant 0 : i32
      %dma_start3A_138 = tpu.memref_slice %arg9[%dma_start3A_136, %dma_start3A_137] : memref<128x256xf32, #tpu.memory_space<vmem>> -> memref<16x256xf32, #tpu.memory_space<vmem>>
      %dma_start3A_139 = arith.constant 0 : i32
      %dma_start3A_140 = arith.constant 0 : i32
      %dma_start3A_141 = tpu.memref_slice %arg12[%dma_start3A_139, %dma_start3A_140] : memref<5120x256xf32, #tpu.memory_space<vmem_shared>> -> memref<5120x256xf32, #tpu.memory_space<vmem_shared>>
      tpu.enqueue_indirect_dma source(%dma_start3A_138 : memref<16x256xf32, #tpu.memory_space<vmem>>) target(%dma_start3A_141 : memref<5120x256xf32, #tpu.memory_space<vmem_shared>>) offsets(%get3A_135 : vector<16xi32>) semaphore(%arg14 : memref<!tpu.dma_semaphore, #tpu.memory_space<semaphore_mem>>) {add = true}
      %mul3A_142 = arith.constant 128 : i32
      %mul3A_143 = arith.muli %while3A_108, %mul3A_142 : i32
      %add3A_144 = arith.constant 32 : i32
      %add3A_145 = arith.addi %mul3A_143, %add3A_144 : i32
      %get3A_146 = arith.index_cast %add3A_145 : i32 to index
      %get3A_147 = tpu.vector_load %arg8[%get3A_146] {strides = array<i32>} : memref<5120xi32, #tpu.memory_space<vmem>>, vector<16xi32>,
      %dma_start3A_148 = arith.constant 32 : i32
      %dma_start3A_149 = arith.constant 0 : i32
      %dma_start3A_150 = tpu.memref_slice %arg9[%dma_start3A_148, %dma_start3A_149] : memref<128x256xf32, #tpu.memory_space<vmem>> -> memref<16x256xf32, #tpu.memory_space<vmem>>
      %dma_start3A_151 = arith.constant 0 : i32
      %dma_start3A_152 = arith.constant 0 : i32
      %dma_start3A_153 = tpu.memref_slice %arg12[%dma_start3A_151, %dma_start3A_152] : memref<5120x256xf32, #tpu.memory_space<vmem_shared>> -> memref<5120x256xf32, #tpu.memory_space<vmem_shared>>
      tpu.enqueue_indirect_dma source(%dma_start3A_150 : memref<16x256xf32, #tpu.memory_space<vmem>>) target(%dma_start3A_153 : memref<5120x256xf32, #tpu.memory_space<vmem_shared>>) offsets(%get3A_147 : vector<16xi32>) semaphore(%arg14 : memref<!tpu.dma_semaphore, #tpu.memory_space<semaphore_mem>>) {add = true}
      %mul3A_154 = arith.constant 128 : i32
      %mul3A_155 = arith.muli %while3A_108, %mul3A_154 : i32
      %add3A_156 = arith.constant 48 : i32
      %add3A_157 = arith.addi %mul3A_155, %add3A_156 : i32
      %get3A_158 = arith.index_cast %add3A_157 : i32 to index
      %get3A_159 = tpu.vector_load %arg8[%get3A_158] {strides = array<i32>} : memref<5120xi32, #tpu.memory_space<vmem>>, vector<16xi32>,
      %dma_start3A_160 = arith.constant 48 : i32
      %dma_start3A_161 = arith.constant 0 : i32
      %dma_start3A_162 = tpu.memref_slice %arg9[%dma_start3A_160, %dma_start3A_161] : memref<128x256xf32, #tpu.memory_space<vmem>> -> memref<16x256xf32, #tpu.memory_space<vmem>>
      %dma_start3A_163 = arith.constant 0 : i32
      %dma_start3A_164 = arith.constant 0 : i32
      %dma_start3A_165 = tpu.memref_slice %arg12[%dma_start3A_163, %dma_start3A_164] : memref<5120x256xf32, #tpu.memory_space<vmem_shared>> -> memref<5120x256xf32, #tpu.memory_space<vmem_shared>>
      tpu.enqueue_indirect_dma source(%dma_start3A_162 : memref<16x256xf32, #tpu.memory_space<vmem>>) target(%dma_start3A_165 : memref<5120x256xf32, #tpu.memory_space<vmem_shared>>) offsets(%get3A_159 : vector<16xi32>) semaphore(%arg14 : memref<!tpu.dma_semaphore, #tpu.memory_space<semaphore_mem>>) {add = true}
      %mul3A_166 = arith.constant 128 : i32
      %mul3A_167 = arith.muli %while3A_108, %mul3A_166 : i32
      %add3A_168 = arith.constant 64 : i32
      %add3A_169 = arith.addi %mul3A_167, %add3A_168 : i32
      %get3A_170 = arith.index_cast %add3A_169 : i32 to index
      %get3A_171 = tpu.vector_load %arg8[%get3A_170] {strides = array<i32>} : memref<5120xi32, #tpu.memory_space<vmem>>, vector<16xi32>,
      %dma_start3A_172 = arith.constant 64 : i32
      %dma_start3A_173 = arith.constant 0 : i32
      %dma_start3A_174 = tpu.memref_slice %arg9[%dma_start3A_172, %dma_start3A_173] : memref<128x256xf32, #tpu.memory_space<vmem>> -> memref<16x256xf32, #tpu.memory_space<vmem>>
      %dma_start3A_175 = arith.constant 0 : i32
      %dma_start3A_176 = arith.constant 0 : i32
      %dma_start3A_177 = tpu.memref_slice %arg12[%dma_start3A_175, %dma_start3A_176] : memref<5120x256xf32, #tpu.memory_space<vmem_shared>> -> memref<5120x256xf32, #tpu.memory_space<vmem_shared>>
      tpu.enqueue_indirect_dma source(%dma_start3A_174 : memref<16x256xf32, #tpu.memory_space<vmem>>) target(%dma_start3A_177 : memref<5120x256xf32, #tpu.memory_space<vmem_shared>>) offsets(%get3A_171 : vector<16xi32>) semaphore(%arg14 : memref<!tpu.dma_semaphore, #tpu.memory_space<semaphore_mem>>) {add = true}
      %mul3A_178 = arith.constant 128 : i32
      %mul3A_179 = arith.muli %while3A_108, %mul3A_178 : i32
      %add3A_180 = arith.constant 80 : i32
      %add3A_181 = arith.addi %mul3A_179, %add3A_180 : i32
      %get3A_182 = arith.index_cast %add3A_181 : i32 to index
      %get3A_183 = tpu.vector_load %arg8[%get3A_182] {strides = array<i32>} : memref<5120xi32, #tpu.memory_space<vmem>>, vector<16xi32>,
      %dma_start3A_184 = arith.constant 80 : i32
      %dma_start3A_185 = arith.constant 0 : i32
      %dma_start3A_186 = tpu.memref_slice %arg9[%dma_start3A_184, %dma_start3A_185] : memref<128x256xf32, #tpu.memory_space<vmem>> -> memref<16x256xf32, #tpu.memory_space<vmem>>
      %dma_start3A_187 = arith.constant 0 : i32
      %dma_start3A_188 = arith.constant 0 : i32
      %dma_start3A_189 = tpu.memref_slice %arg12[%dma_start3A_187, %dma_start3A_188] : memref<5120x256xf32, #tpu.memory_space<vmem_shared>> -> memref<5120x256xf32, #tpu.memory_space<vmem_shared>>
      tpu.enqueue_indirect_dma source(%dma_start3A_186 : memref<16x256xf32, #tpu.memory_space<vmem>>) target(%dma_start3A_189 : memref<5120x256xf32, #tpu.memory_space<vmem_shared>>) offsets(%get3A_183 : vector<16xi32>) semaphore(%arg14 : memref<!tpu.dma_semaphore, #tpu.memory_space<semaphore_mem>>) {add = true}
      %mul3A_190 = arith.constant 128 : i32
      %mul3A_191 = arith.muli %while3A_108, %mul3A_190 : i32
      %add3A_192 = arith.constant 96 : i32
      %add3A_193 = arith.addi %mul3A_191, %add3A_192 : i32
      %get3A_194 = arith.index_cast %add3A_193 : i32 to index
      %get3A_195 = tpu.vector_load %arg8[%get3A_194] {strides = array<i32>} : memref<5120xi32, #tpu.memory_space<vmem>>, vector<16xi32>,
      %dma_start3A_196 = arith.constant 96 : i32
      %dma_start3A_197 = arith.constant 0 : i32
      %dma_start3A_198 = tpu.memref_slice %arg9[%dma_start3A_196, %dma_start3A_197] : memref<128x256xf32, #tpu.memory_space<vmem>> -> memref<16x256xf32, #tpu.memory_space<vmem>>
      %dma_start3A_199 = arith.constant 0 : i32
      %dma_start3A_200 = arith.constant 0 : i32
      %dma_start3A_201 = tpu.memref_slice %arg12[%dma_start3A_199, %dma_start3A_200] : memref<5120x256xf32, #tpu.memory_space<vmem_shared>> -> memref<5120x256xf32, #tpu.memory_space<vmem_shared>>
      tpu.enqueue_indirect_dma source(%dma_start3A_198 : memref<16x256xf32, #tpu.memory_space<vmem>>) target(%dma_start3A_201 : memref<5120x256xf32, #tpu.memory_space<vmem_shared>>) offsets(%get3A_195 : vector<16xi32>) semaphore(%arg14 : memref<!tpu.dma_semaphore, #tpu.memory_space<semaphore_mem>>) {add = true}
      %mul3A_202 = arith.constant 128 : i32
      %mul3A_203 = arith.muli %while3A_108, %mul3A_202 : i32
      %add3A_204 = arith.constant 112 : i32
      %add3A_205 = arith.addi %mul3A_203, %add3A_204 : i32
      %get3A_206 = arith.index_cast %add3A_205 : i32 to index
      %get3A_207 = tpu.vector_load %arg8[%get3A_206] {strides = array<i32>} : memref<5120xi32, #tpu.memory_space<vmem>>, vector<16xi32>,
      %dma_start3A_208 = arith.constant 112 : i32
      %dma_start3A_209 = arith.constant 0 : i32
      %dma_start3A_210 = tpu.memref_slice %arg9[%dma_start3A_208, %dma_start3A_209] : memref<128x256xf32, #tpu.memory_space<vmem>> -> memref<16x256xf32, #tpu.memory_space<vmem>>
      %dma_start3A_211 = arith.constant 0 : i32
      %dma_start3A_212 = arith.constant 0 : i32
      %dma_start3A_213 = tpu.memref_slice %arg12[%dma_start3A_211, %dma_start3A_212] : memref<5120x256xf32, #tpu.memory_space<vmem_shared>> -> memref<5120x256xf32, #tpu.memory_space<vmem_shared>>
      tpu.enqueue_indirect_dma source(%dma_start3A_210 : memref<16x256xf32, #tpu.memory_space<vmem>>) target(%dma_start3A_213 : memref<5120x256xf32, #tpu.memory_space<vmem_shared>>) offsets(%get3A_207 : vector<16xi32>) semaphore(%arg14 : memref<!tpu.dma_semaphore, #tpu.memory_space<semaphore_mem>>) {add = true}
      %dma_wait3A_214 = arith.constant 0 : i32
      %dma_wait3A_215 = arith.constant 0 : i32
      %dma_wait3A_216 = tpu.memref_slice %arg9[%dma_wait3A_214, %dma_wait3A_215] : memref<128x256xf32, #tpu.memory_space<vmem>> -> memref<16x256xf32, #tpu.memory_space<vmem>>
      %dma_wait3A_217 = arith.constant 0 : i32
      %dma_wait3A_218 = arith.constant 0 : i32
      %dma_wait3A_219 = tpu.memref_slice %arg12[%dma_wait3A_217, %dma_wait3A_218] : memref<5120x256xf32, #tpu.memory_space<vmem_shared>> -> memref<5120x256xf32, #tpu.memory_space<vmem_shared>>
      tpu.wait_indirect_dma semaphore(%arg14 : memref<!tpu.dma_semaphore, #tpu.memory_space<semaphore_mem>>) src(%dma_wait3A_216 : memref<16x256xf32, #tpu.memory_space<vmem>>) dst(%dma_wait3A_219 : memref<5120x256xf32, #tpu.memory_space<vmem_shared>>)
      %dma_wait3A_220 = arith.constant 16 : i32
      %dma_wait3A_221 = arith.constant 0 : i32
      %dma_wait3A_222 = tpu.memref_slice %arg9[%dma_wait3A_220, %dma_wait3A_221] : memref<128x256xf32, #tpu.memory_space<vmem>> -> memref<16x256xf32, #tpu.memory_space<vmem>>
      %dma_wait3A_223 = arith.constant 0 : i32
      %dma_wait3A_224 = arith.constant 0 : i32
      %dma_wait3A_225 = tpu.memref_slice %arg12[%dma_wait3A_223, %dma_wait3A_224] : memref<5120x256xf32, #tpu.memory_space<vmem_shared>> -> memref<5120x256xf32, #tpu.memory_space<vmem_shared>>
      tpu.wait_indirect_dma semaphore(%arg14 : memref<!tpu.dma_semaphore, #tpu.memory_space<semaphore_mem>>) src(%dma_wait3A_222 : memref<16x256xf32, #tpu.memory_space<vmem>>) dst(%dma_wait3A_225 : memref<5120x256xf32, #tpu.memory_space<vmem_shared>>)
      %dma_wait3A_226 = arith.constant 32 : i32
      %dma_wait3A_227 = arith.constant 0 : i32
      %dma_wait3A_228 = tpu.memref_slice %arg9[%dma_wait3A_226, %dma_wait3A_227] : memref<128x256xf32, #tpu.memory_space<vmem>> -> memref<16x256xf32, #tpu.memory_space<vmem>>
      %dma_wait3A_229 = arith.constant 0 : i32
      %dma_wait3A_230 = arith.constant 0 : i32
      %dma_wait3A_231 = tpu.memref_slice %arg12[%dma_wait3A_229, %dma_wait3A_230] : memref<5120x256xf32, #tpu.memory_space<vmem_shared>> -> memref<5120x256xf32, #tpu.memory_space<vmem_shared>>
      tpu.wait_indirect_dma semaphore(%arg14 : memref<!tpu.dma_semaphore, #tpu.memory_space<semaphore_mem>>) src(%dma_wait3A_228 : memref<16x256xf32, #tpu.memory_space<vmem>>) dst(%dma_wait3A_231 : memref<5120x256xf32, #tpu.memory_space<vmem_shared>>)
      %dma_wait3A_232 = arith.constant 48 : i32
      %dma_wait3A_233 = arith.constant 0 : i32
      %dma_wait3A_234 = tpu.memref_slice %arg9[%dma_wait3A_232, %dma_wait3A_233] : memref<128x256xf32, #tpu.memory_space<vmem>> -> memref<16x256xf32, #tpu.memory_space<vmem>>
      %dma_wait3A_235 = arith.constant 0 : i32
      %dma_wait3A_236 = arith.constant 0 : i32
      %dma_wait3A_237 = tpu.memref_slice %arg12[%dma_wait3A_235, %dma_wait3A_236] : memref<5120x256xf32, #tpu.memory_space<vmem_shared>> -> memref<5120x256xf32, #tpu.memory_space<vmem_shared>>
      tpu.wait_indirect_dma semaphore(%arg14 : memref<!tpu.dma_semaphore, #tpu.memory_space<semaphore_mem>>) src(%dma_wait3A_234 : memref<16x256xf32, #tpu.memory_space<vmem>>) dst(%dma_wait3A_237 : memref<5120x256xf32, #tpu.memory_space<vmem_shared>>)
      %dma_wait3A_238 = arith.constant 64 : i32
      %dma_wait3A_239 = arith.constant 0 : i32
      %dma_wait3A_240 = tpu.memref_slice %arg9[%dma_wait3A_238, %dma_wait3A_239] : memref<128x256xf32, #tpu.memory_space<vmem>> -> memref<16x256xf32, #tpu.memory_space<vmem>>
      %dma_wait3A_241 = arith.constant 0 : i32
      %dma_wait3A_242 = arith.constant 0 : i32
      %dma_wait3A_243 = tpu.memref_slice %arg12[%dma_wait3A_241, %dma_wait3A_242] : memref<5120x256xf32, #tpu.memory_space<vmem_shared>> -> memref<5120x256xf32, #tpu.memory_space<vmem_shared>>
      tpu.wait_indirect_dma semaphore(%arg14 : memref<!tpu.dma_semaphore, #tpu.memory_space<semaphore_mem>>) src(%dma_wait3A_240 : memref<16x256xf32, #tpu.memory_space<vmem>>) dst(%dma_wait3A_243 : memref<5120x256xf32, #tpu.memory_space<vmem_shared>>)
      %dma_wait3A_244 = arith.constant 80 : i32
      %dma_wait3A_245 = arith.constant 0 : i32
      %dma_wait3A_246 = tpu.memref_slice %arg9[%dma_wait3A_244, %dma_wait3A_245] : memref<128x256xf32, #tpu.memory_space<vmem>> -> memref<16x256xf32, #tpu.memory_space<vmem>>
      %dma_wait3A_247 = arith.constant 0 : i32
      %dma_wait3A_248 = arith.constant 0 : i32
      %dma_wait3A_249 = tpu.memref_slice %arg12[%dma_wait3A_247, %dma_wait3A_248] : memref<5120x256xf32, #tpu.memory_space<vmem_shared>> -> memref<5120x256xf32, #tpu.memory_space<vmem_shared>>
      tpu.wait_indirect_dma semaphore(%arg14 : memref<!tpu.dma_semaphore, #tpu.memory_space<semaphore_mem>>) src(%dma_wait3A_246 : memref<16x256xf32, #tpu.memory_space<vmem>>) dst(%dma_wait3A_249 : memref<5120x256xf32, #tpu.memory_space<vmem_shared>>)
      %dma_wait3A_250 = arith.constant 96 : i32
      %dma_wait3A_251 = arith.constant 0 : i32
      %dma_wait3A_252 = tpu.memref_slice %arg9[%dma_wait3A_250, %dma_wait3A_251] : memref<128x256xf32, #tpu.memory_space<vmem>> -> memref<16x256xf32, #tpu.memory_space<vmem>>
      %dma_wait3A_253 = arith.constant 0 : i32
      %dma_wait3A_254 = arith.constant 0 : i32
      %dma_wait3A_255 = tpu.memref_slice %arg12[%dma_wait3A_253, %dma_wait3A_254] : memref<5120x256xf32, #tpu.memory_space<vmem_shared>> -> memref<5120x256xf32, #tpu.memory_space<vmem_shared>>
      tpu.wait_indirect_dma semaphore(%arg14 : memref<!tpu.dma_semaphore, #tpu.memory_space<semaphore_mem>>) src(%dma_wait3A_252 : memref<16x256xf32, #tpu.memory_space<vmem>>) dst(%dma_wait3A_255 : memref<5120x256xf32, #tpu.memory_space<vmem_shared>>)
      %dma_wait3A_256 = arith.constant 112 : i32
      %dma_wait3A_257 = arith.constant 0 : i32
      %dma_wait3A_258 = tpu.memref_slice %arg9[%dma_wait3A_256, %dma_wait3A_257] : memref<128x256xf32, #tpu.memory_space<vmem>> -> memref<16x256xf32, #tpu.memory_space<vmem>>
      %dma_wait3A_259 = arith.constant 0 : i32
      %dma_wait3A_260 = arith.constant 0 : i32
      %dma_wait3A_261 = tpu.memref_slice %arg12[%dma_wait3A_259, %dma_wait3A_260] : memref<5120x256xf32, #tpu.memory_space<vmem_shared>> -> memref<5120x256xf32, #tpu.memory_space<vmem_shared>>
      tpu.wait_indirect_dma semaphore(%arg14 : memref<!tpu.dma_semaphore, #tpu.memory_space<semaphore_mem>>) src(%dma_wait3A_258 : memref<16x256xf32, #tpu.memory_space<vmem>>) dst(%dma_wait3A_261 : memref<5120x256xf32, #tpu.memory_space<vmem_shared>>)
      %while3A_262 = arith.constant 0 : i32
      scf.yield %while3A_262 : i32
    }
    %mul3A_47 = arith.constant 2 : i32
    %mul3A_48 = arith.muli %arg1, %mul3A_47 : i32
    %add3A_49 = arith.constant 1 : i32
    %add3A_50 = arith.addi %mul3A_48, %add3A_49 : i32
    "tpu.region"() ({
      %run_scoped3A = tpu.sem_alloc : memref<!tpu.dma_semaphore, #tpu.memory_space<semaphore_mem>>
      %dma_start3A = arith.constant 0 : i32
      %dma_start3A_108 = tpu.memref_slice %arg3[%arg0, %add3A_50, %dma_start3A] : memref<2x32x5120xi32, #tpu.memory_space<hbm>> -> memref<1x1x5120xi32, #tpu.memory_space<hbm>>
      %dma_start3A_109 = tpu.memref_squeeze %dma_start3A_108 : memref<1x1x5120xi32, #tpu.memory_space<hbm>> -> memref<5120xi32, #tpu.memory_space<hbm>>
      %dma_start3A_110 = arith.constant 0 : i32
      %dma_start3A_111 = tpu.memref_slice %arg3[%arg0, %add3A_50, %dma_start3A_110] : memref<2x32x5120xi32, #tpu.memory_space<hbm>> -> memref<1x1x5120xi32, #tpu.memory_space<hbm>>
      %dma_start3A_112 = tpu.memref_squeeze %dma_start3A_111 : memref<1x1x5120xi32, #tpu.memory_space<hbm>> -> memref<5120xi32, #tpu.memory_space<hbm>>
      tpu.enqueue_dma source(%dma_start3A_112 : memref<5120xi32, #tpu.memory_space<hbm>>) target(%arg7 : memref<5120xi32, #tpu.memory_space<vmem>>) target_semaphore(%run_scoped3A : memref<!tpu.dma_semaphore, #tpu.memory_space<semaphore_mem>>)
      %dma_wait3A = arith.constant 0 : i32
      %dma_wait3A_113 = tpu.memref_slice %arg3[%arg0, %add3A_50, %dma_wait3A] : memref<2x32x5120xi32, #tpu.memory_space<hbm>> -> memref<1x1x5120xi32, #tpu.memory_space<hbm>>
      %dma_wait3A_114 = tpu.memref_squeeze %dma_wait3A_113 : memref<1x1x5120xi32, #tpu.memory_space<hbm>> -> memref<5120xi32, #tpu.memory_space<hbm>>
      %dma_wait3A_115 = arith.constant 0 : i32
      %dma_wait3A_116 = tpu.memref_slice %arg3[%arg0, %add3A_50, %dma_wait3A_115] : memref<2x32x5120xi32, #tpu.memory_space<hbm>> -> memref<1x1x5120xi32, #tpu.memory_space<hbm>>
      %dma_wait3A_117 = tpu.memref_squeeze %dma_wait3A_116 : memref<1x1x5120xi32, #tpu.memory_space<hbm>> -> memref<5120xi32, #tpu.memory_space<hbm>>
      tpu.wait_dma2 semaphore(%run_scoped3A : memref<!tpu.dma_semaphore, #tpu.memory_space<semaphore_mem>>) src(%dma_wait3A_117 : memref<5120xi32, #tpu.memory_space<hbm>>) dst(%arg7 : memref<5120xi32, #tpu.memory_space<vmem>>)
      tpu.yield
    }) : () -> ()
    "tpu.region"() ({
      %run_scoped3A = tpu.sem_alloc : memref<!tpu.dma_semaphore, #tpu.memory_space<semaphore_mem>>
      %dma_start3A = arith.constant 0 : i32
      %dma_start3A_108 = tpu.memref_slice %arg4[%arg0, %add3A_50, %dma_start3A] : memref<2x32x5120xi32, #tpu.memory_space<hbm>> -> memref<1x1x5120xi32, #tpu.memory_space<hbm>>
      %dma_start3A_109 = tpu.memref_squeeze %dma_start3A_108 : memref<1x1x5120xi32, #tpu.memory_space<hbm>> -> memref<5120xi32, #tpu.memory_space<hbm>>
      %dma_start3A_110 = arith.constant 0 : i32
      %dma_start3A_111 = tpu.memref_slice %arg4[%arg0, %add3A_50, %dma_start3A_110] : memref<2x32x5120xi32, #tpu.memory_space<hbm>> -> memref<1x1x5120xi32, #tpu.memory_space<hbm>>
      %dma_start3A_112 = tpu.memref_squeeze %dma_start3A_111 : memref<1x1x5120xi32, #tpu.memory_space<hbm>> -> memref<5120xi32, #tpu.memory_space<hbm>>
      tpu.enqueue_dma source(%dma_start3A_112 : memref<5120xi32, #tpu.memory_space<hbm>>) target(%arg8 : memref<5120xi32, #tpu.memory_space<vmem>>) target_semaphore(%run_scoped3A : memref<!tpu.dma_semaphore, #tpu.memory_space<semaphore_mem>>)
      %dma_wait3A = arith.constant 0 : i32
      %dma_wait3A_113 = tpu.memref_slice %arg4[%arg0, %add3A_50, %dma_wait3A] : memref<2x32x5120xi32, #tpu.memory_space<hbm>> -> memref<1x1x5120xi32, #tpu.memory_space<hbm>>
      %dma_wait3A_114 = tpu.memref_squeeze %dma_wait3A_113 : memref<1x1x5120xi32, #tpu.memory_space<hbm>> -> memref<5120xi32, #tpu.memory_space<hbm>>
      %dma_wait3A_115 = arith.constant 0 : i32
      %dma_wait3A_116 = tpu.memref_slice %arg4[%arg0, %add3A_50, %dma_wait3A_115] : memref<2x32x5120xi32, #tpu.memory_space<hbm>> -> memref<1x1x5120xi32, #tpu.memory_space<hbm>>
      %dma_wait3A_117 = tpu.memref_squeeze %dma_wait3A_116 : memref<1x1x5120xi32, #tpu.memory_space<hbm>> -> memref<5120xi32, #tpu.memory_space<hbm>>
      tpu.wait_dma2 semaphore(%run_scoped3A : memref<!tpu.dma_semaphore, #tpu.memory_space<semaphore_mem>>) src(%dma_wait3A_117 : memref<5120xi32, #tpu.memory_space<hbm>>) dst(%arg8 : memref<5120xi32, #tpu.memory_space<vmem>>)
      tpu.yield
    }) : () -> ()
    "tpu.region"() ({
      %run_scoped3A = tpu.sem_alloc : memref<!tpu.dma_semaphore, #tpu.memory_space<semaphore_mem>>
      %dma_start3A = arith.constant 0 : i32
      %dma_start3A_108 = tpu.memref_slice %arg5[%add3A_50, %dma_start3A] : memref<32x16xi32, #tpu.memory_space<hbm>> -> memref<1x16xi32, #tpu.memory_space<hbm>>
      %dma_start3A_109 = tpu.memref_squeeze %dma_start3A_108 : memref<1x16xi32, #tpu.memory_space<hbm>> -> memref<16xi32, #tpu.memory_space<hbm>>
      %dma_start3A_110 = arith.constant 0 : i32
      %dma_start3A_111 = tpu.memref_slice %arg5[%add3A_50, %dma_start3A_110] : memref<32x16xi32, #tpu.memory_space<hbm>> -> memref<1x16xi32, #tpu.memory_space<hbm>>
      %dma_start3A_112 = tpu.memref_squeeze %dma_start3A_111 : memref<1x16xi32, #tpu.memory_space<hbm>> -> memref<16xi32, #tpu.memory_space<hbm>>
      tpu.enqueue_dma source(%dma_start3A_112 : memref<16xi32, #tpu.memory_space<hbm>>) target(%arg11 : memref<16xi32, #tpu.memory_space<vmem>>) target_semaphore(%run_scoped3A : memref<!tpu.dma_semaphore, #tpu.memory_space<semaphore_mem>>)
      %dma_wait3A = arith.constant 0 : i32
      %dma_wait3A_113 = tpu.memref_slice %arg5[%add3A_50, %dma_wait3A] : memref<32x16xi32, #tpu.memory_space<hbm>> -> memref<1x16xi32, #tpu.memory_space<hbm>>
      %dma_wait3A_114 = tpu.memref_squeeze %dma_wait3A_113 : memref<1x16xi32, #tpu.memory_space<hbm>> -> memref<16xi32, #tpu.memory_space<hbm>>
      %dma_wait3A_115 = arith.constant 0 : i32
      %dma_wait3A_116 = tpu.memref_slice %arg5[%add3A_50, %dma_wait3A_115] : memref<32x16xi32, #tpu.memory_space<hbm>> -> memref<1x16xi32, #tpu.memory_space<hbm>>
      %dma_wait3A_117 = tpu.memref_squeeze %dma_wait3A_116 : memref<1x16xi32, #tpu.memory_space<hbm>> -> memref<16xi32, #tpu.memory_space<hbm>>
      tpu.wait_dma2 semaphore(%run_scoped3A : memref<!tpu.dma_semaphore, #tpu.memory_space<semaphore_mem>>) src(%dma_wait3A_117 : memref<16xi32, #tpu.memory_space<hbm>>) dst(%arg11 : memref<16xi32, #tpu.memory_space<vmem>>)
      tpu.yield
    }) : () -> ()
    %eq3A_51 = vector.broadcast %arg0 : i32 to vector<16xi32>
    %eq3A_52 = arith.cmpi eq, %iota3A, %eq3A_51 : vector<16xi32>
    %get3A_53 = arith.constant 0 : index
    %get3A_54 = tpu.vector_load %arg11[%get3A_53] {strides = array<i32>} : memref<16xi32, #tpu.memory_space<vmem>>, vector<16xi32>,
    %jit3A_55 = arith.constant 0 : i32
    %broadcast_in_dim3A_56 = vector.broadcast %jit3A_55 : i32 to vector<16xi32>
    %select_n3A_57 = arith.select %eq3A_52, %get3A_54, %broadcast_in_dim3A_56 : vector<16xi1>, vector<16xi32>
    %reduce_max3A_58 = arith.constant true
    %reduce_max3A_59 = vector.broadcast %reduce_max3A_58 : i1 to vector<16xi1>
    %reduce_max3A_60 = arith.constant -2147483648 : i32
    %reduce_max3A_61 = vector.broadcast %reduce_max3A_60 : i32 to vector<16xi32>
    %reduce_max3A_62 = arith.xori %select_n3A_57, %reduce_max3A_61 : vector<16xi32>
    %reduce_max3A_63 = tpu.scan <max>, %reduce_max3A_62 masked %reduce_max3A_59 : vector<16xi32>, vector<16xi1> -> vector<16xi32>
    %reduce_max3A_64 = arith.xori %reduce_max3A_63, %reduce_max3A_61 : vector<16xi32>
    %reduce_max3A_65 = vector.extract %reduce_max3A_64[15] : i32 from vector<16xi32>
    %add3A_66 = arith.constant 127 : i32
    %add3A_67 = arith.addi %reduce_max3A_65, %add3A_66 : i32
    %jit3A_68 = arith.constant 128 : i32
    %div3A_69 = arith.divsi %add3A_67, %jit3A_68 : i32
    %sign3A_70 = arith.constant 0 : i32
    %sign3A_71 = arith.cmpi sgt, %add3A_67, %sign3A_70 : i32
    %sign3A_72 = arith.extui %sign3A_71 : i1 to i32
    %sign3A_73 = arith.constant 0 : i32
    %sign3A_74 = arith.cmpi slt, %add3A_67, %sign3A_73 : i32
    %sign3A_75 = arith.extui %sign3A_74 : i1 to i32
    %sign3A_76 = arith.subi %sign3A_72, %sign3A_75 : i32
    %sign3A_77 = arith.constant 0 : i32
    %sign3A_78 = arith.cmpi sgt, %jit3A_68, %sign3A_77 : i32
    %sign3A_79 = arith.extui %sign3A_78 : i1 to i32
    %sign3A_80 = arith.constant 0 : i32
    %sign3A_81 = arith.cmpi slt, %jit3A_68, %sign3A_80 : i32
    %sign3A_82 = arith.extui %sign3A_81 : i1 to i32
    %sign3A_83 = arith.subi %sign3A_79, %sign3A_82 : i32
    %ne3A_84 = arith.cmpi ne, %sign3A_76, %sign3A_83 : i32
    %rem3A_85 = arith.remsi %add3A_67, %jit3A_68 : i32
    %ne3A_86 = arith.constant 0 : i32
    %ne3A_87 = arith.cmpi ne, %rem3A_85, %ne3A_86 : i32
    %and3A_88 = arith.andi %ne3A_84, %ne3A_87 : i1
    %sub3A_89 = arith.constant 1 : i32
    %sub3A_90 = arith.subi %div3A_69, %sub3A_89 : i32
    %select_n3A_91 = arith.select %and3A_88, %sub3A_90, %div3A_69 : i32
    %while3A_92 = arith.constant 0 : i32
    %while3A_93 = arith.constant 0 : i32
    %while3A_94 = arith.subi %select_n3A_91, %while3A_92 : i32
    %while3A_95 = arith.addi %while3A_92, %while3A_94 : i32
    %while3A_96 = arith.constant 1 : i32
    %while3A_97 = arith.divsi %while3A_94, %while3A_96 : i32
    %while3A_98 = arith.muli %while3A_97, %while3A_96 : i32
    %while3A_99 = arith.addi %while3A_92, %while3A_98 : i32
    %while3A_100 = arith.constant 1 : i32
    %while3A_101 = scf.for %while3A_108 = %while3A_92 to %while3A_99 step %while3A_100 iter_args(%while3A_109 = %while3A_93) -> (i32)  : i32 {
      %mul3A_110 = arith.constant 128 : i32
      %mul3A_111 = arith.muli %while3A_108, %mul3A_110 : i32
      %dma_start3A = tpu.memref_slice %arg7[%mul3A_111] : memref<5120xi32, #tpu.memory_space<vmem>> -> memref<128xi32, #tpu.memory_space<vmem>>
      %dma_start3A_112 = arith.constant 0 : i32
      %dma_start3A_113 = arith.constant 0 : i32
      %dma_start3A_114 = tpu.memref_slice %arg2[%dma_start3A_112, %dma_start3A_113] : memref<10240x256xf32, #tpu.memory_space<hbm>> -> memref<10240x256xf32, #tpu.memory_space<hbm>>
      tpu.enqueue_indirect_dma source(%dma_start3A_114 : memref<10240x256xf32, #tpu.memory_space<hbm>>) target(%arg9 : memref<128x256xf32, #tpu.memory_space<vmem>>) offsets(%dma_start3A : memref<128xi32, #tpu.memory_space<vmem>>) semaphore(%arg13 : memref<!tpu.dma_semaphore, #tpu.memory_space<semaphore_mem>>)
      %dma_wait3A = tpu.memref_slice %arg7[%mul3A_111] : memref<5120xi32, #tpu.memory_space<vmem>> -> memref<128xi32, #tpu.memory_space<vmem>>
      %dma_wait3A_115 = arith.constant 0 : i32
      %dma_wait3A_116 = arith.constant 0 : i32
      %dma_wait3A_117 = tpu.memref_slice %arg2[%dma_wait3A_115, %dma_wait3A_116] : memref<10240x256xf32, #tpu.memory_space<hbm>> -> memref<10240x256xf32, #tpu.memory_space<hbm>>
      tpu.wait_indirect_dma semaphore(%arg13 : memref<!tpu.dma_semaphore, #tpu.memory_space<semaphore_mem>>) src(%dma_wait3A_117 : memref<10240x256xf32, #tpu.memory_space<hbm>>) dst(%arg9 : memref<128x256xf32, #tpu.memory_space<vmem>>)
      %mul3A_118 = arith.constant 128 : i32
      %mul3A_119 = arith.muli %while3A_108, %mul3A_118 : i32
      %add3A_120 = arith.constant 0 : i32
      %add3A_121 = arith.addi %mul3A_119, %add3A_120 : i32
      %get3A_122 = arith.index_cast %add3A_121 : i32 to index
      %get3A_123 = tpu.vector_load %arg8[%get3A_122] {strides = array<i32>} : memref<5120xi32, #tpu.memory_space<vmem>>, vector<16xi32>,
      %dma_start3A_124 = arith.constant 0 : i32
      %dma_start3A_125 = arith.constant 0 : i32
      %dma_start3A_126 = tpu.memref_slice %arg9[%dma_start3A_124, %dma_start3A_125] : memref<128x256xf32, #tpu.memory_space<vmem>> -> memref<16x256xf32, #tpu.memory_space<vmem>>
      %dma_start3A_127 = arith.constant 0 : i32
      %dma_start3A_128 = arith.constant 0 : i32
      %dma_start3A_129 = tpu.memref_slice %arg12[%dma_start3A_127, %dma_start3A_128] : memref<5120x256xf32, #tpu.memory_space<vmem_shared>> -> memref<5120x256xf32, #tpu.memory_space<vmem_shared>>
      tpu.enqueue_indirect_dma source(%dma_start3A_126 : memref<16x256xf32, #tpu.memory_space<vmem>>) target(%dma_start3A_129 : memref<5120x256xf32, #tpu.memory_space<vmem_shared>>) offsets(%get3A_123 : vector<16xi32>) semaphore(%arg14 : memref<!tpu.dma_semaphore, #tpu.memory_space<semaphore_mem>>) {add = true}
      %mul3A_130 = arith.constant 128 : i32
      %mul3A_131 = arith.muli %while3A_108, %mul3A_130 : i32
      %add3A_132 = arith.constant 16 : i32
      %add3A_133 = arith.addi %mul3A_131, %add3A_132 : i32
      %get3A_134 = arith.index_cast %add3A_133 : i32 to index
      %get3A_135 = tpu.vector_load %arg8[%get3A_134] {strides = array<i32>} : memref<5120xi32, #tpu.memory_space<vmem>>, vector<16xi32>,
      %dma_start3A_136 = arith.constant 16 : i32
      %dma_start3A_137 = arith.constant 0 : i32
      %dma_start3A_138 = tpu.memref_slice %arg9[%dma_start3A_136, %dma_start3A_137] : memref<128x256xf32, #tpu.memory_space<vmem>> -> memref<16x256xf32, #tpu.memory_space<vmem>>
      %dma_start3A_139 = arith.constant 0 : i32
      %dma_start3A_140 = arith.constant 0 : i32
      %dma_start3A_141 = tpu.memref_slice %arg12[%dma_start3A_139, %dma_start3A_140] : memref<5120x256xf32, #tpu.memory_space<vmem_shared>> -> memref<5120x256xf32, #tpu.memory_space<vmem_shared>>
      tpu.enqueue_indirect_dma source(%dma_start3A_138 : memref<16x256xf32, #tpu.memory_space<vmem>>) target(%dma_start3A_141 : memref<5120x256xf32, #tpu.memory_space<vmem_shared>>) offsets(%get3A_135 : vector<16xi32>) semaphore(%arg14 : memref<!tpu.dma_semaphore, #tpu.memory_space<semaphore_mem>>) {add = true}
      %mul3A_142 = arith.constant 128 : i32
      %mul3A_143 = arith.muli %while3A_108, %mul3A_142 : i32
      %add3A_144 = arith.constant 32 : i32
      %add3A_145 = arith.addi %mul3A_143, %add3A_144 : i32
      %get3A_146 = arith.index_cast %add3A_145 : i32 to index
      %get3A_147 = tpu.vector_load %arg8[%get3A_146] {strides = array<i32>} : memref<5120xi32, #tpu.memory_space<vmem>>, vector<16xi32>,
      %dma_start3A_148 = arith.constant 32 : i32
      %dma_start3A_149 = arith.constant 0 : i32
      %dma_start3A_150 = tpu.memref_slice %arg9[%dma_start3A_148, %dma_start3A_149] : memref<128x256xf32, #tpu.memory_space<vmem>> -> memref<16x256xf32, #tpu.memory_space<vmem>>
      %dma_start3A_151 = arith.constant 0 : i32
      %dma_start3A_152 = arith.constant 0 : i32
      %dma_start3A_153 = tpu.memref_slice %arg12[%dma_start3A_151, %dma_start3A_152] : memref<5120x256xf32, #tpu.memory_space<vmem_shared>> -> memref<5120x256xf32, #tpu.memory_space<vmem_shared>>
      tpu.enqueue_indirect_dma source(%dma_start3A_150 : memref<16x256xf32, #tpu.memory_space<vmem>>) target(%dma_start3A_153 : memref<5120x256xf32, #tpu.memory_space<vmem_shared>>) offsets(%get3A_147 : vector<16xi32>) semaphore(%arg14 : memref<!tpu.dma_semaphore, #tpu.memory_space<semaphore_mem>>) {add = true}
      %mul3A_154 = arith.constant 128 : i32
      %mul3A_155 = arith.muli %while3A_108, %mul3A_154 : i32
      %add3A_156 = arith.constant 48 : i32
      %add3A_157 = arith.addi %mul3A_155, %add3A_156 : i32
      %get3A_158 = arith.index_cast %add3A_157 : i32 to index
      %get3A_159 = tpu.vector_load %arg8[%get3A_158] {strides = array<i32>} : memref<5120xi32, #tpu.memory_space<vmem>>, vector<16xi32>,
      %dma_start3A_160 = arith.constant 48 : i32
      %dma_start3A_161 = arith.constant 0 : i32
      %dma_start3A_162 = tpu.memref_slice %arg9[%dma_start3A_160, %dma_start3A_161] : memref<128x256xf32, #tpu.memory_space<vmem>> -> memref<16x256xf32, #tpu.memory_space<vmem>>
      %dma_start3A_163 = arith.constant 0 : i32
      %dma_start3A_164 = arith.constant 0 : i32
      %dma_start3A_165 = tpu.memref_slice %arg12[%dma_start3A_163, %dma_start3A_164] : memref<5120x256xf32, #tpu.memory_space<vmem_shared>> -> memref<5120x256xf32, #tpu.memory_space<vmem_shared>>
      tpu.enqueue_indirect_dma source(%dma_start3A_162 : memref<16x256xf32, #tpu.memory_space<vmem>>) target(%dma_start3A_165 : memref<5120x256xf32, #tpu.memory_space<vmem_shared>>) offsets(%get3A_159 : vector<16xi32>) semaphore(%arg14 : memref<!tpu.dma_semaphore, #tpu.memory_space<semaphore_mem>>) {add = true}
      %mul3A_166 = arith.constant 128 : i32
      %mul3A_167 = arith.muli %while3A_108, %mul3A_166 : i32
      %add3A_168 = arith.constant 64 : i32
      %add3A_169 = arith.addi %mul3A_167, %add3A_168 : i32
      %get3A_170 = arith.index_cast %add3A_169 : i32 to index
      %get3A_171 = tpu.vector_load %arg8[%get3A_170] {strides = array<i32>} : memref<5120xi32, #tpu.memory_space<vmem>>, vector<16xi32>,
      %dma_start3A_172 = arith.constant 64 : i32
      %dma_start3A_173 = arith.constant 0 : i32
      %dma_start3A_174 = tpu.memref_slice %arg9[%dma_start3A_172, %dma_start3A_173] : memref<128x256xf32, #tpu.memory_space<vmem>> -> memref<16x256xf32, #tpu.memory_space<vmem>>
      %dma_start3A_175 = arith.constant 0 : i32
      %dma_start3A_176 = arith.constant 0 : i32
      %dma_start3A_177 = tpu.memref_slice %arg12[%dma_start3A_175, %dma_start3A_176] : memref<5120x256xf32, #tpu.memory_space<vmem_shared>> -> memref<5120x256xf32, #tpu.memory_space<vmem_shared>>
      tpu.enqueue_indirect_dma source(%dma_start3A_174 : memref<16x256xf32, #tpu.memory_space<vmem>>) target(%dma_start3A_177 : memref<5120x256xf32, #tpu.memory_space<vmem_shared>>) offsets(%get3A_171 : vector<16xi32>) semaphore(%arg14 : memref<!tpu.dma_semaphore, #tpu.memory_space<semaphore_mem>>) {add = true}
      %mul3A_178 = arith.constant 128 : i32
      %mul3A_179 = arith.muli %while3A_108, %mul3A_178 : i32
      %add3A_180 = arith.constant 80 : i32
      %add3A_181 = arith.addi %mul3A_179, %add3A_180 : i32
      %get3A_182 = arith.index_cast %add3A_181 : i32 to index
      %get3A_183 = tpu.vector_load %arg8[%get3A_182] {strides = array<i32>} : memref<5120xi32, #tpu.memory_space<vmem>>, vector<16xi32>,
      %dma_start3A_184 = arith.constant 80 : i32
      %dma_start3A_185 = arith.constant 0 : i32
      %dma_start3A_186 = tpu.memref_slice %arg9[%dma_start3A_184, %dma_start3A_185] : memref<128x256xf32, #tpu.memory_space<vmem>> -> memref<16x256xf32, #tpu.memory_space<vmem>>
      %dma_start3A_187 = arith.constant 0 : i32
      %dma_start3A_188 = arith.constant 0 : i32
      %dma_start3A_189 = tpu.memref_slice %arg12[%dma_start3A_187, %dma_start3A_188] : memref<5120x256xf32, #tpu.memory_space<vmem_shared>> -> memref<5120x256xf32, #tpu.memory_space<vmem_shared>>
      tpu.enqueue_indirect_dma source(%dma_start3A_186 : memref<16x256xf32, #tpu.memory_space<vmem>>) target(%dma_start3A_189 : memref<5120x256xf32, #tpu.memory_space<vmem_shared>>) offsets(%get3A_183 : vector<16xi32>) semaphore(%arg14 : memref<!tpu.dma_semaphore, #tpu.memory_space<semaphore_mem>>) {add = true}
      %mul3A_190 = arith.constant 128 : i32
      %mul3A_191 = arith.muli %while3A_108, %mul3A_190 : i32
      %add3A_192 = arith.constant 96 : i32
      %add3A_193 = arith.addi %mul3A_191, %add3A_192 : i32
      %get3A_194 = arith.index_cast %add3A_193 : i32 to index
      %get3A_195 = tpu.vector_load %arg8[%get3A_194] {strides = array<i32>} : memref<5120xi32, #tpu.memory_space<vmem>>, vector<16xi32>,
      %dma_start3A_196 = arith.constant 96 : i32
      %dma_start3A_197 = arith.constant 0 : i32
      %dma_start3A_198 = tpu.memref_slice %arg9[%dma_start3A_196, %dma_start3A_197] : memref<128x256xf32, #tpu.memory_space<vmem>> -> memref<16x256xf32, #tpu.memory_space<vmem>>
      %dma_start3A_199 = arith.constant 0 : i32
      %dma_start3A_200 = arith.constant 0 : i32
      %dma_start3A_201 = tpu.memref_slice %arg12[%dma_start3A_199, %dma_start3A_200] : memref<5120x256xf32, #tpu.memory_space<vmem_shared>> -> memref<5120x256xf32, #tpu.memory_space<vmem_shared>>
      tpu.enqueue_indirect_dma source(%dma_start3A_198 : memref<16x256xf32, #tpu.memory_space<vmem>>) target(%dma_start3A_201 : memref<5120x256xf32, #tpu.memory_space<vmem_shared>>) offsets(%get3A_195 : vector<16xi32>) semaphore(%arg14 : memref<!tpu.dma_semaphore, #tpu.memory_space<semaphore_mem>>) {add = true}
      %mul3A_202 = arith.constant 128 : i32
      %mul3A_203 = arith.muli %while3A_108, %mul3A_202 : i32
      %add3A_204 = arith.constant 112 : i32
      %add3A_205 = arith.addi %mul3A_203, %add3A_204 : i32
      %get3A_206 = arith.index_cast %add3A_205 : i32 to index
      %get3A_207 = tpu.vector_load %arg8[%get3A_206] {strides = array<i32>} : memref<5120xi32, #tpu.memory_space<vmem>>, vector<16xi32>,
      %dma_start3A_208 = arith.constant 112 : i32
      %dma_start3A_209 = arith.constant 0 : i32
      %dma_start3A_210 = tpu.memref_slice %arg9[%dma_start3A_208, %dma_start3A_209] : memref<128x256xf32, #tpu.memory_space<vmem>> -> memref<16x256xf32, #tpu.memory_space<vmem>>
      %dma_start3A_211 = arith.constant 0 : i32
      %dma_start3A_212 = arith.constant 0 : i32
      %dma_start3A_213 = tpu.memref_slice %arg12[%dma_start3A_211, %dma_start3A_212] : memref<5120x256xf32, #tpu.memory_space<vmem_shared>> -> memref<5120x256xf32, #tpu.memory_space<vmem_shared>>
      tpu.enqueue_indirect_dma source(%dma_start3A_210 : memref<16x256xf32, #tpu.memory_space<vmem>>) target(%dma_start3A_213 : memref<5120x256xf32, #tpu.memory_space<vmem_shared>>) offsets(%get3A_207 : vector<16xi32>) semaphore(%arg14 : memref<!tpu.dma_semaphore, #tpu.memory_space<semaphore_mem>>) {add = true}
      %dma_wait3A_214 = arith.constant 0 : i32
      %dma_wait3A_215 = arith.constant 0 : i32
      %dma_wait3A_216 = tpu.memref_slice %arg9[%dma_wait3A_214, %dma_wait3A_215] : memref<128x256xf32, #tpu.memory_space<vmem>> -> memref<16x256xf32, #tpu.memory_space<vmem>>
      %dma_wait3A_217 = arith.constant 0 : i32
      %dma_wait3A_218 = arith.constant 0 : i32
      %dma_wait3A_219 = tpu.memref_slice %arg12[%dma_wait3A_217, %dma_wait3A_218] : memref<5120x256xf32, #tpu.memory_space<vmem_shared>> -> memref<5120x256xf32, #tpu.memory_space<vmem_shared>>
      tpu.wait_indirect_dma semaphore(%arg14 : memref<!tpu.dma_semaphore, #tpu.memory_space<semaphore_mem>>) src(%dma_wait3A_216 : memref<16x256xf32, #tpu.memory_space<vmem>>) dst(%dma_wait3A_219 : memref<5120x256xf32, #tpu.memory_space<vmem_shared>>)
      %dma_wait3A_220 = arith.constant 16 : i32
      %dma_wait3A_221 = arith.constant 0 : i32
      %dma_wait3A_222 = tpu.memref_slice %arg9[%dma_wait3A_220, %dma_wait3A_221] : memref<128x256xf32, #tpu.memory_space<vmem>> -> memref<16x256xf32, #tpu.memory_space<vmem>>
      %dma_wait3A_223 = arith.constant 0 : i32
      %dma_wait3A_224 = arith.constant 0 : i32
      %dma_wait3A_225 = tpu.memref_slice %arg12[%dma_wait3A_223, %dma_wait3A_224] : memref<5120x256xf32, #tpu.memory_space<vmem_shared>> -> memref<5120x256xf32, #tpu.memory_space<vmem_shared>>
      tpu.wait_indirect_dma semaphore(%arg14 : memref<!tpu.dma_semaphore, #tpu.memory_space<semaphore_mem>>) src(%dma_wait3A_222 : memref<16x256xf32, #tpu.memory_space<vmem>>) dst(%dma_wait3A_225 : memref<5120x256xf32, #tpu.memory_space<vmem_shared>>)
      %dma_wait3A_226 = arith.constant 32 : i32
      %dma_wait3A_227 = arith.constant 0 : i32
      %dma_wait3A_228 = tpu.memref_slice %arg9[%dma_wait3A_226, %dma_wait3A_227] : memref<128x256xf32, #tpu.memory_space<vmem>> -> memref<16x256xf32, #tpu.memory_space<vmem>>
      %dma_wait3A_229 = arith.constant 0 : i32
      %dma_wait3A_230 = arith.constant 0 : i32
      %dma_wait3A_231 = tpu.memref_slice %arg12[%dma_wait3A_229, %dma_wait3A_230] : memref<5120x256xf32, #tpu.memory_space<vmem_shared>> -> memref<5120x256xf32, #tpu.memory_space<vmem_shared>>
      tpu.wait_indirect_dma semaphore(%arg14 : memref<!tpu.dma_semaphore, #tpu.memory_space<semaphore_mem>>) src(%dma_wait3A_228 : memref<16x256xf32, #tpu.memory_space<vmem>>) dst(%dma_wait3A_231 : memref<5120x256xf32, #tpu.memory_space<vmem_shared>>)
      %dma_wait3A_232 = arith.constant 48 : i32
      %dma_wait3A_233 = arith.constant 0 : i32
      %dma_wait3A_234 = tpu.memref_slice %arg9[%dma_wait3A_232, %dma_wait3A_233] : memref<128x256xf32, #tpu.memory_space<vmem>> -> memref<16x256xf32, #tpu.memory_space<vmem>>
      %dma_wait3A_235 = arith.constant 0 : i32
      %dma_wait3A_236 = arith.constant 0 : i32
      %dma_wait3A_237 = tpu.memref_slice %arg12[%dma_wait3A_235, %dma_wait3A_236] : memref<5120x256xf32, #tpu.memory_space<vmem_shared>> -> memref<5120x256xf32, #tpu.memory_space<vmem_shared>>
      tpu.wait_indirect_dma semaphore(%arg14 : memref<!tpu.dma_semaphore, #tpu.memory_space<semaphore_mem>>) src(%dma_wait3A_234 : memref<16x256xf32, #tpu.memory_space<vmem>>) dst(%dma_wait3A_237 : memref<5120x256xf32, #tpu.memory_space<vmem_shared>>)
      %dma_wait3A_238 = arith.constant 64 : i32
      %dma_wait3A_239 = arith.constant 0 : i32
      %dma_wait3A_240 = tpu.memref_slice %arg9[%dma_wait3A_238, %dma_wait3A_239] : memref<128x256xf32, #tpu.memory_space<vmem>> -> memref<16x256xf32, #tpu.memory_space<vmem>>
      %dma_wait3A_241 = arith.constant 0 : i32
      %dma_wait3A_242 = arith.constant 0 : i32
      %dma_wait3A_243 = tpu.memref_slice %arg12[%dma_wait3A_241, %dma_wait3A_242] : memref<5120x256xf32, #tpu.memory_space<vmem_shared>> -> memref<5120x256xf32, #tpu.memory_space<vmem_shared>>
      tpu.wait_indirect_dma semaphore(%arg14 : memref<!tpu.dma_semaphore, #tpu.memory_space<semaphore_mem>>) src(%dma_wait3A_240 : memref<16x256xf32, #tpu.memory_space<vmem>>) dst(%dma_wait3A_243 : memref<5120x256xf32, #tpu.memory_space<vmem_shared>>)
      %dma_wait3A_244 = arith.constant 80 : i32
      %dma_wait3A_245 = arith.constant 0 : i32
      %dma_wait3A_246 = tpu.memref_slice %arg9[%dma_wait3A_244, %dma_wait3A_245] : memref<128x256xf32, #tpu.memory_space<vmem>> -> memref<16x256xf32, #tpu.memory_space<vmem>>
      %dma_wait3A_247 = arith.constant 0 : i32
      %dma_wait3A_248 = arith.constant 0 : i32
      %dma_wait3A_249 = tpu.memref_slice %arg12[%dma_wait3A_247, %dma_wait3A_248] : memref<5120x256xf32, #tpu.memory_space<vmem_shared>> -> memref<5120x256xf32, #tpu.memory_space<vmem_shared>>
      tpu.wait_indirect_dma semaphore(%arg14 : memref<!tpu.dma_semaphore, #tpu.memory_space<semaphore_mem>>) src(%dma_wait3A_246 : memref<16x256xf32, #tpu.memory_space<vmem>>) dst(%dma_wait3A_249 : memref<5120x256xf32, #tpu.memory_space<vmem_shared>>)
      %dma_wait3A_250 = arith.constant 96 : i32
      %dma_wait3A_251 = arith.constant 0 : i32
      %dma_wait3A_252 = tpu.memref_slice %arg9[%dma_wait3A_250, %dma_wait3A_251] : memref<128x256xf32, #tpu.memory_space<vmem>> -> memref<16x256xf32, #tpu.memory_space<vmem>>
      %dma_wait3A_253 = arith.constant 0 : i32
      %dma_wait3A_254 = arith.constant 0 : i32
      %dma_wait3A_255 = tpu.memref_slice %arg12[%dma_wait3A_253, %dma_wait3A_254] : memref<5120x256xf32, #tpu.memory_space<vmem_shared>> -> memref<5120x256xf32, #tpu.memory_space<vmem_shared>>
      tpu.wait_indirect_dma semaphore(%arg14 : memref<!tpu.dma_semaphore, #tpu.memory_space<semaphore_mem>>) src(%dma_wait3A_252 : memref<16x256xf32, #tpu.memory_space<vmem>>) dst(%dma_wait3A_255 : memref<5120x256xf32, #tpu.memory_space<vmem_shared>>)
      %dma_wait3A_256 = arith.constant 112 : i32
      %dma_wait3A_257 = arith.constant 0 : i32
      %dma_wait3A_258 = tpu.memref_slice %arg9[%dma_wait3A_256, %dma_wait3A_257] : memref<128x256xf32, #tpu.memory_space<vmem>> -> memref<16x256xf32, #tpu.memory_space<vmem>>
      %dma_wait3A_259 = arith.constant 0 : i32
      %dma_wait3A_260 = arith.constant 0 : i32
      %dma_wait3A_261 = tpu.memref_slice %arg12[%dma_wait3A_259, %dma_wait3A_260] : memref<5120x256xf32, #tpu.memory_space<vmem_shared>> -> memref<5120x256xf32, #tpu.memory_space<vmem_shared>>
      tpu.wait_indirect_dma semaphore(%arg14 : memref<!tpu.dma_semaphore, #tpu.memory_space<semaphore_mem>>) src(%dma_wait3A_258 : memref<16x256xf32, #tpu.memory_space<vmem>>) dst(%dma_wait3A_261 : memref<5120x256xf32, #tpu.memory_space<vmem_shared>>)
      %while3A_262 = arith.constant 0 : i32
      scf.yield %while3A_262 : i32
    }
    %while3A_102 = arith.constant 1 : i32
    %while3A_103 = scf.for %while3A_108 = %while3A_99 to %while3A_95 step %while3A_102 iter_args(%while3A_109 = %while3A_101) -> (i32)  : i32 {
      %mul3A_110 = arith.constant 128 : i32
      %mul3A_111 = arith.muli %while3A_108, %mul3A_110 : i32
      %dma_start3A = tpu.memref_slice %arg7[%mul3A_111] : memref<5120xi32, #tpu.memory_space<vmem>> -> memref<128xi32, #tpu.memory_space<vmem>>
      %dma_start3A_112 = arith.constant 0 : i32
      %dma_start3A_113 = arith.constant 0 : i32
      %dma_start3A_114 = tpu.memref_slice %arg2[%dma_start3A_112, %dma_start3A_113] : memref<10240x256xf32, #tpu.memory_space<hbm>> -> memref<10240x256xf32, #tpu.memory_space<hbm>>
      tpu.enqueue_indirect_dma source(%dma_start3A_114 : memref<10240x256xf32, #tpu.memory_space<hbm>>) target(%arg9 : memref<128x256xf32, #tpu.memory_space<vmem>>) offsets(%dma_start3A : memref<128xi32, #tpu.memory_space<vmem>>) semaphore(%arg13 : memref<!tpu.dma_semaphore, #tpu.memory_space<semaphore_mem>>)
      %dma_wait3A = tpu.memref_slice %arg7[%mul3A_111] : memref<5120xi32, #tpu.memory_space<vmem>> -> memref<128xi32, #tpu.memory_space<vmem>>
      %dma_wait3A_115 = arith.constant 0 : i32
      %dma_wait3A_116 = arith.constant 0 : i32
      %dma_wait3A_117 = tpu.memref_slice %arg2[%dma_wait3A_115, %dma_wait3A_116] : memref<10240x256xf32, #tpu.memory_space<hbm>> -> memref<10240x256xf32, #tpu.memory_space<hbm>>
      tpu.wait_indirect_dma semaphore(%arg13 : memref<!tpu.dma_semaphore, #tpu.memory_space<semaphore_mem>>) src(%dma_wait3A_117 : memref<10240x256xf32, #tpu.memory_space<hbm>>) dst(%arg9 : memref<128x256xf32, #tpu.memory_space<vmem>>)
      %mul3A_118 = arith.constant 128 : i32
      %mul3A_119 = arith.muli %while3A_108, %mul3A_118 : i32
      %add3A_120 = arith.constant 0 : i32
      %add3A_121 = arith.addi %mul3A_119, %add3A_120 : i32
      %get3A_122 = arith.index_cast %add3A_121 : i32 to index
      %get3A_123 = tpu.vector_load %arg8[%get3A_122] {strides = array<i32>} : memref<5120xi32, #tpu.memory_space<vmem>>, vector<16xi32>,
      %dma_start3A_124 = arith.constant 0 : i32
      %dma_start3A_125 = arith.constant 0 : i32
      %dma_start3A_126 = tpu.memref_slice %arg9[%dma_start3A_124, %dma_start3A_125] : memref<128x256xf32, #tpu.memory_space<vmem>> -> memref<16x256xf32, #tpu.memory_space<vmem>>
      %dma_start3A_127 = arith.constant 0 : i32
      %dma_start3A_128 = arith.constant 0 : i32
      %dma_start3A_129 = tpu.memref_slice %arg12[%dma_start3A_127, %dma_start3A_128] : memref<5120x256xf32, #tpu.memory_space<vmem_shared>> -> memref<5120x256xf32, #tpu.memory_space<vmem_shared>>
      tpu.enqueue_indirect_dma source(%dma_start3A_126 : memref<16x256xf32, #tpu.memory_space<vmem>>) target(%dma_start3A_129 : memref<5120x256xf32, #tpu.memory_space<vmem_shared>>) offsets(%get3A_123 : vector<16xi32>) semaphore(%arg14 : memref<!tpu.dma_semaphore, #tpu.memory_space<semaphore_mem>>) {add = true}
      %mul3A_130 = arith.constant 128 : i32
      %mul3A_131 = arith.muli %while3A_108, %mul3A_130 : i32
      %add3A_132 = arith.constant 16 : i32
      %add3A_133 = arith.addi %mul3A_131, %add3A_132 : i32
      %get3A_134 = arith.index_cast %add3A_133 : i32 to index
      %get3A_135 = tpu.vector_load %arg8[%get3A_134] {strides = array<i32>} : memref<5120xi32, #tpu.memory_space<vmem>>, vector<16xi32>,
      %dma_start3A_136 = arith.constant 16 : i32
      %dma_start3A_137 = arith.constant 0 : i32
      %dma_start3A_138 = tpu.memref_slice %arg9[%dma_start3A_136, %dma_start3A_137] : memref<128x256xf32, #tpu.memory_space<vmem>> -> memref<16x256xf32, #tpu.memory_space<vmem>>
      %dma_start3A_139 = arith.constant 0 : i32
      %dma_start3A_140 = arith.constant 0 : i32
      %dma_start3A_141 = tpu.memref_slice %arg12[%dma_start3A_139, %dma_start3A_140] : memref<5120x256xf32, #tpu.memory_space<vmem_shared>> -> memref<5120x256xf32, #tpu.memory_space<vmem_shared>>
      tpu.enqueue_indirect_dma source(%dma_start3A_138 : memref<16x256xf32, #tpu.memory_space<vmem>>) target(%dma_start3A_141 : memref<5120x256xf32, #tpu.memory_space<vmem_shared>>) offsets(%get3A_135 : vector<16xi32>) semaphore(%arg14 : memref<!tpu.dma_semaphore, #tpu.memory_space<semaphore_mem>>) {add = true}
      %mul3A_142 = arith.constant 128 : i32
      %mul3A_143 = arith.muli %while3A_108, %mul3A_142 : i32
      %add3A_144 = arith.constant 32 : i32
      %add3A_145 = arith.addi %mul3A_143, %add3A_144 : i32
      %get3A_146 = arith.index_cast %add3A_145 : i32 to index
      %get3A_147 = tpu.vector_load %arg8[%get3A_146] {strides = array<i32>} : memref<5120xi32, #tpu.memory_space<vmem>>, vector<16xi32>,
      %dma_start3A_148 = arith.constant 32 : i32
      %dma_start3A_149 = arith.constant 0 : i32
      %dma_start3A_150 = tpu.memref_slice %arg9[%dma_start3A_148, %dma_start3A_149] : memref<128x256xf32, #tpu.memory_space<vmem>> -> memref<16x256xf32, #tpu.memory_space<vmem>>
      %dma_start3A_151 = arith.constant 0 : i32
      %dma_start3A_152 = arith.constant 0 : i32
      %dma_start3A_153 = tpu.memref_slice %arg12[%dma_start3A_151, %dma_start3A_152] : memref<5120x256xf32, #tpu.memory_space<vmem_shared>> -> memref<5120x256xf32, #tpu.memory_space<vmem_shared>>
      tpu.enqueue_indirect_dma source(%dma_start3A_150 : memref<16x256xf32, #tpu.memory_space<vmem>>) target(%dma_start3A_153 : memref<5120x256xf32, #tpu.memory_space<vmem_shared>>) offsets(%get3A_147 : vector<16xi32>) semaphore(%arg14 : memref<!tpu.dma_semaphore, #tpu.memory_space<semaphore_mem>>) {add = true}
      %mul3A_154 = arith.constant 128 : i32
      %mul3A_155 = arith.muli %while3A_108, %mul3A_154 : i32
      %add3A_156 = arith.constant 48 : i32
      %add3A_157 = arith.addi %mul3A_155, %add3A_156 : i32
      %get3A_158 = arith.index_cast %add3A_157 : i32 to index
      %get3A_159 = tpu.vector_load %arg8[%get3A_158] {strides = array<i32>} : memref<5120xi32, #tpu.memory_space<vmem>>, vector<16xi32>,
      %dma_start3A_160 = arith.constant 48 : i32
      %dma_start3A_161 = arith.constant 0 : i32
      %dma_start3A_162 = tpu.memref_slice %arg9[%dma_start3A_160, %dma_start3A_161] : memref<128x256xf32, #tpu.memory_space<vmem>> -> memref<16x256xf32, #tpu.memory_space<vmem>>
      %dma_start3A_163 = arith.constant 0 : i32
      %dma_start3A_164 = arith.constant 0 : i32
      %dma_start3A_165 = tpu.memref_slice %arg12[%dma_start3A_163, %dma_start3A_164] : memref<5120x256xf32, #tpu.memory_space<vmem_shared>> -> memref<5120x256xf32, #tpu.memory_space<vmem_shared>>
      tpu.enqueue_indirect_dma source(%dma_start3A_162 : memref<16x256xf32, #tpu.memory_space<vmem>>) target(%dma_start3A_165 : memref<5120x256xf32, #tpu.memory_space<vmem_shared>>) offsets(%get3A_159 : vector<16xi32>) semaphore(%arg14 : memref<!tpu.dma_semaphore, #tpu.memory_space<semaphore_mem>>) {add = true}
      %mul3A_166 = arith.constant 128 : i32
      %mul3A_167 = arith.muli %while3A_108, %mul3A_166 : i32
      %add3A_168 = arith.constant 64 : i32
      %add3A_169 = arith.addi %mul3A_167, %add3A_168 : i32
      %get3A_170 = arith.index_cast %add3A_169 : i32 to index
      %get3A_171 = tpu.vector_load %arg8[%get3A_170] {strides = array<i32>} : memref<5120xi32, #tpu.memory_space<vmem>>, vector<16xi32>,
      %dma_start3A_172 = arith.constant 64 : i32
      %dma_start3A_173 = arith.constant 0 : i32
      %dma_start3A_174 = tpu.memref_slice %arg9[%dma_start3A_172, %dma_start3A_173] : memref<128x256xf32, #tpu.memory_space<vmem>> -> memref<16x256xf32, #tpu.memory_space<vmem>>
      %dma_start3A_175 = arith.constant 0 : i32
      %dma_start3A_176 = arith.constant 0 : i32
      %dma_start3A_177 = tpu.memref_slice %arg12[%dma_start3A_175, %dma_start3A_176] : memref<5120x256xf32, #tpu.memory_space<vmem_shared>> -> memref<5120x256xf32, #tpu.memory_space<vmem_shared>>
      tpu.enqueue_indirect_dma source(%dma_start3A_174 : memref<16x256xf32, #tpu.memory_space<vmem>>) target(%dma_start3A_177 : memref<5120x256xf32, #tpu.memory_space<vmem_shared>>) offsets(%get3A_171 : vector<16xi32>) semaphore(%arg14 : memref<!tpu.dma_semaphore, #tpu.memory_space<semaphore_mem>>) {add = true}
      %mul3A_178 = arith.constant 128 : i32
      %mul3A_179 = arith.muli %while3A_108, %mul3A_178 : i32
      %add3A_180 = arith.constant 80 : i32
      %add3A_181 = arith.addi %mul3A_179, %add3A_180 : i32
      %get3A_182 = arith.index_cast %add3A_181 : i32 to index
      %get3A_183 = tpu.vector_load %arg8[%get3A_182] {strides = array<i32>} : memref<5120xi32, #tpu.memory_space<vmem>>, vector<16xi32>,
      %dma_start3A_184 = arith.constant 80 : i32
      %dma_start3A_185 = arith.constant 0 : i32
      %dma_start3A_186 = tpu.memref_slice %arg9[%dma_start3A_184, %dma_start3A_185] : memref<128x256xf32, #tpu.memory_space<vmem>> -> memref<16x256xf32, #tpu.memory_space<vmem>>
      %dma_start3A_187 = arith.constant 0 : i32
      %dma_start3A_188 = arith.constant 0 : i32
      %dma_start3A_189 = tpu.memref_slice %arg12[%dma_start3A_187, %dma_start3A_188] : memref<5120x256xf32, #tpu.memory_space<vmem_shared>> -> memref<5120x256xf32, #tpu.memory_space<vmem_shared>>
      tpu.enqueue_indirect_dma source(%dma_start3A_186 : memref<16x256xf32, #tpu.memory_space<vmem>>) target(%dma_start3A_189 : memref<5120x256xf32, #tpu.memory_space<vmem_shared>>) offsets(%get3A_183 : vector<16xi32>) semaphore(%arg14 : memref<!tpu.dma_semaphore, #tpu.memory_space<semaphore_mem>>) {add = true}
      %mul3A_190 = arith.constant 128 : i32
      %mul3A_191 = arith.muli %while3A_108, %mul3A_190 : i32
      %add3A_192 = arith.constant 96 : i32
      %add3A_193 = arith.addi %mul3A_191, %add3A_192 : i32
      %get3A_194 = arith.index_cast %add3A_193 : i32 to index
      %get3A_195 = tpu.vector_load %arg8[%get3A_194] {strides = array<i32>} : memref<5120xi32, #tpu.memory_space<vmem>>, vector<16xi32>,
      %dma_start3A_196 = arith.constant 96 : i32
      %dma_start3A_197 = arith.constant 0 : i32
      %dma_start3A_198 = tpu.memref_slice %arg9[%dma_start3A_196, %dma_start3A_197] : memref<128x256xf32, #tpu.memory_space<vmem>> -> memref<16x256xf32, #tpu.memory_space<vmem>>
      %dma_start3A_199 = arith.constant 0 : i32
      %dma_start3A_200 = arith.constant 0 : i32
      %dma_start3A_201 = tpu.memref_slice %arg12[%dma_start3A_199, %dma_start3A_200] : memref<5120x256xf32, #tpu.memory_space<vmem_shared>> -> memref<5120x256xf32, #tpu.memory_space<vmem_shared>>
      tpu.enqueue_indirect_dma source(%dma_start3A_198 : memref<16x256xf32, #tpu.memory_space<vmem>>) target(%dma_start3A_201 : memref<5120x256xf32, #tpu.memory_space<vmem_shared>>) offsets(%get3A_195 : vector<16xi32>) semaphore(%arg14 : memref<!tpu.dma_semaphore, #tpu.memory_space<semaphore_mem>>) {add = true}
      %mul3A_202 = arith.constant 128 : i32
      %mul3A_203 = arith.muli %while3A_108, %mul3A_202 : i32
      %add3A_204 = arith.constant 112 : i32
      %add3A_205 = arith.addi %mul3A_203, %add3A_204 : i32
      %get3A_206 = arith.index_cast %add3A_205 : i32 to index
      %get3A_207 = tpu.vector_load %arg8[%get3A_206] {strides = array<i32>} : memref<5120xi32, #tpu.memory_space<vmem>>, vector<16xi32>,
      %dma_start3A_208 = arith.constant 112 : i32
      %dma_start3A_209 = arith.constant 0 : i32
      %dma_start3A_210 = tpu.memref_slice %arg9[%dma_start3A_208, %dma_start3A_209] : memref<128x256xf32, #tpu.memory_space<vmem>> -> memref<16x256xf32, #tpu.memory_space<vmem>>
      %dma_start3A_211 = arith.constant 0 : i32
      %dma_start3A_212 = arith.constant 0 : i32
      %dma_start3A_213 = tpu.memref_slice %arg12[%dma_start3A_211, %dma_start3A_212] : memref<5120x256xf32, #tpu.memory_space<vmem_shared>> -> memref<5120x256xf32, #tpu.memory_space<vmem_shared>>
      tpu.enqueue_indirect_dma source(%dma_start3A_210 : memref<16x256xf32, #tpu.memory_space<vmem>>) target(%dma_start3A_213 : memref<5120x256xf32, #tpu.memory_space<vmem_shared>>) offsets(%get3A_207 : vector<16xi32>) semaphore(%arg14 : memref<!tpu.dma_semaphore, #tpu.memory_space<semaphore_mem>>) {add = true}
      %dma_wait3A_214 = arith.constant 0 : i32
      %dma_wait3A_215 = arith.constant 0 : i32
      %dma_wait3A_216 = tpu.memref_slice %arg9[%dma_wait3A_214, %dma_wait3A_215] : memref<128x256xf32, #tpu.memory_space<vmem>> -> memref<16x256xf32, #tpu.memory_space<vmem>>
      %dma_wait3A_217 = arith.constant 0 : i32
      %dma_wait3A_218 = arith.constant 0 : i32
      %dma_wait3A_219 = tpu.memref_slice %arg12[%dma_wait3A_217, %dma_wait3A_218] : memref<5120x256xf32, #tpu.memory_space<vmem_shared>> -> memref<5120x256xf32, #tpu.memory_space<vmem_shared>>
      tpu.wait_indirect_dma semaphore(%arg14 : memref<!tpu.dma_semaphore, #tpu.memory_space<semaphore_mem>>) src(%dma_wait3A_216 : memref<16x256xf32, #tpu.memory_space<vmem>>) dst(%dma_wait3A_219 : memref<5120x256xf32, #tpu.memory_space<vmem_shared>>)
      %dma_wait3A_220 = arith.constant 16 : i32
      %dma_wait3A_221 = arith.constant 0 : i32
      %dma_wait3A_222 = tpu.memref_slice %arg9[%dma_wait3A_220, %dma_wait3A_221] : memref<128x256xf32, #tpu.memory_space<vmem>> -> memref<16x256xf32, #tpu.memory_space<vmem>>
      %dma_wait3A_223 = arith.constant 0 : i32
      %dma_wait3A_224 = arith.constant 0 : i32
      %dma_wait3A_225 = tpu.memref_slice %arg12[%dma_wait3A_223, %dma_wait3A_224] : memref<5120x256xf32, #tpu.memory_space<vmem_shared>> -> memref<5120x256xf32, #tpu.memory_space<vmem_shared>>
      tpu.wait_indirect_dma semaphore(%arg14 : memref<!tpu.dma_semaphore, #tpu.memory_space<semaphore_mem>>) src(%dma_wait3A_222 : memref<16x256xf32, #tpu.memory_space<vmem>>) dst(%dma_wait3A_225 : memref<5120x256xf32, #tpu.memory_space<vmem_shared>>)
      %dma_wait3A_226 = arith.constant 32 : i32
      %dma_wait3A_227 = arith.constant 0 : i32
      %dma_wait3A_228 = tpu.memref_slice %arg9[%dma_wait3A_226, %dma_wait3A_227] : memref<128x256xf32, #tpu.memory_space<vmem>> -> memref<16x256xf32, #tpu.memory_space<vmem>>
      %dma_wait3A_229 = arith.constant 0 : i32
      %dma_wait3A_230 = arith.constant 0 : i32
      %dma_wait3A_231 = tpu.memref_slice %arg12[%dma_wait3A_229, %dma_wait3A_230] : memref<5120x256xf32, #tpu.memory_space<vmem_shared>> -> memref<5120x256xf32, #tpu.memory_space<vmem_shared>>
      tpu.wait_indirect_dma semaphore(%arg14 : memref<!tpu.dma_semaphore, #tpu.memory_space<semaphore_mem>>) src(%dma_wait3A_228 : memref<16x256xf32, #tpu.memory_space<vmem>>) dst(%dma_wait3A_231 : memref<5120x256xf32, #tpu.memory_space<vmem_shared>>)
      %dma_wait3A_232 = arith.constant 48 : i32
      %dma_wait3A_233 = arith.constant 0 : i32
      %dma_wait3A_234 = tpu.memref_slice %arg9[%dma_wait3A_232, %dma_wait3A_233] : memref<128x256xf32, #tpu.memory_space<vmem>> -> memref<16x256xf32, #tpu.memory_space<vmem>>
      %dma_wait3A_235 = arith.constant 0 : i32
      %dma_wait3A_236 = arith.constant 0 : i32
      %dma_wait3A_237 = tpu.memref_slice %arg12[%dma_wait3A_235, %dma_wait3A_236] : memref<5120x256xf32, #tpu.memory_space<vmem_shared>> -> memref<5120x256xf32, #tpu.memory_space<vmem_shared>>
      tpu.wait_indirect_dma semaphore(%arg14 : memref<!tpu.dma_semaphore, #tpu.memory_space<semaphore_mem>>) src(%dma_wait3A_234 : memref<16x256xf32, #tpu.memory_space<vmem>>) dst(%dma_wait3A_237 : memref<5120x256xf32, #tpu.memory_space<vmem_shared>>)
      %dma_wait3A_238 = arith.constant 64 : i32
      %dma_wait3A_239 = arith.constant 0 : i32
      %dma_wait3A_240 = tpu.memref_slice %arg9[%dma_wait3A_238, %dma_wait3A_239] : memref<128x256xf32, #tpu.memory_space<vmem>> -> memref<16x256xf32, #tpu.memory_space<vmem>>
      %dma_wait3A_241 = arith.constant 0 : i32
      %dma_wait3A_242 = arith.constant 0 : i32
      %dma_wait3A_243 = tpu.memref_slice %arg12[%dma_wait3A_241, %dma_wait3A_242] : memref<5120x256xf32, #tpu.memory_space<vmem_shared>> -> memref<5120x256xf32, #tpu.memory_space<vmem_shared>>
      tpu.wait_indirect_dma semaphore(%arg14 : memref<!tpu.dma_semaphore, #tpu.memory_space<semaphore_mem>>) src(%dma_wait3A_240 : memref<16x256xf32, #tpu.memory_space<vmem>>) dst(%dma_wait3A_243 : memref<5120x256xf32, #tpu.memory_space<vmem_shared>>)
      %dma_wait3A_244 = arith.constant 80 : i32
      %dma_wait3A_245 = arith.constant 0 : i32
      %dma_wait3A_246 = tpu.memref_slice %arg9[%dma_wait3A_244, %dma_wait3A_245] : memref<128x256xf32, #tpu.memory_space<vmem>> -> memref<16x256xf32, #tpu.memory_space<vmem>>
      %dma_wait3A_247 = arith.constant 0 : i32
      %dma_wait3A_248 = arith.constant 0 : i32
      %dma_wait3A_249 = tpu.memref_slice %arg12[%dma_wait3A_247, %dma_wait3A_248] : memref<5120x256xf32, #tpu.memory_space<vmem_shared>> -> memref<5120x256xf32, #tpu.memory_space<vmem_shared>>
      tpu.wait_indirect_dma semaphore(%arg14 : memref<!tpu.dma_semaphore, #tpu.memory_space<semaphore_mem>>) src(%dma_wait3A_246 : memref<16x256xf32, #tpu.memory_space<vmem>>) dst(%dma_wait3A_249 : memref<5120x256xf32, #tpu.memory_space<vmem_shared>>)
      %dma_wait3A_250 = arith.constant 96 : i32
      %dma_wait3A_251 = arith.constant 0 : i32
      %dma_wait3A_252 = tpu.memref_slice %arg9[%dma_wait3A_250, %dma_wait3A_251] : memref<128x256xf32, #tpu.memory_space<vmem>> -> memref<16x256xf32, #tpu.memory_space<vmem>>
      %dma_wait3A_253 = arith.constant 0 : i32
      %dma_wait3A_254 = arith.constant 0 : i32
      %dma_wait3A_255 = tpu.memref_slice %arg12[%dma_wait3A_253, %dma_wait3A_254] : memref<5120x256xf32, #tpu.memory_space<vmem_shared>> -> memref<5120x256xf32, #tpu.memory_space<vmem_shared>>
      tpu.wait_indirect_dma semaphore(%arg14 : memref<!tpu.dma_semaphore, #tpu.memory_space<semaphore_mem>>) src(%dma_wait3A_252 : memref<16x256xf32, #tpu.memory_space<vmem>>) dst(%dma_wait3A_255 : memref<5120x256xf32, #tpu.memory_space<vmem_shared>>)
      %dma_wait3A_256 = arith.constant 112 : i32
      %dma_wait3A_257 = arith.constant 0 : i32
      %dma_wait3A_258 = tpu.memref_slice %arg9[%dma_wait3A_256, %dma_wait3A_257] : memref<128x256xf32, #tpu.memory_space<vmem>> -> memref<16x256xf32, #tpu.memory_space<vmem>>
      %dma_wait3A_259 = arith.constant 0 : i32
      %dma_wait3A_260 = arith.constant 0 : i32
      %dma_wait3A_261 = tpu.memref_slice %arg12[%dma_wait3A_259, %dma_wait3A_260] : memref<5120x256xf32, #tpu.memory_space<vmem_shared>> -> memref<5120x256xf32, #tpu.memory_space<vmem_shared>>
      tpu.wait_indirect_dma semaphore(%arg14 : memref<!tpu.dma_semaphore, #tpu.memory_space<semaphore_mem>>) src(%dma_wait3A_258 : memref<16x256xf32, #tpu.memory_space<vmem>>) dst(%dma_wait3A_261 : memref<5120x256xf32, #tpu.memory_space<vmem_shared>>)
      %while3A_262 = arith.constant 0 : i32
      scf.yield %while3A_262 : i32
    }
    %barrier3A_104 = arith.constant 0 : index
    tpu.barrier barrier_id(%barrier3A_104)
    %mul3A_105 = arith.constant 5120 : i32
    %mul3A_106 = arith.muli %arg0, %mul3A_105 : i32
    %add3A_107 = arith.addi %mul3A_106, %mul3A_0 : i32
    "tpu.region"() ({
      %run_scoped3A = tpu.sem_alloc : memref<!tpu.dma_semaphore, #tpu.memory_space<semaphore_mem>>
      %dma_start3A = arith.constant 0 : i32
      %dma_start3A_108 = tpu.memref_slice %arg6[%add3A_107, %dma_start3A] : memref<10240x256xf32, #tpu.memory_space<hbm>> -> memref<320x256xf32, #tpu.memory_space<hbm>>
      %dma_start3A_109 = arith.constant 0 : i32
      %dma_start3A_110 = tpu.memref_slice %arg12[%mul3A_0, %dma_start3A_109] : memref<5120x256xf32, #tpu.memory_space<vmem_shared>> -> memref<320x256xf32, #tpu.memory_space<vmem_shared>>
      tpu.enqueue_dma source(%dma_start3A_110 : memref<320x256xf32, #tpu.memory_space<vmem_shared>>) target(%dma_start3A_108 : memref<320x256xf32, #tpu.memory_space<hbm>>) target_semaphore(%run_scoped3A : memref<!tpu.dma_semaphore, #tpu.memory_space<semaphore_mem>>)
      %dma_wait3A = arith.constant 0 : i32
      %dma_wait3A_111 = tpu.memref_slice %arg6[%add3A_107, %dma_wait3A] : memref<10240x256xf32, #tpu.memory_space<hbm>> -> memref<320x256xf32, #tpu.memory_space<hbm>>
      %dma_wait3A_112 = arith.constant 0 : i32
      %dma_wait3A_113 = tpu.memref_slice %arg12[%mul3A_0, %dma_wait3A_112] : memref<5120x256xf32, #tpu.memory_space<vmem_shared>> -> memref<320x256xf32, #tpu.memory_space<vmem_shared>>
      tpu.wait_dma2 semaphore(%run_scoped3A : memref<!tpu.dma_semaphore, #tpu.memory_space<semaphore_mem>>) src(%dma_wait3A_113 : memref<320x256xf32, #tpu.memory_space<vmem_shared>>) dst(%dma_wait3A_111 : memref<320x256xf32, #tpu.memory_space<hbm>>)
      tpu.yield
    }) : () -> ()
    return
  }
}

module attributes {stable_mosaic.version = 14 : i64} {
  func.func @_scale1_body(%arg0: i32, %arg1: memref<32x2048xf32, #tpu.memory_space<vmem>>, %arg2: memref<2048x256xf32, #tpu.memory_space<vmem>>, %arg3: memref<2048x256xf32, #tpu.memory_space<vmem>>, %arg4: memref<2048xf32, #tpu.memory_space<vmem>>) attributes {dimension_semantics = [#tpu.dimension_semantics<arbitrary>], iteration_bounds = array<i64: 5>, scalar_prefetch = 0 : i64, scratch_operands = 0 : i64, tpu.core_type = #tpu.core_type<tc>, window_params = [{transform_indices = @transform_0, window_bounds = array<i64: 32, 2048>}, {transform_indices = @transform_1, window_bounds = array<i64: 2048, 256>}, {transform_indices = @transform_2, window_bounds = array<i64: 2048, 256>}, {transform_indices = @transform_3, window_bounds = array<i64: 2048>}]} {
    %get3A = arith.constant 0 : index
    %get3A_0 = arith.constant 0 : index
    %get3A_1 = vector.load %arg1[%get3A, %get3A_0] : memref<32x2048xf32, #tpu.memory_space<vmem>>, vector<32x2048xf32>
    %reduce_sum3A = arith.constant dense<0.000000e+00> : vector<2048xf32>
    %reduce_sum3A_2 = vector.multi_reduction <add>, %get3A_1, %reduce_sum3A [0] : vector<32x2048xf32> to vector<2048xf32>
    %add3A = arith.constant 1.000000e+00 : f32
    %add3A_3 = vector.broadcast %add3A : f32 to vector<2048xf32>
    %add3A_4 = arith.addf %reduce_sum3A_2, %add3A_3 : vector<2048xf32>
    %rsqrt3A = math.rsqrt %add3A_4 : vector<2048xf32>
    %swap3A = arith.constant 0 : index
    %swap3A_5 = vector.load %arg4[%swap3A] : memref<2048xf32, #tpu.memory_space<vmem>>, vector<2048xf32>
    tpu.vector_store %arg4[%swap3A], %rsqrt3A {strides = array<i32>} : memref<2048xf32, #tpu.memory_space<vmem>>, vector<2048xf32>,
    %get3A_6 = arith.constant 0 : index
    %get3A_7 = arith.constant 0 : index
    %get3A_8 = vector.load %arg2[%get3A_6, %get3A_7] : memref<2048x256xf32, #tpu.memory_space<vmem>>, vector<2048x256xf32>
    %broadcast_in_dim3A = vector.shape_cast %rsqrt3A : vector<2048xf32> to vector<2048x1xf32>
    %mul3A = vector.broadcast %broadcast_in_dim3A : vector<2048x1xf32> to vector<2048x256xf32>
    %mul3A_9 = arith.mulf %get3A_8, %mul3A : vector<2048x256xf32>
    %swap3A_10 = arith.constant 0 : index
    %swap3A_11 = arith.constant 0 : index
    %swap3A_12 = vector.load %arg3[%swap3A_10, %swap3A_11] : memref<2048x256xf32, #tpu.memory_space<vmem>>, vector<2048x256xf32>
    tpu.vector_store %arg3[%swap3A_10, %swap3A_11], %mul3A_9 {strides = array<i32>} : memref<2048x256xf32, #tpu.memory_space<vmem>>, vector<2048x256xf32>,
    return
  }
  func.func @transform_0(%arg0: i32) -> (i32, i32) {
    %c0_i32 = arith.constant 0 : i32
    %c0_i32_0 = arith.constant 0 : i32
    return %c0_i32, %arg0 : i32, i32
  }
  func.func @transform_1(%arg0: i32) -> (i32, i32) {
    %c0_i32 = arith.constant 0 : i32
    %c0_i32_0 = arith.constant 0 : i32
    return %arg0, %c0_i32 : i32, i32
  }
  func.func @transform_2(%arg0: i32) -> (i32, i32) {
    %c0_i32 = arith.constant 0 : i32
    %c0_i32_0 = arith.constant 0 : i32
    return %arg0, %c0_i32 : i32, i32
  }
  func.func @transform_3(%arg0: i32) -> i32 {
    %c0_i32 = arith.constant 0 : i32
    return %arg0 : i32
  }
}

module attributes {stable_mosaic.version = 14 : i64} {
  func.func @_scale2_body(%arg0: i32, %arg1: memref<2048x256xf32, #tpu.memory_space<vmem>>, %arg2: memref<2048xf32, #tpu.memory_space<vmem>>, %arg3: memref<2048x256xf32, #tpu.memory_space<vmem>>) attributes {dimension_semantics = [#tpu.dimension_semantics<arbitrary>], iteration_bounds = array<i64: 5>, scalar_prefetch = 0 : i64, scratch_operands = 0 : i64, tpu.core_type = #tpu.core_type<tc>, window_params = [{transform_indices = @transform_0, window_bounds = array<i64: 2048, 256>}, {transform_indices = @transform_1, window_bounds = array<i64: 2048>}, {transform_indices = @transform_2, window_bounds = array<i64: 2048, 256>}]} {
    %get3A = arith.constant 0 : index
    %get3A_0 = vector.load %arg2[%get3A] : memref<2048xf32, #tpu.memory_space<vmem>>, vector<2048xf32>
    %get3A_1 = arith.constant 0 : index
    %get3A_2 = arith.constant 0 : index
    %get3A_3 = vector.load %arg1[%get3A_1, %get3A_2] : memref<2048x256xf32, #tpu.memory_space<vmem>>, vector<2048x256xf32>
    %mul3A = arith.mulf %get3A_0, %get3A_0 : vector<2048xf32>
    %broadcast_in_dim3A = vector.shape_cast %mul3A : vector<2048xf32> to vector<2048x1xf32>
    %mul3A_4 = vector.broadcast %broadcast_in_dim3A : vector<2048x1xf32> to vector<2048x256xf32>
    %mul3A_5 = arith.mulf %get3A_3, %mul3A_4 : vector<2048x256xf32>
    %swap3A = arith.constant 0 : index
    %swap3A_6 = arith.constant 0 : index
    %swap3A_7 = vector.load %arg3[%swap3A, %swap3A_6] : memref<2048x256xf32, #tpu.memory_space<vmem>>, vector<2048x256xf32>
    tpu.vector_store %arg3[%swap3A, %swap3A_6], %mul3A_5 {strides = array<i32>} : memref<2048x256xf32, #tpu.memory_space<vmem>>, vector<2048x256xf32>,
    return
  }
  func.func @transform_0(%arg0: i32) -> (i32, i32) {
    %c0_i32 = arith.constant 0 : i32
    %c0_i32_0 = arith.constant 0 : i32
    return %arg0, %c0_i32 : i32, i32
  }
  func.func @transform_1(%arg0: i32) -> i32 {
    %c0_i32 = arith.constant 0 : i32
    return %arg0 : i32
  }
  func.func @transform_2(%arg0: i32) -> (i32, i32) {
    %c0_i32 = arith.constant 0 : i32
    %c0_i32_0 = arith.constant 0 : i32
    return %arg0, %c0_i32 : i32, i32
  }
}

module attributes {stable_mosaic.version = 14 : i64} {
  func.func @_mlp_body(%arg0: i32, %arg1: memref<2048x256xf32, #tpu.memory_space<vmem>>, %arg2: memref<2048xf32, #tpu.memory_space<vmem>>, %arg3: memref<256x256xf32, #tpu.memory_space<vmem>>, %arg4: memref<256xf32, #tpu.memory_space<vmem>>, %arg5: memref<256x256xf32, #tpu.memory_space<vmem>>, %arg6: memref<256xf32, #tpu.memory_space<vmem>>, %arg7: memref<2048x256xf32, #tpu.memory_space<vmem>>) attributes {dimension_semantics = [#tpu.dimension_semantics<arbitrary>], iteration_bounds = array<i64: 5>, scalar_prefetch = 0 : i64, scratch_operands = 0 : i64, tpu.core_type = #tpu.core_type<tc>, window_params = [{transform_indices = @transform_0, window_bounds = array<i64: 2048, 256>}, {transform_indices = @transform_1, window_bounds = array<i64: 2048>}, {pipeline_mode = #tpu.pipeline_mode<synchronous>, transform_indices = @transform_2, window_bounds = array<i64: 256, 256>}, {pipeline_mode = #tpu.pipeline_mode<synchronous>, transform_indices = @transform_3, window_bounds = array<i64: 256>}, {pipeline_mode = #tpu.pipeline_mode<synchronous>, transform_indices = @transform_4, window_bounds = array<i64: 256, 256>}, {pipeline_mode = #tpu.pipeline_mode<synchronous>, transform_indices = @transform_5, window_bounds = array<i64: 256>}, {transform_indices = @transform_6, window_bounds = array<i64: 2048, 256>}]} {
    %get3A = arith.constant 0 : index
    %get3A_0 = arith.constant 0 : index
    %get3A_1 = vector.load %arg1[%get3A, %get3A_0] : memref<2048x256xf32, #tpu.memory_space<vmem>>, vector<2048x256xf32>
    %get3A_2 = arith.constant 0 : index
    %get3A_3 = vector.load %arg2[%get3A_2] : memref<2048xf32, #tpu.memory_space<vmem>>, vector<2048xf32>
    %broadcast_in_dim3A = vector.shape_cast %get3A_3 : vector<2048xf32> to vector<2048x1xf32>
    %mul3A = vector.broadcast %broadcast_in_dim3A : vector<2048x1xf32> to vector<2048x256xf32>
    %mul3A_4 = arith.mulf %get3A_1, %mul3A : vector<2048x256xf32>
    %get3A_5 = arith.constant 0 : index
    %get3A_6 = arith.constant 0 : index
    %get3A_7 = vector.load %arg3[%get3A_5, %get3A_6] : memref<256x256xf32, #tpu.memory_space<vmem>>, vector<256x256xf32>
    %dot_general3A = arith.constant dense<0.000000e+00> : vector<2048x256xf32>
    %dot_general3A_8 = tpu.matmul %mul3A_4, %get3A_7, %dot_general3A {dimension_numbers = #tpu.dot_dimension_numbers<[1], [0], [0], [1], [0, 0, 1, 1], [], []>, transpose_lhs_hint = false} : vector<2048x256xf32>, vector<256x256xf32>, vector<2048x256xf32> -> vector<2048x256xf32>
    %get3A_9 = arith.constant 0 : index
    %get3A_10 = vector.load %arg4[%get3A_9] : memref<256xf32, #tpu.memory_space<vmem>>, vector<256xf32>
    %broadcast_in_dim3A_11 = vector.shape_cast %get3A_10 : vector<256xf32> to vector<1x256xf32>
    %add3A = vector.broadcast %broadcast_in_dim3A_11 : vector<1x256xf32> to vector<2048x256xf32>
    %add3A_12 = arith.addf %dot_general3A_8, %add3A : vector<2048x256xf32>
    %max3A = arith.constant 0.000000e+00 : f32
    %max3A_13 = vector.broadcast %max3A : f32 to vector<2048x256xf32>
    %max3A_14 = arith.maximumf %add3A_12, %max3A_13 : vector<2048x256xf32>
    %get3A_15 = arith.constant 0 : index
    %get3A_16 = arith.constant 0 : index
    %get3A_17 = vector.load %arg5[%get3A_15, %get3A_16] : memref<256x256xf32, #tpu.memory_space<vmem>>, vector<256x256xf32>
    %dot_general3A_18 = arith.constant dense<0.000000e+00> : vector<2048x256xf32>
    %dot_general3A_19 = tpu.matmul %max3A_14, %get3A_17, %dot_general3A_18 {dimension_numbers = #tpu.dot_dimension_numbers<[1], [0], [0], [1], [0, 0, 1, 1], [], []>, transpose_lhs_hint = false} : vector<2048x256xf32>, vector<256x256xf32>, vector<2048x256xf32> -> vector<2048x256xf32>
    %get3A_20 = arith.constant 0 : index
    %get3A_21 = vector.load %arg6[%get3A_20] : memref<256xf32, #tpu.memory_space<vmem>>, vector<256xf32>
    %broadcast_in_dim3A_22 = vector.shape_cast %get3A_21 : vector<256xf32> to vector<1x256xf32>
    %add3A_23 = vector.broadcast %broadcast_in_dim3A_22 : vector<1x256xf32> to vector<2048x256xf32>
    %add3A_24 = arith.addf %dot_general3A_19, %add3A_23 : vector<2048x256xf32>
    %swap3A = arith.constant 0 : index
    %swap3A_25 = arith.constant 0 : index
    %swap3A_26 = vector.load %arg7[%swap3A, %swap3A_25] : memref<2048x256xf32, #tpu.memory_space<vmem>>, vector<2048x256xf32>
    tpu.vector_store %arg7[%swap3A, %swap3A_25], %add3A_24 {strides = array<i32>} : memref<2048x256xf32, #tpu.memory_space<vmem>>, vector<2048x256xf32>,
    return
  }
  func.func @transform_0(%arg0: i32) -> (i32, i32) {
    %c0_i32 = arith.constant 0 : i32
    %c0_i32_0 = arith.constant 0 : i32
    return %arg0, %c0_i32 : i32, i32
  }
  func.func @transform_1(%arg0: i32) -> i32 {
    %c0_i32 = arith.constant 0 : i32
    return %arg0 : i32
  }
  func.func @transform_2(%arg0: i32) -> (i32, i32) {
    %c0_i32 = arith.constant 0 : i32
    %c0_i32_0 = arith.constant 0 : i32
    %c0_i32_1 = arith.constant 0 : i32
    return %c0_i32, %c0_i32_0 : i32, i32
  }
  func.func @transform_3(%arg0: i32) -> i32 {
    %c0_i32 = arith.constant 0 : i32
    %c0_i32_0 = arith.constant 0 : i32
    return %c0_i32 : i32
  }
  func.func @transform_4(%arg0: i32) -> (i32, i32) {
    %c0_i32 = arith.constant 0 : i32
    %c0_i32_0 = arith.constant 0 : i32
    %c0_i32_1 = arith.constant 0 : i32
    return %c0_i32, %c0_i32_0 : i32, i32
  }
  func.func @transform_5(%arg0: i32) -> i32 {
    %c0_i32 = arith.constant 0 : i32
    %c0_i32_0 = arith.constant 0 : i32
    return %c0_i32 : i32
  }
  func.func @transform_6(%arg0: i32) -> (i32, i32) {
    %c0_i32 = arith.constant 0 : i32
    %c0_i32_0 = arith.constant 0 : i32
    return %arg0, %c0_i32 : i32, i32
  }
}

</mosaic_0001>

<sc_bundles>
// kernel: kernel.11.cloned.1.call-start
scs
__scs_entry_jumppad:
0x0: {  	(pc) =	sbr.rel $0x88, $3  }
0x1: {  	(tag) =	ssettag $0x0;
	lr =	simm.s32 $0x1  }
0x2: {  	[smem:$0x3F9B] =	sst lr;
	_ =	strace $0xD0000000  }
0x3: {  	_ = 	snop  }
0x4: {  	_ = 	snop  }
0x5: {  	_ = 	snop  }
0x6: {  	_ = 	snop  }
0x7: {  	_ = 	snop  }
__scs_overlays_trampoline_lowered:
0x8: {  	[smem:$0x3FAA] =	sst s0  }
0x9: {  	[smem:$0x3FAB] =	sst s1  }
0xa: {  	[smem:$0x3FAC] =	sst s2  }
0xb: {  	[smem:$0x3FAD] =	sst s3  }
0xc: {  	[smem:$0x3FAE] =	sst s4  }
0xd: {  	[smem:$0x3FAF] =	sst s5  }
0xe: {  	[smem:$0x3FB0] =	sst s6  }
0xf: {  	[smem:$0x3FB1] =	sst s7  }
0x10: {  	[smem:$0x3FB2] =	sst s8  }
0x11: {  	[smem:$0x3FB3] =	sst s9;
	s0 =	simm.s32 @!p0 $0x0  }
0x12: {  	s1 =	sld [smem:$0x3F99];
	s0 =	simm.s32 @p0 $0x1  }
0x13: {  	[smem:$0x3FB4] =	sst s0;
	s0 =	simm.s32 @!p1 $0x0  }
0x14: {  	s2 =	sld [smem:$0x3F98];
	s0 =	simm.s32 @p1 $0x1  }
0x15: {  	[smem:$0x3FB5] =	sst s0;
	s0 =	simm.s32 @!p2 $0x0  }
0x16: {  	s3 =	sld [smem:$0x3FDB];
	s0 =	simm.s32 @p2 $0x1  }
0x17: {  	s4 =	simm.s32 $0x1BF5;
	[smem:$0x3FB7] =	sst s0  }
0x18: {  	s0 =	sld [smem:$0x3F9A];
	_ =	swait.ge [sflag:s4], $0x0  }
0x19: {  	s7 =	sld [smem:$0x3F9B]  }
0x1a: {  	s8 =	sadd.s32 $0xFFFFE003, lr  }
0x1b: {  	s9 =	sadd.s32 $0xFFFFFEF7, lr;
	s5 =	simm.s32 $0xFFFFFFFF;
	p2 =	slt.u32 s8, $0xFFFFF086  }
0x1c: {  	p1 =	slt.u32 s9, $0xF7A;
	s5 =	simm.s32 @!p2 $0x0  }
0x1d: {  	s5 =	simm.s32 @p1 $0x1;
	p0 =	seq.s32 s7, s2  }
0x1e: {  	s7 =	smul.u32 @!p0 $0xF7A, s2;
	p2 =	seq.s32 @!p0 s5, $0x0  }
0x1f: {  	s9 =	smul.u32 $0xF7A, s1;
	s8 =	simm.s32 @!p0 $0x1BF5;
	p2 =	por !p2, p0  }
0x20: {  	[sflag:s8] =	ssyncset.s32 @!p0 $0xFFFFF086;
	s6 =	sadd.s32 @!p0 s3, s7;
	s7 =	simm.s32 @!p0 $0x108  }
0x21: {  	s3 =	sadd.s32 s3, s9;
	s6 =	sadd.s32 @!p0 $0x88, s6;
	s7 =	simm.s32 @p2 $0x1082  }
0x22: {  	[simem:s7], [sflag:s8] =	dma.local @!p0 [hbm:s6], $0xF7A  }
0x23: {  	s9 =	sor.u32 $0xD0000000, s2;
	s6 =	simm.s32 $0x108;
	_ =	swait.ge @!p0 [sflag:s8], $0x0  }
0x24: {  	s3 =	sadd.s32 $0x88, s3;
	s6 =	simm.s32 @!p1 $0x1082;
	[sflag:s4] =	ssyncset.s32 $0xFFFFF086  }
0x25: {  	[simem:s6], [sflag:s4] =	dma.local [hbm:s3], $0xF7A  }
0x26: {  	[smem:$0x3F9B] =	sst s1;
	(tag) =	ssettag s2;
	_ =	strace s9  }
0x27: {  	s1 =	sld [smem:$0x3FAB]  }
0x28: {  	s2 =	sld [smem:$0x3FAC]  }
0x29: {  	s4 =	sld [smem:$0x3FAE]  }
0x2a: {  	p0 =	seq.s32 s5, $0x0;
	s5 =	sld [smem:$0x3FAF]  }
0x2b: {  	s6 =	sld [smem:$0x3FB0]  }
0x2c: {  	s7 =	sld [smem:$0x3FB1]  }
0x2d: {  	s3 =	simm.s32 $0x108;
	s8 =	sld [smem:$0x3FB2]  }
0x2e: {  	s3 =	simm.s32 @!p0 $0x1082;
	s9 =	sld [smem:$0x3FB3]  }
0x2f: {  	lr =	sadd.s32 s0, s3;
	s0 =	sld [smem:$0x3FAA]  }
0x30: {  	s3 =	sld [smem:$0x3FAD]  }
0x31: {  	[smem:$0x3FB6] =	sst s10  }
0x32: {  	s10 =	sld [smem:$0x3FB4];
	_ =	sdelay $0x3  }
0x33: {  	p0 =	seq.s32 s10, $0x1;
	s10 =	sld [smem:$0x3FB6];
	_ =	sdelay $0x3  }
0x34: {  	[smem:$0x3FB6] =	sst s10  }
0x35: {  	s10 =	sld [smem:$0x3FB5];
	_ =	sdelay $0x3  }
0x36: {  	p1 =	seq.s32 s10, $0x1;
	s10 =	sld [smem:$0x3FB6];
	_ =	sdelay $0x3  }
0x37: {  	[smem:$0x3FB6] =	sst s10  }
0x38: {  	s10 =	sld [smem:$0x3FB7]  }
0x39: {  	_ = 	snop;
	(pc) =	sbr.ind lr, $3  }
0x3a: {  	_ = 	snop  }
0x3b: {  	_ = 	snop  }
0x3c: {  	p2 =	seq.s32 s10, $0x1;
	s10 =	sld [smem:$0x3FB6]  }
0x3d: {  	_ =	shalt  }
0x3e: {  	_ =	shalt  }
0x3f: {  	_ =	shalt  }
0x40: {  	_ =	shalt  }
0x41: {  	_ =	shalt  }
0x42: {  	_ =	shalt  }
0x43: {  	_ =	shalt  }
0x44: {  	_ =	shalt  }
0x45: {  	_ =	shalt  }
0x46: {  	_ =	shalt  }
0x47: {  	_ =	shalt  }
0x48: {  	_ =	shalt  }
0x49: {  	_ =	shalt  }
0x4a: {  	_ =	shalt  }
0x4b: {  	_ =	shalt  }
0x4c: {  	_ =	shalt  }
0x4d: {  	_ =	shalt  }
0x4e: {  	_ =	shalt  }
0x4f: {  	_ =	shalt  }
0x50: {  	_ =	shalt  }
0x51: {  	_ =	shalt  }
0x52: {  	_ =	shalt  }
0x53: {  	_ =	shalt  }
0x54: {  	_ =	shalt  }
0x55: {  	_ =	shalt  }
0x56: {  	_ =	shalt  }
0x57: {  	_ =	shalt  }
0x58: {  	_ =	shalt  }
0x59: {  	_ =	shalt  }
0x5a: {  	_ =	shalt  }
0x5b: {  	_ =	shalt  }
0x5c: {  	_ =	shalt  }
0x5d: {  	_ =	shalt  }
0x5e: {  	_ =	shalt  }
0x5f: {  	_ =	shalt  }
0x60: {  	_ =	shalt  }
0x61: {  	_ =	shalt  }
0x62: {  	_ =	shalt  }
0x63: {  	_ =	shalt  }
0x64: {  	_ =	shalt  }
0x65: {  	_ =	shalt  }
0x66: {  	_ =	shalt  }
0x67: {  	_ =	shalt  }
0x68: {  	_ =	shalt  }
0x69: {  	_ =	shalt  }
0x6a: {  	_ =	shalt  }
0x6b: {  	_ =	shalt  }
0x6c: {  	_ =	shalt  }
0x6d: {  	_ =	shalt  }
0x6e: {  	_ =	shalt  }
0x6f: {  	_ =	shalt  }
0x70: {  	_ =	shalt  }
0x71: {  	_ =	shalt  }
0x72: {  	_ =	shalt  }
0x73: {  	_ =	shalt  }
0x74: {  	_ =	shalt  }
0x75: {  	_ =	shalt  }
0x76: {  	_ =	shalt  }
0x77: {  	_ =	shalt  }
0x78: {  	_ =	shalt  }
0x79: {  	_ =	shalt  }
0x7a: {  	_ =	shalt  }
0x7b: {  	_ =	shalt  }
0x7c: {  	_ =	shalt  }
0x7d: {  	_ =	shalt  }
0x7e: {  	_ =	shalt  }
0x7f: {  	_ =	shalt  }
0x80: {  	_ =	shalt  }
0x81: {  	_ =	shalt  }
0x82: {  	_ =	shalt  }
0x83: {  	_ =	shalt  }
0x84: {  	_ =	shalt  }
0x85: {  	_ =	shalt  }
0x86: {  	_ =	shalt  }
0x87: {  	_ =	shalt  }
.Lfunc_end0:
.L_simem_size_0:
called_computation.1_lowered:
.L_overlay_start_0:
0x88: {  	s2 =	sld [smem:$0x3FD9]  }
0x89: {  	s3 =	sld [smem:$0x3FFE];
	_ =	sdelay $0x1  }
0x8a: {  	s1 =	srdreg.scid  }
0x8b: {  	s0 =	sand.u32 $0x1, s1  }
0x8c: {  	s16 =	sshll.u32 s0, $0xA;
	s2 =	sadd.s32 s3, s2  }
0x8d: {  	s2 =	sadd.s32 s2, s16  }
0x8e: {  	[smem:$0x3FC2] =	sst s2  }
0x8f: {  	_ = 	snop  }
0x90: {  	(tm) =	ssettm $0x1  }
0x91: {  	s17 =	sld [smem:$0x3FFB];
	_ =	sdelay $0x3  }
0x92: {  	_ =	strace s17  }
0x93: {  	s2 =	sld [smem:$0x3FFC];
	_ =	sdelay $0x3  }
0x94: {  	_ =	strace s2  }
0x95: {  	s2 =	sld [smem:$0x3FFD];
	_ =	sdelay $0x3  }
0x96: {  	_ =	strace s2  }
0x97: {  	_ =	strace $0x8FFFFFFF  }
0x98: {  	s18 =	sld [smem:$0x3FDB];
	_ =	sdelay $0x1  }
0x99: {  	s19 =	simm.s32 $_scs_section_size  }
0x9a: {  	s4 =	simm.s32 $_size__tile_overlayer_lowered;
	s5 =	simm.s32 $_tile_overlayer_lowered  }
0x9b: {  	s22 =	simm.s32 $0x1BFF;
	s21 =	sshll.u32 s5, $0x1;
	s2 =	sadd.s32 s19, s18  }
0x9c: {  	s6 =	simm.s32 $0x0;
	s20 =	sshll.u32 s4, $0x1;
	s4 =	sadd.s32 s21, s2  }
0x9d: {  	[timem:s6], [sflag:s22] =	dma.local [hbm:s4], s20  }
0x9e: {  	_ =	swait.ge [sflag:s22], s20  }
0x9f: {  	s3 =	ssub.s32 $0x0, s20;
	[sflag:s22] =	ssyncset.done $0x0  }
0xa0: {  	[sflag:s22] =	ssyncadd.s32 s3;
	_ =	sdelay $0x1  }
0xa1: {  	s23 =	simm.s32 $0x1B8B  }
0xa2: {  	_ =	swait.ge [sflag:s23], $0x1  }
0xa3: {  	[sflag:s23] =	ssyncset.done $0x0  }
0xa4: {  	s25 =	simm.s32 $0x1B8E;
	s24 =	sld [smem:$0x3FFE];
	[sflag:s23] =	ssyncadd.s32 $0xFFFFFFFF  }
0xa5: {  	s26 =	simm.s32 $execute0_lowered;
	[smem:$0x3FD2] =	sst s25  }
0xa6: {  	s4 =	sshll.u32 s26, $0x1;
	_ =	strace $0x80000049;
	[dreg:$0x1] =	wrdreg $0xFFFFFFFF  }
0xa7: {  	s28 =	simm.s32 $_size_execute0_lowered;
	s2 =	sadd.s32 s2, s4;
	[dreg:$0x0] =	wrdreg $0x0  }
0xa8: {  	s4 =	sshll.u32 s28, $0x1;
	[dreg:$0x2] =	wrdreg s2  }
0xa9: {  	[dreg:$0x3] =	wrdreg s4  }
0xaa: {  	[dreg:$0x4] =	wrdreg $0xC0  }
0xab: {  	_ =	task [dreg:s6], $0x5FFFF  }
0xac: {  	[dreg:$0x1] =	wrdreg $0xFFFFFFFF  }
0xad: {  	[dreg:$0x0] =	wrdreg $0x60  }
0xae: {  	[dreg:$0x2] =	wrdreg s24  }
0xaf: {  	[dreg:$0x3] =	wrdreg $0xA8100  }
0xb0: {  	[dreg:$0x4] =	wrdreg $0x9  }
0xb1: {  	_ =	task.clear_ibuf [dreg:s6], $0x5FFFF;
	_ =	strace $0x90000049  }
0xb2: {  	s29 =	simm.s32 $0x9;
	_ =	strace $0x8000004B  }
0xb3: {  	_ =	swait.ge [sflag:s29], $0x1  }
0xb4: {  	[sflag:s29] =	ssyncadd.s32 $0xFFFFFFFF  }
0xb5: {  	_ =	strace $0x9000004B  }
0xb6: {  	_ =	sfence  }
0xb7: {  	s30 =	sld [smem:$0x0];
	_ =	sdelay $0x2  }
0xb8: {  	s31 =	sshll.u32 s1, $0xD;
	s1 =	sshrl.u32 s1, $0x2  }
0xb9: {  	s3 =	sand.u32 $0x4000, s31;
	s1 =	sadd.s32 s1, s30  }
0xba: {  	s0 =	sor.u32 s3, s0;
	s1 =	sshll.u32 s1, $0x11  }
0xbb: {  	s0 =	sor.u32 s1, s0  }
0xbc: {  	s0 =	sadd.s32 $0x8F2B, s0  }
0xbd: {  	[sflag:s0] =	ssyncadd.remote.s32 $0x1  }
0xbe: {  	_ =	sfence.sel $0xFFFF  }
0xbf: {  	[dreg:$0x0] =	wrdreg $0xFFFFFFFF;
	(pc) =	sbr.abs _section_cstart, $3  }
0xc0: {  	[dreg:$0x1] =	wrdreg $0xFFFFFFFF  }
0xc1: {  	_ =	task.clear_ibuf [dreg:s6], $0x2FFFF;
	_ =	strace $0x9FFFFFFF  }
0xc2: {  	(tm) =	ssettm $0x7FFFFFFF  }
0xc3: {  	_ =	shalt  }
tec
execute0_lowered:
.L_overlay_start_1:
0x0: {  	(tag) =	ssettag $0x1  }
0x1: {  	s0 =	rddreg [dreg:$0x0]  }
0x2: {  	s1 =	rddreg [dreg:$0x1]  }
0x3: {  	s2 =	simm.s32 $0x0;
	s3 =	srdreg.scid;
	s17 =	stileid.u32  }
0x4: {  	s18 =	simm.s32 $0xA800;
	s28 =	simm.s32 $0x8800;
	s29 =	simm.s32 $0x9800  }
0x5: {  	s30 =	simm.s32 $0x2;
	s31 =	simm.s32 $0x0;
	[smem:$0x7FF] =	sst s2  }
0x6: {  	s3 =	sand.u32 $0x1, s3;
	s4 =	sadd.s32 $0x1F400, s0;
	s6 =	smul.u32 $0x140, s17  }
0x7: {  	s10 =	sadd.s32 $0xB200, s0;
	s11 =	sadd.s32 $0x15200, s0;
	s7 =	smul.u32 $0x50000, s17  }
0x8: {  	s12 =	sadd.s32 $0x1F200, s0;
	s13 =	smul.u32 $0x2800, s17;
	s22 =	sshllo.u32 s17, $0x1  }
0x9: {  	s23 =	sshll.u32 s17, $0x6;
	s25 =	sshll.u32 s17, $0x2;
	s5 =	smul.u32 $0x1400, s3  }
0xa: {  	s17 =	simm.s32 $0x1400;
	s19 =	ssub.s32 $0x2, s3;
	s9 =	smul.u32 $0x28000, s3  }
0xb: {  	_ =	strace $0x8000004A;
	s16 =	smul.u32 $0x1400, s22;
	s8 =	sshrl.u32 s19, $0x1  }
0xc: {  	s20 =	sshrl.u32 s7, $0x2;
	s5 =	sadd.s32 s6, s5;
	s14 =	ssub.s32 s19, s8  }
0xd: {  	s15 =	sadd.s32 s20, s1;
	s21 =	sadd.s32 s13, s9;
	s6 =	sor.u32 $0x1C03, s23  }
0xe: {  	s16 =	sadd.s32 s9, s16;
	s9 =	sadd.s32 s12, s25;
	s13 =	sshll.u32 s22, $0x1  }
0xf: {  	s19 =	simm.s32 $0x1;
	s20 =	simm.s32 $0x80;
	s22 =	simm.s32 $0x3800  }
0x10: {  	s23 =	simm.s32 $0x4800;
	s25 =	simm.s32 $0x6800;
	s5 =	sshll.u32 s5, $0x5  }
0x11: {  	s24 =	sshrl.u32 s21, $0x3;
	s26 =	sshrl.u32 s16, $0x3;
	s12 =	sadd.s32 s12, s13  }
.Ltmp0:
0x12: {  	s14 =	smax.u32 s14, $0x1;
	s15 =	sshrl.u32 s15, $0x3;
	(pc) =	sbr.rel .LBB2_1-.Ltmp0, $4  }
0x13: {  	s16 =	simm.s32 $0x3;
	s21 =	simm.s32 $0x2800;
	s0 =	sadd.s32 s5, s0  }
0x14: {  	s5 =	sadd.s32 s4, s5;
	s7 =	sadd.s32 s10, s24;
	s8 =	sadd.s32 s11, s24  }
0x15: {  	v1 =	vlaneseq.u32;
	v0 =	vmov s3;
	s10 =	sadd.s32 s10, s26;
	s11 =	sadd.s32 s11, s26;
	s24 =	simm.s32 $0x5800  }
0x16: {  	vm1 =	vmmov $0xffff;
	vm0 =	veq.s32 v0, v1;
	s26 =	simm.s32 $0x7800;
	[dreg:$0x3] =	wrdreg s5;
	s13 =	sadd.s32 $0x6F400, s0  }
.LBB2_5:
0x17: {  	s31 =	sadd.s32 $0x1, s31  }
0x18: {  	p0 =	sne.s32 s31, s14  }
.Ltmp1:
0x19: {  	[bflag:$0x0] =	sbarrier.arrive $0xFFFF;
	(pc) =	sbr.rel @!p0 .LBB2_6-.Ltmp1, $4  }
0x1a: {  	[hbm:s13], [sflag:s6] =	dma.local [spmem:s15], $0x2800  }
0x1b: {  	_ =	swait.ge [sflag:s16], $0x2800  }
0x1c: {  	[sflag:s16] =	ssyncset.done $0x0  }
0x1d: {  	[sflag:s16] =	ssyncadd.s32 $0xFFFFD800  }
.LBB2_1:
0x1e: {  	s0 =	rddreg [dreg:$0x3]  }
0x1f: {  	[spmem:s15], [sflag:s6] =	dma.local [hbm:s0], $0x2800  }
0x20: {  	_ =	swait.ge [sflag:s16], $0x2800  }
0x21: {  	[sflag:s16] =	ssyncset.done $0x0  }
0x22: {  	[sflag:s16] =	ssyncadd.s32 $0xFFFFD800  }
0x23: {  	[bflag:$0x0] =	sbarrier.arrive $0xFFFF  }
0x24: {  	[tilespmem:s2], [sflag:$0x3] =	stream.linear.gather [hbm4b:s7+s2], $0x1400, $0x38;
	[tilespmem:$0x1E810] =	vst v63  }
0x25: {  	_ =	swait.ge [sflag:s16], $0x1400  }
0x26: {  	[sflag:s16] =	ssyncset.done $0x0  }
0x27: {  	[sflag:s16] =	ssyncadd.s32 $0xFFFFEC00  }
0x28: {  	[tilespmem:s17], [sflag:$0x3] =	stream.linear.gather [hbm4b:s8+s2], $0x1400, $0x38;
	[tilespmem:$0x1E810] =	vst v63  }
0x29: {  	_ =	swait.ge [sflag:s16], $0x1400  }
0x2a: {  	[sflag:s16] =	ssyncset.done $0x0  }
0x2b: {  	[sflag:s16] =	ssyncadd.s32 $0xFFFFEC00  }
0x2c: {  	[tilespmem:s18], [sflag:$0x3] =	stream.linear.gather [hbm4b:s9+s2], $0x10, $0x38;
	[tilespmem:$0x1E810] =	vst v63  }
0x2d: {  	_ =	swait.ge [sflag:s16], $0x10  }
0x2e: {  	[sflag:s16] =	ssyncset.done $0x0  }
0x2f: {  	[sflag:s16] =	ssyncadd.s32 $0xFFFFFFF0  }
0x30: {  	v0 =	vld [tilespmem:$0xA800];
	_ =	sdelay $0x4  }
0x31: {  	v0 =	vxor.u32 $0x80000000, v0  }
0x32: {  	v0 =	vnsel vm0, $0x80000000, v0  }
0x33: {  	(xrf0) =	vmax.scan.msk.u32 $0xffff, v0;
	_ =	sdelay $0x5  }
0x34: {  	v0, _, _ =	vpop (xrf0)  }
0x35: {  	(v2sf) =	vpush v0, $0xF;
	_ =	sdelay $0xe  }
0x36: {  	s3 =	spop (v2sf)  }
0x37: {  	s0 =	sadd.s32 $0x8000007F, s3  }
0x38: {  	s3 =	sand.u32 $0x7F, s0  }
0x39: {  	s5 =	sshra.s32 s0, $0x1F;
	p0 =	slt.s32 s0, $0x1;
	p1 =	sne.s32 s3, $0x0  }
0x3a: {  	s5 =	sshrl.u32 s5, $0x19;
	p0 =	por !p0, !p1  }
0x3b: {  	s3 =	simm.s32 $0x1;
	s0 =	sadd.s32 s5, s0;
	p0 =	por !p0, !p0  }
0x3c: {  	s0 =	sshra.s32 s0, $0x7;
	s3 =	simm.s32 @!p0 $0x0  }
0x3d: {  	s0 =	ssub.s32 s0, s3  }
0x3e: {  	p0 =	slt.s32 s0, $0x1  }
.Ltmp2:
0x3f: {  	_ = 	snop;
	(pc) =	sbr.rel @p0 .LBB2_3-.Ltmp2, $2  }
0x40: {  	_ =	sdelay $0x2  }
0x41: {  	s5 =	simm.s32 $0x0;
	s3 =	simm.s32 $0x1440  }
.LBB2_2:
0x42: {  	[tilespmem:s21], [sflag:$0x1] =	stream.indirect.gather [hbm4b:s4+s20], $0x100, s5, s20, $0xb8;
	[tilespmem:$0x1E810] =	vst v63  }
0x43: {  	_ =	swait.ge [sflag:s19], $0x8000  }
0x44: {  	[sflag:s19] =	ssyncset.done $0x0  }
0x45: {  	[sflag:s19] =	ssyncadd.s32 $0xFFFF8000  }
0x46: {  	v0 =	vld [tilespmem:s3+$0xFFFFFFC0];
	_ =	sdelay $0x7  }
0x47: {  	[spmem:s1] =	stream.indirect_vreg.scatter.add.f32 [tilespmem:s21], [sflag:$0x2], $0x100, v0, vm1, $0xb8;
	[tilespmem:$0x1E810] =	vst v63  }
0x48: {  	v0 =	vld [tilespmem:s3+$0xFFFFFFD0];
	_ =	sdelay $0x7  }
0x49: {  	[spmem:s1] =	stream.indirect_vreg.scatter.add.f32 [tilespmem:s22], [sflag:$0x2], $0x100, v0, vm1, $0xb8;
	[tilespmem:$0x1E810] =	vst v63  }
0x4a: {  	v0 =	vld [tilespmem:s3+$0xFFFFFFE0];
	_ =	sdelay $0x7  }
0x4b: {  	[spmem:s1] =	stream.indirect_vreg.scatter.add.f32 [tilespmem:s23], [sflag:$0x2], $0x100, v0, vm1, $0xb8;
	[tilespmem:$0x1E810] =	vst v63  }
0x4c: {  	v0 =	vld [tilespmem:s3+$0xFFFFFFF0];
	_ =	sdelay $0x7  }
0x4d: {  	[spmem:s1] =	stream.indirect_vreg.scatter.add.f32 [tilespmem:s24], [sflag:$0x2], $0x100, v0, vm1, $0xb8;
	[tilespmem:$0x1E810] =	vst v63  }
0x4e: {  	v0 =	vld [tilespmem:s3+$0x0];
	_ =	sdelay $0x7  }
0x4f: {  	[spmem:s1] =	stream.indirect_vreg.scatter.add.f32 [tilespmem:s25], [sflag:$0x2], $0x100, v0, vm1, $0xb8;
	[tilespmem:$0x1E810] =	vst v63  }
0x50: {  	v0 =	vld [tilespmem:s3+$0x10];
	_ =	sdelay $0x7  }
0x51: {  	[spmem:s1] =	stream.indirect_vreg.scatter.add.f32 [tilespmem:s26], [sflag:$0x2], $0x100, v0, vm1, $0xb8;
	[tilespmem:$0x1E810] =	vst v63  }
0x52: {  	v0 =	vld [tilespmem:s3+$0x20];
	_ =	sdelay $0x7  }
0x53: {  	[spmem:s1] =	stream.indirect_vreg.scatter.add.f32 [tilespmem:s28], [sflag:$0x2], $0x100, v0, vm1, $0xb8;
	[tilespmem:$0x1E810] =	vst v63  }
0x54: {  	v0 =	vld [tilespmem:s3+$0x30];
	_ =	sdelay $0x7  }
0x55: {  	[spmem:s1] =	stream.indirect_vreg.scatter.add.f32 [tilespmem:s29], [sflag:$0x2], $0x100, v0, vm1, $0xb8;
	[tilespmem:$0x1E810] =	vst v63  }
0x56: {  	_ =	swait.ge [sflag:s30], $0x1000  }
0x57: {  	[sflag:s30] =	ssyncset.done $0x0  }
0x58: {  	[sflag:s30] =	ssyncadd.s32 $0xFFFFF000  }
0x59: {  	_ =	swait.ge [sflag:s30], $0x1000  }
0x5a: {  	[sflag:s30] =	ssyncset.done $0x0  }
0x5b: {  	[sflag:s30] =	ssyncadd.s32 $0xFFFFF000  }
0x5c: {  	_ =	swait.ge [sflag:s30], $0x1000  }
0x5d: {  	[sflag:s30] =	ssyncset.done $0x0  }
0x5e: {  	[sflag:s30] =	ssyncadd.s32 $0xFFFFF000  }
0x5f: {  	_ =	swait.ge [sflag:s30], $0x1000  }
0x60: {  	[sflag:s30] =	ssyncset.done $0x0  }
0x61: {  	[sflag:s30] =	ssyncadd.s32 $0xFFFFF000  }
0x62: {  	_ =	swait.ge [sflag:s30], $0x1000  }
0x63: {  	[sflag:s30] =	ssyncset.done $0x0  }
0x64: {  	[sflag:s30] =	ssyncadd.s32 $0xFFFFF000  }
0x65: {  	_ =	swait.ge [sflag:s30], $0x1000  }
0x66: {  	[sflag:s30] =	ssyncset.done $0x0  }
0x67: {  	[sflag:s30] =	ssyncadd.s32 $0xFFFFF000  }
0x68: {  	p0 =	sne.s32 s0, $0x1;
	_ =	swait.ge [sflag:s30], $0x1000  }
.Ltmp3:
0x69: {  	[sflag:s30] =	ssyncset.done $0x0;
	(pc) =	sbr.rel @p0 .LBB2_2-.Ltmp3, $4  }
0x6a: {  	[sflag:s30] =	ssyncadd.s32 $0xFFFFF000  }
0x6b: {  	_ =	swait.ge [sflag:s30], $0x1000  }
0x6c: {  	s5 =	sadd.s32 $0x80, s5;
	[sflag:s30] =	ssyncset.done $0x0  }
0x6d: {  	s0 =	sadd.s32 $0xFFFFFFFF, s0;
	s3 =	sadd.s32 $0x80, s3;
	[sflag:s30] =	ssyncadd.s32 $0xFFFFF000  }
.LBB2_3:
0x6e: {  	s0 =	simm.s32 $0x0  }
0x6f: {  	[tilespmem:s0], [sflag:$0x3] =	stream.linear.gather [hbm4b:s10+s0], $0x1400, $0x38;
	[tilespmem:$0x1E810] =	vst v63  }
0x70: {  	_ =	swait.ge [sflag:s16], $0x1400  }
0x71: {  	[sflag:s16] =	ssyncset.done $0x0  }
0x72: {  	[sflag:s16] =	ssyncadd.s32 $0xFFFFEC00  }
0x73: {  	[tilespmem:s17], [sflag:$0x3] =	stream.linear.gather [hbm4b:s11+s0], $0x1400, $0x38;
	[tilespmem:$0x1E810] =	vst v63  }
0x74: {  	_ =	swait.ge [sflag:s16], $0x1400  }
0x75: {  	[sflag:s16] =	ssyncset.done $0x0  }
0x76: {  	[sflag:s16] =	ssyncadd.s32 $0xFFFFEC00  }
0x77: {  	[tilespmem:s18], [sflag:$0x3] =	stream.linear.gather [hbm4b:s12+s0], $0x10, $0x38;
	[tilespmem:$0x1E810] =	vst v63  }
0x78: {  	_ =	swait.ge [sflag:s16], $0x10  }
0x79: {  	[sflag:s16] =	ssyncset.done $0x0  }
0x7a: {  	[sflag:s16] =	ssyncadd.s32 $0xFFFFFFF0  }
0x7b: {  	v0 =	vld [tilespmem:$0xA800];
	_ =	sdelay $0x4  }
0x7c: {  	v0 =	vxor.u32 $0x80000000, v0  }
0x7d: {  	v0 =	vnsel vm0, $0x80000000, v0  }
0x7e: {  	(xrf0) =	vmax.scan.msk.u32 $0xffff, v0;
	_ =	sdelay $0x5  }
0x7f: {  	v0, _, _ =	vpop (xrf0)  }
0x80: {  	(v2sf) =	vpush v0, $0xF;
	_ =	sdelay $0xe  }
0x81: {  	s3 =	spop (v2sf)  }
0x82: {  	s3 =	sadd.s32 $0x8000007F, s3  }
0x83: {  	s5 =	sand.u32 $0x7F, s3  }
0x84: {  	p1 =	slt.s32 s3, $0x1;
	p0 =	sne.s32 s5, $0x0;
	s5 =	sshra.s32 s3, $0x1F  }
0x85: {  	s5 =	sshrl.u32 s5, $0x19;
	p0 =	por !p1, !p0  }
0x86: {  	s3 =	sadd.s32 s5, s3;
	p0 =	por !p0, !p0;
	s5 =	simm.s32 $0x1  }
0x87: {  	s3 =	sshra.s32 s3, $0x7;
	s5 =	simm.s32 @!p0 $0x0  }
0x88: {  	s3 =	ssub.s32 s3, s5  }
0x89: {  	p0 =	slt.s32 s3, $0x1  }
.Ltmp4:
0x8a: {  	_ = 	snop;
	(pc) =	sbr.rel @p0 .LBB2_5-.Ltmp4, $2  }
0x8b: {  	_ =	sdelay $0x2  }
0x8c: {  	s5 =	simm.s32 $0x1440  }
.LBB2_4:
0x8d: {  	[tilespmem:s21], [sflag:$0x1] =	stream.indirect.gather [hbm4b:s4+s20], $0x100, s0, s20, $0xb8;
	[tilespmem:$0x1E810] =	vst v63  }
0x8e: {  	_ =	swait.ge [sflag:s19], $0x8000  }
0x8f: {  	[sflag:s19] =	ssyncset.done $0x0  }
0x90: {  	[sflag:s19] =	ssyncadd.s32 $0xFFFF8000  }
0x91: {  	v0 =	vld [tilespmem:s5+$0xFFFFFFC0];
	_ =	sdelay $0x7  }
0x92: {  	[spmem:s1] =	stream.indirect_vreg.scatter.add.f32 [tilespmem:s21], [sflag:$0x2], $0x100, v0, vm1, $0xb8;
	[tilespmem:$0x1E810] =	vst v63  }
0x93: {  	v0 =	vld [tilespmem:s5+$0xFFFFFFD0];
	_ =	sdelay $0x7  }
0x94: {  	[spmem:s1] =	stream.indirect_vreg.scatter.add.f32 [tilespmem:s22], [sflag:$0x2], $0x100, v0, vm1, $0xb8;
	[tilespmem:$0x1E810] =	vst v63  }
0x95: {  	v0 =	vld [tilespmem:s5+$0xFFFFFFE0];
	_ =	sdelay $0x7  }
0x96: {  	[spmem:s1] =	stream.indirect_vreg.scatter.add.f32 [tilespmem:s23], [sflag:$0x2], $0x100, v0, vm1, $0xb8;
	[tilespmem:$0x1E810] =	vst v63  }
0x97: {  	v0 =	vld [tilespmem:s5+$0xFFFFFFF0];
	_ =	sdelay $0x7  }
0x98: {  	[spmem:s1] =	stream.indirect_vreg.scatter.add.f32 [tilespmem:s24], [sflag:$0x2], $0x100, v0, vm1, $0xb8;
	[tilespmem:$0x1E810] =	vst v63  }
0x99: {  	v0 =	vld [tilespmem:s5+$0x0];
	_ =	sdelay $0x7  }
0x9a: {  	[spmem:s1] =	stream.indirect_vreg.scatter.add.f32 [tilespmem:s25], [sflag:$0x2], $0x100, v0, vm1, $0xb8;
	[tilespmem:$0x1E810] =	vst v63  }
0x9b: {  	v0 =	vld [tilespmem:s5+$0x10];
	_ =	sdelay $0x7  }
0x9c: {  	[spmem:s1] =	stream.indirect_vreg.scatter.add.f32 [tilespmem:s26], [sflag:$0x2], $0x100, v0, vm1, $0xb8;
	[tilespmem:$0x1E810] =	vst v63  }
0x9d: {  	v0 =	vld [tilespmem:s5+$0x20];
	_ =	sdelay $0x7  }
0x9e: {  	[spmem:s1] =	stream.indirect_vreg.scatter.add.f32 [tilespmem:s28], [sflag:$0x2], $0x100, v0, vm1, $0xb8;
	[tilespmem:$0x1E810] =	vst v63  }
0x9f: {  	v0 =	vld [tilespmem:s5+$0x30];
	_ =	sdelay $0x7  }
0xa0: {  	[spmem:s1] =	stream.indirect_vreg.scatter.add.f32 [tilespmem:s29], [sflag:$0x2], $0x100, v0, vm1, $0xb8;
	[tilespmem:$0x1E810] =	vst v63  }
0xa1: {  	_ =	swait.ge [sflag:s30], $0x1000  }
0xa2: {  	[sflag:s30] =	ssyncset.done $0x0  }
0xa3: {  	[sflag:s30] =	ssyncadd.s32 $0xFFFFF000  }
0xa4: {  	_ =	swait.ge [sflag:s30], $0x1000  }
0xa5: {  	[sflag:s30] =	ssyncset.done $0x0  }
0xa6: {  	[sflag:s30] =	ssyncadd.s32 $0xFFFFF000  }
0xa7: {  	_ =	swait.ge [sflag:s30], $0x1000  }
0xa8: {  	[sflag:s30] =	ssyncset.done $0x0  }
0xa9: {  	[sflag:s30] =	ssyncadd.s32 $0xFFFFF000  }
0xaa: {  	_ =	swait.ge [sflag:s30], $0x1000  }
0xab: {  	[sflag:s30] =	ssyncset.done $0x0  }
0xac: {  	[sflag:s30] =	ssyncadd.s32 $0xFFFFF000  }
0xad: {  	_ =	swait.ge [sflag:s30], $0x1000  }
0xae: {  	[sflag:s30] =	ssyncset.done $0x0  }
0xaf: {  	[sflag:s30] =	ssyncadd.s32 $0xFFFFF000  }
0xb0: {  	_ =	swait.ge [sflag:s30], $0x1000  }
0xb1: {  	[sflag:s30] =	ssyncset.done $0x0  }
0xb2: {  	[sflag:s30] =	ssyncadd.s32 $0xFFFFF000  }
0xb3: {  	p0 =	sne.s32 s3, $0x1;
	_ =	swait.ge [sflag:s30], $0x1000  }
.Ltmp5:
0xb4: {  	[sflag:s30] =	ssyncset.done $0x0;
	(pc) =	sbr.rel @p0 .LBB2_4-.Ltmp5, $4  }
0xb5: {  	[sflag:s30] =	ssyncadd.s32 $0xFFFFF000  }
0xb6: {  	_ =	swait.ge [sflag:s30], $0x1000  }
0xb7: {  	s0 =	sadd.s32 $0x80, s0;
	[sflag:s30] =	ssyncset.done $0x0  }
0xb8: {  	s3 =	sadd.s32 $0xFFFFFFFF, s3;
	s5 =	sadd.s32 $0x80, s5;
	[sflag:s30] =	ssyncadd.s32 $0xFFFFF000  }
.Ltmp6:
0xb9: {  	_ = 	snop;
	(pc) =	sbr.rel .LBB2_5-.Ltmp6, $1  }
0xba: {  	_ =	sdelay $0x3  }
.LBB2_6:
0xbb: {  	_ =	sfence.sel $0x180000  }
0xbc: {  	[bflag:$0x0] =	sbarrier.arrive $0xFFFF  }
0xbd: {  	_ =	strace $0x9000004A  }
0xbe: {  	s0 =	stileid.u32;
	[bflag:$0x2] =	sbarrier.arrive $0xFFFF  }
0xbf: {  	p0 =	sne.s32 s0, $0x0;
	s0 =	rddreg [dreg:$0x2]  }
0xc0: {  	s0 =	sadd.s32 @!p0 $0x100000, s0  }
0xc1: {  	[sflag:s0] =	ssyncadd.tile.s32 @!p0 $0x1;
	_ =	shalt  }
.Lfunc_end2:
_tile_overlayer_lowered:
.L_overlay_start_2:
0xc2: {  	(tag) =	ssettag $0x2  }
0xc3: {  	s0 =	rddreg [dreg:$0x0];
	s2 =	stileid.u32  }
0xc4: {  	s1 =	rddreg [dreg:$0x1];
	p0 =	sne.s32 s2, $0x0  }
0xc5: {  	s3 =	rddreg [dreg:$0x2];
	[bflag:$0x3] =	sbarrier.arrive $0xFFFF;
	s2 =	simm.s32 @!p0 $0x1C03  }
0xc6: {  	[timem:s3], [sflag:s2] =	dma.local @!p0 [hbm:s0], s1  }
0xc7: {  	s0 =	simm.s32 @!p0 $0x3  }
0xc8: {  	_ =	swait.ge @!p0 [sflag:s0], s1  }
0xc9: {  	s1 =	ssub.s32 @!p0 $0x0, s1;
	[sflag:s0] =	ssyncset.done @!p0 $0x0  }
0xca: {  	[sflag:s0] =	ssyncadd.s32 @!p0 s1  }
0xcb: {  	[bflag:$0x3] =	sbarrier.arrive $0xFFFF  }
0xcc: {  	_ =	shalt  }

// kernel: kernel.14.cloned.1.call-start
scs
__scs_entry_jumppad:
0x0: {  	(pc) =	sbr.rel $0x88, $3  }
0x1: {  	(tag) =	ssettag $0x0;
	lr =	simm.s32 $0x1  }
0x2: {  	[smem:$0x3F9B] =	sst lr;
	_ =	strace $0xD0000000  }
0x3: {  	_ = 	snop  }
0x4: {  	_ = 	snop  }
0x5: {  	_ = 	snop  }
0x6: {  	_ = 	snop  }
0x7: {  	_ = 	snop  }
__scs_overlays_trampoline_lowered:
0x8: {  	[smem:$0x3FAA] =	sst s0  }
0x9: {  	[smem:$0x3FAB] =	sst s1  }
0xa: {  	[smem:$0x3FAC] =	sst s2  }
0xb: {  	[smem:$0x3FAD] =	sst s3  }
0xc: {  	[smem:$0x3FAE] =	sst s4  }
0xd: {  	[smem:$0x3FAF] =	sst s5  }
0xe: {  	[smem:$0x3FB0] =	sst s6  }
0xf: {  	[smem:$0x3FB1] =	sst s7  }
0x10: {  	[smem:$0x3FB2] =	sst s8  }
0x11: {  	[smem:$0x3FB3] =	sst s9;
	s0 =	simm.s32 @!p0 $0x0  }
0x12: {  	s1 =	sld [smem:$0x3F99];
	s0 =	simm.s32 @p0 $0x1  }
0x13: {  	[smem:$0x3FB4] =	sst s0;
	s0 =	simm.s32 @!p1 $0x0  }
0x14: {  	s2 =	sld [smem:$0x3F98];
	s0 =	simm.s32 @p1 $0x1  }
0x15: {  	[smem:$0x3FB5] =	sst s0;
	s0 =	simm.s32 @!p2 $0x0  }
0x16: {  	s3 =	sld [smem:$0x3FDB];
	s0 =	simm.s32 @p2 $0x1  }
0x17: {  	s4 =	simm.s32 $0x1BF5;
	[smem:$0x3FB7] =	sst s0  }
0x18: {  	s0 =	sld [smem:$0x3F9A];
	_ =	swait.ge [sflag:s4], $0x0  }
0x19: {  	s7 =	sld [smem:$0x3F9B]  }
0x1a: {  	s8 =	sadd.s32 $0xFFFFE003, lr  }
0x1b: {  	s9 =	sadd.s32 $0xFFFFFEF7, lr;
	s5 =	simm.s32 $0xFFFFFFFF;
	p2 =	slt.u32 s8, $0xFFFFF086  }
0x1c: {  	p1 =	slt.u32 s9, $0xF7A;
	s5 =	simm.s32 @!p2 $0x0  }
0x1d: {  	s5 =	simm.s32 @p1 $0x1;
	p0 =	seq.s32 s7, s2  }
0x1e: {  	s7 =	smul.u32 @!p0 $0xF7A, s2;
	p2 =	seq.s32 @!p0 s5, $0x0  }
0x1f: {  	s9 =	smul.u32 $0xF7A, s1;
	s8 =	simm.s32 @!p0 $0x1BF5;
	p2 =	por !p2, p0  }
0x20: {  	[sflag:s8] =	ssyncset.s32 @!p0 $0xFFFFF086;
	s6 =	sadd.s32 @!p0 s3, s7;
	s7 =	simm.s32 @!p0 $0x108  }
0x21: {  	s3 =	sadd.s32 s3, s9;
	s6 =	sadd.s32 @!p0 $0x88, s6;
	s7 =	simm.s32 @p2 $0x1082  }
0x22: {  	[simem:s7], [sflag:s8] =	dma.local @!p0 [hbm:s6], $0xF7A  }
0x23: {  	s9 =	sor.u32 $0xD0000000, s2;
	s6 =	simm.s32 $0x108;
	_ =	swait.ge @!p0 [sflag:s8], $0x0  }
0x24: {  	s3 =	sadd.s32 $0x88, s3;
	s6 =	simm.s32 @!p1 $0x1082;
	[sflag:s4] =	ssyncset.s32 $0xFFFFF086  }
0x25: {  	[simem:s6], [sflag:s4] =	dma.local [hbm:s3], $0xF7A  }
0x26: {  	[smem:$0x3F9B] =	sst s1;
	(tag) =	ssettag s2;
	_ =	strace s9  }
0x27: {  	s1 =	sld [smem:$0x3FAB]  }
0x28: {  	s2 =	sld [smem:$0x3FAC]  }
0x29: {  	s4 =	sld [smem:$0x3FAE]  }
0x2a: {  	p0 =	seq.s32 s5, $0x0;
	s5 =	sld [smem:$0x3FAF]  }
0x2b: {  	s6 =	sld [smem:$0x3FB0]  }
0x2c: {  	s7 =	sld [smem:$0x3FB1]  }
0x2d: {  	s3 =	simm.s32 $0x108;
	s8 =	sld [smem:$0x3FB2]  }
0x2e: {  	s3 =	simm.s32 @!p0 $0x1082;
	s9 =	sld [smem:$0x3FB3]  }
0x2f: {  	lr =	sadd.s32 s0, s3;
	s0 =	sld [smem:$0x3FAA]  }
0x30: {  	s3 =	sld [smem:$0x3FAD]  }
0x31: {  	[smem:$0x3FB6] =	sst s10  }
0x32: {  	s10 =	sld [smem:$0x3FB4];
	_ =	sdelay $0x3  }
0x33: {  	p0 =	seq.s32 s10, $0x1;
	s10 =	sld [smem:$0x3FB6];
	_ =	sdelay $0x3  }
0x34: {  	[smem:$0x3FB6] =	sst s10  }
0x35: {  	s10 =	sld [smem:$0x3FB5];
	_ =	sdelay $0x3  }
0x36: {  	p1 =	seq.s32 s10, $0x1;
	s10 =	sld [smem:$0x3FB6];
	_ =	sdelay $0x3  }
0x37: {  	[smem:$0x3FB6] =	sst s10  }
0x38: {  	s10 =	sld [smem:$0x3FB7]  }
0x39: {  	_ = 	snop;
	(pc) =	sbr.ind lr, $3  }
0x3a: {  	_ = 	snop  }
0x3b: {  	_ = 	snop  }
0x3c: {  	p2 =	seq.s32 s10, $0x1;
	s10 =	sld [smem:$0x3FB6]  }
0x3d: {  	_ =	shalt  }
0x3e: {  	_ =	shalt  }
0x3f: {  	_ =	shalt  }
0x40: {  	_ =	shalt  }
0x41: {  	_ =	shalt  }
0x42: {  	_ =	shalt  }
0x43: {  	_ =	shalt  }
0x44: {  	_ =	shalt  }
0x45: {  	_ =	shalt  }
0x46: {  	_ =	shalt  }
0x47: {  	_ =	shalt  }
0x48: {  	_ =	shalt  }
0x49: {  	_ =	shalt  }
0x4a: {  	_ =	shalt  }
0x4b: {  	_ =	shalt  }
0x4c: {  	_ =	shalt  }
0x4d: {  	_ =	shalt  }
0x4e: {  	_ =	shalt  }
0x4f: {  	_ =	shalt  }
0x50: {  	_ =	shalt  }
0x51: {  	_ =	shalt  }
0x52: {  	_ =	shalt  }
0x53: {  	_ =	shalt  }
0x54: {  	_ =	shalt  }
0x55: {  	_ =	shalt  }
0x56: {  	_ =	shalt  }
0x57: {  	_ =	shalt  }
0x58: {  	_ =	shalt  }
0x59: {  	_ =	shalt  }
0x5a: {  	_ =	shalt  }
0x5b: {  	_ =	shalt  }
0x5c: {  	_ =	shalt  }
0x5d: {  	_ =	shalt  }
0x5e: {  	_ =	shalt  }
0x5f: {  	_ =	shalt  }
0x60: {  	_ =	shalt  }
0x61: {  	_ =	shalt  }
0x62: {  	_ =	shalt  }
0x63: {  	_ =	shalt  }
0x64: {  	_ =	shalt  }
0x65: {  	_ =	shalt  }
0x66: {  	_ =	shalt  }
0x67: {  	_ =	shalt  }
0x68: {  	_ =	shalt  }
0x69: {  	_ =	shalt  }
0x6a: {  	_ =	shalt  }
0x6b: {  	_ =	shalt  }
0x6c: {  	_ =	shalt  }
0x6d: {  	_ =	shalt  }
0x6e: {  	_ =	shalt  }
0x6f: {  	_ =	shalt  }
0x70: {  	_ =	shalt  }
0x71: {  	_ =	shalt  }
0x72: {  	_ =	shalt  }
0x73: {  	_ =	shalt  }
0x74: {  	_ =	shalt  }
0x75: {  	_ =	shalt  }
0x76: {  	_ =	shalt  }
0x77: {  	_ =	shalt  }
0x78: {  	_ =	shalt  }
0x79: {  	_ =	shalt  }
0x7a: {  	_ =	shalt  }
0x7b: {  	_ =	shalt  }
0x7c: {  	_ =	shalt  }
0x7d: {  	_ =	shalt  }
0x7e: {  	_ =	shalt  }
0x7f: {  	_ =	shalt  }
0x80: {  	_ =	shalt  }
0x81: {  	_ =	shalt  }
0x82: {  	_ =	shalt  }
0x83: {  	_ =	shalt  }
0x84: {  	_ =	shalt  }
0x85: {  	_ =	shalt  }
0x86: {  	_ =	shalt  }
0x87: {  	_ =	shalt  }
.Lfunc_end0:
.L_simem_size_0:
called_computation.2_lowered:
.L_overlay_start_0:
0x88: {  	s2 =	sld [smem:$0x3FD9]  }
0x89: {  	s3 =	sld [smem:$0x3FFE];
	_ =	sdelay $0x1  }
0x8a: {  	s1 =	srdreg.scid  }
0x8b: {  	s0 =	sand.u32 $0x1, s1  }
0x8c: {  	s16 =	sshll.u32 s0, $0xA;
	s2 =	sadd.s32 s3, s2  }
0x8d: {  	s2 =	sadd.s32 s2, s16  }
0x8e: {  	[smem:$0x3FC2] =	sst s2  }
0x8f: {  	_ = 	snop  }
0x90: {  	(tm) =	ssettm $0x1  }
0x91: {  	s17 =	sld [smem:$0x3FFB];
	_ =	sdelay $0x3  }
0x92: {  	_ =	strace s17  }
0x93: {  	s2 =	sld [smem:$0x3FFC];
	_ =	sdelay $0x3  }
0x94: {  	_ =	strace s2  }
0x95: {  	s2 =	sld [smem:$0x3FFD];
	_ =	sdelay $0x3  }
0x96: {  	_ =	strace s2  }
0x97: {  	_ =	strace $0x8FFFFFFF  }
0x98: {  	s18 =	sld [smem:$0x3FDB];
	_ =	sdelay $0x1  }
0x99: {  	s19 =	simm.s32 $_scs_section_size  }
0x9a: {  	s4 =	simm.s32 $_size__tile_overlayer_lowered;
	s5 =	simm.s32 $_tile_overlayer_lowered  }
0x9b: {  	s22 =	simm.s32 $0x1BFF;
	s21 =	sshll.u32 s5, $0x1;
	s2 =	sadd.s32 s19, s18  }
0x9c: {  	s6 =	simm.s32 $0x0;
	s20 =	sshll.u32 s4, $0x1;
	s4 =	sadd.s32 s21, s2  }
0x9d: {  	[timem:s6], [sflag:s22] =	dma.local [hbm:s4], s20  }
0x9e: {  	_ =	swait.ge [sflag:s22], s20  }
0x9f: {  	s3 =	ssub.s32 $0x0, s20;
	[sflag:s22] =	ssyncset.done $0x0  }
0xa0: {  	[sflag:s22] =	ssyncadd.s32 s3;
	_ =	sdelay $0x1  }
0xa1: {  	s23 =	simm.s32 $0x1B8B  }
0xa2: {  	_ =	swait.ge [sflag:s23], $0x1  }
0xa3: {  	[sflag:s23] =	ssyncset.done $0x0  }
0xa4: {  	s25 =	simm.s32 $0x1B8E;
	s24 =	sld [smem:$0x3FFE];
	[sflag:s23] =	ssyncadd.s32 $0xFFFFFFFF  }
0xa5: {  	s26 =	simm.s32 $execute0_lowered;
	[smem:$0x3FD2] =	sst s25  }
0xa6: {  	s4 =	sshll.u32 s26, $0x1;
	_ =	strace $0x8000004C;
	[dreg:$0x1] =	wrdreg $0xFFFFFFFF  }
0xa7: {  	s28 =	simm.s32 $_size_execute0_lowered;
	s2 =	sadd.s32 s2, s4;
	[dreg:$0x0] =	wrdreg $0x0  }
0xa8: {  	s4 =	sshll.u32 s28, $0x1;
	[dreg:$0x2] =	wrdreg s2  }
0xa9: {  	[dreg:$0x3] =	wrdreg s4  }
0xaa: {  	[dreg:$0x4] =	wrdreg $0xC0  }
0xab: {  	_ =	task [dreg:s6], $0x5FFFF  }
0xac: {  	[dreg:$0x1] =	wrdreg $0xFFFFFFFF  }
0xad: {  	[dreg:$0x0] =	wrdreg $0x60  }
0xae: {  	[dreg:$0x2] =	wrdreg s24  }
0xaf: {  	[dreg:$0x3] =	wrdreg $0xA8100  }
0xb0: {  	[dreg:$0x4] =	wrdreg $0x9  }
0xb1: {  	_ =	task.clear_ibuf [dreg:s6], $0x5FFFF;
	_ =	strace $0x9000004C  }
0xb2: {  	s29 =	simm.s32 $0x9;
	_ =	strace $0x8000004E  }
0xb3: {  	_ =	swait.ge [sflag:s29], $0x1  }
0xb4: {  	[sflag:s29] =	ssyncadd.s32 $0xFFFFFFFF  }
0xb5: {  	_ =	strace $0x9000004E  }
0xb6: {  	_ =	sfence  }
0xb7: {  	s30 =	sld [smem:$0x0];
	_ =	sdelay $0x2  }
0xb8: {  	s31 =	sshll.u32 s1, $0xD;
	s1 =	sshrl.u32 s1, $0x2  }
0xb9: {  	s3 =	sand.u32 $0x4000, s31;
	s1 =	sadd.s32 s1, s30  }
0xba: {  	s0 =	sor.u32 s3, s0;
	s1 =	sshll.u32 s1, $0x11  }
0xbb: {  	s0 =	sor.u32 s1, s0  }
0xbc: {  	s0 =	sadd.s32 $0x8F2B, s0  }
0xbd: {  	[sflag:s0] =	ssyncadd.remote.s32 $0x1  }
0xbe: {  	_ =	sfence.sel $0xFFFF  }
0xbf: {  	[dreg:$0x0] =	wrdreg $0xFFFFFFFF;
	(pc) =	sbr.abs _section_cstart, $3  }
0xc0: {  	[dreg:$0x1] =	wrdreg $0xFFFFFFFF  }
0xc1: {  	_ =	task.clear_ibuf [dreg:s6], $0x2FFFF;
	_ =	strace $0x9FFFFFFF  }
0xc2: {  	(tm) =	ssettm $0x7FFFFFFF  }
0xc3: {  	_ =	shalt  }
tec
execute0_lowered:
.L_overlay_start_1:
0x0: {  	(tag) =	ssettag $0x1  }
0x1: {  	s0 =	rddreg [dreg:$0x0]  }
0x2: {  	s1 =	rddreg [dreg:$0x1]  }
0x3: {  	s2 =	simm.s32 $0x0;
	s3 =	srdreg.scid;
	s17 =	stileid.u32  }
0x4: {  	s18 =	simm.s32 $0xA800;
	s28 =	simm.s32 $0x8800;
	s29 =	simm.s32 $0x9800  }
0x5: {  	s30 =	simm.s32 $0x2;
	s31 =	simm.s32 $0x0;
	[smem:$0x7FF] =	sst s2  }
0x6: {  	s3 =	sand.u32 $0x1, s3;
	s4 =	sadd.s32 $0x1F400, s0;
	s6 =	smul.u32 $0x140, s17  }
0x7: {  	s10 =	sadd.s32 $0xB200, s0;
	s11 =	sadd.s32 $0x15200, s0;
	s7 =	smul.u32 $0x50000, s17  }
0x8: {  	s12 =	sadd.s32 $0x1F200, s0;
	s13 =	smul.u32 $0x2800, s17;
	s22 =	sshllo.u32 s17, $0x1  }
0x9: {  	s23 =	sshll.u32 s17, $0x6;
	s25 =	sshll.u32 s17, $0x2;
	s5 =	smul.u32 $0x1400, s3  }
0xa: {  	s17 =	simm.s32 $0x1400;
	s19 =	ssub.s32 $0x2, s3;
	s9 =	smul.u32 $0x28000, s3  }
0xb: {  	_ =	strace $0x8000004D;
	s16 =	smul.u32 $0x1400, s22;
	s8 =	sshrl.u32 s19, $0x1  }
0xc: {  	s20 =	sshrl.u32 s7, $0x2;
	s5 =	sadd.s32 s6, s5;
	s14 =	ssub.s32 s19, s8  }
0xd: {  	s15 =	sadd.s32 s20, s1;
	s21 =	sadd.s32 s13, s9;
	s6 =	sor.u32 $0x1C03, s23  }
0xe: {  	s16 =	sadd.s32 s9, s16;
	s9 =	sadd.s32 s12, s25;
	s13 =	sshll.u32 s22, $0x1  }
0xf: {  	s19 =	simm.s32 $0x1;
	s20 =	simm.s32 $0x80;
	s22 =	simm.s32 $0x3800  }
0x10: {  	s23 =	simm.s32 $0x4800;
	s25 =	simm.s32 $0x6800;
	s5 =	sshll.u32 s5, $0x5  }
0x11: {  	s24 =	sshrl.u32 s21, $0x3;
	s26 =	sshrl.u32 s16, $0x3;
	s12 =	sadd.s32 s12, s13  }
.Ltmp0:
0x12: {  	s14 =	smax.u32 s14, $0x1;
	s15 =	sshrl.u32 s15, $0x3;
	(pc) =	sbr.rel .LBB2_1-.Ltmp0, $4  }
0x13: {  	s16 =	simm.s32 $0x3;
	s21 =	simm.s32 $0x2800;
	s0 =	sadd.s32 s5, s0  }
0x14: {  	s5 =	sadd.s32 s4, s5;
	s7 =	sadd.s32 s10, s24;
	s8 =	sadd.s32 s11, s24  }
0x15: {  	v1 =	vlaneseq.u32;
	v0 =	vmov s3;
	s10 =	sadd.s32 s10, s26;
	s11 =	sadd.s32 s11, s26;
	s24 =	simm.s32 $0x5800  }
0x16: {  	vm1 =	vmmov $0xffff;
	vm0 =	veq.s32 v0, v1;
	s26 =	simm.s32 $0x7800;
	[dreg:$0x3] =	wrdreg s5;
	s13 =	sadd.s32 $0x6F400, s0  }
.LBB2_5:
0x17: {  	s31 =	sadd.s32 $0x1, s31  }
0x18: {  	p0 =	sne.s32 s31, s14  }
.Ltmp1:
0x19: {  	[bflag:$0x0] =	sbarrier.arrive $0xFFFF;
	(pc) =	sbr.rel @!p0 .LBB2_6-.Ltmp1, $4  }
0x1a: {  	[hbm:s13], [sflag:s6] =	dma.local [spmem:s15], $0x2800  }
0x1b: {  	_ =	swait.ge [sflag:s16], $0x2800  }
0x1c: {  	[sflag:s16] =	ssyncset.done $0x0  }
0x1d: {  	[sflag:s16] =	ssyncadd.s32 $0xFFFFD800  }
.LBB2_1:
0x1e: {  	s0 =	rddreg [dreg:$0x3]  }
0x1f: {  	[spmem:s15], [sflag:s6] =	dma.local [hbm:s0], $0x2800  }
0x20: {  	_ =	swait.ge [sflag:s16], $0x2800  }
0x21: {  	[sflag:s16] =	ssyncset.done $0x0  }
0x22: {  	[sflag:s16] =	ssyncadd.s32 $0xFFFFD800  }
0x23: {  	[bflag:$0x0] =	sbarrier.arrive $0xFFFF  }
0x24: {  	[tilespmem:s2], [sflag:$0x3] =	stream.linear.gather [hbm4b:s7+s2], $0x1400, $0x38;
	[tilespmem:$0x1E810] =	vst v63  }
0x25: {  	_ =	swait.ge [sflag:s16], $0x1400  }
0x26: {  	[sflag:s16] =	ssyncset.done $0x0  }
0x27: {  	[sflag:s16] =	ssyncadd.s32 $0xFFFFEC00  }
0x28: {  	[tilespmem:s17], [sflag:$0x3] =	stream.linear.gather [hbm4b:s8+s2], $0x1400, $0x38;
	[tilespmem:$0x1E810] =	vst v63  }
0x29: {  	_ =	swait.ge [sflag:s16], $0x1400  }
0x2a: {  	[sflag:s16] =	ssyncset.done $0x0  }
0x2b: {  	[sflag:s16] =	ssyncadd.s32 $0xFFFFEC00  }
0x2c: {  	[tilespmem:s18], [sflag:$0x3] =	stream.linear.gather [hbm4b:s9+s2], $0x10, $0x38;
	[tilespmem:$0x1E810] =	vst v63  }
0x2d: {  	_ =	swait.ge [sflag:s16], $0x10  }
0x2e: {  	[sflag:s16] =	ssyncset.done $0x0  }
0x2f: {  	[sflag:s16] =	ssyncadd.s32 $0xFFFFFFF0  }
0x30: {  	v0 =	vld [tilespmem:$0xA800];
	_ =	sdelay $0x4  }
0x31: {  	v0 =	vxor.u32 $0x80000000, v0  }
0x32: {  	v0 =	vnsel vm0, $0x80000000, v0  }
0x33: {  	(xrf0) =	vmax.scan.msk.u32 $0xffff, v0;
	_ =	sdelay $0x5  }
0x34: {  	v0, _, _ =	vpop (xrf0)  }
0x35: {  	(v2sf) =	vpush v0, $0xF;
	_ =	sdelay $0xe  }
0x36: {  	s3 =	spop (v2sf)  }
0x37: {  	s0 =	sadd.s32 $0x8000007F, s3  }
0x38: {  	s3 =	sand.u32 $0x7F, s0  }
0x39: {  	s5 =	sshra.s32 s0, $0x1F;
	p0 =	slt.s32 s0, $0x1;
	p1 =	sne.s32 s3, $0x0  }
0x3a: {  	s5 =	sshrl.u32 s5, $0x19;
	p0 =	por !p0, !p1  }
0x3b: {  	s3 =	simm.s32 $0x1;
	s0 =	sadd.s32 s5, s0;
	p0 =	por !p0, !p0  }
0x3c: {  	s0 =	sshra.s32 s0, $0x7;
	s3 =	simm.s32 @!p0 $0x0  }
0x3d: {  	s0 =	ssub.s32 s0, s3  }
0x3e: {  	p0 =	slt.s32 s0, $0x1  }
.Ltmp2:
0x3f: {  	_ = 	snop;
	(pc) =	sbr.rel @p0 .LBB2_3-.Ltmp2, $2  }
0x40: {  	_ =	sdelay $0x2  }
0x41: {  	s5 =	simm.s32 $0x0;
	s3 =	simm.s32 $0x1440  }
.LBB2_2:
0x42: {  	[tilespmem:s21], [sflag:$0x1] =	stream.indirect.gather [hbm4b:s4+s20], $0x100, s5, s20, $0xb8;
	[tilespmem:$0x1E810] =	vst v63  }
0x43: {  	_ =	swait.ge [sflag:s19], $0x8000  }
0x44: {  	[sflag:s19] =	ssyncset.done $0x0  }
0x45: {  	[sflag:s19] =	ssyncadd.s32 $0xFFFF8000  }
0x46: {  	v0 =	vld [tilespmem:s3+$0xFFFFFFC0];
	_ =	sdelay $0x7  }
0x47: {  	[spmem:s1] =	stream.indirect_vreg.scatter.add.f32 [tilespmem:s21], [sflag:$0x2], $0x100, v0, vm1, $0xb8;
	[tilespmem:$0x1E810] =	vst v63  }
0x48: {  	v0 =	vld [tilespmem:s3+$0xFFFFFFD0];
	_ =	sdelay $0x7  }
0x49: {  	[spmem:s1] =	stream.indirect_vreg.scatter.add.f32 [tilespmem:s22], [sflag:$0x2], $0x100, v0, vm1, $0xb8;
	[tilespmem:$0x1E810] =	vst v63  }
0x4a: {  	v0 =	vld [tilespmem:s3+$0xFFFFFFE0];
	_ =	sdelay $0x7  }
0x4b: {  	[spmem:s1] =	stream.indirect_vreg.scatter.add.f32 [tilespmem:s23], [sflag:$0x2], $0x100, v0, vm1, $0xb8;
	[tilespmem:$0x1E810] =	vst v63  }
0x4c: {  	v0 =	vld [tilespmem:s3+$0xFFFFFFF0];
	_ =	sdelay $0x7  }
0x4d: {  	[spmem:s1] =	stream.indirect_vreg.scatter.add.f32 [tilespmem:s24], [sflag:$0x2], $0x100, v0, vm1, $0xb8;
	[tilespmem:$0x1E810] =	vst v63  }
0x4e: {  	v0 =	vld [tilespmem:s3+$0x0];
	_ =	sdelay $0x7  }
0x4f: {  	[spmem:s1] =	stream.indirect_vreg.scatter.add.f32 [tilespmem:s25], [sflag:$0x2], $0x100, v0, vm1, $0xb8;
	[tilespmem:$0x1E810] =	vst v63  }
0x50: {  	v0 =	vld [tilespmem:s3+$0x10];
	_ =	sdelay $0x7  }
0x51: {  	[spmem:s1] =	stream.indirect_vreg.scatter.add.f32 [tilespmem:s26], [sflag:$0x2], $0x100, v0, vm1, $0xb8;
	[tilespmem:$0x1E810] =	vst v63  }
0x52: {  	v0 =	vld [tilespmem:s3+$0x20];
	_ =	sdelay $0x7  }
0x53: {  	[spmem:s1] =	stream.indirect_vreg.scatter.add.f32 [tilespmem:s28], [sflag:$0x2], $0x100, v0, vm1, $0xb8;
	[tilespmem:$0x1E810] =	vst v63  }
0x54: {  	v0 =	vld [tilespmem:s3+$0x30];
	_ =	sdelay $0x7  }
0x55: {  	[spmem:s1] =	stream.indirect_vreg.scatter.add.f32 [tilespmem:s29], [sflag:$0x2], $0x100, v0, vm1, $0xb8;
	[tilespmem:$0x1E810] =	vst v63  }
0x56: {  	_ =	swait.ge [sflag:s30], $0x1000  }
0x57: {  	[sflag:s30] =	ssyncset.done $0x0  }
0x58: {  	[sflag:s30] =	ssyncadd.s32 $0xFFFFF000  }
0x59: {  	_ =	swait.ge [sflag:s30], $0x1000  }
0x5a: {  	[sflag:s30] =	ssyncset.done $0x0  }
0x5b: {  	[sflag:s30] =	ssyncadd.s32 $0xFFFFF000  }
0x5c: {  	_ =	swait.ge [sflag:s30], $0x1000  }
0x5d: {  	[sflag:s30] =	ssyncset.done $0x0  }
0x5e: {  	[sflag:s30] =	ssyncadd.s32 $0xFFFFF000  }
0x5f: {  	_ =	swait.ge [sflag:s30], $0x1000  }
0x60: {  	[sflag:s30] =	ssyncset.done $0x0  }
0x61: {  	[sflag:s30] =	ssyncadd.s32 $0xFFFFF000  }
0x62: {  	_ =	swait.ge [sflag:s30], $0x1000  }
0x63: {  	[sflag:s30] =	ssyncset.done $0x0  }
0x64: {  	[sflag:s30] =	ssyncadd.s32 $0xFFFFF000  }
0x65: {  	_ =	swait.ge [sflag:s30], $0x1000  }
0x66: {  	[sflag:s30] =	ssyncset.done $0x0  }
0x67: {  	[sflag:s30] =	ssyncadd.s32 $0xFFFFF000  }
0x68: {  	p0 =	sne.s32 s0, $0x1;
	_ =	swait.ge [sflag:s30], $0x1000  }
.Ltmp3:
0x69: {  	[sflag:s30] =	ssyncset.done $0x0;
	(pc) =	sbr.rel @p0 .LBB2_2-.Ltmp3, $4  }
0x6a: {  	[sflag:s30] =	ssyncadd.s32 $0xFFFFF000  }
0x6b: {  	_ =	swait.ge [sflag:s30], $0x1000  }
0x6c: {  	s5 =	sadd.s32 $0x80, s5;
	[sflag:s30] =	ssyncset.done $0x0  }
0x6d: {  	s0 =	sadd.s32 $0xFFFFFFFF, s0;
	s3 =	sadd.s32 $0x80, s3;
	[sflag:s30] =	ssyncadd.s32 $0xFFFFF000  }
.LBB2_3:
0x6e: {  	s0 =	simm.s32 $0x0  }
0x6f: {  	[tilespmem:s0], [sflag:$0x3] =	stream.linear.gather [hbm4b:s10+s0], $0x1400, $0x38;
	[tilespmem:$0x1E810] =	vst v63  }
0x70: {  	_ =	swait.ge [sflag:s16], $0x1400  }
0x71: {  	[sflag:s16] =	ssyncset.done $0x0  }
0x72: {  	[sflag:s16] =	ssyncadd.s32 $0xFFFFEC00  }
0x73: {  	[tilespmem:s17], [sflag:$0x3] =	stream.linear.gather [hbm4b:s11+s0], $0x1400, $0x38;
	[tilespmem:$0x1E810] =	vst v63  }
0x74: {  	_ =	swait.ge [sflag:s16], $0x1400  }
0x75: {  	[sflag:s16] =	ssyncset.done $0x0  }
0x76: {  	[sflag:s16] =	ssyncadd.s32 $0xFFFFEC00  }
0x77: {  	[tilespmem:s18], [sflag:$0x3] =	stream.linear.gather [hbm4b:s12+s0], $0x10, $0x38;
	[tilespmem:$0x1E810] =	vst v63  }
0x78: {  	_ =	swait.ge [sflag:s16], $0x10  }
0x79: {  	[sflag:s16] =	ssyncset.done $0x0  }
0x7a: {  	[sflag:s16] =	ssyncadd.s32 $0xFFFFFFF0  }
0x7b: {  	v0 =	vld [tilespmem:$0xA800];
	_ =	sdelay $0x4  }
0x7c: {  	v0 =	vxor.u32 $0x80000000, v0  }
0x7d: {  	v0 =	vnsel vm0, $0x80000000, v0  }
0x7e: {  	(xrf0) =	vmax.scan.msk.u32 $0xffff, v0;
	_ =	sdelay $0x5  }
0x7f: {  	v0, _, _ =	vpop (xrf0)  }
0x80: {  	(v2sf) =	vpush v0, $0xF;
	_ =	sdelay $0xe  }
0x81: {  	s3 =	spop (v2sf)  }
0x82: {  	s3 =	sadd.s32 $0x8000007F, s3  }
0x83: {  	s5 =	sand.u32 $0x7F, s3  }
0x84: {  	p1 =	slt.s32 s3, $0x1;
	p0 =	sne.s32 s5, $0x0;
	s5 =	sshra.s32 s3, $0x1F  }
0x85: {  	s5 =	sshrl.u32 s5, $0x19;
	p0 =	por !p1, !p0  }
0x86: {  	s3 =	sadd.s32 s5, s3;
	p0 =	por !p0, !p0;
	s5 =	simm.s32 $0x1  }
0x87: {  	s3 =	sshra.s32 s3, $0x7;
	s5 =	simm.s32 @!p0 $0x0  }
0x88: {  	s3 =	ssub.s32 s3, s5  }
0x89: {  	p0 =	slt.s32 s3, $0x1  }
.Ltmp4:
0x8a: {  	_ = 	snop;
	(pc) =	sbr.rel @p0 .LBB2_5-.Ltmp4, $2  }
0x8b: {  	_ =	sdelay $0x2  }
0x8c: {  	s5 =	simm.s32 $0x1440  }
.LBB2_4:
0x8d: {  	[tilespmem:s21], [sflag:$0x1] =	stream.indirect.gather [hbm4b:s4+s20], $0x100, s0, s20, $0xb8;
	[tilespmem:$0x1E810] =	vst v63  }
0x8e: {  	_ =	swait.ge [sflag:s19], $0x8000  }
0x8f: {  	[sflag:s19] =	ssyncset.done $0x0  }
0x90: {  	[sflag:s19] =	ssyncadd.s32 $0xFFFF8000  }
0x91: {  	v0 =	vld [tilespmem:s5+$0xFFFFFFC0];
	_ =	sdelay $0x7  }
0x92: {  	[spmem:s1] =	stream.indirect_vreg.scatter.add.f32 [tilespmem:s21], [sflag:$0x2], $0x100, v0, vm1, $0xb8;
	[tilespmem:$0x1E810] =	vst v63  }
0x93: {  	v0 =	vld [tilespmem:s5+$0xFFFFFFD0];
	_ =	sdelay $0x7  }
0x94: {  	[spmem:s1] =	stream.indirect_vreg.scatter.add.f32 [tilespmem:s22], [sflag:$0x2], $0x100, v0, vm1, $0xb8;
	[tilespmem:$0x1E810] =	vst v63  }
0x95: {  	v0 =	vld [tilespmem:s5+$0xFFFFFFE0];
	_ =	sdelay $0x7  }
0x96: {  	[spmem:s1] =	stream.indirect_vreg.scatter.add.f32 [tilespmem:s23], [sflag:$0x2], $0x100, v0, vm1, $0xb8;
	[tilespmem:$0x1E810] =	vst v63  }
0x97: {  	v0 =	vld [tilespmem:s5+$0xFFFFFFF0];
	_ =	sdelay $0x7  }
0x98: {  	[spmem:s1] =	stream.indirect_vreg.scatter.add.f32 [tilespmem:s24], [sflag:$0x2], $0x100, v0, vm1, $0xb8;
	[tilespmem:$0x1E810] =	vst v63  }
0x99: {  	v0 =	vld [tilespmem:s5+$0x0];
	_ =	sdelay $0x7  }
0x9a: {  	[spmem:s1] =	stream.indirect_vreg.scatter.add.f32 [tilespmem:s25], [sflag:$0x2], $0x100, v0, vm1, $0xb8;
	[tilespmem:$0x1E810] =	vst v63  }
0x9b: {  	v0 =	vld [tilespmem:s5+$0x10];
	_ =	sdelay $0x7  }
0x9c: {  	[spmem:s1] =	stream.indirect_vreg.scatter.add.f32 [tilespmem:s26], [sflag:$0x2], $0x100, v0, vm1, $0xb8;
	[tilespmem:$0x1E810] =	vst v63  }
0x9d: {  	v0 =	vld [tilespmem:s5+$0x20];
	_ =	sdelay $0x7  }
0x9e: {  	[spmem:s1] =	stream.indirect_vreg.scatter.add.f32 [tilespmem:s28], [sflag:$0x2], $0x100, v0, vm1, $0xb8;
	[tilespmem:$0x1E810] =	vst v63  }
0x9f: {  	v0 =	vld [tilespmem:s5+$0x30];
	_ =	sdelay $0x7  }
0xa0: {  	[spmem:s1] =	stream.indirect_vreg.scatter.add.f32 [tilespmem:s29], [sflag:$0x2], $0x100, v0, vm1, $0xb8;
	[tilespmem:$0x1E810] =	vst v63  }
0xa1: {  	_ =	swait.ge [sflag:s30], $0x1000  }
0xa2: {  	[sflag:s30] =	ssyncset.done $0x0  }
0xa3: {  	[sflag:s30] =	ssyncadd.s32 $0xFFFFF000  }
0xa4: {  	_ =	swait.ge [sflag:s30], $0x1000  }
0xa5: {  	[sflag:s30] =	ssyncset.done $0x0  }
0xa6: {  	[sflag:s30] =	ssyncadd.s32 $0xFFFFF000  }
0xa7: {  	_ =	swait.ge [sflag:s30], $0x1000  }
0xa8: {  	[sflag:s30] =	ssyncset.done $0x0  }
0xa9: {  	[sflag:s30] =	ssyncadd.s32 $0xFFFFF000  }
0xaa: {  	_ =	swait.ge [sflag:s30], $0x1000  }
0xab: {  	[sflag:s30] =	ssyncset.done $0x0  }
0xac: {  	[sflag:s30] =	ssyncadd.s32 $0xFFFFF000  }
0xad: {  	_ =	swait.ge [sflag:s30], $0x1000  }
0xae: {  	[sflag:s30] =	ssyncset.done $0x0  }
0xaf: {  	[sflag:s30] =	ssyncadd.s32 $0xFFFFF000  }
0xb0: {  	_ =	swait.ge [sflag:s30], $0x1000  }
0xb1: {  	[sflag:s30] =	ssyncset.done $0x0  }
0xb2: {  	[sflag:s30] =	ssyncadd.s32 $0xFFFFF000  }
0xb3: {  	p0 =	sne.s32 s3, $0x1;
	_ =	swait.ge [sflag:s30], $0x1000  }
.Ltmp5:
0xb4: {  	[sflag:s30] =	ssyncset.done $0x0;
	(pc) =	sbr.rel @p0 .LBB2_4-.Ltmp5, $4  }
0xb5: {  	[sflag:s30] =	ssyncadd.s32 $0xFFFFF000  }
0xb6: {  	_ =	swait.ge [sflag:s30], $0x1000  }
0xb7: {  	s0 =	sadd.s32 $0x80, s0;
	[sflag:s30] =	ssyncset.done $0x0  }
0xb8: {  	s3 =	sadd.s32 $0xFFFFFFFF, s3;
	s5 =	sadd.s32 $0x80, s5;
	[sflag:s30] =	ssyncadd.s32 $0xFFFFF000  }
.Ltmp6:
0xb9: {  	_ = 	snop;
	(pc) =	sbr.rel .LBB2_5-.Ltmp6, $1  }
0xba: {  	_ =	sdelay $0x3  }
.LBB2_6:
0xbb: {  	_ =	sfence.sel $0x180000  }
0xbc: {  	[bflag:$0x0] =	sbarrier.arrive $0xFFFF  }
0xbd: {  	_ =	strace $0x9000004D  }
0xbe: {  	s0 =	stileid.u32;
	[bflag:$0x2] =	sbarrier.arrive $0xFFFF  }
0xbf: {  	p0 =	sne.s32 s0, $0x0;
	s0 =	rddreg [dreg:$0x2]  }
0xc0: {  	s0 =	sadd.s32 @!p0 $0x100000, s0  }
0xc1: {  	[sflag:s0] =	ssyncadd.tile.s32 @!p0 $0x1;
	_ =	shalt  }
.Lfunc_end2:
_tile_overlayer_lowered:
.L_overlay_start_2:
0xc2: {  	(tag) =	ssettag $0x2  }
0xc3: {  	s0 =	rddreg [dreg:$0x0];
	s2 =	stileid.u32  }
0xc4: {  	s1 =	rddreg [dreg:$0x1];
	p0 =	sne.s32 s2, $0x0  }
0xc5: {  	s3 =	rddreg [dreg:$0x2];
	[bflag:$0x3] =	sbarrier.arrive $0xFFFF;
	s2 =	simm.s32 @!p0 $0x1C03  }
0xc6: {  	[timem:s3], [sflag:s2] =	dma.local @!p0 [hbm:s0], s1  }
0xc7: {  	s0 =	simm.s32 @!p0 $0x3  }
0xc8: {  	_ =	swait.ge @!p0 [sflag:s0], s1  }
0xc9: {  	s1 =	ssub.s32 @!p0 $0x0, s1;
	[sflag:s0] =	ssyncset.done @!p0 $0x0  }
0xca: {  	[sflag:s0] =	ssyncadd.s32 @!p0 s1  }
0xcb: {  	[bflag:$0x3] =	sbarrier.arrive $0xFFFF  }
0xcc: {  	_ =	shalt  }

// kernel: kernel.8.cloned.1.call-start
scs
__scs_entry_jumppad:
0x0: {  	(pc) =	sbr.rel $0x88, $3  }
0x1: {  	(tag) =	ssettag $0x0;
	lr =	simm.s32 $0x1  }
0x2: {  	[smem:$0x3F9B] =	sst lr;
	_ =	strace $0xD0000000  }
0x3: {  	_ = 	snop  }
0x4: {  	_ = 	snop  }
0x5: {  	_ = 	snop  }
0x6: {  	_ = 	snop  }
0x7: {  	_ = 	snop  }
__scs_overlays_trampoline_lowered:
0x8: {  	[smem:$0x3FAA] =	sst s0  }
0x9: {  	[smem:$0x3FAB] =	sst s1  }
0xa: {  	[smem:$0x3FAC] =	sst s2  }
0xb: {  	[smem:$0x3FAD] =	sst s3  }
0xc: {  	[smem:$0x3FAE] =	sst s4  }
0xd: {  	[smem:$0x3FAF] =	sst s5  }
0xe: {  	[smem:$0x3FB0] =	sst s6  }
0xf: {  	[smem:$0x3FB1] =	sst s7  }
0x10: {  	[smem:$0x3FB2] =	sst s8  }
0x11: {  	[smem:$0x3FB3] =	sst s9;
	s0 =	simm.s32 @!p0 $0x0  }
0x12: {  	s1 =	sld [smem:$0x3F99];
	s0 =	simm.s32 @p0 $0x1  }
0x13: {  	[smem:$0x3FB4] =	sst s0;
	s0 =	simm.s32 @!p1 $0x0  }
0x14: {  	s2 =	sld [smem:$0x3F98];
	s0 =	simm.s32 @p1 $0x1  }
0x15: {  	[smem:$0x3FB5] =	sst s0;
	s0 =	simm.s32 @!p2 $0x0  }
0x16: {  	s3 =	sld [smem:$0x3FDB];
	s0 =	simm.s32 @p2 $0x1  }
0x17: {  	s4 =	simm.s32 $0x1BF5;
	[smem:$0x3FB7] =	sst s0  }
0x18: {  	s0 =	sld [smem:$0x3F9A];
	_ =	swait.ge [sflag:s4], $0x0  }
0x19: {  	s7 =	sld [smem:$0x3F9B]  }
0x1a: {  	s8 =	sadd.s32 $0xFFFFE003, lr  }
0x1b: {  	s9 =	sadd.s32 $0xFFFFFEF7, lr;
	s5 =	simm.s32 $0xFFFFFFFF;
	p2 =	slt.u32 s8, $0xFFFFF086  }
0x1c: {  	p1 =	slt.u32 s9, $0xF7A;
	s5 =	simm.s32 @!p2 $0x0  }
0x1d: {  	s5 =	simm.s32 @p1 $0x1;
	p0 =	seq.s32 s7, s2  }
0x1e: {  	s7 =	smul.u32 @!p0 $0xF7A, s2;
	p2 =	seq.s32 @!p0 s5, $0x0  }
0x1f: {  	s9 =	smul.u32 $0xF7A, s1;
	s8 =	simm.s32 @!p0 $0x1BF5;
	p2 =	por !p2, p0  }
0x20: {  	[sflag:s8] =	ssyncset.s32 @!p0 $0xFFFFF086;
	s6 =	sadd.s32 @!p0 s3, s7;
	s7 =	simm.s32 @!p0 $0x108  }
0x21: {  	s3 =	sadd.s32 s3, s9;
	s6 =	sadd.s32 @!p0 $0x88, s6;
	s7 =	simm.s32 @p2 $0x1082  }
0x22: {  	[simem:s7], [sflag:s8] =	dma.local @!p0 [hbm:s6], $0xF7A  }
0x23: {  	s9 =	sor.u32 $0xD0000000, s2;
	s6 =	simm.s32 $0x108;
	_ =	swait.ge @!p0 [sflag:s8], $0x0  }
0x24: {  	s3 =	sadd.s32 $0x88, s3;
	s6 =	simm.s32 @!p1 $0x1082;
	[sflag:s4] =	ssyncset.s32 $0xFFFFF086  }
0x25: {  	[simem:s6], [sflag:s4] =	dma.local [hbm:s3], $0xF7A  }
0x26: {  	[smem:$0x3F9B] =	sst s1;
	(tag) =	ssettag s2;
	_ =	strace s9  }
0x27: {  	s1 =	sld [smem:$0x3FAB]  }
0x28: {  	s2 =	sld [smem:$0x3FAC]  }
0x29: {  	s4 =	sld [smem:$0x3FAE]  }
0x2a: {  	p0 =	seq.s32 s5, $0x0;
	s5 =	sld [smem:$0x3FAF]  }
0x2b: {  	s6 =	sld [smem:$0x3FB0]  }
0x2c: {  	s7 =	sld [smem:$0x3FB1]  }
0x2d: {  	s3 =	simm.s32 $0x108;
	s8 =	sld [smem:$0x3FB2]  }
0x2e: {  	s3 =	simm.s32 @!p0 $0x1082;
	s9 =	sld [smem:$0x3FB3]  }
0x2f: {  	lr =	sadd.s32 s0, s3;
	s0 =	sld [smem:$0x3FAA]  }
0x30: {  	s3 =	sld [smem:$0x3FAD]  }
0x31: {  	[smem:$0x3FB6] =	sst s10  }
0x32: {  	s10 =	sld [smem:$0x3FB4];
	_ =	sdelay $0x3  }
0x33: {  	p0 =	seq.s32 s10, $0x1;
	s10 =	sld [smem:$0x3FB6];
	_ =	sdelay $0x3  }
0x34: {  	[smem:$0x3FB6] =	sst s10  }
0x35: {  	s10 =	sld [smem:$0x3FB5];
	_ =	sdelay $0x3  }
0x36: {  	p1 =	seq.s32 s10, $0x1;
	s10 =	sld [smem:$0x3FB6];
	_ =	sdelay $0x3  }
0x37: {  	[smem:$0x3FB6] =	sst s10  }
0x38: {  	s10 =	sld [smem:$0x3FB7]  }
0x39: {  	_ = 	snop;
	(pc) =	sbr.ind lr, $3  }
0x3a: {  	_ = 	snop  }
0x3b: {  	_ = 	snop  }
0x3c: {  	p2 =	seq.s32 s10, $0x1;
	s10 =	sld [smem:$0x3FB6]  }
0x3d: {  	_ =	shalt  }
0x3e: {  	_ =	shalt  }
0x3f: {  	_ =	shalt  }
0x40: {  	_ =	shalt  }
0x41: {  	_ =	shalt  }
0x42: {  	_ =	shalt  }
0x43: {  	_ =	shalt  }
0x44: {  	_ =	shalt  }
0x45: {  	_ =	shalt  }
0x46: {  	_ =	shalt  }
0x47: {  	_ =	shalt  }
0x48: {  	_ =	shalt  }
0x49: {  	_ =	shalt  }
0x4a: {  	_ =	shalt  }
0x4b: {  	_ =	shalt  }
0x4c: {  	_ =	shalt  }
0x4d: {  	_ =	shalt  }
0x4e: {  	_ =	shalt  }
0x4f: {  	_ =	shalt  }
0x50: {  	_ =	shalt  }
0x51: {  	_ =	shalt  }
0x52: {  	_ =	shalt  }
0x53: {  	_ =	shalt  }
0x54: {  	_ =	shalt  }
0x55: {  	_ =	shalt  }
0x56: {  	_ =	shalt  }
0x57: {  	_ =	shalt  }
0x58: {  	_ =	shalt  }
0x59: {  	_ =	shalt  }
0x5a: {  	_ =	shalt  }
0x5b: {  	_ =	shalt  }
0x5c: {  	_ =	shalt  }
0x5d: {  	_ =	shalt  }
0x5e: {  	_ =	shalt  }
0x5f: {  	_ =	shalt  }
0x60: {  	_ =	shalt  }
0x61: {  	_ =	shalt  }
0x62: {  	_ =	shalt  }
0x63: {  	_ =	shalt  }
0x64: {  	_ =	shalt  }
0x65: {  	_ =	shalt  }
0x66: {  	_ =	shalt  }
0x67: {  	_ =	shalt  }
0x68: {  	_ =	shalt  }
0x69: {  	_ =	shalt  }
0x6a: {  	_ =	shalt  }
0x6b: {  	_ =	shalt  }
0x6c: {  	_ =	shalt  }
0x6d: {  	_ =	shalt  }
0x6e: {  	_ =	shalt  }
0x6f: {  	_ =	shalt  }
0x70: {  	_ =	shalt  }
0x71: {  	_ =	shalt  }
0x72: {  	_ =	shalt  }
0x73: {  	_ =	shalt  }
0x74: {  	_ =	shalt  }
0x75: {  	_ =	shalt  }
0x76: {  	_ =	shalt  }
0x77: {  	_ =	shalt  }
0x78: {  	_ =	shalt  }
0x79: {  	_ =	shalt  }
0x7a: {  	_ =	shalt  }
0x7b: {  	_ =	shalt  }
0x7c: {  	_ =	shalt  }
0x7d: {  	_ =	shalt  }
0x7e: {  	_ =	shalt  }
0x7f: {  	_ =	shalt  }
0x80: {  	_ =	shalt  }
0x81: {  	_ =	shalt  }
0x82: {  	_ =	shalt  }
0x83: {  	_ =	shalt  }
0x84: {  	_ =	shalt  }
0x85: {  	_ =	shalt  }
0x86: {  	_ =	shalt  }
0x87: {  	_ =	shalt  }
.Lfunc_end0:
.L_simem_size_0:
called_computation_lowered:
.L_overlay_start_0:
0x88: {  	s2 =	sld [smem:$0x3FD9]  }
0x89: {  	s3 =	sld [smem:$0x3FFE];
	_ =	sdelay $0x1  }
0x8a: {  	s1 =	srdreg.scid  }
0x8b: {  	s0 =	sand.u32 $0x1, s1  }
0x8c: {  	s17 =	sshll.u32 s0, $0xA;
	s2 =	sadd.s32 s3, s2  }
0x8d: {  	s2 =	sadd.s32 s2, s17  }
0x8e: {  	[smem:$0x3FC2] =	sst s2  }
0x8f: {  	_ = 	snop  }
0x90: {  	s2 =	sld [smem:$0x3FD0];
	(tm) =	ssettm $0x1  }
0x91: {  	s18 =	sld [smem:$0x3FFB];
	_ =	sdelay $0x3  }
0x92: {  	_ =	strace s18  }
0x93: {  	s3 =	sld [smem:$0x3FFC];
	_ =	sdelay $0x3  }
0x94: {  	_ =	strace s3  }
0x95: {  	s3 =	sld [smem:$0x3FFD];
	_ =	sdelay $0x3  }
0x96: {  	_ =	strace s3  }
0x97: {  	_ =	strace $0x8FFFFFFF  }
0x98: {  	s19 =	sld [smem:$0x3FDB];
	_ =	sdelay $0x1  }
0x99: {  	s4 =	simm.s32 $_scs_section_size  }
0x9a: {  	s5 =	simm.s32 $_size__tile_overlayer_lowered;
	s6 =	simm.s32 $_tile_overlayer_lowered  }
0x9b: {  	s22 =	simm.s32 $0x1BFF;
	s21 =	sshll.u32 s6, $0x1;
	s3 =	sadd.s32 s4, s19  }
0x9c: {  	s7 =	simm.s32 $0x0;
	s20 =	sshll.u32 s5, $0x1;
	s5 =	sadd.s32 s21, s3  }
0x9d: {  	[timem:s7], [sflag:s22] =	dma.local [hbm:s5], s20  }
0x9e: {  	_ =	swait.ge [sflag:s22], s20  }
0x9f: {  	s4 =	ssub.s32 $0x0, s20;
	[sflag:s22] =	ssyncset.done $0x0  }
0xa0: {  	[sflag:s22] =	ssyncadd.s32 s4;
	_ =	sdelay $0x1  }
0xa1: {  	s23 =	simm.s32 $0x1B8B  }
0xa2: {  	_ =	swait.ge [sflag:s23], $0x1  }
0xa3: {  	[sflag:s23] =	ssyncset.done $0x0  }
0xa4: {  	s25 =	simm.s32 $0x1B8E;
	s24 =	sld [smem:$0x3FFE];
	[sflag:s23] =	ssyncadd.s32 $0xFFFFFFFF  }
0xa5: {  	s26 =	simm.s32 $execute0_lowered;
	[smem:$0x3FD2] =	sst s25  }
0xa6: {  	s5 =	sshll.u32 s26, $0x1;
	_ =	strace $0x80000046;
	[dreg:$0x1] =	wrdreg $0xFFFFFFFF  }
0xa7: {  	s28 =	simm.s32 $_size_execute0_lowered;
	s3 =	sadd.s32 s3, s5;
	[dreg:$0x0] =	wrdreg $0x0  }
0xa8: {  	s5 =	sshll.u32 s28, $0x1;
	[dreg:$0x2] =	wrdreg s3  }
0xa9: {  	[dreg:$0x3] =	wrdreg s5  }
0xaa: {  	[dreg:$0x4] =	wrdreg $0xC0  }
0xab: {  	_ =	task [dreg:s7], $0x5FFFF  }
0xac: {  	[dreg:$0x1] =	wrdreg $0xFFFFFFFF  }
0xad: {  	[dreg:$0x0] =	wrdreg $0x60  }
0xae: {  	[dreg:$0x2] =	wrdreg s24  }
0xaf: {  	[dreg:$0x3] =	wrdreg s2  }
0xb0: {  	[dreg:$0x4] =	wrdreg $0x9  }
0xb1: {  	_ =	task.clear_ibuf [dreg:s7], $0x5FFFF;
	_ =	strace $0x90000046  }
0xb2: {  	s29 =	simm.s32 $0x9;
	_ =	strace $0x80000048  }
0xb3: {  	_ =	swait.ge [sflag:s29], $0x1  }
0xb4: {  	[sflag:s29] =	ssyncadd.s32 $0xFFFFFFFF  }
0xb5: {  	_ =	strace $0x90000048  }
0xb6: {  	_ =	sfence  }
0xb7: {  	s30 =	sld [smem:$0x0];
	_ =	sdelay $0x2  }
0xb8: {  	s31 =	sshll.u32 s1, $0xD;
	s1 =	sshrl.u32 s1, $0x2  }
0xb9: {  	s3 =	sand.u32 $0x4000, s31;
	s1 =	sadd.s32 s1, s30  }
0xba: {  	s0 =	sor.u32 s3, s0;
	s1 =	sshll.u32 s1, $0x11  }
0xbb: {  	s0 =	sor.u32 s1, s0  }
0xbc: {  	s0 =	sadd.s32 $0x8F2B, s0  }
0xbd: {  	[sflag:s0] =	ssyncadd.remote.s32 $0x1  }
0xbe: {  	_ =	sfence.sel $0xFFFF  }
0xbf: {  	[dreg:$0x0] =	wrdreg $0xFFFFFFFF;
	(pc) =	sbr.abs _section_cstart, $3  }
0xc0: {  	[dreg:$0x1] =	wrdreg $0xFFFFFFFF  }
0xc1: {  	_ =	task.clear_ibuf [dreg:s7], $0x2FFFF;
	_ =	strace $0x9FFFFFFF  }
0xc2: {  	(tm) =	ssettm $0x7FFFFFFF  }
0xc3: {  	_ =	shalt  }
tec
execute0_lowered:
.L_overlay_start_1:
0x0: {  	(tag) =	ssettag $0x1  }
0x1: {  	s1 =	srdreg.scid;
	s3 =	rddreg [dreg:$0x0]  }
0x2: {  	s0 =	stileid.u32;
	s5 =	rddreg [dreg:$0x1];
	s2 =	simm.s32 $0x0  }
0x3: {  	s13 =	simm.s32 $0x2800;
	s14 =	simm.s32 $0x5000;
	s15 =	simm.s32 $0x7800  }
0x4: {  	s16 =	simm.s32 $0x6400;
	s17 =	simm.s32 $0x8C00;
	s18 =	simm.s32 $0xA000  }
0x5: {  	s4 =	sand.u32 $0x1, s1;
	s30 =	sshll.u32 s0, $0x1;
	s1 =	rddreg [dreg:$0x2]  }
0x6: {  	s19 =	simm.s32 $0x0;
	[smem:$0x7FF] =	sst s2;
	s6 =	sor.u32 s4, s30  }
0x7: {  	s8 =	sadd.s32 $0xB200, s3;
	s9 =	sadd.s32 $0x15200, s3;
	s7 =	smul.u32 $0x271, s6  }
0x8: {  	_ =	strace $0x80000047;
	s4 =	ssub.s32 $0x2, s4;
	s10 =	smul.u32 $0x500, s6  }
0x9: {  	s11 =	sshll.u32 s6, $0x1;
	s12 =	sshrl.u32 s4, $0x1;
	s6 =	smul.u32 $0x1400, s6  }
0xa: {  	s11 =	sadd.s32 s11, s3;
	s12 =	ssub.s32 s4, s12;
	s7 =	sadd.s32 s7, s3  }
0xb: {  	s5 =	sadd.s32 s5, s10;
	s31 =	sshrl.u32 s6, $0x3;
	s3 =	sadd.s32 $0x6200, s7  }
0xc: {  	v0 =	vimm.f32 $0.0e+00;
	s4 =	sadd.s32 $0x1200, s7;
	s6 =	sadd.s32 s8, s31;
	s10 =	sadd.s32 $0x5000, s31  }
0xd: {  	v1 =	vimm.s32 $0x27FF;
	v2 =	vimm.s32 $0x13FF;
	v3 =	vlaneseq.u32;
	s7 =	sadd.s32 s9, s31;
	s8 =	sadd.s32 s8, s10;
	s9 =	sadd.s32 s9, s10  }
0xe: {  	v4 =	vimm.f32 $1.000000000e+00;
	vm0 =	vcmask $0x300;
	vm1 =	vcmask $0x704;
	s10 =	sadd.s32 $0x1F200, s11;
	s11 =	smax.u32 s12, $0x1;
	s12 =	simm.s32 $0x1  }
.LBB2_1:
0xf: {  	s20 =	simm.s32 $0x0  }
.LBB2_2:
0x10: {  	p0 =	sne.s32 s20, $0x9FC0  }
.Ltmp0:
0x11: {  	_ = 	snop;
	(pc) =	sbr.rel @p0 .LBB2_2-.Ltmp0, $3  }
0x12: {  	_ =	sdelay $0x1  }
0x13: {  	s21 =	sshra.s32 s20, $0x2  }
0x14: {  	s20 =	sadd.s32 $0x40, s20;
	[tilespmem:s21+$0x2800] =	vst v0  }
0x15: {  	s21 =	simm.s32 $0x40;
	s20 =	simm.s32 $0x0  }
.LBB2_4:
0x16: {  	p0 =	sne.s32 s21, $0x4FC0;
	[tilespmem:s20+$0x8C00] =	vst v2;
	s22 =	smov.u32 s21;
	s21 =	sadd.s32 $0x40, s21  }
.Ltmp1:
0x17: {  	[tilespmem:s20+$0x6400] =	vst v1;
	(pc) =	sbr.rel @p0 .LBB2_4-.Ltmp1, $3  }
0x18: {  	[tilespmem:s20+$0x5000] =	vst v1  }
0x19: {  	[tilespmem:s20+$0x7800] =	vst v2;
	_ =	sdelay $0x1  }
0x1a: {  	s20 =	sshra.s32 s22, $0x2  }
0x1b: {  	[tilespmem:s20+$0x8C00] =	vst v2  }
0x1c: {  	[tilespmem:s20+$0x6400] =	vst v1  }
0x1d: {  	[tilespmem:s20+$0x5000] =	vst v1  }
0x1e: {  	[tilespmem:s20+$0x7800] =	vst v2;
	s28 =	simm.s32 $0x0  }
0x1f: {  	[tilespmem:s28], [sflag:$0x1] =	stream.linear.gather [hbm4b:s3+s28], $0x1388, $0x38;
	[tilespmem:$0xA010] =	vst v63  }
0x20: {  	_ =	swait.ge [sflag:s12], $0x1388  }
0x21: {  	[sflag:s12] =	ssyncset.done $0x0  }
0x22: {  	s21 =	simm.s32 $0x1400;
	[sflag:s12] =	ssyncadd.s32 $0xFFFFEC78  }
0x23: {  	[tilespmem:s21], [sflag:$0x1] =	stream.linear.gather [hbm4b:s4+s28], $0x1388, $0x38;
	[tilespmem:$0xA010] =	vst v63  }
0x24: {  	_ =	swait.ge [sflag:s12], $0x1388  }
0x25: {  	[sflag:s12] =	ssyncset.done $0x0  }
0x26: {  	[sflag:s12] =	ssyncadd.s32 $0xFFFFEC78  }
0x27: {  	v5 =	vld [tilespmem:s21+$0x0];
	_ =	sdelay $0x2  }
0x28: {  	s29 =	simm.s32 $0x1388  }
0x29: {  	v6 =	vmov s29  }
0x2a: {  	vm2 =	vgt.u32 v6, v3;
	vm3 =	vlt.u32 v5, $0x1400;
	v6 =	vadd.s32 $0xFFFFEC00, v5  }
0x2b: {  	vm3 =	vmand vm2, vm3;
	vm4 =	vlt.u32 v6, $0x1400  }
0x2c: {  	v7 =	vmpcnt.ones.xlane vm3;
	vm4 =	vmand vm2, vm4  }
0x2d: {  	v8 =	vmpcnt.ones.xlane vm4  }
0x2e: {  	v7 =	vxor.u32 $0x80000000, v7  }
0x2f: {  	v8 =	vxor.u32 $0x80000000, v8;
	(xrf0) =	vmax.scan.msk.u32 $0xffff, v7  }
0x30: {  	(xrf0) =	vmax.scan.msk.u32 $0xffff, v8  }
0x31: {  	v7 =	vld [tilespmem:s28+$0x0];
	_ =	sdelay $0x3  }
0x32: {  	[tilespmem:v5+s13+$0x0] =	vst.idx.add.f32.msk vm2, v4;
	v8, _, _ =	vpop (xrf0)  }
0x33: {  	[tilespmem:s28+$0x5000] =	vst.msk vm3, v7;
	(v2sf) =	vpush v8, $0xF;
	v8, _, _ =	vpop (xrf0)  }
0x34: {  	[tilespmem:s28+$0x7800] =	vst.msk vm3, v5;
	(v2sf) =	vpush v8, $0xF  }
0x35: {  	[tilespmem:s28+$0x6400] =	vst.msk vm4, v7  }
0x36: {  	s21 =	simm.s32 $0x1410;
	[tilespmem:s28+$0x8C00] =	vst.msk vm4, v6  }
0x37: {  	v5 =	vld [tilespmem:s21+$0x0];
	_ =	sdelay $0x2  }
0x38: {  	s30 =	simm.s32 $0x1378  }
0x39: {  	v6 =	vmov s30  }
0x3a: {  	vm4 =	vgt.u32 v6, v3;
	vm2 =	vlt.u32 v5, $0x1400;
	v6 =	vadd.s32 $0xFFFFEC00, v5  }
0x3b: {  	vm3 =	vmand vm4, vm2;
	vm2 =	vlt.u32 v6, $0x1400  }
0x3c: {  	v7 =	vmpcnt.ones.xlane vm3;
	vm2 =	vmand vm4, vm2  }
0x3d: {  	v8 =	vmpcnt.ones.xlane vm2  }
0x3e: {  	v7 =	vxor.u32 $0x80000000, v7  }
0x3f: {  	s22 =	simm.s32 $0x10;
	(xrf0) =	vmax.scan.msk.u32 $0xffff, v7;
	v8 =	vxor.u32 $0x80000000, v8  }
0x40: {  	v7 =	vld [tilespmem:s22+$0x0];
	(xrf0) =	vmax.scan.msk.u32 $0xffff, v8;
	s31 =	spop (v2sf)  }
0x41: {  	s20 =	sadd.s32 $0x0, s31;
	s24 =	spop (v2sf)  }
0x42: {  	s23 =	simm.s32 $0x1368;
	[tilespmem:v5+s13+$0x0] =	vst.idx.add.f32.msk vm4, v4;
	s20 =	sadd.s32 $0x80000000, s20;
	s24 =	sadd.s32 $0x0, s24  }
.LBB2_6:
0x43: {  	p0 =	sne.s32 s23, $0x8  }
0x44: {  	s24 =	sadd.s32 $0x80000000, s24;
	s25 =	smov.u32 s23;
	s23 =	sadd.s32 $0xFFFFFFF0, s23  }
0x45: {  	[tilespmem:s20+$0x5000] =	vst.msk vm3, v7;
	v8, _, _ =	vpop (xrf0)  }
0x46: {  	[tilespmem:s20+$0x7800] =	vst.msk vm3, v5;
	(v2sf) =	vpush v8, $0xF;
	v5, _, _ =	vpop (xrf0)  }
0x47: {  	[tilespmem:s24+$0x6400] =	vst.msk vm2, v7;
	(v2sf) =	vpush v5, $0xF  }
0x48: {  	s21 =	sadd.s32 $0x10, s21;
	[tilespmem:s24+$0x8C00] =	vst.msk vm2, v6  }
0x49: {  	v5 =	vld [tilespmem:s21+$0x0]  }
0x4a: {  	v6 =	vmov s25  }
0x4b: {  	vm4 =	vgt.u32 v6, v3;
	_ =	sdelay $0x2  }
0x4c: {  	vm2 =	vlt.u32 v5, $0x1400;
	v6 =	vadd.s32 $0xFFFFEC00, v5  }
0x4d: {  	s22 =	sadd.s32 $0x10, s22;
	vm3 =	vmand vm4, vm2;
	vm2 =	vlt.u32 v6, $0x1400  }
0x4e: {  	v7 =	vld [tilespmem:s22+$0x0];
	v8 =	vmpcnt.ones.xlane vm3;
	vm2 =	vmand vm4, vm2  }
0x4f: {  	[tilespmem:v5+s13+$0x0] =	vst.idx.add.f32.msk vm4, v4;
	v9 =	vmpcnt.ones.xlane vm2  }
0x50: {  	v8 =	vxor.u32 $0x80000000, v8  }
.Ltmp2:
0x51: {  	v9 =	vxor.u32 $0x80000000, v9;
	(xrf0) =	vmax.scan.msk.u32 $0xffff, v8;
	(pc) =	sbr.rel @p0 .LBB2_6-.Ltmp2, $4  }
0x52: {  	(xrf0) =	vmax.scan.msk.u32 $0xffff, v9  }
0x53: {  	s25 =	spop (v2sf)  }
0x54: {  	s20 =	sadd.s32 s25, s20;
	s25 =	spop (v2sf)  }
0x55: {  	s20 =	sadd.s32 $0x80000000, s20;
	s24 =	sadd.s32 s25, s24  }
0x56: {  	_ = 	snop  }
0x57: {  	v8, _, _ =	vpop (xrf0)  }
0x58: {  	(v2sf) =	vpush v8, $0xF;
	v63, _, _ =	vpop (xrf0)  }
0x59: {  	(v2sf) =	vpush v63, $0xF;
	_ =	sdelay $0x8  }
0x5a: {  	[tilespmem:s20+$0x5000] =	vst.msk vm3, v7  }
0x5b: {  	s21 =	sadd.s32 $0x80000000, s24;
	[tilespmem:s20+$0x7800] =	vst.msk vm3, v5  }
0x5c: {  	[tilespmem:s21+$0x6400] =	vst.msk vm2, v7  }
0x5d: {  	[tilespmem:s21+$0x8C00] =	vst.msk vm2, v6  }
0x5e: {  	[hbm4b:s5+s2] =	stream.linear.scatter [tilespmem:s13], [sflag:$0x1], $0x2800, $0x38;
	[tilespmem:$0xA010] =	vst v63  }
0x5f: {  	s22 =	spop (v2sf)  }
0x60: {  	s23 =	spop (v2sf)  }
0x61: {  	_ =	swait.ge [sflag:s12], $0x2800  }
0x62: {  	[sflag:s12] =	ssyncset.done $0x0  }
0x63: {  	[sflag:s12] =	ssyncadd.s32 $0xFFFFD800  }
0x64: {  	[hbm4b:s6+s2] =	stream.linear.scatter [tilespmem:s14], [sflag:$0x1], $0x1400, $0x38;
	[tilespmem:$0xA010] =	vst v63  }
0x65: {  	_ =	swait.ge [sflag:s12], $0x1400  }
0x66: {  	[sflag:s12] =	ssyncset.done $0x0  }
0x67: {  	[sflag:s12] =	ssyncadd.s32 $0xFFFFEC00  }
0x68: {  	[hbm4b:s7+s2] =	stream.linear.scatter [tilespmem:s15], [sflag:$0x1], $0x1400, $0x38;
	[tilespmem:$0xA010] =	vst v63  }
0x69: {  	_ =	swait.ge [sflag:s12], $0x1400  }
0x6a: {  	[sflag:s12] =	ssyncset.done $0x0  }
0x6b: {  	[sflag:s12] =	ssyncadd.s32 $0xFFFFEC00  }
0x6c: {  	[hbm4b:s8+s2] =	stream.linear.scatter [tilespmem:s16], [sflag:$0x1], $0x1400, $0x38;
	[tilespmem:$0xA010] =	vst v63  }
0x6d: {  	_ =	swait.ge [sflag:s12], $0x1400  }
0x6e: {  	s31 =	sadd.s32 s22, s20;
	s21 =	sadd.s32 s23, s21;
	[sflag:s12] =	ssyncset.done $0x0  }
0x6f: {  	s20 =	sadd.s32 $0x80000000, s31;
	s21 =	sadd.s32 $0x80000000, s21;
	[sflag:s12] =	ssyncadd.s32 $0xFFFFEC00  }
0x70: {  	[hbm4b:s9+s2] =	stream.linear.scatter [tilespmem:s17], [sflag:$0x1], $0x1400, $0x38;
	[tilespmem:$0xA010] =	vst v63  }
0x71: {  	v5 =	vmov s20;
	v6 =	vmov s21;
	_ =	swait.ge [sflag:s12], $0x1400  }
0x72: {  	s19 =	sadd.s32 $0x1, s19;
	v5 =	vnsel vm0, $0x0, v5;
	v6 =	vnsel vm1, $0x0, v6;
	[sflag:s12] =	ssyncset.done $0x0  }
0x73: {  	p0 =	sne.s32 s19, s11;
	v5 =	vadd.s32 v5, v6;
	[sflag:s12] =	ssyncadd.s32 $0xFFFFEC00  }
.Ltmp3:
0x74: {  	[tilespmem:$0xA000] =	vst v5;
	(pc) =	sbr.rel @p0 .LBB2_1-.Ltmp3, $4  }
0x75: {  	[hbm4b:s10+s2] =	stream.linear.scatter [tilespmem:s18], [sflag:$0x1], $0x10, $0x38;
	[tilespmem:$0xA010] =	vst v63  }
0x76: {  	_ =	swait.ge [sflag:s12], $0x10  }
0x77: {  	[sflag:s12] =	ssyncset.done $0x0  }
0x78: {  	[sflag:s12] =	ssyncadd.s32 $0xFFFFFFF0  }
0x79: {  	_ =	sfence.sel $0x180000  }
0x7a: {  	[bflag:$0x0] =	sbarrier.arrive $0xFFFF  }
0x7b: {  	p0 =	sne.s32 s0, $0x0;
	_ =	strace $0x90000047  }
0x7c: {  	s0 =	sadd.s32 @!p0 $0x100000, s1;
	[bflag:$0x2] =	sbarrier.arrive $0xFFFF  }
0x7d: {  	[sflag:s0] =	ssyncadd.tile.s32 @!p0 $0x1;
	_ =	shalt  }
.Lfunc_end2:
_tile_overlayer_lowered:
.L_overlay_start_2:
0x7e: {  	(tag) =	ssettag $0x2  }
0x7f: {  	s0 =	rddreg [dreg:$0x0];
	s2 =	stileid.u32  }
0x80: {  	s1 =	rddreg [dreg:$0x1];
	p0 =	sne.s32 s2, $0x0  }
0x81: {  	s3 =	rddreg [dreg:$0x2];
	[bflag:$0x3] =	sbarrier.arrive $0xFFFF;
	s2 =	simm.s32 @!p0 $0x1C01  }
0x82: {  	[timem:s3], [sflag:s2] =	dma.local @!p0 [hbm:s0], s1  }
0x83: {  	s0 =	simm.s32 @!p0 $0x1  }
0x84: {  	_ =	swait.ge @!p0 [sflag:s0], s1  }
0x85: {  	s1 =	ssub.s32 @!p0 $0x0, s1;
	[sflag:s0] =	ssyncset.done @!p0 $0x0  }
0x86: {  	[sflag:s0] =	ssyncadd.s32 @!p0 s1  }
0x87: {  	[bflag:$0x3] =	sbarrier.arrive $0xFFFF  }
0x88: {  	_ =	shalt  }

</sc_bundles>
